<compile_context>
chip_gen: v7x
topology: tpu7x:2x2x1
jax: 0.10.2.dev20260603
libtpu: 0.0.44.dev20260713+nightly
codegen_flags: <defaults>
</compile_context>

<pallas_src>
import jax
import jax.numpy as jnp
from jax import lax
from jax.experimental import pallas as pl
from jax.experimental.pallas import tpu as pltpu
from jax.experimental.pallas import tpu_sc as plsc

M, N, DIM = 128, 64, 256
MN = M * N
ALPHA = 0.3
SIGMA = 64.0
EPS = 1e-6
L = 16
NC, NS = 2, 16
NW = NC * NS
ROWS = MN // NW
CHUNK = ROWS // 2
CH = DIM // L
SCAN = 2 * ROWS

_mesh = plsc.VectorSubcoreMesh(core_axis_name="c", subcore_axis_name="s")

PCH = 64

_SCRATCH = [
    pltpu.VMEM((ROWS, DIM), jnp.float32),
    pltpu.VMEM((PCH, DIM), jnp.float32),
    pltpu.VMEM((PCH, DIM), jnp.float32),
    pltpu.VMEM((SCAN * L,), jnp.float32),
    pltpu.VMEM((DIM,), jnp.float32),
    pltpu.VMEM((DIM,), jnp.float32),
    pltpu.VMEM((L,), jnp.float32),
    pltpu.VMEM((L,), jnp.int32),
    pltpu.VMEM((2 * L,), jnp.float32),
    pltpu.VMEM((NS * L,), jnp.float32),
    pltpu.VMEM((NS * L,), jnp.int32),
    pltpu.SemaphoreType.DMA,
    pltpu.SemaphoreType.DMA,
    pltpu.SemaphoreType.DMA,
]


def _som_body(x_hbm, w_hbm, loc_hbm, out_hbm, exv_hbm, exi_hbm,
              obuf, pbuf0, pbuf1, dpart, xv, xe, recv, reci, lrb, av, ai,
              sema, semb, semo):
    del loc_hbm
    c = lax.axis_index("c")
    s = lax.axis_index("s")
    wid = c * NS + s
    pwid = (1 - c) * NS + s
    obase = wid * ROWS
    pbase = pwid * ROWS

    cpo = pltpu.async_copy(w_hbm.at[pl.ds(obase, ROWS)], obuf, semo)
    cp0 = pltpu.async_copy(w_hbm.at[pl.ds(pbase, PCH)], pbuf0, sema)
    cp1 = pltpu.async_copy(w_hbm.at[pl.ds(pbase + PCH, PCH)], pbuf1, semb)
    pltpu.sync_copy(x_hbm, xv)
    for ci in range(CH):
        xe[pl.ds(ci * L, L)] = xv[pl.ds(ci * L, L)] + EPS

    xes = [xe[pl.ds(ci * L, L)] for ci in range(CH)]
    iota = lax.iota(jnp.int32, L)

    def scan_chunk(buf, nrows, dbase):
        @plsc.parallel_loop(0, nrows, unroll=2)
        def _(r):
            a0 = jnp.zeros((L,), jnp.float32)
            a1 = jnp.zeros((L,), jnp.float32)
            a2 = jnp.zeros((L,), jnp.float32)
            a3 = jnp.zeros((L,), jnp.float32)
            for ci in range(0, CH, 4):
                d0 = xes[ci] - buf[r, pl.ds(ci * L, L)]
                d1 = xes[ci + 1] - buf[r, pl.ds((ci + 1) * L, L)]
                d2 = xes[ci + 2] - buf[r, pl.ds((ci + 2) * L, L)]
                d3 = xes[ci + 3] - buf[r, pl.ds((ci + 3) * L, L)]
                a0 = a0 + d0 * d0
                a1 = a1 + d1 * d1
                a2 = a2 + d2 * d2
                a3 = a3 + d3 * d3
            dpart[pl.ds((dbase + r) * L, L)] = (a0 + a1) + (a2 + a3)

    cp0.wait()
    scan_chunk(pbuf0, PCH, 0)
    cp2 = pltpu.async_copy(w_hbm.at[pl.ds(pbase + 2 * PCH, PCH)], pbuf0, sema)
    cp1.wait()
    scan_chunk(pbuf1, PCH, PCH)
    cp3 = pltpu.async_copy(w_hbm.at[pl.ds(pbase + 3 * PCH, PCH)], pbuf1, semb)
    cp2.wait()
    scan_chunk(pbuf0, PCH, 2 * PCH)
    cp3.wait()
    scan_chunk(pbuf1, PCH, 3 * PCH)
    cpo.wait()
    scan_chunk(obuf, ROWS, 4 * PCH)


    def red_body(g, cr):
        minv, mini = cr
        lrows = g * L + iota
        grows = jnp.where(lrows < SCAN // 2, pbase + lrows,
                          obase + (lrows - SCAN // 2))
        fbase = lrows * L
        gs = [plsc.load_gather(dpart, [fbase + j]) for j in range(L)]
        while len(gs) > 1:
            gs = [gs[k] + gs[k + 1] for k in range(0, len(gs), 2)]
        t = gs[0]
        lt = (t < minv) | ((t == minv) & (grows < mini))
        return (jnp.where(lt, t, minv), jnp.where(lt, grows, mini))

    minv, mini = lax.fori_loop(
        0, SCAN // L, red_body,
        (jnp.full((L,), 3.0e38, jnp.float32), jnp.zeros((L,), jnp.int32)))
    bestv = jnp.min(minv)
    besti = jnp.min(jnp.where(minv == bestv, mini, jnp.int32(2**31 - 1)))

    recv[:] = jnp.full((L,), bestv, jnp.float32)
    reci[:] = jnp.full((L,), besti, jnp.int32)
    pltpu.sync_copy(recv, exv_hbm.at[c, pl.ds(s * L, L)])
    pltpu.sync_copy(reci, exi_hbm.at[c, pl.ds(s * L, L)])
    plsc.subcore_barrier()
    pltpu.sync_copy(exv_hbm.at[c], av)
    pltpu.sync_copy(exi_hbm.at[c], ai)
    m = av[pl.ds(0, L)]
    mi = ai[pl.ds(0, L)]
    for t in range(1, NS):
        v = av[pl.ds(t * L, L)]
        i = ai[pl.ds(t * L, L)]
        lt = (v < m) | ((v == m) & (i < mi))
        m = jnp.where(lt, v, m)
        mi = jnp.where(lt, i, mi)
    bx = mi % M
    by = mi // M

    neg_inv_s2 = jnp.float32(-1.0 / (SIGMA * SIGMA))

    xs = [xv[pl.ds(ci * L, L)] for ci in range(CH)]

    def update_half(half):
        def grp_body(g, _):
            rows = obase + half * CHUNK + g * L + iota
            dx = (rows % M - bx).astype(jnp.float32)
            dy = (rows // M - by).astype(jnp.float32)
            lrb[pl.ds(0, L)] = ALPHA * jnp.exp((dx * dx + dy * dy) * neg_inv_s2)

            @plsc.parallel_loop(0, L // 2)
            def _(p):
                la = plsc.load_gather(lrb, [jnp.full((L,), 2 * p, jnp.int32)])
                lb = plsc.load_gather(lrb, [jnp.full((L,), 2 * p + 1,
                                                     jnp.int32)])
                ra = half * CHUNK + g * L + 2 * p
                rb = ra + 1
                for ci in range(CH):
                    wa = obuf[ra, pl.ds(ci * L, L)]
                    wb = obuf[rb, pl.ds(ci * L, L)]
                    obuf[ra, pl.ds(ci * L, L)] = wa + la * (xs[ci] - wa)
                    obuf[rb, pl.ds(ci * L, L)] = wb + lb * (xs[ci] - wb)

            return 0

        lax.fori_loop(0, CHUNK // L, grp_body, 0)

    update_half(0)
    cw0 = pltpu.async_copy(obuf.at[pl.ds(0, CHUNK)],
                           out_hbm.at[pl.ds(obase, CHUNK)], sema)
    update_half(1)
    cw1 = pltpu.async_copy(obuf.at[pl.ds(CHUNK, CHUNK)],
                           out_hbm.at[pl.ds(obase + CHUNK, CHUNK)], semb)
    cw0.wait()
    cw1.wait()


_som_update = pl.kernel(
    _som_body,
    out_type=(
        jax.ShapeDtypeStruct((MN, DIM), jnp.float32),
        jax.ShapeDtypeStruct((NC, NS * L), jnp.float32),
        jax.ShapeDtypeStruct((NC, NS * L), jnp.int32),
    ),
    mesh=_mesh,
    scratch_types=_SCRATCH,
    compiler_params=pltpu.CompilerParams(needs_layout_passes=False),
)


def kernel(x, weights, locations):
    return _som_update(x, weights, locations)[0]

# --- scband reference (transcript-rebuilt; emitter-appended) ---
"""Pipeline reference for scband-som-20847771255058 (READ-ONLY COPY).

The authoritative reference and input builder live on the scoring server;
editing this copy changes nothing except your own understanding.
"""

import jax, jax.numpy as jnp
import numpy as np

M, N, DIM = 128, 64, 256
ALPHA = 0.3
SIGMA = 64.0  # max(m, n) / 2
DECAY = 0.99
STEP = 0
EPS = 1e-6  # torch.nn.PairwiseDistance default eps added to the difference


def setup_inputs(seed: int = 0) -> dict:
    key = jax.random.key(seed)
    k1, k2 = jax.random.split(key)
    x = jax.random.normal(k1, (DIM,), dtype=jnp.float32)
    # SOM weights initialized uniform(0, 1) as in the torch module
    weights = jax.random.uniform(k2, (M * N, DIM), dtype=jnp.float32)
    # locations built exactly like the torch module:
    # arr = [i.ravel() for i in np.meshgrid(arange(m), arange(n))]; locations = column_stack((x, y))
    xg, yg = np.meshgrid(np.arange(M), np.arange(N))
    locations = jnp.asarray(np.column_stack((xg.ravel(), yg.ravel())), dtype=jnp.int32)
    return {"x": x, "weights": weights, "locations": locations}


def reference(x, weights, locations):
    # --- get_bmu: pairwise L2 distance (torch PairwiseDistance p=2, eps=1e-6) ---
    diff = x[None, :] - weights + EPS
    dists = jnp.sqrt(jnp.sum(diff * diff, axis=-1))
    bmu = jnp.argmin(dists)
    bmu_loc = locations[bmu]
    # --- learning-rate / neighbourhood schedule (step = 0) ---
    alpha_op = ALPHA * (DECAY ** STEP)
    sigma_op = SIGMA * (DECAY ** STEP)
    # --- update_weights (non-toroidal branch) ---
    dx = (locations[:, 0] - bmu_loc[0]).astype(jnp.float32)
    dy = (locations[:, 1] - bmu_loc[1]).astype(jnp.float32)
    sum_square_distances = dx * dx + dy * dy
    neighbourhood_scalar = jnp.exp(-(sum_square_distances / (sigma_op ** 2)))
    lr_scalar = alpha_op * neighbourhood_scalar
    data_weight_diff = x[None, :] - weights
    delta = lr_scalar[:, None] * data_weight_diff
    new_weights = weights + delta
    return new_weights

if __name__ == "__main__":
    import jax
    _d = setup_inputs()
    print(jax.jit(kernel)(*tuple(_d.values())))

</pallas_src>

<mosaic_0001>
#map = affine_map<(d0, d1) -> (0)>
#map1 = affine_map<(d0, d1) -> (0, 0)>
module attributes {stable_mosaic.version = 14 : i64} {
  func.func @_som_body(%arg0: i32, %arg1: i32, %arg2: memref<256xf32, #tpu.memory_space<hbm>>, %arg3: memref<8192x256xf32, #tpu.memory_space<hbm>>, %arg4: memref<8192x2xi32, #tpu.memory_space<hbm>>, %arg5: memref<8192x256xf32, #tpu.memory_space<hbm>>, %arg6: memref<2x256xf32, #tpu.memory_space<hbm>>, %arg7: memref<2x256xi32, #tpu.memory_space<hbm>>, %arg8: memref<256x256xf32, #tpu.memory_space<vmem>>, %arg9: memref<64x256xf32, #tpu.memory_space<vmem>>, %arg10: memref<64x256xf32, #tpu.memory_space<vmem>>, %arg11: memref<8192xf32, #tpu.memory_space<vmem>>, %arg12: memref<256xf32, #tpu.memory_space<vmem>>, %arg13: memref<256xf32, #tpu.memory_space<vmem>>, %arg14: memref<16xf32, #tpu.memory_space<vmem>>, %arg15: memref<16xi32, #tpu.memory_space<vmem>>, %arg16: memref<32xf32, #tpu.memory_space<vmem>>, %arg17: memref<256xf32, #tpu.memory_space<vmem>>, %arg18: memref<256xi32, #tpu.memory_space<vmem>>, %arg19: memref<!tpu.dma_semaphore, #tpu.memory_space<semaphore_mem>>, %arg20: memref<!tpu.dma_semaphore, #tpu.memory_space<semaphore_mem>>, %arg21: memref<!tpu.dma_semaphore, #tpu.memory_space<semaphore_mem>>) attributes {dimension_semantics = [#tpu.dimension_semantics<core_parallel>, #tpu.dimension_semantics<subcore_parallel>], iteration_bounds = array<i64: 2, 16>, scalar_prefetch = 0 : i64, scratch_operands = 14 : i64, tpu.core_type = #tpu.core_type<sc_vector_subcore>, window_params = [{transform_indices = #map}, {transform_indices = #map1}, {transform_indices = #map1}, {transform_indices = #map1}, {transform_indices = #map1}, {transform_indices = #map1}]} {
    %mul3A = arith.constant 16 : i32
    %mul3A_0 = arith.muli %arg0, %mul3A : i32
    %add3A = arith.addi %mul3A_0, %arg1 : i32
    %sub3A = arith.constant 1 : i32
    %sub3A_1 = arith.subi %sub3A, %arg0 : i32
    %mul3A_2 = arith.constant 16 : i32
    %mul3A_3 = arith.muli %sub3A_1, %mul3A_2 : i32
    %add3A_4 = arith.addi %mul3A_3, %arg1 : i32
    %mul3A_5 = arith.constant 256 : i32
    %mul3A_6 = arith.muli %add3A, %mul3A_5 : i32
    %mul3A_7 = arith.constant 256 : i32
    %mul3A_8 = arith.muli %add3A_4, %mul3A_7 : i32
    %dma_start3A = arith.constant 0 : i32
    %dma_start3A_9 = tpu.memref_slice %arg3[%mul3A_6, %dma_start3A] : memref<8192x256xf32, #tpu.memory_space<hbm>> -> memref<256x256xf32, #tpu.memory_space<hbm>>
    %dma_start3A_10 = arith.constant 0 : i32
    %dma_start3A_11 = tpu.memref_slice %arg3[%mul3A_6, %dma_start3A_10] : memref<8192x256xf32, #tpu.memory_space<hbm>> -> memref<256x256xf32, #tpu.memory_space<hbm>>
    tpu.enqueue_dma source(%dma_start3A_11 : memref<256x256xf32, #tpu.memory_space<hbm>>) target(%arg8 : memref<256x256xf32, #tpu.memory_space<vmem>>) target_semaphore(%arg21 : memref<!tpu.dma_semaphore, #tpu.memory_space<semaphore_mem>>)
    %dma_start3A_12 = arith.constant 0 : i32
    %dma_start3A_13 = tpu.memref_slice %arg3[%mul3A_8, %dma_start3A_12] : memref<8192x256xf32, #tpu.memory_space<hbm>> -> memref<64x256xf32, #tpu.memory_space<hbm>>
    %dma_start3A_14 = arith.constant 0 : i32
    %dma_start3A_15 = tpu.memref_slice %arg3[%mul3A_8, %dma_start3A_14] : memref<8192x256xf32, #tpu.memory_space<hbm>> -> memref<64x256xf32, #tpu.memory_space<hbm>>
    tpu.enqueue_dma source(%dma_start3A_15 : memref<64x256xf32, #tpu.memory_space<hbm>>) target(%arg9 : memref<64x256xf32, #tpu.memory_space<vmem>>) target_semaphore(%arg19 : memref<!tpu.dma_semaphore, #tpu.memory_space<semaphore_mem>>)
    %add3A_16 = arith.constant 64 : i32
    %add3A_17 = arith.addi %mul3A_8, %add3A_16 : i32
    %dma_start3A_18 = arith.constant 0 : i32
    %dma_start3A_19 = tpu.memref_slice %arg3[%add3A_17, %dma_start3A_18] : memref<8192x256xf32, #tpu.memory_space<hbm>> -> memref<64x256xf32, #tpu.memory_space<hbm>>
    %dma_start3A_20 = arith.constant 0 : i32
    %dma_start3A_21 = tpu.memref_slice %arg3[%add3A_17, %dma_start3A_20] : memref<8192x256xf32, #tpu.memory_space<hbm>> -> memref<64x256xf32, #tpu.memory_space<hbm>>
    tpu.enqueue_dma source(%dma_start3A_21 : memref<64x256xf32, #tpu.memory_space<hbm>>) target(%arg10 : memref<64x256xf32, #tpu.memory_space<vmem>>) target_semaphore(%arg20 : memref<!tpu.dma_semaphore, #tpu.memory_space<semaphore_mem>>)
    "tpu.region"() ({
      %run_scoped3A = tpu.sem_alloc : memref<!tpu.dma_semaphore, #tpu.memory_space<semaphore_mem>>
      tpu.enqueue_dma source(%arg2 : memref<256xf32, #tpu.memory_space<hbm>>) target(%arg12 : memref<256xf32, #tpu.memory_space<vmem>>) target_semaphore(%run_scoped3A : memref<!tpu.dma_semaphore, #tpu.memory_space<semaphore_mem>>)
      tpu.wait_dma2 semaphore(%run_scoped3A : memref<!tpu.dma_semaphore, #tpu.memory_space<semaphore_mem>>) src(%arg2 : memref<256xf32, #tpu.memory_space<hbm>>) dst(%arg12 : memref<256xf32, #tpu.memory_space<vmem>>)
      tpu.yield
    }) : () -> ()
    %get3A = arith.constant 0 : index
    %get3A_22 = tpu.vector_load %arg12[%get3A] {strides = array<i32>} : memref<256xf32, #tpu.memory_space<vmem>>, vector<16xf32>,
    %add3A_23 = arith.constant 9.99999997E-7 : f32
    %add3A_24 = vector.broadcast %add3A_23 : f32 to vector<16xf32>
    %add3A_25 = arith.addf %get3A_22, %add3A_24 : vector<16xf32>
    %swap3A = arith.constant 0 : index
    %swap3A_26 = tpu.vector_load %arg13[%swap3A] {strides = array<i32>} : memref<256xf32, #tpu.memory_space<vmem>>, vector<16xf32>,
    tpu.vector_store %arg13[%swap3A], %add3A_25 {strides = array<i32>} : memref<256xf32, #tpu.memory_space<vmem>>, vector<16xf32>,
    %get3A_27 = arith.constant 16 : index
    %get3A_28 = tpu.vector_load %arg12[%get3A_27] {strides = array<i32>} : memref<256xf32, #tpu.memory_space<vmem>>, vector<16xf32>,
    %add3A_29 = arith.constant 9.99999997E-7 : f32
    %add3A_30 = vector.broadcast %add3A_29 : f32 to vector<16xf32>
    %add3A_31 = arith.addf %get3A_28, %add3A_30 : vector<16xf32>
    %swap3A_32 = arith.constant 16 : index
    %swap3A_33 = tpu.vector_load %arg13[%swap3A_32] {strides = array<i32>} : memref<256xf32, #tpu.memory_space<vmem>>, vector<16xf32>,
    tpu.vector_store %arg13[%swap3A_32], %add3A_31 {strides = array<i32>} : memref<256xf32, #tpu.memory_space<vmem>>, vector<16xf32>,
    %get3A_34 = arith.constant 32 : index
    %get3A_35 = tpu.vector_load %arg12[%get3A_34] {strides = array<i32>} : memref<256xf32, #tpu.memory_space<vmem>>, vector<16xf32>,
    %add3A_36 = arith.constant 9.99999997E-7 : f32
    %add3A_37 = vector.broadcast %add3A_36 : f32 to vector<16xf32>
    %add3A_38 = arith.addf %get3A_35, %add3A_37 : vector<16xf32>
    %swap3A_39 = arith.constant 32 : index
    %swap3A_40 = tpu.vector_load %arg13[%swap3A_39] {strides = array<i32>} : memref<256xf32, #tpu.memory_space<vmem>>, vector<16xf32>,
    tpu.vector_store %arg13[%swap3A_39], %add3A_38 {strides = array<i32>} : memref<256xf32, #tpu.memory_space<vmem>>, vector<16xf32>,
    %get3A_41 = arith.constant 48 : index
    %get3A_42 = tpu.vector_load %arg12[%get3A_41] {strides = array<i32>} : memref<256xf32, #tpu.memory_space<vmem>>, vector<16xf32>,
    %add3A_43 = arith.constant 9.99999997E-7 : f32
    %add3A_44 = vector.broadcast %add3A_43 : f32 to vector<16xf32>
    %add3A_45 = arith.addf %get3A_42, %add3A_44 : vector<16xf32>
    %swap3A_46 = arith.constant 48 : index
    %swap3A_47 = tpu.vector_load %arg13[%swap3A_46] {strides = array<i32>} : memref<256xf32, #tpu.memory_space<vmem>>, vector<16xf32>,
    tpu.vector_store %arg13[%swap3A_46], %add3A_45 {strides = array<i32>} : memref<256xf32, #tpu.memory_space<vmem>>, vector<16xf32>,
    %get3A_48 = arith.constant 64 : index
    %get3A_49 = tpu.vector_load %arg12[%get3A_48] {strides = array<i32>} : memref<256xf32, #tpu.memory_space<vmem>>, vector<16xf32>,
    %add3A_50 = arith.constant 9.99999997E-7 : f32
    %add3A_51 = vector.broadcast %add3A_50 : f32 to vector<16xf32>
    %add3A_52 = arith.addf %get3A_49, %add3A_51 : vector<16xf32>
    %swap3A_53 = arith.constant 64 : index
    %swap3A_54 = tpu.vector_load %arg13[%swap3A_53] {strides = array<i32>} : memref<256xf32, #tpu.memory_space<vmem>>, vector<16xf32>,
    tpu.vector_store %arg13[%swap3A_53], %add3A_52 {strides = array<i32>} : memref<256xf32, #tpu.memory_space<vmem>>, vector<16xf32>,
    %get3A_55 = arith.constant 80 : index
    %get3A_56 = tpu.vector_load %arg12[%get3A_55] {strides = array<i32>} : memref<256xf32, #tpu.memory_space<vmem>>, vector<16xf32>,
    %add3A_57 = arith.constant 9.99999997E-7 : f32
    %add3A_58 = vector.broadcast %add3A_57 : f32 to vector<16xf32>
    %add3A_59 = arith.addf %get3A_56, %add3A_58 : vector<16xf32>
    %swap3A_60 = arith.constant 80 : index
    %swap3A_61 = tpu.vector_load %arg13[%swap3A_60] {strides = array<i32>} : memref<256xf32, #tpu.memory_space<vmem>>, vector<16xf32>,
    tpu.vector_store %arg13[%swap3A_60], %add3A_59 {strides = array<i32>} : memref<256xf32, #tpu.memory_space<vmem>>, vector<16xf32>,
    %get3A_62 = arith.constant 96 : index
    %get3A_63 = tpu.vector_load %arg12[%get3A_62] {strides = array<i32>} : memref<256xf32, #tpu.memory_space<vmem>>, vector<16xf32>,
    %add3A_64 = arith.constant 9.99999997E-7 : f32
    %add3A_65 = vector.broadcast %add3A_64 : f32 to vector<16xf32>
    %add3A_66 = arith.addf %get3A_63, %add3A_65 : vector<16xf32>
    %swap3A_67 = arith.constant 96 : index
    %swap3A_68 = tpu.vector_load %arg13[%swap3A_67] {strides = array<i32>} : memref<256xf32, #tpu.memory_space<vmem>>, vector<16xf32>,
    tpu.vector_store %arg13[%swap3A_67], %add3A_66 {strides = array<i32>} : memref<256xf32, #tpu.memory_space<vmem>>, vector<16xf32>,
    %get3A_69 = arith.constant 112 : index
    %get3A_70 = tpu.vector_load %arg12[%get3A_69] {strides = array<i32>} : memref<256xf32, #tpu.memory_space<vmem>>, vector<16xf32>,
    %add3A_71 = arith.constant 9.99999997E-7 : f32
    %add3A_72 = vector.broadcast %add3A_71 : f32 to vector<16xf32>
    %add3A_73 = arith.addf %get3A_70, %add3A_72 : vector<16xf32>
    %swap3A_74 = arith.constant 112 : index
    %swap3A_75 = tpu.vector_load %arg13[%swap3A_74] {strides = array<i32>} : memref<256xf32, #tpu.memory_space<vmem>>, vector<16xf32>,
    tpu.vector_store %arg13[%swap3A_74], %add3A_73 {strides = array<i32>} : memref<256xf32, #tpu.memory_space<vmem>>, vector<16xf32>,
    %get3A_76 = arith.constant 128 : index
    %get3A_77 = tpu.vector_load %arg12[%get3A_76] {strides = array<i32>} : memref<256xf32, #tpu.memory_space<vmem>>, vector<16xf32>,
    %add3A_78 = arith.constant 9.99999997E-7 : f32
    %add3A_79 = vector.broadcast %add3A_78 : f32 to vector<16xf32>
    %add3A_80 = arith.addf %get3A_77, %add3A_79 : vector<16xf32>
    %swap3A_81 = arith.constant 128 : index
    %swap3A_82 = tpu.vector_load %arg13[%swap3A_81] {strides = array<i32>} : memref<256xf32, #tpu.memory_space<vmem>>, vector<16xf32>,
    tpu.vector_store %arg13[%swap3A_81], %add3A_80 {strides = array<i32>} : memref<256xf32, #tpu.memory_space<vmem>>, vector<16xf32>,
    %get3A_83 = arith.constant 144 : index
    %get3A_84 = tpu.vector_load %arg12[%get3A_83] {strides = array<i32>} : memref<256xf32, #tpu.memory_space<vmem>>, vector<16xf32>,
    %add3A_85 = arith.constant 9.99999997E-7 : f32
    %add3A_86 = vector.broadcast %add3A_85 : f32 to vector<16xf32>
    %add3A_87 = arith.addf %get3A_84, %add3A_86 : vector<16xf32>
    %swap3A_88 = arith.constant 144 : index
    %swap3A_89 = tpu.vector_load %arg13[%swap3A_88] {strides = array<i32>} : memref<256xf32, #tpu.memory_space<vmem>>, vector<16xf32>,
    tpu.vector_store %arg13[%swap3A_88], %add3A_87 {strides = array<i32>} : memref<256xf32, #tpu.memory_space<vmem>>, vector<16xf32>,
    %get3A_90 = arith.constant 160 : index
    %get3A_91 = tpu.vector_load %arg12[%get3A_90] {strides = array<i32>} : memref<256xf32, #tpu.memory_space<vmem>>, vector<16xf32>,
    %add3A_92 = arith.constant 9.99999997E-7 : f32
    %add3A_93 = vector.broadcast %add3A_92 : f32 to vector<16xf32>
    %add3A_94 = arith.addf %get3A_91, %add3A_93 : vector<16xf32>
    %swap3A_95 = arith.constant 160 : index
    %swap3A_96 = tpu.vector_load %arg13[%swap3A_95] {strides = array<i32>} : memref<256xf32, #tpu.memory_space<vmem>>, vector<16xf32>,
    tpu.vector_store %arg13[%swap3A_95], %add3A_94 {strides = array<i32>} : memref<256xf32, #tpu.memory_space<vmem>>, vector<16xf32>,
    %get3A_97 = arith.constant 176 : index
    %get3A_98 = tpu.vector_load %arg12[%get3A_97] {strides = array<i32>} : memref<256xf32, #tpu.memory_space<vmem>>, vector<16xf32>,
    %add3A_99 = arith.constant 9.99999997E-7 : f32
    %add3A_100 = vector.broadcast %add3A_99 : f32 to vector<16xf32>
    %add3A_101 = arith.addf %get3A_98, %add3A_100 : vector<16xf32>
    %swap3A_102 = arith.constant 176 : index
    %swap3A_103 = tpu.vector_load %arg13[%swap3A_102] {strides = array<i32>} : memref<256xf32, #tpu.memory_space<vmem>>, vector<16xf32>,
    tpu.vector_store %arg13[%swap3A_102], %add3A_101 {strides = array<i32>} : memref<256xf32, #tpu.memory_space<vmem>>, vector<16xf32>,
    %get3A_104 = arith.constant 192 : index
    %get3A_105 = tpu.vector_load %arg12[%get3A_104] {strides = array<i32>} : memref<256xf32, #tpu.memory_space<vmem>>, vector<16xf32>,
    %add3A_106 = arith.constant 9.99999997E-7 : f32
    %add3A_107 = vector.broadcast %add3A_106 : f32 to vector<16xf32>
    %add3A_108 = arith.addf %get3A_105, %add3A_107 : vector<16xf32>
    %swap3A_109 = arith.constant 192 : index
    %swap3A_110 = tpu.vector_load %arg13[%swap3A_109] {strides = array<i32>} : memref<256xf32, #tpu.memory_space<vmem>>, vector<16xf32>,
    tpu.vector_store %arg13[%swap3A_109], %add3A_108 {strides = array<i32>} : memref<256xf32, #tpu.memory_space<vmem>>, vector<16xf32>,
    %get3A_111 = arith.constant 208 : index
    %get3A_112 = tpu.vector_load %arg12[%get3A_111] {strides = array<i32>} : memref<256xf32, #tpu.memory_space<vmem>>, vector<16xf32>,
    %add3A_113 = arith.constant 9.99999997E-7 : f32
    %add3A_114 = vector.broadcast %add3A_113 : f32 to vector<16xf32>
    %add3A_115 = arith.addf %get3A_112, %add3A_114 : vector<16xf32>
    %swap3A_116 = arith.constant 208 : index
    %swap3A_117 = tpu.vector_load %arg13[%swap3A_116] {strides = array<i32>} : memref<256xf32, #tpu.memory_space<vmem>>, vector<16xf32>,
    tpu.vector_store %arg13[%swap3A_116], %add3A_115 {strides = array<i32>} : memref<256xf32, #tpu.memory_space<vmem>>, vector<16xf32>,
    %get3A_118 = arith.constant 224 : index
    %get3A_119 = tpu.vector_load %arg12[%get3A_118] {strides = array<i32>} : memref<256xf32, #tpu.memory_space<vmem>>, vector<16xf32>,
    %add3A_120 = arith.constant 9.99999997E-7 : f32
    %add3A_121 = vector.broadcast %add3A_120 : f32 to vector<16xf32>
    %add3A_122 = arith.addf %get3A_119, %add3A_121 : vector<16xf32>
    %swap3A_123 = arith.constant 224 : index
    %swap3A_124 = tpu.vector_load %arg13[%swap3A_123] {strides = array<i32>} : memref<256xf32, #tpu.memory_space<vmem>>, vector<16xf32>,
    tpu.vector_store %arg13[%swap3A_123], %add3A_122 {strides = array<i32>} : memref<256xf32, #tpu.memory_space<vmem>>, vector<16xf32>,
    %get3A_125 = arith.constant 240 : index
    %get3A_126 = tpu.vector_load %arg12[%get3A_125] {strides = array<i32>} : memref<256xf32, #tpu.memory_space<vmem>>, vector<16xf32>,
    %add3A_127 = arith.constant 9.99999997E-7 : f32
    %add3A_128 = vector.broadcast %add3A_127 : f32 to vector<16xf32>
    %add3A_129 = arith.addf %get3A_126, %add3A_128 : vector<16xf32>
    %swap3A_130 = arith.constant 240 : index
    %swap3A_131 = tpu.vector_load %arg13[%swap3A_130] {strides = array<i32>} : memref<256xf32, #tpu.memory_space<vmem>>, vector<16xf32>,
    tpu.vector_store %arg13[%swap3A_130], %add3A_129 {strides = array<i32>} : memref<256xf32, #tpu.memory_space<vmem>>, vector<16xf32>,
    %get3A_132 = arith.constant 0 : index
    %get3A_133 = tpu.vector_load %arg13[%get3A_132] {strides = array<i32>} : memref<256xf32, #tpu.memory_space<vmem>>, vector<16xf32>,
    %get3A_134 = arith.constant 16 : index
    %get3A_135 = tpu.vector_load %arg13[%get3A_134] {strides = array<i32>} : memref<256xf32, #tpu.memory_space<vmem>>, vector<16xf32>,
    %get3A_136 = arith.constant 32 : index
    %get3A_137 = tpu.vector_load %arg13[%get3A_136] {strides = array<i32>} : memref<256xf32, #tpu.memory_space<vmem>>, vector<16xf32>,
    %get3A_138 = arith.constant 48 : index
    %get3A_139 = tpu.vector_load %arg13[%get3A_138] {strides = array<i32>} : memref<256xf32, #tpu.memory_space<vmem>>, vector<16xf32>,
    %get3A_140 = arith.constant 64 : index
    %get3A_141 = tpu.vector_load %arg13[%get3A_140] {strides = array<i32>} : memref<256xf32, #tpu.memory_space<vmem>>, vector<16xf32>,
    %get3A_142 = arith.constant 80 : index
    %get3A_143 = tpu.vector_load %arg13[%get3A_142] {strides = array<i32>} : memref<256xf32, #tpu.memory_space<vmem>>, vector<16xf32>,
    %get3A_144 = arith.constant 96 : index
    %get3A_145 = tpu.vector_load %arg13[%get3A_144] {strides = array<i32>} : memref<256xf32, #tpu.memory_space<vmem>>, vector<16xf32>,
    %get3A_146 = arith.constant 112 : index
    %get3A_147 = tpu.vector_load %arg13[%get3A_146] {strides = array<i32>} : memref<256xf32, #tpu.memory_space<vmem>>, vector<16xf32>,
    %get3A_148 = arith.constant 128 : index
    %get3A_149 = tpu.vector_load %arg13[%get3A_148] {strides = array<i32>} : memref<256xf32, #tpu.memory_space<vmem>>, vector<16xf32>,
    %get3A_150 = arith.constant 144 : index
    %get3A_151 = tpu.vector_load %arg13[%get3A_150] {strides = array<i32>} : memref<256xf32, #tpu.memory_space<vmem>>, vector<16xf32>,
    %get3A_152 = arith.constant 160 : index
    %get3A_153 = tpu.vector_load %arg13[%get3A_152] {strides = array<i32>} : memref<256xf32, #tpu.memory_space<vmem>>, vector<16xf32>,
    %get3A_154 = arith.constant 176 : index
    %get3A_155 = tpu.vector_load %arg13[%get3A_154] {strides = array<i32>} : memref<256xf32, #tpu.memory_space<vmem>>, vector<16xf32>,
    %get3A_156 = arith.constant 192 : index
    %get3A_157 = tpu.vector_load %arg13[%get3A_156] {strides = array<i32>} : memref<256xf32, #tpu.memory_space<vmem>>, vector<16xf32>,
    %get3A_158 = arith.constant 208 : index
    %get3A_159 = tpu.vector_load %arg13[%get3A_158] {strides = array<i32>} : memref<256xf32, #tpu.memory_space<vmem>>, vector<16xf32>,
    %get3A_160 = arith.constant 224 : index
    %get3A_161 = tpu.vector_load %arg13[%get3A_160] {strides = array<i32>} : memref<256xf32, #tpu.memory_space<vmem>>, vector<16xf32>,
    %get3A_162 = arith.constant 240 : index
    %get3A_163 = tpu.vector_load %arg13[%get3A_162] {strides = array<i32>} : memref<256xf32, #tpu.memory_space<vmem>>, vector<16xf32>,
    %iota3A = tpu.iota {dimensions = array<i32: 0>} : vector<16xi32>
    %dma_wait3A = arith.constant 0 : i32
    %dma_wait3A_164 = tpu.memref_slice %arg3[%mul3A_8, %dma_wait3A] : memref<8192x256xf32, #tpu.memory_space<hbm>> -> memref<64x256xf32, #tpu.memory_space<hbm>>
    %dma_wait3A_165 = arith.constant 0 : i32
    %dma_wait3A_166 = tpu.memref_slice %arg3[%mul3A_8, %dma_wait3A_165] : memref<8192x256xf32, #tpu.memory_space<hbm>> -> memref<64x256xf32, #tpu.memory_space<hbm>>
    tpu.wait_dma2 semaphore(%arg19 : memref<!tpu.dma_semaphore, #tpu.memory_space<semaphore_mem>>) src(%dma_wait3A_166 : memref<64x256xf32, #tpu.memory_space<hbm>>) dst(%arg9 : memref<64x256xf32, #tpu.memory_space<vmem>>)
    %parallel_loop3A = arith.constant 0 : i32
    %parallel_loop3A_167 = arith.constant 64 : i32
    %parallel_loop3A_168 = arith.constant 1 : i32
    scf.for %parallel_loop3A_545 = %parallel_loop3A to %parallel_loop3A_167 step %parallel_loop3A_168  : i32 {
      %parallel_loop3A_546 = arith.constant 0.000000e+00 : f32
      %parallel_loop3A_547 = vector.broadcast %parallel_loop3A_546 : f32 to vector<16xf32>
      %parallel_loop3A_548 = arith.constant 0.000000e+00 : f32
      %parallel_loop3A_549 = vector.broadcast %parallel_loop3A_548 : f32 to vector<16xf32>
      %parallel_loop3A_550 = arith.constant 0.000000e+00 : f32
      %parallel_loop3A_551 = vector.broadcast %parallel_loop3A_550 : f32 to vector<16xf32>
      %parallel_loop3A_552 = arith.constant 0.000000e+00 : f32
      %parallel_loop3A_553 = vector.broadcast %parallel_loop3A_552 : f32 to vector<16xf32>
      %parallel_loop3A_554 = arith.index_cast %parallel_loop3A_545 : i32 to index
      %parallel_loop3A_555 = arith.constant 0 : index
      %parallel_loop3A_556 = tpu.vector_load %arg9[%parallel_loop3A_554, %parallel_loop3A_555] {strides = array<i32>} : memref<64x256xf32, #tpu.memory_space<vmem>>, vector<16xf32>,
      %parallel_loop3A_557 = arith.subf %get3A_133, %parallel_loop3A_556 : vector<16xf32>
      %parallel_loop3A_558 = arith.index_cast %parallel_loop3A_545 : i32 to index
      %parallel_loop3A_559 = arith.constant 16 : index
      %parallel_loop3A_560 = tpu.vector_load %arg9[%parallel_loop3A_558, %parallel_loop3A_559] {strides = array<i32>} : memref<64x256xf32, #tpu.memory_space<vmem>>, vector<16xf32>,
      %parallel_loop3A_561 = arith.subf %get3A_135, %parallel_loop3A_560 : vector<16xf32>
      %parallel_loop3A_562 = arith.index_cast %parallel_loop3A_545 : i32 to index
      %parallel_loop3A_563 = arith.constant 32 : index
      %parallel_loop3A_564 = tpu.vector_load %arg9[%parallel_loop3A_562, %parallel_loop3A_563] {strides = array<i32>} : memref<64x256xf32, #tpu.memory_space<vmem>>, vector<16xf32>,
      %parallel_loop3A_565 = arith.subf %get3A_137, %parallel_loop3A_564 : vector<16xf32>
      %parallel_loop3A_566 = arith.index_cast %parallel_loop3A_545 : i32 to index
      %parallel_loop3A_567 = arith.constant 48 : index
      %parallel_loop3A_568 = tpu.vector_load %arg9[%parallel_loop3A_566, %parallel_loop3A_567] {strides = array<i32>} : memref<64x256xf32, #tpu.memory_space<vmem>>, vector<16xf32>,
      %parallel_loop3A_569 = arith.subf %get3A_139, %parallel_loop3A_568 : vector<16xf32>
      %parallel_loop3A_570 = arith.mulf %parallel_loop3A_557, %parallel_loop3A_557 : vector<16xf32>
      %parallel_loop3A_571 = arith.addf %parallel_loop3A_547, %parallel_loop3A_570 : vector<16xf32>
      %parallel_loop3A_572 = arith.mulf %parallel_loop3A_561, %parallel_loop3A_561 : vector<16xf32>
      %parallel_loop3A_573 = arith.addf %parallel_loop3A_549, %parallel_loop3A_572 : vector<16xf32>
      %parallel_loop3A_574 = arith.mulf %parallel_loop3A_565, %parallel_loop3A_565 : vector<16xf32>
      %parallel_loop3A_575 = arith.addf %parallel_loop3A_551, %parallel_loop3A_574 : vector<16xf32>
      %parallel_loop3A_576 = arith.mulf %parallel_loop3A_569, %parallel_loop3A_569 : vector<16xf32>
      %parallel_loop3A_577 = arith.addf %parallel_loop3A_553, %parallel_loop3A_576 : vector<16xf32>
      %parallel_loop3A_578 = arith.index_cast %parallel_loop3A_545 : i32 to index
      %parallel_loop3A_579 = arith.constant 64 : index
      %parallel_loop3A_580 = tpu.vector_load %arg9[%parallel_loop3A_578, %parallel_loop3A_579] {strides = array<i32>} : memref<64x256xf32, #tpu.memory_space<vmem>>, vector<16xf32>,
      %parallel_loop3A_581 = arith.subf %get3A_141, %parallel_loop3A_580 : vector<16xf32>
      %parallel_loop3A_582 = arith.index_cast %parallel_loop3A_545 : i32 to index
      %parallel_loop3A_583 = arith.constant 80 : index
      %parallel_loop3A_584 = tpu.vector_load %arg9[%parallel_loop3A_582, %parallel_loop3A_583] {strides = array<i32>} : memref<64x256xf32, #tpu.memory_space<vmem>>, vector<16xf32>,
      %parallel_loop3A_585 = arith.subf %get3A_143, %parallel_loop3A_584 : vector<16xf32>
      %parallel_loop3A_586 = arith.index_cast %parallel_loop3A_545 : i32 to index
      %parallel_loop3A_587 = arith.constant 96 : index
      %parallel_loop3A_588 = tpu.vector_load %arg9[%parallel_loop3A_586, %parallel_loop3A_587] {strides = array<i32>} : memref<64x256xf32, #tpu.memory_space<vmem>>, vector<16xf32>,
      %parallel_loop3A_589 = arith.subf %get3A_145, %parallel_loop3A_588 : vector<16xf32>
      %parallel_loop3A_590 = arith.index_cast %parallel_loop3A_545 : i32 to index
      %parallel_loop3A_591 = arith.constant 112 : index
      %parallel_loop3A_592 = tpu.vector_load %arg9[%parallel_loop3A_590, %parallel_loop3A_591] {strides = array<i32>} : memref<64x256xf32, #tpu.memory_space<vmem>>, vector<16xf32>,
      %parallel_loop3A_593 = arith.subf %get3A_147, %parallel_loop3A_592 : vector<16xf32>
      %parallel_loop3A_594 = arith.mulf %parallel_loop3A_581, %parallel_loop3A_581 : vector<16xf32>
      %parallel_loop3A_595 = arith.addf %parallel_loop3A_571, %parallel_loop3A_594 : vector<16xf32>
      %parallel_loop3A_596 = arith.mulf %parallel_loop3A_585, %parallel_loop3A_585 : vector<16xf32>
      %parallel_loop3A_597 = arith.addf %parallel_loop3A_573, %parallel_loop3A_596 : vector<16xf32>
      %parallel_loop3A_598 = arith.mulf %parallel_loop3A_589, %parallel_loop3A_589 : vector<16xf32>
      %parallel_loop3A_599 = arith.addf %parallel_loop3A_575, %parallel_loop3A_598 : vector<16xf32>
      %parallel_loop3A_600 = arith.mulf %parallel_loop3A_593, %parallel_loop3A_593 : vector<16xf32>
      %parallel_loop3A_601 = arith.addf %parallel_loop3A_577, %parallel_loop3A_600 : vector<16xf32>
      %parallel_loop3A_602 = arith.index_cast %parallel_loop3A_545 : i32 to index
      %parallel_loop3A_603 = arith.constant 128 : index
      %parallel_loop3A_604 = tpu.vector_load %arg9[%parallel_loop3A_602, %parallel_loop3A_603] {strides = array<i32>} : memref<64x256xf32, #tpu.memory_space<vmem>>, vector<16xf32>,
      %parallel_loop3A_605 = arith.subf %get3A_149, %parallel_loop3A_604 : vector<16xf32>
      %parallel_loop3A_606 = arith.index_cast %parallel_loop3A_545 : i32 to index
      %parallel_loop3A_607 = arith.constant 144 : index
      %parallel_loop3A_608 = tpu.vector_load %arg9[%parallel_loop3A_606, %parallel_loop3A_607] {strides = array<i32>} : memref<64x256xf32, #tpu.memory_space<vmem>>, vector<16xf32>,
      %parallel_loop3A_609 = arith.subf %get3A_151, %parallel_loop3A_608 : vector<16xf32>
      %parallel_loop3A_610 = arith.index_cast %parallel_loop3A_545 : i32 to index
      %parallel_loop3A_611 = arith.constant 160 : index
      %parallel_loop3A_612 = tpu.vector_load %arg9[%parallel_loop3A_610, %parallel_loop3A_611] {strides = array<i32>} : memref<64x256xf32, #tpu.memory_space<vmem>>, vector<16xf32>,
      %parallel_loop3A_613 = arith.subf %get3A_153, %parallel_loop3A_612 : vector<16xf32>
      %parallel_loop3A_614 = arith.index_cast %parallel_loop3A_545 : i32 to index
      %parallel_loop3A_615 = arith.constant 176 : index
      %parallel_loop3A_616 = tpu.vector_load %arg9[%parallel_loop3A_614, %parallel_loop3A_615] {strides = array<i32>} : memref<64x256xf32, #tpu.memory_space<vmem>>, vector<16xf32>,
      %parallel_loop3A_617 = arith.subf %get3A_155, %parallel_loop3A_616 : vector<16xf32>
      %parallel_loop3A_618 = arith.mulf %parallel_loop3A_605, %parallel_loop3A_605 : vector<16xf32>
      %parallel_loop3A_619 = arith.addf %parallel_loop3A_595, %parallel_loop3A_618 : vector<16xf32>
      %parallel_loop3A_620 = arith.mulf %parallel_loop3A_609, %parallel_loop3A_609 : vector<16xf32>
      %parallel_loop3A_621 = arith.addf %parallel_loop3A_597, %parallel_loop3A_620 : vector<16xf32>
      %parallel_loop3A_622 = arith.mulf %parallel_loop3A_613, %parallel_loop3A_613 : vector<16xf32>
      %parallel_loop3A_623 = arith.addf %parallel_loop3A_599, %parallel_loop3A_622 : vector<16xf32>
      %parallel_loop3A_624 = arith.mulf %parallel_loop3A_617, %parallel_loop3A_617 : vector<16xf32>
      %parallel_loop3A_625 = arith.addf %parallel_loop3A_601, %parallel_loop3A_624 : vector<16xf32>
      %parallel_loop3A_626 = arith.index_cast %parallel_loop3A_545 : i32 to index
      %parallel_loop3A_627 = arith.constant 192 : index
      %parallel_loop3A_628 = tpu.vector_load %arg9[%parallel_loop3A_626, %parallel_loop3A_627] {strides = array<i32>} : memref<64x256xf32, #tpu.memory_space<vmem>>, vector<16xf32>,
      %parallel_loop3A_629 = arith.subf %get3A_157, %parallel_loop3A_628 : vector<16xf32>
      %parallel_loop3A_630 = arith.index_cast %parallel_loop3A_545 : i32 to index
      %parallel_loop3A_631 = arith.constant 208 : index
      %parallel_loop3A_632 = tpu.vector_load %arg9[%parallel_loop3A_630, %parallel_loop3A_631] {strides = array<i32>} : memref<64x256xf32, #tpu.memory_space<vmem>>, vector<16xf32>,
      %parallel_loop3A_633 = arith.subf %get3A_159, %parallel_loop3A_632 : vector<16xf32>
      %parallel_loop3A_634 = arith.index_cast %parallel_loop3A_545 : i32 to index
      %parallel_loop3A_635 = arith.constant 224 : index
      %parallel_loop3A_636 = tpu.vector_load %arg9[%parallel_loop3A_634, %parallel_loop3A_635] {strides = array<i32>} : memref<64x256xf32, #tpu.memory_space<vmem>>, vector<16xf32>,
      %parallel_loop3A_637 = arith.subf %get3A_161, %parallel_loop3A_636 : vector<16xf32>
      %parallel_loop3A_638 = arith.index_cast %parallel_loop3A_545 : i32 to index
      %parallel_loop3A_639 = arith.constant 240 : index
      %parallel_loop3A_640 = tpu.vector_load %arg9[%parallel_loop3A_638, %parallel_loop3A_639] {strides = array<i32>} : memref<64x256xf32, #tpu.memory_space<vmem>>, vector<16xf32>,
      %parallel_loop3A_641 = arith.subf %get3A_163, %parallel_loop3A_640 : vector<16xf32>
      %parallel_loop3A_642 = arith.mulf %parallel_loop3A_629, %parallel_loop3A_629 : vector<16xf32>
      %parallel_loop3A_643 = arith.addf %parallel_loop3A_619, %parallel_loop3A_642 : vector<16xf32>
      %parallel_loop3A_644 = arith.mulf %parallel_loop3A_633, %parallel_loop3A_633 : vector<16xf32>
      %parallel_loop3A_645 = arith.addf %parallel_loop3A_621, %parallel_loop3A_644 : vector<16xf32>
      %parallel_loop3A_646 = arith.mulf %parallel_loop3A_637, %parallel_loop3A_637 : vector<16xf32>
      %parallel_loop3A_647 = arith.addf %parallel_loop3A_623, %parallel_loop3A_646 : vector<16xf32>
      %parallel_loop3A_648 = arith.mulf %parallel_loop3A_641, %parallel_loop3A_641 : vector<16xf32>
      %parallel_loop3A_649 = arith.addf %parallel_loop3A_625, %parallel_loop3A_648 : vector<16xf32>
      %parallel_loop3A_650 = arith.addf %parallel_loop3A_643, %parallel_loop3A_645 : vector<16xf32>
      %parallel_loop3A_651 = arith.addf %parallel_loop3A_647, %parallel_loop3A_649 : vector<16xf32>
      %parallel_loop3A_652 = arith.addf %parallel_loop3A_650, %parallel_loop3A_651 : vector<16xf32>
      %parallel_loop3A_653 = arith.constant 0 : i32
      %parallel_loop3A_654 = arith.addi %parallel_loop3A_653, %parallel_loop3A_545 : i32
      %parallel_loop3A_655 = arith.constant 16 : i32
      %parallel_loop3A_656 = arith.muli %parallel_loop3A_654, %parallel_loop3A_655 : i32
      %parallel_loop3A_657 = arith.index_cast %parallel_loop3A_656 : i32 to index
      %parallel_loop3A_658 = tpu.vector_load %arg11[%parallel_loop3A_657] {strides = array<i32>} : memref<8192xf32, #tpu.memory_space<vmem>>, vector<16xf32>,
      tpu.vector_store %arg11[%parallel_loop3A_657], %parallel_loop3A_652 {strides = array<i32>} : memref<8192xf32, #tpu.memory_space<vmem>>, vector<16xf32>,
    } {sc.loop_unroll_factor = 2 : i64, sc.parallel_access}
    %add3A_169 = arith.constant 128 : i32
    %add3A_170 = arith.addi %mul3A_8, %add3A_169 : i32
    %dma_start3A_171 = arith.constant 0 : i32
    %dma_start3A_172 = tpu.memref_slice %arg3[%add3A_170, %dma_start3A_171] : memref<8192x256xf32, #tpu.memory_space<hbm>> -> memref<64x256xf32, #tpu.memory_space<hbm>>
    %dma_start3A_173 = arith.constant 0 : i32
    %dma_start3A_174 = tpu.memref_slice %arg3[%add3A_170, %dma_start3A_173] : memref<8192x256xf32, #tpu.memory_space<hbm>> -> memref<64x256xf32, #tpu.memory_space<hbm>>
    tpu.enqueue_dma source(%dma_start3A_174 : memref<64x256xf32, #tpu.memory_space<hbm>>) target(%arg9 : memref<64x256xf32, #tpu.memory_space<vmem>>) target_semaphore(%arg19 : memref<!tpu.dma_semaphore, #tpu.memory_space<semaphore_mem>>)
    %dma_wait3A_175 = arith.constant 0 : i32
    %dma_wait3A_176 = tpu.memref_slice %arg3[%add3A_17, %dma_wait3A_175] : memref<8192x256xf32, #tpu.memory_space<hbm>> -> memref<64x256xf32, #tpu.memory_space<hbm>>
    %dma_wait3A_177 = arith.constant 0 : i32
    %dma_wait3A_178 = tpu.memref_slice %arg3[%add3A_17, %dma_wait3A_177] : memref<8192x256xf32, #tpu.memory_space<hbm>> -> memref<64x256xf32, #tpu.memory_space<hbm>>
    tpu.wait_dma2 semaphore(%arg20 : memref<!tpu.dma_semaphore, #tpu.memory_space<semaphore_mem>>) src(%dma_wait3A_178 : memref<64x256xf32, #tpu.memory_space<hbm>>) dst(%arg10 : memref<64x256xf32, #tpu.memory_space<vmem>>)
    %parallel_loop3A_179 = arith.constant 0 : i32
    %parallel_loop3A_180 = arith.constant 64 : i32
    %parallel_loop3A_181 = arith.constant 1 : i32
    scf.for %parallel_loop3A_545 = %parallel_loop3A_179 to %parallel_loop3A_180 step %parallel_loop3A_181  : i32 {
      %parallel_loop3A_546 = arith.constant 0.000000e+00 : f32
      %parallel_loop3A_547 = vector.broadcast %parallel_loop3A_546 : f32 to vector<16xf32>
      %parallel_loop3A_548 = arith.constant 0.000000e+00 : f32
      %parallel_loop3A_549 = vector.broadcast %parallel_loop3A_548 : f32 to vector<16xf32>
      %parallel_loop3A_550 = arith.constant 0.000000e+00 : f32
      %parallel_loop3A_551 = vector.broadcast %parallel_loop3A_550 : f32 to vector<16xf32>
      %parallel_loop3A_552 = arith.constant 0.000000e+00 : f32
      %parallel_loop3A_553 = vector.broadcast %parallel_loop3A_552 : f32 to vector<16xf32>
      %parallel_loop3A_554 = arith.index_cast %parallel_loop3A_545 : i32 to index
      %parallel_loop3A_555 = arith.constant 0 : index
      %parallel_loop3A_556 = tpu.vector_load %arg10[%parallel_loop3A_554, %parallel_loop3A_555] {strides = array<i32>} : memref<64x256xf32, #tpu.memory_space<vmem>>, vector<16xf32>,
      %parallel_loop3A_557 = arith.subf %get3A_133, %parallel_loop3A_556 : vector<16xf32>
      %parallel_loop3A_558 = arith.index_cast %parallel_loop3A_545 : i32 to index
      %parallel_loop3A_559 = arith.constant 16 : index
      %parallel_loop3A_560 = tpu.vector_load %arg10[%parallel_loop3A_558, %parallel_loop3A_559] {strides = array<i32>} : memref<64x256xf32, #tpu.memory_space<vmem>>, vector<16xf32>,
      %parallel_loop3A_561 = arith.subf %get3A_135, %parallel_loop3A_560 : vector<16xf32>
      %parallel_loop3A_562 = arith.index_cast %parallel_loop3A_545 : i32 to index
      %parallel_loop3A_563 = arith.constant 32 : index
      %parallel_loop3A_564 = tpu.vector_load %arg10[%parallel_loop3A_562, %parallel_loop3A_563] {strides = array<i32>} : memref<64x256xf32, #tpu.memory_space<vmem>>, vector<16xf32>,
      %parallel_loop3A_565 = arith.subf %get3A_137, %parallel_loop3A_564 : vector<16xf32>
      %parallel_loop3A_566 = arith.index_cast %parallel_loop3A_545 : i32 to index
      %parallel_loop3A_567 = arith.constant 48 : index
      %parallel_loop3A_568 = tpu.vector_load %arg10[%parallel_loop3A_566, %parallel_loop3A_567] {strides = array<i32>} : memref<64x256xf32, #tpu.memory_space<vmem>>, vector<16xf32>,
      %parallel_loop3A_569 = arith.subf %get3A_139, %parallel_loop3A_568 : vector<16xf32>
      %parallel_loop3A_570 = arith.mulf %parallel_loop3A_557, %parallel_loop3A_557 : vector<16xf32>
      %parallel_loop3A_571 = arith.addf %parallel_loop3A_547, %parallel_loop3A_570 : vector<16xf32>
      %parallel_loop3A_572 = arith.mulf %parallel_loop3A_561, %parallel_loop3A_561 : vector<16xf32>
      %parallel_loop3A_573 = arith.addf %parallel_loop3A_549, %parallel_loop3A_572 : vector<16xf32>
      %parallel_loop3A_574 = arith.mulf %parallel_loop3A_565, %parallel_loop3A_565 : vector<16xf32>
      %parallel_loop3A_575 = arith.addf %parallel_loop3A_551, %parallel_loop3A_574 : vector<16xf32>
      %parallel_loop3A_576 = arith.mulf %parallel_loop3A_569, %parallel_loop3A_569 : vector<16xf32>
      %parallel_loop3A_577 = arith.addf %parallel_loop3A_553, %parallel_loop3A_576 : vector<16xf32>
      %parallel_loop3A_578 = arith.index_cast %parallel_loop3A_545 : i32 to index
      %parallel_loop3A_579 = arith.constant 64 : index
      %parallel_loop3A_580 = tpu.vector_load %arg10[%parallel_loop3A_578, %parallel_loop3A_579] {strides = array<i32>} : memref<64x256xf32, #tpu.memory_space<vmem>>, vector<16xf32>,
      %parallel_loop3A_581 = arith.subf %get3A_141, %parallel_loop3A_580 : vector<16xf32>
      %parallel_loop3A_582 = arith.index_cast %parallel_loop3A_545 : i32 to index
      %parallel_loop3A_583 = arith.constant 80 : index
      %parallel_loop3A_584 = tpu.vector_load %arg10[%parallel_loop3A_582, %parallel_loop3A_583] {strides = array<i32>} : memref<64x256xf32, #tpu.memory_space<vmem>>, vector<16xf32>,
      %parallel_loop3A_585 = arith.subf %get3A_143, %parallel_loop3A_584 : vector<16xf32>
      %parallel_loop3A_586 = arith.index_cast %parallel_loop3A_545 : i32 to index
      %parallel_loop3A_587 = arith.constant 96 : index
      %parallel_loop3A_588 = tpu.vector_load %arg10[%parallel_loop3A_586, %parallel_loop3A_587] {strides = array<i32>} : memref<64x256xf32, #tpu.memory_space<vmem>>, vector<16xf32>,
      %parallel_loop3A_589 = arith.subf %get3A_145, %parallel_loop3A_588 : vector<16xf32>
      %parallel_loop3A_590 = arith.index_cast %parallel_loop3A_545 : i32 to index
      %parallel_loop3A_591 = arith.constant 112 : index
      %parallel_loop3A_592 = tpu.vector_load %arg10[%parallel_loop3A_590, %parallel_loop3A_591] {strides = array<i32>} : memref<64x256xf32, #tpu.memory_space<vmem>>, vector<16xf32>,
      %parallel_loop3A_593 = arith.subf %get3A_147, %parallel_loop3A_592 : vector<16xf32>
      %parallel_loop3A_594 = arith.mulf %parallel_loop3A_581, %parallel_loop3A_581 : vector<16xf32>
      %parallel_loop3A_595 = arith.addf %parallel_loop3A_571, %parallel_loop3A_594 : vector<16xf32>
      %parallel_loop3A_596 = arith.mulf %parallel_loop3A_585, %parallel_loop3A_585 : vector<16xf32>
      %parallel_loop3A_597 = arith.addf %parallel_loop3A_573, %parallel_loop3A_596 : vector<16xf32>
      %parallel_loop3A_598 = arith.mulf %parallel_loop3A_589, %parallel_loop3A_589 : vector<16xf32>
      %parallel_loop3A_599 = arith.addf %parallel_loop3A_575, %parallel_loop3A_598 : vector<16xf32>
      %parallel_loop3A_600 = arith.mulf %parallel_loop3A_593, %parallel_loop3A_593 : vector<16xf32>
      %parallel_loop3A_601 = arith.addf %parallel_loop3A_577, %parallel_loop3A_600 : vector<16xf32>
      %parallel_loop3A_602 = arith.index_cast %parallel_loop3A_545 : i32 to index
      %parallel_loop3A_603 = arith.constant 128 : index
      %parallel_loop3A_604 = tpu.vector_load %arg10[%parallel_loop3A_602, %parallel_loop3A_603] {strides = array<i32>} : memref<64x256xf32, #tpu.memory_space<vmem>>, vector<16xf32>,
      %parallel_loop3A_605 = arith.subf %get3A_149, %parallel_loop3A_604 : vector<16xf32>
      %parallel_loop3A_606 = arith.index_cast %parallel_loop3A_545 : i32 to index
      %parallel_loop3A_607 = arith.constant 144 : index
      %parallel_loop3A_608 = tpu.vector_load %arg10[%parallel_loop3A_606, %parallel_loop3A_607] {strides = array<i32>} : memref<64x256xf32, #tpu.memory_space<vmem>>, vector<16xf32>,
      %parallel_loop3A_609 = arith.subf %get3A_151, %parallel_loop3A_608 : vector<16xf32>
      %parallel_loop3A_610 = arith.index_cast %parallel_loop3A_545 : i32 to index
      %parallel_loop3A_611 = arith.constant 160 : index
      %parallel_loop3A_612 = tpu.vector_load %arg10[%parallel_loop3A_610, %parallel_loop3A_611] {strides = array<i32>} : memref<64x256xf32, #tpu.memory_space<vmem>>, vector<16xf32>,
      %parallel_loop3A_613 = arith.subf %get3A_153, %parallel_loop3A_612 : vector<16xf32>
      %parallel_loop3A_614 = arith.index_cast %parallel_loop3A_545 : i32 to index
      %parallel_loop3A_615 = arith.constant 176 : index
      %parallel_loop3A_616 = tpu.vector_load %arg10[%parallel_loop3A_614, %parallel_loop3A_615] {strides = array<i32>} : memref<64x256xf32, #tpu.memory_space<vmem>>, vector<16xf32>,
      %parallel_loop3A_617 = arith.subf %get3A_155, %parallel_loop3A_616 : vector<16xf32>
      %parallel_loop3A_618 = arith.mulf %parallel_loop3A_605, %parallel_loop3A_605 : vector<16xf32>
      %parallel_loop3A_619 = arith.addf %parallel_loop3A_595, %parallel_loop3A_618 : vector<16xf32>
      %parallel_loop3A_620 = arith.mulf %parallel_loop3A_609, %parallel_loop3A_609 : vector<16xf32>
      %parallel_loop3A_621 = arith.addf %parallel_loop3A_597, %parallel_loop3A_620 : vector<16xf32>
      %parallel_loop3A_622 = arith.mulf %parallel_loop3A_613, %parallel_loop3A_613 : vector<16xf32>
      %parallel_loop3A_623 = arith.addf %parallel_loop3A_599, %parallel_loop3A_622 : vector<16xf32>
      %parallel_loop3A_624 = arith.mulf %parallel_loop3A_617, %parallel_loop3A_617 : vector<16xf32>
      %parallel_loop3A_625 = arith.addf %parallel_loop3A_601, %parallel_loop3A_624 : vector<16xf32>
      %parallel_loop3A_626 = arith.index_cast %parallel_loop3A_545 : i32 to index
      %parallel_loop3A_627 = arith.constant 192 : index
      %parallel_loop3A_628 = tpu.vector_load %arg10[%parallel_loop3A_626, %parallel_loop3A_627] {strides = array<i32>} : memref<64x256xf32, #tpu.memory_space<vmem>>, vector<16xf32>,
      %parallel_loop3A_629 = arith.subf %get3A_157, %parallel_loop3A_628 : vector<16xf32>
      %parallel_loop3A_630 = arith.index_cast %parallel_loop3A_545 : i32 to index
      %parallel_loop3A_631 = arith.constant 208 : index
      %parallel_loop3A_632 = tpu.vector_load %arg10[%parallel_loop3A_630, %parallel_loop3A_631] {strides = array<i32>} : memref<64x256xf32, #tpu.memory_space<vmem>>, vector<16xf32>,
      %parallel_loop3A_633 = arith.subf %get3A_159, %parallel_loop3A_632 : vector<16xf32>
      %parallel_loop3A_634 = arith.index_cast %parallel_loop3A_545 : i32 to index
      %parallel_loop3A_635 = arith.constant 224 : index
      %parallel_loop3A_636 = tpu.vector_load %arg10[%parallel_loop3A_634, %parallel_loop3A_635] {strides = array<i32>} : memref<64x256xf32, #tpu.memory_space<vmem>>, vector<16xf32>,
      %parallel_loop3A_637 = arith.subf %get3A_161, %parallel_loop3A_636 : vector<16xf32>
      %parallel_loop3A_638 = arith.index_cast %parallel_loop3A_545 : i32 to index
      %parallel_loop3A_639 = arith.constant 240 : index
      %parallel_loop3A_640 = tpu.vector_load %arg10[%parallel_loop3A_638, %parallel_loop3A_639] {strides = array<i32>} : memref<64x256xf32, #tpu.memory_space<vmem>>, vector<16xf32>,
      %parallel_loop3A_641 = arith.subf %get3A_163, %parallel_loop3A_640 : vector<16xf32>
      %parallel_loop3A_642 = arith.mulf %parallel_loop3A_629, %parallel_loop3A_629 : vector<16xf32>
      %parallel_loop3A_643 = arith.addf %parallel_loop3A_619, %parallel_loop3A_642 : vector<16xf32>
      %parallel_loop3A_644 = arith.mulf %parallel_loop3A_633, %parallel_loop3A_633 : vector<16xf32>
      %parallel_loop3A_645 = arith.addf %parallel_loop3A_621, %parallel_loop3A_644 : vector<16xf32>
      %parallel_loop3A_646 = arith.mulf %parallel_loop3A_637, %parallel_loop3A_637 : vector<16xf32>
      %parallel_loop3A_647 = arith.addf %parallel_loop3A_623, %parallel_loop3A_646 : vector<16xf32>
      %parallel_loop3A_648 = arith.mulf %parallel_loop3A_641, %parallel_loop3A_641 : vector<16xf32>
      %parallel_loop3A_649 = arith.addf %parallel_loop3A_625, %parallel_loop3A_648 : vector<16xf32>
      %parallel_loop3A_650 = arith.addf %parallel_loop3A_643, %parallel_loop3A_645 : vector<16xf32>
      %parallel_loop3A_651 = arith.addf %parallel_loop3A_647, %parallel_loop3A_649 : vector<16xf32>
      %parallel_loop3A_652 = arith.addf %parallel_loop3A_650, %parallel_loop3A_651 : vector<16xf32>
      %parallel_loop3A_653 = arith.constant 64 : i32
      %parallel_loop3A_654 = arith.addi %parallel_loop3A_653, %parallel_loop3A_545 : i32
      %parallel_loop3A_655 = arith.constant 16 : i32
      %parallel_loop3A_656 = arith.muli %parallel_loop3A_654, %parallel_loop3A_655 : i32
      %parallel_loop3A_657 = arith.index_cast %parallel_loop3A_656 : i32 to index
      %parallel_loop3A_658 = tpu.vector_load %arg11[%parallel_loop3A_657] {strides = array<i32>} : memref<8192xf32, #tpu.memory_space<vmem>>, vector<16xf32>,
      tpu.vector_store %arg11[%parallel_loop3A_657], %parallel_loop3A_652 {strides = array<i32>} : memref<8192xf32, #tpu.memory_space<vmem>>, vector<16xf32>,
    } {sc.loop_unroll_factor = 2 : i64, sc.parallel_access}
    %add3A_182 = arith.constant 192 : i32
    %add3A_183 = arith.addi %mul3A_8, %add3A_182 : i32
    %dma_start3A_184 = arith.constant 0 : i32
    %dma_start3A_185 = tpu.memref_slice %arg3[%add3A_183, %dma_start3A_184] : memref<8192x256xf32, #tpu.memory_space<hbm>> -> memref<64x256xf32, #tpu.memory_space<hbm>>
    %dma_start3A_186 = arith.constant 0 : i32
    %dma_start3A_187 = tpu.memref_slice %arg3[%add3A_183, %dma_start3A_186] : memref<8192x256xf32, #tpu.memory_space<hbm>> -> memref<64x256xf32, #tpu.memory_space<hbm>>
    tpu.enqueue_dma source(%dma_start3A_187 : memref<64x256xf32, #tpu.memory_space<hbm>>) target(%arg10 : memref<64x256xf32, #tpu.memory_space<vmem>>) target_semaphore(%arg20 : memref<!tpu.dma_semaphore, #tpu.memory_space<semaphore_mem>>)
    %dma_wait3A_188 = arith.constant 0 : i32
    %dma_wait3A_189 = tpu.memref_slice %arg3[%add3A_170, %dma_wait3A_188] : memref<8192x256xf32, #tpu.memory_space<hbm>> -> memref<64x256xf32, #tpu.memory_space<hbm>>
    %dma_wait3A_190 = arith.constant 0 : i32
    %dma_wait3A_191 = tpu.memref_slice %arg3[%add3A_170, %dma_wait3A_190] : memref<8192x256xf32, #tpu.memory_space<hbm>> -> memref<64x256xf32, #tpu.memory_space<hbm>>
    tpu.wait_dma2 semaphore(%arg19 : memref<!tpu.dma_semaphore, #tpu.memory_space<semaphore_mem>>) src(%dma_wait3A_191 : memref<64x256xf32, #tpu.memory_space<hbm>>) dst(%arg9 : memref<64x256xf32, #tpu.memory_space<vmem>>)
    %parallel_loop3A_192 = arith.constant 0 : i32
    %parallel_loop3A_193 = arith.constant 64 : i32
    %parallel_loop3A_194 = arith.constant 1 : i32
    scf.for %parallel_loop3A_545 = %parallel_loop3A_192 to %parallel_loop3A_193 step %parallel_loop3A_194  : i32 {
      %parallel_loop3A_546 = arith.constant 0.000000e+00 : f32
      %parallel_loop3A_547 = vector.broadcast %parallel_loop3A_546 : f32 to vector<16xf32>
      %parallel_loop3A_548 = arith.constant 0.000000e+00 : f32
      %parallel_loop3A_549 = vector.broadcast %parallel_loop3A_548 : f32 to vector<16xf32>
      %parallel_loop3A_550 = arith.constant 0.000000e+00 : f32
      %parallel_loop3A_551 = vector.broadcast %parallel_loop3A_550 : f32 to vector<16xf32>
      %parallel_loop3A_552 = arith.constant 0.000000e+00 : f32
      %parallel_loop3A_553 = vector.broadcast %parallel_loop3A_552 : f32 to vector<16xf32>
      %parallel_loop3A_554 = arith.index_cast %parallel_loop3A_545 : i32 to index
      %parallel_loop3A_555 = arith.constant 0 : index
      %parallel_loop3A_556 = tpu.vector_load %arg9[%parallel_loop3A_554, %parallel_loop3A_555] {strides = array<i32>} : memref<64x256xf32, #tpu.memory_space<vmem>>, vector<16xf32>,
      %parallel_loop3A_557 = arith.subf %get3A_133, %parallel_loop3A_556 : vector<16xf32>
      %parallel_loop3A_558 = arith.index_cast %parallel_loop3A_545 : i32 to index
      %parallel_loop3A_559 = arith.constant 16 : index
      %parallel_loop3A_560 = tpu.vector_load %arg9[%parallel_loop3A_558, %parallel_loop3A_559] {strides = array<i32>} : memref<64x256xf32, #tpu.memory_space<vmem>>, vector<16xf32>,
      %parallel_loop3A_561 = arith.subf %get3A_135, %parallel_loop3A_560 : vector<16xf32>
      %parallel_loop3A_562 = arith.index_cast %parallel_loop3A_545 : i32 to index
      %parallel_loop3A_563 = arith.constant 32 : index
      %parallel_loop3A_564 = tpu.vector_load %arg9[%parallel_loop3A_562, %parallel_loop3A_563] {strides = array<i32>} : memref<64x256xf32, #tpu.memory_space<vmem>>, vector<16xf32>,
      %parallel_loop3A_565 = arith.subf %get3A_137, %parallel_loop3A_564 : vector<16xf32>
      %parallel_loop3A_566 = arith.index_cast %parallel_loop3A_545 : i32 to index
      %parallel_loop3A_567 = arith.constant 48 : index
      %parallel_loop3A_568 = tpu.vector_load %arg9[%parallel_loop3A_566, %parallel_loop3A_567] {strides = array<i32>} : memref<64x256xf32, #tpu.memory_space<vmem>>, vector<16xf32>,
      %parallel_loop3A_569 = arith.subf %get3A_139, %parallel_loop3A_568 : vector<16xf32>
      %parallel_loop3A_570 = arith.mulf %parallel_loop3A_557, %parallel_loop3A_557 : vector<16xf32>
      %parallel_loop3A_571 = arith.addf %parallel_loop3A_547, %parallel_loop3A_570 : vector<16xf32>
      %parallel_loop3A_572 = arith.mulf %parallel_loop3A_561, %parallel_loop3A_561 : vector<16xf32>
      %parallel_loop3A_573 = arith.addf %parallel_loop3A_549, %parallel_loop3A_572 : vector<16xf32>
      %parallel_loop3A_574 = arith.mulf %parallel_loop3A_565, %parallel_loop3A_565 : vector<16xf32>
      %parallel_loop3A_575 = arith.addf %parallel_loop3A_551, %parallel_loop3A_574 : vector<16xf32>
      %parallel_loop3A_576 = arith.mulf %parallel_loop3A_569, %parallel_loop3A_569 : vector<16xf32>
      %parallel_loop3A_577 = arith.addf %parallel_loop3A_553, %parallel_loop3A_576 : vector<16xf32>
      %parallel_loop3A_578 = arith.index_cast %parallel_loop3A_545 : i32 to index
      %parallel_loop3A_579 = arith.constant 64 : index
      %parallel_loop3A_580 = tpu.vector_load %arg9[%parallel_loop3A_578, %parallel_loop3A_579] {strides = array<i32>} : memref<64x256xf32, #tpu.memory_space<vmem>>, vector<16xf32>,
      %parallel_loop3A_581 = arith.subf %get3A_141, %parallel_loop3A_580 : vector<16xf32>
      %parallel_loop3A_582 = arith.index_cast %parallel_loop3A_545 : i32 to index
      %parallel_loop3A_583 = arith.constant 80 : index
      %parallel_loop3A_584 = tpu.vector_load %arg9[%parallel_loop3A_582, %parallel_loop3A_583] {strides = array<i32>} : memref<64x256xf32, #tpu.memory_space<vmem>>, vector<16xf32>,
      %parallel_loop3A_585 = arith.subf %get3A_143, %parallel_loop3A_584 : vector<16xf32>
      %parallel_loop3A_586 = arith.index_cast %parallel_loop3A_545 : i32 to index
      %parallel_loop3A_587 = arith.constant 96 : index
      %parallel_loop3A_588 = tpu.vector_load %arg9[%parallel_loop3A_586, %parallel_loop3A_587] {strides = array<i32>} : memref<64x256xf32, #tpu.memory_space<vmem>>, vector<16xf32>,
      %parallel_loop3A_589 = arith.subf %get3A_145, %parallel_loop3A_588 : vector<16xf32>
      %parallel_loop3A_590 = arith.index_cast %parallel_loop3A_545 : i32 to index
      %parallel_loop3A_591 = arith.constant 112 : index
      %parallel_loop3A_592 = tpu.vector_load %arg9[%parallel_loop3A_590, %parallel_loop3A_591] {strides = array<i32>} : memref<64x256xf32, #tpu.memory_space<vmem>>, vector<16xf32>,
      %parallel_loop3A_593 = arith.subf %get3A_147, %parallel_loop3A_592 : vector<16xf32>
      %parallel_loop3A_594 = arith.mulf %parallel_loop3A_581, %parallel_loop3A_581 : vector<16xf32>
      %parallel_loop3A_595 = arith.addf %parallel_loop3A_571, %parallel_loop3A_594 : vector<16xf32>
      %parallel_loop3A_596 = arith.mulf %parallel_loop3A_585, %parallel_loop3A_585 : vector<16xf32>
      %parallel_loop3A_597 = arith.addf %parallel_loop3A_573, %parallel_loop3A_596 : vector<16xf32>
      %parallel_loop3A_598 = arith.mulf %parallel_loop3A_589, %parallel_loop3A_589 : vector<16xf32>
      %parallel_loop3A_599 = arith.addf %parallel_loop3A_575, %parallel_loop3A_598 : vector<16xf32>
      %parallel_loop3A_600 = arith.mulf %parallel_loop3A_593, %parallel_loop3A_593 : vector<16xf32>
      %parallel_loop3A_601 = arith.addf %parallel_loop3A_577, %parallel_loop3A_600 : vector<16xf32>
      %parallel_loop3A_602 = arith.index_cast %parallel_loop3A_545 : i32 to index
      %parallel_loop3A_603 = arith.constant 128 : index
      %parallel_loop3A_604 = tpu.vector_load %arg9[%parallel_loop3A_602, %parallel_loop3A_603] {strides = array<i32>} : memref<64x256xf32, #tpu.memory_space<vmem>>, vector<16xf32>,
      %parallel_loop3A_605 = arith.subf %get3A_149, %parallel_loop3A_604 : vector<16xf32>
      %parallel_loop3A_606 = arith.index_cast %parallel_loop3A_545 : i32 to index
      %parallel_loop3A_607 = arith.constant 144 : index
      %parallel_loop3A_608 = tpu.vector_load %arg9[%parallel_loop3A_606, %parallel_loop3A_607] {strides = array<i32>} : memref<64x256xf32, #tpu.memory_space<vmem>>, vector<16xf32>,
      %parallel_loop3A_609 = arith.subf %get3A_151, %parallel_loop3A_608 : vector<16xf32>
      %parallel_loop3A_610 = arith.index_cast %parallel_loop3A_545 : i32 to index
      %parallel_loop3A_611 = arith.constant 160 : index
      %parallel_loop3A_612 = tpu.vector_load %arg9[%parallel_loop3A_610, %parallel_loop3A_611] {strides = array<i32>} : memref<64x256xf32, #tpu.memory_space<vmem>>, vector<16xf32>,
      %parallel_loop3A_613 = arith.subf %get3A_153, %parallel_loop3A_612 : vector<16xf32>
      %parallel_loop3A_614 = arith.index_cast %parallel_loop3A_545 : i32 to index
      %parallel_loop3A_615 = arith.constant 176 : index
      %parallel_loop3A_616 = tpu.vector_load %arg9[%parallel_loop3A_614, %parallel_loop3A_615] {strides = array<i32>} : memref<64x256xf32, #tpu.memory_space<vmem>>, vector<16xf32>,
      %parallel_loop3A_617 = arith.subf %get3A_155, %parallel_loop3A_616 : vector<16xf32>
      %parallel_loop3A_618 = arith.mulf %parallel_loop3A_605, %parallel_loop3A_605 : vector<16xf32>
      %parallel_loop3A_619 = arith.addf %parallel_loop3A_595, %parallel_loop3A_618 : vector<16xf32>
      %parallel_loop3A_620 = arith.mulf %parallel_loop3A_609, %parallel_loop3A_609 : vector<16xf32>
      %parallel_loop3A_621 = arith.addf %parallel_loop3A_597, %parallel_loop3A_620 : vector<16xf32>
      %parallel_loop3A_622 = arith.mulf %parallel_loop3A_613, %parallel_loop3A_613 : vector<16xf32>
      %parallel_loop3A_623 = arith.addf %parallel_loop3A_599, %parallel_loop3A_622 : vector<16xf32>
      %parallel_loop3A_624 = arith.mulf %parallel_loop3A_617, %parallel_loop3A_617 : vector<16xf32>
      %parallel_loop3A_625 = arith.addf %parallel_loop3A_601, %parallel_loop3A_624 : vector<16xf32>
      %parallel_loop3A_626 = arith.index_cast %parallel_loop3A_545 : i32 to index
      %parallel_loop3A_627 = arith.constant 192 : index
      %parallel_loop3A_628 = tpu.vector_load %arg9[%parallel_loop3A_626, %parallel_loop3A_627] {strides = array<i32>} : memref<64x256xf32, #tpu.memory_space<vmem>>, vector<16xf32>,
      %parallel_loop3A_629 = arith.subf %get3A_157, %parallel_loop3A_628 : vector<16xf32>
      %parallel_loop3A_630 = arith.index_cast %parallel_loop3A_545 : i32 to index
      %parallel_loop3A_631 = arith.constant 208 : index
      %parallel_loop3A_632 = tpu.vector_load %arg9[%parallel_loop3A_630, %parallel_loop3A_631] {strides = array<i32>} : memref<64x256xf32, #tpu.memory_space<vmem>>, vector<16xf32>,
      %parallel_loop3A_633 = arith.subf %get3A_159, %parallel_loop3A_632 : vector<16xf32>
      %parallel_loop3A_634 = arith.index_cast %parallel_loop3A_545 : i32 to index
      %parallel_loop3A_635 = arith.constant 224 : index
      %parallel_loop3A_636 = tpu.vector_load %arg9[%parallel_loop3A_634, %parallel_loop3A_635] {strides = array<i32>} : memref<64x256xf32, #tpu.memory_space<vmem>>, vector<16xf32>,
      %parallel_loop3A_637 = arith.subf %get3A_161, %parallel_loop3A_636 : vector<16xf32>
      %parallel_loop3A_638 = arith.index_cast %parallel_loop3A_545 : i32 to index
      %parallel_loop3A_639 = arith.constant 240 : index
      %parallel_loop3A_640 = tpu.vector_load %arg9[%parallel_loop3A_638, %parallel_loop3A_639] {strides = array<i32>} : memref<64x256xf32, #tpu.memory_space<vmem>>, vector<16xf32>,
      %parallel_loop3A_641 = arith.subf %get3A_163, %parallel_loop3A_640 : vector<16xf32>
      %parallel_loop3A_642 = arith.mulf %parallel_loop3A_629, %parallel_loop3A_629 : vector<16xf32>
      %parallel_loop3A_643 = arith.addf %parallel_loop3A_619, %parallel_loop3A_642 : vector<16xf32>
      %parallel_loop3A_644 = arith.mulf %parallel_loop3A_633, %parallel_loop3A_633 : vector<16xf32>
      %parallel_loop3A_645 = arith.addf %parallel_loop3A_621, %parallel_loop3A_644 : vector<16xf32>
      %parallel_loop3A_646 = arith.mulf %parallel_loop3A_637, %parallel_loop3A_637 : vector<16xf32>
      %parallel_loop3A_647 = arith.addf %parallel_loop3A_623, %parallel_loop3A_646 : vector<16xf32>
      %parallel_loop3A_648 = arith.mulf %parallel_loop3A_641, %parallel_loop3A_641 : vector<16xf32>
      %parallel_loop3A_649 = arith.addf %parallel_loop3A_625, %parallel_loop3A_648 : vector<16xf32>
      %parallel_loop3A_650 = arith.addf %parallel_loop3A_643, %parallel_loop3A_645 : vector<16xf32>
      %parallel_loop3A_651 = arith.addf %parallel_loop3A_647, %parallel_loop3A_649 : vector<16xf32>
      %parallel_loop3A_652 = arith.addf %parallel_loop3A_650, %parallel_loop3A_651 : vector<16xf32>
      %parallel_loop3A_653 = arith.constant 128 : i32
      %parallel_loop3A_654 = arith.addi %parallel_loop3A_653, %parallel_loop3A_545 : i32
      %parallel_loop3A_655 = arith.constant 16 : i32
      %parallel_loop3A_656 = arith.muli %parallel_loop3A_654, %parallel_loop3A_655 : i32
      %parallel_loop3A_657 = arith.index_cast %parallel_loop3A_656 : i32 to index
      %parallel_loop3A_658 = tpu.vector_load %arg11[%parallel_loop3A_657] {strides = array<i32>} : memref<8192xf32, #tpu.memory_space<vmem>>, vector<16xf32>,
      tpu.vector_store %arg11[%parallel_loop3A_657], %parallel_loop3A_652 {strides = array<i32>} : memref<8192xf32, #tpu.memory_space<vmem>>, vector<16xf32>,
    } {sc.loop_unroll_factor = 2 : i64, sc.parallel_access}
    %dma_wait3A_195 = arith.constant 0 : i32
    %dma_wait3A_196 = tpu.memref_slice %arg3[%add3A_183, %dma_wait3A_195] : memref<8192x256xf32, #tpu.memory_space<hbm>> -> memref<64x256xf32, #tpu.memory_space<hbm>>
    %dma_wait3A_197 = arith.constant 0 : i32
    %dma_wait3A_198 = tpu.memref_slice %arg3[%add3A_183, %dma_wait3A_197] : memref<8192x256xf32, #tpu.memory_space<hbm>> -> memref<64x256xf32, #tpu.memory_space<hbm>>
    tpu.wait_dma2 semaphore(%arg20 : memref<!tpu.dma_semaphore, #tpu.memory_space<semaphore_mem>>) src(%dma_wait3A_198 : memref<64x256xf32, #tpu.memory_space<hbm>>) dst(%arg10 : memref<64x256xf32, #tpu.memory_space<vmem>>)
    %parallel_loop3A_199 = arith.constant 0 : i32
    %parallel_loop3A_200 = arith.constant 64 : i32
    %parallel_loop3A_201 = arith.constant 1 : i32
    scf.for %parallel_loop3A_545 = %parallel_loop3A_199 to %parallel_loop3A_200 step %parallel_loop3A_201  : i32 {
      %parallel_loop3A_546 = arith.constant 0.000000e+00 : f32
      %parallel_loop3A_547 = vector.broadcast %parallel_loop3A_546 : f32 to vector<16xf32>
      %parallel_loop3A_548 = arith.constant 0.000000e+00 : f32
      %parallel_loop3A_549 = vector.broadcast %parallel_loop3A_548 : f32 to vector<16xf32>
      %parallel_loop3A_550 = arith.constant 0.000000e+00 : f32
      %parallel_loop3A_551 = vector.broadcast %parallel_loop3A_550 : f32 to vector<16xf32>
      %parallel_loop3A_552 = arith.constant 0.000000e+00 : f32
      %parallel_loop3A_553 = vector.broadcast %parallel_loop3A_552 : f32 to vector<16xf32>
      %parallel_loop3A_554 = arith.index_cast %parallel_loop3A_545 : i32 to index
      %parallel_loop3A_555 = arith.constant 0 : index
      %parallel_loop3A_556 = tpu.vector_load %arg10[%parallel_loop3A_554, %parallel_loop3A_555] {strides = array<i32>} : memref<64x256xf32, #tpu.memory_space<vmem>>, vector<16xf32>,
      %parallel_loop3A_557 = arith.subf %get3A_133, %parallel_loop3A_556 : vector<16xf32>
      %parallel_loop3A_558 = arith.index_cast %parallel_loop3A_545 : i32 to index
      %parallel_loop3A_559 = arith.constant 16 : index
      %parallel_loop3A_560 = tpu.vector_load %arg10[%parallel_loop3A_558, %parallel_loop3A_559] {strides = array<i32>} : memref<64x256xf32, #tpu.memory_space<vmem>>, vector<16xf32>,
      %parallel_loop3A_561 = arith.subf %get3A_135, %parallel_loop3A_560 : vector<16xf32>
      %parallel_loop3A_562 = arith.index_cast %parallel_loop3A_545 : i32 to index
      %parallel_loop3A_563 = arith.constant 32 : index
      %parallel_loop3A_564 = tpu.vector_load %arg10[%parallel_loop3A_562, %parallel_loop3A_563] {strides = array<i32>} : memref<64x256xf32, #tpu.memory_space<vmem>>, vector<16xf32>,
      %parallel_loop3A_565 = arith.subf %get3A_137, %parallel_loop3A_564 : vector<16xf32>
      %parallel_loop3A_566 = arith.index_cast %parallel_loop3A_545 : i32 to index
      %parallel_loop3A_567 = arith.constant 48 : index
      %parallel_loop3A_568 = tpu.vector_load %arg10[%parallel_loop3A_566, %parallel_loop3A_567] {strides = array<i32>} : memref<64x256xf32, #tpu.memory_space<vmem>>, vector<16xf32>,
      %parallel_loop3A_569 = arith.subf %get3A_139, %parallel_loop3A_568 : vector<16xf32>
      %parallel_loop3A_570 = arith.mulf %parallel_loop3A_557, %parallel_loop3A_557 : vector<16xf32>
      %parallel_loop3A_571 = arith.addf %parallel_loop3A_547, %parallel_loop3A_570 : vector<16xf32>
      %parallel_loop3A_572 = arith.mulf %parallel_loop3A_561, %parallel_loop3A_561 : vector<16xf32>
      %parallel_loop3A_573 = arith.addf %parallel_loop3A_549, %parallel_loop3A_572 : vector<16xf32>
      %parallel_loop3A_574 = arith.mulf %parallel_loop3A_565, %parallel_loop3A_565 : vector<16xf32>
      %parallel_loop3A_575 = arith.addf %parallel_loop3A_551, %parallel_loop3A_574 : vector<16xf32>
      %parallel_loop3A_576 = arith.mulf %parallel_loop3A_569, %parallel_loop3A_569 : vector<16xf32>
      %parallel_loop3A_577 = arith.addf %parallel_loop3A_553, %parallel_loop3A_576 : vector<16xf32>
      %parallel_loop3A_578 = arith.index_cast %parallel_loop3A_545 : i32 to index
      %parallel_loop3A_579 = arith.constant 64 : index
      %parallel_loop3A_580 = tpu.vector_load %arg10[%parallel_loop3A_578, %parallel_loop3A_579] {strides = array<i32>} : memref<64x256xf32, #tpu.memory_space<vmem>>, vector<16xf32>,
      %parallel_loop3A_581 = arith.subf %get3A_141, %parallel_loop3A_580 : vector<16xf32>
      %parallel_loop3A_582 = arith.index_cast %parallel_loop3A_545 : i32 to index
      %parallel_loop3A_583 = arith.constant 80 : index
      %parallel_loop3A_584 = tpu.vector_load %arg10[%parallel_loop3A_582, %parallel_loop3A_583] {strides = array<i32>} : memref<64x256xf32, #tpu.memory_space<vmem>>, vector<16xf32>,
      %parallel_loop3A_585 = arith.subf %get3A_143, %parallel_loop3A_584 : vector<16xf32>
      %parallel_loop3A_586 = arith.index_cast %parallel_loop3A_545 : i32 to index
      %parallel_loop3A_587 = arith.constant 96 : index
      %parallel_loop3A_588 = tpu.vector_load %arg10[%parallel_loop3A_586, %parallel_loop3A_587] {strides = array<i32>} : memref<64x256xf32, #tpu.memory_space<vmem>>, vector<16xf32>,
      %parallel_loop3A_589 = arith.subf %get3A_145, %parallel_loop3A_588 : vector<16xf32>
      %parallel_loop3A_590 = arith.index_cast %parallel_loop3A_545 : i32 to index
      %parallel_loop3A_591 = arith.constant 112 : index
      %parallel_loop3A_592 = tpu.vector_load %arg10[%parallel_loop3A_590, %parallel_loop3A_591] {strides = array<i32>} : memref<64x256xf32, #tpu.memory_space<vmem>>, vector<16xf32>,
      %parallel_loop3A_593 = arith.subf %get3A_147, %parallel_loop3A_592 : vector<16xf32>
      %parallel_loop3A_594 = arith.mulf %parallel_loop3A_581, %parallel_loop3A_581 : vector<16xf32>
      %parallel_loop3A_595 = arith.addf %parallel_loop3A_571, %parallel_loop3A_594 : vector<16xf32>
      %parallel_loop3A_596 = arith.mulf %parallel_loop3A_585, %parallel_loop3A_585 : vector<16xf32>
      %parallel_loop3A_597 = arith.addf %parallel_loop3A_573, %parallel_loop3A_596 : vector<16xf32>
      %parallel_loop3A_598 = arith.mulf %parallel_loop3A_589, %parallel_loop3A_589 : vector<16xf32>
      %parallel_loop3A_599 = arith.addf %parallel_loop3A_575, %parallel_loop3A_598 : vector<16xf32>
      %parallel_loop3A_600 = arith.mulf %parallel_loop3A_593, %parallel_loop3A_593 : vector<16xf32>
      %parallel_loop3A_601 = arith.addf %parallel_loop3A_577, %parallel_loop3A_600 : vector<16xf32>
      %parallel_loop3A_602 = arith.index_cast %parallel_loop3A_545 : i32 to index
      %parallel_loop3A_603 = arith.constant 128 : index
      %parallel_loop3A_604 = tpu.vector_load %arg10[%parallel_loop3A_602, %parallel_loop3A_603] {strides = array<i32>} : memref<64x256xf32, #tpu.memory_space<vmem>>, vector<16xf32>,
      %parallel_loop3A_605 = arith.subf %get3A_149, %parallel_loop3A_604 : vector<16xf32>
      %parallel_loop3A_606 = arith.index_cast %parallel_loop3A_545 : i32 to index
      %parallel_loop3A_607 = arith.constant 144 : index
      %parallel_loop3A_608 = tpu.vector_load %arg10[%parallel_loop3A_606, %parallel_loop3A_607] {strides = array<i32>} : memref<64x256xf32, #tpu.memory_space<vmem>>, vector<16xf32>,
      %parallel_loop3A_609 = arith.subf %get3A_151, %parallel_loop3A_608 : vector<16xf32>
      %parallel_loop3A_610 = arith.index_cast %parallel_loop3A_545 : i32 to index
      %parallel_loop3A_611 = arith.constant 160 : index
      %parallel_loop3A_612 = tpu.vector_load %arg10[%parallel_loop3A_610, %parallel_loop3A_611] {strides = array<i32>} : memref<64x256xf32, #tpu.memory_space<vmem>>, vector<16xf32>,
      %parallel_loop3A_613 = arith.subf %get3A_153, %parallel_loop3A_612 : vector<16xf32>
      %parallel_loop3A_614 = arith.index_cast %parallel_loop3A_545 : i32 to index
      %parallel_loop3A_615 = arith.constant 176 : index
      %parallel_loop3A_616 = tpu.vector_load %arg10[%parallel_loop3A_614, %parallel_loop3A_615] {strides = array<i32>} : memref<64x256xf32, #tpu.memory_space<vmem>>, vector<16xf32>,
      %parallel_loop3A_617 = arith.subf %get3A_155, %parallel_loop3A_616 : vector<16xf32>
      %parallel_loop3A_618 = arith.mulf %parallel_loop3A_605, %parallel_loop3A_605 : vector<16xf32>
      %parallel_loop3A_619 = arith.addf %parallel_loop3A_595, %parallel_loop3A_618 : vector<16xf32>
      %parallel_loop3A_620 = arith.mulf %parallel_loop3A_609, %parallel_loop3A_609 : vector<16xf32>
      %parallel_loop3A_621 = arith.addf %parallel_loop3A_597, %parallel_loop3A_620 : vector<16xf32>
      %parallel_loop3A_622 = arith.mulf %parallel_loop3A_613, %parallel_loop3A_613 : vector<16xf32>
      %parallel_loop3A_623 = arith.addf %parallel_loop3A_599, %parallel_loop3A_622 : vector<16xf32>
      %parallel_loop3A_624 = arith.mulf %parallel_loop3A_617, %parallel_loop3A_617 : vector<16xf32>
      %parallel_loop3A_625 = arith.addf %parallel_loop3A_601, %parallel_loop3A_624 : vector<16xf32>
      %parallel_loop3A_626 = arith.index_cast %parallel_loop3A_545 : i32 to index
      %parallel_loop3A_627 = arith.constant 192 : index
      %parallel_loop3A_628 = tpu.vector_load %arg10[%parallel_loop3A_626, %parallel_loop3A_627] {strides = array<i32>} : memref<64x256xf32, #tpu.memory_space<vmem>>, vector<16xf32>,
      %parallel_loop3A_629 = arith.subf %get3A_157, %parallel_loop3A_628 : vector<16xf32>
      %parallel_loop3A_630 = arith.index_cast %parallel_loop3A_545 : i32 to index
      %parallel_loop3A_631 = arith.constant 208 : index
      %parallel_loop3A_632 = tpu.vector_load %arg10[%parallel_loop3A_630, %parallel_loop3A_631] {strides = array<i32>} : memref<64x256xf32, #tpu.memory_space<vmem>>, vector<16xf32>,
      %parallel_loop3A_633 = arith.subf %get3A_159, %parallel_loop3A_632 : vector<16xf32>
      %parallel_loop3A_634 = arith.index_cast %parallel_loop3A_545 : i32 to index
      %parallel_loop3A_635 = arith.constant 224 : index
      %parallel_loop3A_636 = tpu.vector_load %arg10[%parallel_loop3A_634, %parallel_loop3A_635] {strides = array<i32>} : memref<64x256xf32, #tpu.memory_space<vmem>>, vector<16xf32>,
      %parallel_loop3A_637 = arith.subf %get3A_161, %parallel_loop3A_636 : vector<16xf32>
      %parallel_loop3A_638 = arith.index_cast %parallel_loop3A_545 : i32 to index
      %parallel_loop3A_639 = arith.constant 240 : index
      %parallel_loop3A_640 = tpu.vector_load %arg10[%parallel_loop3A_638, %parallel_loop3A_639] {strides = array<i32>} : memref<64x256xf32, #tpu.memory_space<vmem>>, vector<16xf32>,
      %parallel_loop3A_641 = arith.subf %get3A_163, %parallel_loop3A_640 : vector<16xf32>
      %parallel_loop3A_642 = arith.mulf %parallel_loop3A_629, %parallel_loop3A_629 : vector<16xf32>
      %parallel_loop3A_643 = arith.addf %parallel_loop3A_619, %parallel_loop3A_642 : vector<16xf32>
      %parallel_loop3A_644 = arith.mulf %parallel_loop3A_633, %parallel_loop3A_633 : vector<16xf32>
      %parallel_loop3A_645 = arith.addf %parallel_loop3A_621, %parallel_loop3A_644 : vector<16xf32>
      %parallel_loop3A_646 = arith.mulf %parallel_loop3A_637, %parallel_loop3A_637 : vector<16xf32>
      %parallel_loop3A_647 = arith.addf %parallel_loop3A_623, %parallel_loop3A_646 : vector<16xf32>
      %parallel_loop3A_648 = arith.mulf %parallel_loop3A_641, %parallel_loop3A_641 : vector<16xf32>
      %parallel_loop3A_649 = arith.addf %parallel_loop3A_625, %parallel_loop3A_648 : vector<16xf32>
      %parallel_loop3A_650 = arith.addf %parallel_loop3A_643, %parallel_loop3A_645 : vector<16xf32>
      %parallel_loop3A_651 = arith.addf %parallel_loop3A_647, %parallel_loop3A_649 : vector<16xf32>
      %parallel_loop3A_652 = arith.addf %parallel_loop3A_650, %parallel_loop3A_651 : vector<16xf32>
      %parallel_loop3A_653 = arith.constant 192 : i32
      %parallel_loop3A_654 = arith.addi %parallel_loop3A_653, %parallel_loop3A_545 : i32
      %parallel_loop3A_655 = arith.constant 16 : i32
      %parallel_loop3A_656 = arith.muli %parallel_loop3A_654, %parallel_loop3A_655 : i32
      %parallel_loop3A_657 = arith.index_cast %parallel_loop3A_656 : i32 to index
      %parallel_loop3A_658 = tpu.vector_load %arg11[%parallel_loop3A_657] {strides = array<i32>} : memref<8192xf32, #tpu.memory_space<vmem>>, vector<16xf32>,
      tpu.vector_store %arg11[%parallel_loop3A_657], %parallel_loop3A_652 {strides = array<i32>} : memref<8192xf32, #tpu.memory_space<vmem>>, vector<16xf32>,
    } {sc.loop_unroll_factor = 2 : i64, sc.parallel_access}
    %dma_wait3A_202 = arith.constant 0 : i32
    %dma_wait3A_203 = tpu.memref_slice %arg3[%mul3A_6, %dma_wait3A_202] : memref<8192x256xf32, #tpu.memory_space<hbm>> -> memref<256x256xf32, #tpu.memory_space<hbm>>
    %dma_wait3A_204 = arith.constant 0 : i32
    %dma_wait3A_205 = tpu.memref_slice %arg3[%mul3A_6, %dma_wait3A_204] : memref<8192x256xf32, #tpu.memory_space<hbm>> -> memref<256x256xf32, #tpu.memory_space<hbm>>
    tpu.wait_dma2 semaphore(%arg21 : memref<!tpu.dma_semaphore, #tpu.memory_space<semaphore_mem>>) src(%dma_wait3A_205 : memref<256x256xf32, #tpu.memory_space<hbm>>) dst(%arg8 : memref<256x256xf32, #tpu.memory_space<vmem>>)
    %parallel_loop3A_206 = arith.constant 0 : i32
    %parallel_loop3A_207 = arith.constant 256 : i32
    %parallel_loop3A_208 = arith.constant 1 : i32
    scf.for %parallel_loop3A_545 = %parallel_loop3A_206 to %parallel_loop3A_207 step %parallel_loop3A_208  : i32 {
      %parallel_loop3A_546 = arith.constant 0.000000e+00 : f32
      %parallel_loop3A_547 = vector.broadcast %parallel_loop3A_546 : f32 to vector<16xf32>
      %parallel_loop3A_548 = arith.constant 0.000000e+00 : f32
      %parallel_loop3A_549 = vector.broadcast %parallel_loop3A_548 : f32 to vector<16xf32>
      %parallel_loop3A_550 = arith.constant 0.000000e+00 : f32
      %parallel_loop3A_551 = vector.broadcast %parallel_loop3A_550 : f32 to vector<16xf32>
      %parallel_loop3A_552 = arith.constant 0.000000e+00 : f32
      %parallel_loop3A_553 = vector.broadcast %parallel_loop3A_552 : f32 to vector<16xf32>
      %parallel_loop3A_554 = arith.index_cast %parallel_loop3A_545 : i32 to index
      %parallel_loop3A_555 = arith.constant 0 : index
      %parallel_loop3A_556 = tpu.vector_load %arg8[%parallel_loop3A_554, %parallel_loop3A_555] {strides = array<i32>} : memref<256x256xf32, #tpu.memory_space<vmem>>, vector<16xf32>,
      %parallel_loop3A_557 = arith.subf %get3A_133, %parallel_loop3A_556 : vector<16xf32>
      %parallel_loop3A_558 = arith.index_cast %parallel_loop3A_545 : i32 to index
      %parallel_loop3A_559 = arith.constant 16 : index
      %parallel_loop3A_560 = tpu.vector_load %arg8[%parallel_loop3A_558, %parallel_loop3A_559] {strides = array<i32>} : memref<256x256xf32, #tpu.memory_space<vmem>>, vector<16xf32>,
      %parallel_loop3A_561 = arith.subf %get3A_135, %parallel_loop3A_560 : vector<16xf32>
      %parallel_loop3A_562 = arith.index_cast %parallel_loop3A_545 : i32 to index
      %parallel_loop3A_563 = arith.constant 32 : index
      %parallel_loop3A_564 = tpu.vector_load %arg8[%parallel_loop3A_562, %parallel_loop3A_563] {strides = array<i32>} : memref<256x256xf32, #tpu.memory_space<vmem>>, vector<16xf32>,
      %parallel_loop3A_565 = arith.subf %get3A_137, %parallel_loop3A_564 : vector<16xf32>
      %parallel_loop3A_566 = arith.index_cast %parallel_loop3A_545 : i32 to index
      %parallel_loop3A_567 = arith.constant 48 : index
      %parallel_loop3A_568 = tpu.vector_load %arg8[%parallel_loop3A_566, %parallel_loop3A_567] {strides = array<i32>} : memref<256x256xf32, #tpu.memory_space<vmem>>, vector<16xf32>,
      %parallel_loop3A_569 = arith.subf %get3A_139, %parallel_loop3A_568 : vector<16xf32>
      %parallel_loop3A_570 = arith.mulf %parallel_loop3A_557, %parallel_loop3A_557 : vector<16xf32>
      %parallel_loop3A_571 = arith.addf %parallel_loop3A_547, %parallel_loop3A_570 : vector<16xf32>
      %parallel_loop3A_572 = arith.mulf %parallel_loop3A_561, %parallel_loop3A_561 : vector<16xf32>
      %parallel_loop3A_573 = arith.addf %parallel_loop3A_549, %parallel_loop3A_572 : vector<16xf32>
      %parallel_loop3A_574 = arith.mulf %parallel_loop3A_565, %parallel_loop3A_565 : vector<16xf32>
      %parallel_loop3A_575 = arith.addf %parallel_loop3A_551, %parallel_loop3A_574 : vector<16xf32>
      %parallel_loop3A_576 = arith.mulf %parallel_loop3A_569, %parallel_loop3A_569 : vector<16xf32>
      %parallel_loop3A_577 = arith.addf %parallel_loop3A_553, %parallel_loop3A_576 : vector<16xf32>
      %parallel_loop3A_578 = arith.index_cast %parallel_loop3A_545 : i32 to index
      %parallel_loop3A_579 = arith.constant 64 : index
      %parallel_loop3A_580 = tpu.vector_load %arg8[%parallel_loop3A_578, %parallel_loop3A_579] {strides = array<i32>} : memref<256x256xf32, #tpu.memory_space<vmem>>, vector<16xf32>,
      %parallel_loop3A_581 = arith.subf %get3A_141, %parallel_loop3A_580 : vector<16xf32>
      %parallel_loop3A_582 = arith.index_cast %parallel_loop3A_545 : i32 to index
      %parallel_loop3A_583 = arith.constant 80 : index
      %parallel_loop3A_584 = tpu.vector_load %arg8[%parallel_loop3A_582, %parallel_loop3A_583] {strides = array<i32>} : memref<256x256xf32, #tpu.memory_space<vmem>>, vector<16xf32>,
      %parallel_loop3A_585 = arith.subf %get3A_143, %parallel_loop3A_584 : vector<16xf32>
      %parallel_loop3A_586 = arith.index_cast %parallel_loop3A_545 : i32 to index
      %parallel_loop3A_587 = arith.constant 96 : index
      %parallel_loop3A_588 = tpu.vector_load %arg8[%parallel_loop3A_586, %parallel_loop3A_587] {strides = array<i32>} : memref<256x256xf32, #tpu.memory_space<vmem>>, vector<16xf32>,
      %parallel_loop3A_589 = arith.subf %get3A_145, %parallel_loop3A_588 : vector<16xf32>
      %parallel_loop3A_590 = arith.index_cast %parallel_loop3A_545 : i32 to index
      %parallel_loop3A_591 = arith.constant 112 : index
      %parallel_loop3A_592 = tpu.vector_load %arg8[%parallel_loop3A_590, %parallel_loop3A_591] {strides = array<i32>} : memref<256x256xf32, #tpu.memory_space<vmem>>, vector<16xf32>,
      %parallel_loop3A_593 = arith.subf %get3A_147, %parallel_loop3A_592 : vector<16xf32>
      %parallel_loop3A_594 = arith.mulf %parallel_loop3A_581, %parallel_loop3A_581 : vector<16xf32>
      %parallel_loop3A_595 = arith.addf %parallel_loop3A_571, %parallel_loop3A_594 : vector<16xf32>
      %parallel_loop3A_596 = arith.mulf %parallel_loop3A_585, %parallel_loop3A_585 : vector<16xf32>
      %parallel_loop3A_597 = arith.addf %parallel_loop3A_573, %parallel_loop3A_596 : vector<16xf32>
      %parallel_loop3A_598 = arith.mulf %parallel_loop3A_589, %parallel_loop3A_589 : vector<16xf32>
      %parallel_loop3A_599 = arith.addf %parallel_loop3A_575, %parallel_loop3A_598 : vector<16xf32>
      %parallel_loop3A_600 = arith.mulf %parallel_loop3A_593, %parallel_loop3A_593 : vector<16xf32>
      %parallel_loop3A_601 = arith.addf %parallel_loop3A_577, %parallel_loop3A_600 : vector<16xf32>
      %parallel_loop3A_602 = arith.index_cast %parallel_loop3A_545 : i32 to index
      %parallel_loop3A_603 = arith.constant 128 : index
      %parallel_loop3A_604 = tpu.vector_load %arg8[%parallel_loop3A_602, %parallel_loop3A_603] {strides = array<i32>} : memref<256x256xf32, #tpu.memory_space<vmem>>, vector<16xf32>,
      %parallel_loop3A_605 = arith.subf %get3A_149, %parallel_loop3A_604 : vector<16xf32>
      %parallel_loop3A_606 = arith.index_cast %parallel_loop3A_545 : i32 to index
      %parallel_loop3A_607 = arith.constant 144 : index
      %parallel_loop3A_608 = tpu.vector_load %arg8[%parallel_loop3A_606, %parallel_loop3A_607] {strides = array<i32>} : memref<256x256xf32, #tpu.memory_space<vmem>>, vector<16xf32>,
      %parallel_loop3A_609 = arith.subf %get3A_151, %parallel_loop3A_608 : vector<16xf32>
      %parallel_loop3A_610 = arith.index_cast %parallel_loop3A_545 : i32 to index
      %parallel_loop3A_611 = arith.constant 160 : index
      %parallel_loop3A_612 = tpu.vector_load %arg8[%parallel_loop3A_610, %parallel_loop3A_611] {strides = array<i32>} : memref<256x256xf32, #tpu.memory_space<vmem>>, vector<16xf32>,
      %parallel_loop3A_613 = arith.subf %get3A_153, %parallel_loop3A_612 : vector<16xf32>
      %parallel_loop3A_614 = arith.index_cast %parallel_loop3A_545 : i32 to index
      %parallel_loop3A_615 = arith.constant 176 : index
      %parallel_loop3A_616 = tpu.vector_load %arg8[%parallel_loop3A_614, %parallel_loop3A_615] {strides = array<i32>} : memref<256x256xf32, #tpu.memory_space<vmem>>, vector<16xf32>,
      %parallel_loop3A_617 = arith.subf %get3A_155, %parallel_loop3A_616 : vector<16xf32>
      %parallel_loop3A_618 = arith.mulf %parallel_loop3A_605, %parallel_loop3A_605 : vector<16xf32>
      %parallel_loop3A_619 = arith.addf %parallel_loop3A_595, %parallel_loop3A_618 : vector<16xf32>
      %parallel_loop3A_620 = arith.mulf %parallel_loop3A_609, %parallel_loop3A_609 : vector<16xf32>
      %parallel_loop3A_621 = arith.addf %parallel_loop3A_597, %parallel_loop3A_620 : vector<16xf32>
      %parallel_loop3A_622 = arith.mulf %parallel_loop3A_613, %parallel_loop3A_613 : vector<16xf32>
      %parallel_loop3A_623 = arith.addf %parallel_loop3A_599, %parallel_loop3A_622 : vector<16xf32>
      %parallel_loop3A_624 = arith.mulf %parallel_loop3A_617, %parallel_loop3A_617 : vector<16xf32>
      %parallel_loop3A_625 = arith.addf %parallel_loop3A_601, %parallel_loop3A_624 : vector<16xf32>
      %parallel_loop3A_626 = arith.index_cast %parallel_loop3A_545 : i32 to index
      %parallel_loop3A_627 = arith.constant 192 : index
      %parallel_loop3A_628 = tpu.vector_load %arg8[%parallel_loop3A_626, %parallel_loop3A_627] {strides = array<i32>} : memref<256x256xf32, #tpu.memory_space<vmem>>, vector<16xf32>,
      %parallel_loop3A_629 = arith.subf %get3A_157, %parallel_loop3A_628 : vector<16xf32>
      %parallel_loop3A_630 = arith.index_cast %parallel_loop3A_545 : i32 to index
      %parallel_loop3A_631 = arith.constant 208 : index
      %parallel_loop3A_632 = tpu.vector_load %arg8[%parallel_loop3A_630, %parallel_loop3A_631] {strides = array<i32>} : memref<256x256xf32, #tpu.memory_space<vmem>>, vector<16xf32>,
      %parallel_loop3A_633 = arith.subf %get3A_159, %parallel_loop3A_632 : vector<16xf32>
      %parallel_loop3A_634 = arith.index_cast %parallel_loop3A_545 : i32 to index
      %parallel_loop3A_635 = arith.constant 224 : index
      %parallel_loop3A_636 = tpu.vector_load %arg8[%parallel_loop3A_634, %parallel_loop3A_635] {strides = array<i32>} : memref<256x256xf32, #tpu.memory_space<vmem>>, vector<16xf32>,
      %parallel_loop3A_637 = arith.subf %get3A_161, %parallel_loop3A_636 : vector<16xf32>
      %parallel_loop3A_638 = arith.index_cast %parallel_loop3A_545 : i32 to index
      %parallel_loop3A_639 = arith.constant 240 : index
      %parallel_loop3A_640 = tpu.vector_load %arg8[%parallel_loop3A_638, %parallel_loop3A_639] {strides = array<i32>} : memref<256x256xf32, #tpu.memory_space<vmem>>, vector<16xf32>,
      %parallel_loop3A_641 = arith.subf %get3A_163, %parallel_loop3A_640 : vector<16xf32>
      %parallel_loop3A_642 = arith.mulf %parallel_loop3A_629, %parallel_loop3A_629 : vector<16xf32>
      %parallel_loop3A_643 = arith.addf %parallel_loop3A_619, %parallel_loop3A_642 : vector<16xf32>
      %parallel_loop3A_644 = arith.mulf %parallel_loop3A_633, %parallel_loop3A_633 : vector<16xf32>
      %parallel_loop3A_645 = arith.addf %parallel_loop3A_621, %parallel_loop3A_644 : vector<16xf32>
      %parallel_loop3A_646 = arith.mulf %parallel_loop3A_637, %parallel_loop3A_637 : vector<16xf32>
      %parallel_loop3A_647 = arith.addf %parallel_loop3A_623, %parallel_loop3A_646 : vector<16xf32>
      %parallel_loop3A_648 = arith.mulf %parallel_loop3A_641, %parallel_loop3A_641 : vector<16xf32>
      %parallel_loop3A_649 = arith.addf %parallel_loop3A_625, %parallel_loop3A_648 : vector<16xf32>
      %parallel_loop3A_650 = arith.addf %parallel_loop3A_643, %parallel_loop3A_645 : vector<16xf32>
      %parallel_loop3A_651 = arith.addf %parallel_loop3A_647, %parallel_loop3A_649 : vector<16xf32>
      %parallel_loop3A_652 = arith.addf %parallel_loop3A_650, %parallel_loop3A_651 : vector<16xf32>
      %parallel_loop3A_653 = arith.constant 256 : i32
      %parallel_loop3A_654 = arith.addi %parallel_loop3A_653, %parallel_loop3A_545 : i32
      %parallel_loop3A_655 = arith.constant 16 : i32
      %parallel_loop3A_656 = arith.muli %parallel_loop3A_654, %parallel_loop3A_655 : i32
      %parallel_loop3A_657 = arith.index_cast %parallel_loop3A_656 : i32 to index
      %parallel_loop3A_658 = tpu.vector_load %arg11[%parallel_loop3A_657] {strides = array<i32>} : memref<8192xf32, #tpu.memory_space<vmem>>, vector<16xf32>,
      tpu.vector_store %arg11[%parallel_loop3A_657], %parallel_loop3A_652 {strides = array<i32>} : memref<8192xf32, #tpu.memory_space<vmem>>, vector<16xf32>,
    } {sc.loop_unroll_factor = 2 : i64, sc.parallel_access}
    %broadcast_in_dim3A = arith.constant 3.000000e+38 : f32
    %broadcast_in_dim3A_209 = vector.broadcast %broadcast_in_dim3A : f32 to vector<16xf32>
    %broadcast_in_dim3A_210 = arith.constant 0 : i32
    %broadcast_in_dim3A_211 = vector.broadcast %broadcast_in_dim3A_210 : i32 to vector<16xi32>
    %scan3A = arith.constant 0 : i32
    %scan3A_212 = arith.constant 32 : i32
    %scan3A_213 = arith.addi %scan3A, %scan3A_212 : i32
    %scan3A_214 = arith.constant 1 : i32
    %scan3A_215:2 = scf.for %scan3A_545 = %scan3A to %scan3A_213 step %scan3A_214 iter_args(%scan3A_546 = %broadcast_in_dim3A_209, %scan3A_547 = %broadcast_in_dim3A_211) -> (vector<16xf32>, vector<16xi32>)  : i32 {
      %mul3A_548 = arith.constant 16 : i32
      %mul3A_549 = arith.muli %scan3A_545, %mul3A_548 : i32
      %add3A_550 = vector.broadcast %mul3A_549 : i32 to vector<16xi32>
      %add3A_551 = arith.addi %add3A_550, %iota3A : vector<16xi32>
      %lt3A_552 = arith.constant 256 : i32
      %lt3A_553 = vector.broadcast %lt3A_552 : i32 to vector<16xi32>
      %lt3A_554 = arith.cmpi slt, %add3A_551, %lt3A_553 : vector<16xi32>
      %add3A_555 = vector.broadcast %mul3A_8 : i32 to vector<16xi32>
      %add3A_556 = arith.addi %add3A_555, %add3A_551 : vector<16xi32>
      %sub3A_557 = arith.constant 256 : i32
      %sub3A_558 = vector.broadcast %sub3A_557 : i32 to vector<16xi32>
      %sub3A_559 = arith.subi %add3A_551, %sub3A_558 : vector<16xi32>
      %add3A_560 = vector.broadcast %mul3A_6 : i32 to vector<16xi32>
      %add3A_561 = arith.addi %add3A_560, %sub3A_559 : vector<16xi32>
      %select_n3A_562 = arith.select %lt3A_554, %add3A_556, %add3A_561 : vector<16xi1>, vector<16xi32>
      %mul3A_563 = arith.constant 16 : i32
      %mul3A_564 = vector.broadcast %mul3A_563 : i32 to vector<16xi32>
      %mul3A_565 = arith.muli %add3A_551, %mul3A_564 : vector<16xi32>
      %add3A_566 = arith.constant 0 : i32
      %add3A_567 = vector.broadcast %add3A_566 : i32 to vector<16xi32>
      %add3A_568 = arith.addi %mul3A_565, %add3A_567 : vector<16xi32>
      %gather3A = tpu.vector_load_idx %arg11[%add3A_568] : memref<8192xf32, #tpu.memory_space<vmem>>[vector<16xi32>], vector<16xf32>,
      %add3A_569 = arith.constant 1 : i32
      %add3A_570 = vector.broadcast %add3A_569 : i32 to vector<16xi32>
      %add3A_571 = arith.addi %mul3A_565, %add3A_570 : vector<16xi32>
      %gather3A_572 = tpu.vector_load_idx %arg11[%add3A_571] : memref<8192xf32, #tpu.memory_space<vmem>>[vector<16xi32>], vector<16xf32>,
      %add3A_573 = arith.constant 2 : i32
      %add3A_574 = vector.broadcast %add3A_573 : i32 to vector<16xi32>
      %add3A_575 = arith.addi %mul3A_565, %add3A_574 : vector<16xi32>
      %gather3A_576 = tpu.vector_load_idx %arg11[%add3A_575] : memref<8192xf32, #tpu.memory_space<vmem>>[vector<16xi32>], vector<16xf32>,
      %add3A_577 = arith.constant 3 : i32
      %add3A_578 = vector.broadcast %add3A_577 : i32 to vector<16xi32>
      %add3A_579 = arith.addi %mul3A_565, %add3A_578 : vector<16xi32>
      %gather3A_580 = tpu.vector_load_idx %arg11[%add3A_579] : memref<8192xf32, #tpu.memory_space<vmem>>[vector<16xi32>], vector<16xf32>,
      %add3A_581 = arith.constant 4 : i32
      %add3A_582 = vector.broadcast %add3A_581 : i32 to vector<16xi32>
      %add3A_583 = arith.addi %mul3A_565, %add3A_582 : vector<16xi32>
      %gather3A_584 = tpu.vector_load_idx %arg11[%add3A_583] : memref<8192xf32, #tpu.memory_space<vmem>>[vector<16xi32>], vector<16xf32>,
      %add3A_585 = arith.constant 5 : i32
      %add3A_586 = vector.broadcast %add3A_585 : i32 to vector<16xi32>
      %add3A_587 = arith.addi %mul3A_565, %add3A_586 : vector<16xi32>
      %gather3A_588 = tpu.vector_load_idx %arg11[%add3A_587] : memref<8192xf32, #tpu.memory_space<vmem>>[vector<16xi32>], vector<16xf32>,
      %add3A_589 = arith.constant 6 : i32
      %add3A_590 = vector.broadcast %add3A_589 : i32 to vector<16xi32>
      %add3A_591 = arith.addi %mul3A_565, %add3A_590 : vector<16xi32>
      %gather3A_592 = tpu.vector_load_idx %arg11[%add3A_591] : memref<8192xf32, #tpu.memory_space<vmem>>[vector<16xi32>], vector<16xf32>,
      %add3A_593 = arith.constant 7 : i32
      %add3A_594 = vector.broadcast %add3A_593 : i32 to vector<16xi32>
      %add3A_595 = arith.addi %mul3A_565, %add3A_594 : vector<16xi32>
      %gather3A_596 = tpu.vector_load_idx %arg11[%add3A_595] : memref<8192xf32, #tpu.memory_space<vmem>>[vector<16xi32>], vector<16xf32>,
      %add3A_597 = arith.constant 8 : i32
      %add3A_598 = vector.broadcast %add3A_597 : i32 to vector<16xi32>
      %add3A_599 = arith.addi %mul3A_565, %add3A_598 : vector<16xi32>
      %gather3A_600 = tpu.vector_load_idx %arg11[%add3A_599] : memref<8192xf32, #tpu.memory_space<vmem>>[vector<16xi32>], vector<16xf32>,
      %add3A_601 = arith.constant 9 : i32
      %add3A_602 = vector.broadcast %add3A_601 : i32 to vector<16xi32>
      %add3A_603 = arith.addi %mul3A_565, %add3A_602 : vector<16xi32>
      %gather3A_604 = tpu.vector_load_idx %arg11[%add3A_603] : memref<8192xf32, #tpu.memory_space<vmem>>[vector<16xi32>], vector<16xf32>,
      %add3A_605 = arith.constant 10 : i32
      %add3A_606 = vector.broadcast %add3A_605 : i32 to vector<16xi32>
      %add3A_607 = arith.addi %mul3A_565, %add3A_606 : vector<16xi32>
      %gather3A_608 = tpu.vector_load_idx %arg11[%add3A_607] : memref<8192xf32, #tpu.memory_space<vmem>>[vector<16xi32>], vector<16xf32>,
      %add3A_609 = arith.constant 11 : i32
      %add3A_610 = vector.broadcast %add3A_609 : i32 to vector<16xi32>
      %add3A_611 = arith.addi %mul3A_565, %add3A_610 : vector<16xi32>
      %gather3A_612 = tpu.vector_load_idx %arg11[%add3A_611] : memref<8192xf32, #tpu.memory_space<vmem>>[vector<16xi32>], vector<16xf32>,
      %add3A_613 = arith.constant 12 : i32
      %add3A_614 = vector.broadcast %add3A_613 : i32 to vector<16xi32>
      %add3A_615 = arith.addi %mul3A_565, %add3A_614 : vector<16xi32>
      %gather3A_616 = tpu.vector_load_idx %arg11[%add3A_615] : memref<8192xf32, #tpu.memory_space<vmem>>[vector<16xi32>], vector<16xf32>,
      %add3A_617 = arith.constant 13 : i32
      %add3A_618 = vector.broadcast %add3A_617 : i32 to vector<16xi32>
      %add3A_619 = arith.addi %mul3A_565, %add3A_618 : vector<16xi32>
      %gather3A_620 = tpu.vector_load_idx %arg11[%add3A_619] : memref<8192xf32, #tpu.memory_space<vmem>>[vector<16xi32>], vector<16xf32>,
      %add3A_621 = arith.constant 14 : i32
      %add3A_622 = vector.broadcast %add3A_621 : i32 to vector<16xi32>
      %add3A_623 = arith.addi %mul3A_565, %add3A_622 : vector<16xi32>
      %gather3A_624 = tpu.vector_load_idx %arg11[%add3A_623] : memref<8192xf32, #tpu.memory_space<vmem>>[vector<16xi32>], vector<16xf32>,
      %add3A_625 = arith.constant 15 : i32
      %add3A_626 = vector.broadcast %add3A_625 : i32 to vector<16xi32>
      %add3A_627 = arith.addi %mul3A_565, %add3A_626 : vector<16xi32>
      %gather3A_628 = tpu.vector_load_idx %arg11[%add3A_627] : memref<8192xf32, #tpu.memory_space<vmem>>[vector<16xi32>], vector<16xf32>,
      %add3A_629 = arith.addf %gather3A, %gather3A_572 : vector<16xf32>
      %add3A_630 = arith.addf %gather3A_576, %gather3A_580 : vector<16xf32>
      %add3A_631 = arith.addf %gather3A_584, %gather3A_588 : vector<16xf32>
      %add3A_632 = arith.addf %gather3A_592, %gather3A_596 : vector<16xf32>
      %add3A_633 = arith.addf %gather3A_600, %gather3A_604 : vector<16xf32>
      %add3A_634 = arith.addf %gather3A_608, %gather3A_612 : vector<16xf32>
      %add3A_635 = arith.addf %gather3A_616, %gather3A_620 : vector<16xf32>
      %add3A_636 = arith.addf %gather3A_624, %gather3A_628 : vector<16xf32>
      %add3A_637 = arith.addf %add3A_629, %add3A_630 : vector<16xf32>
      %add3A_638 = arith.addf %add3A_631, %add3A_632 : vector<16xf32>
      %add3A_639 = arith.addf %add3A_633, %add3A_634 : vector<16xf32>
      %add3A_640 = arith.addf %add3A_635, %add3A_636 : vector<16xf32>
      %add3A_641 = arith.addf %add3A_637, %add3A_638 : vector<16xf32>
      %add3A_642 = arith.addf %add3A_639, %add3A_640 : vector<16xf32>
      %add3A_643 = arith.addf %add3A_641, %add3A_642 : vector<16xf32>
      %lt3A_644 = arith.cmpf olt, %add3A_643, %scan3A_546 : vector<16xf32>
      %eq3A_645 = arith.cmpf oeq, %add3A_643, %scan3A_546 : vector<16xf32>
      %lt3A_646 = arith.cmpi slt, %select_n3A_562, %scan3A_547 : vector<16xi32>
      %and3A_647 = arith.andi %eq3A_645, %lt3A_646 : vector<16xi1>
      %or3A_648 = arith.ori %lt3A_644, %and3A_647 : vector<16xi1>
      %select_n3A_649 = arith.select %or3A_648, %add3A_643, %scan3A_546 : vector<16xi1>, vector<16xf32>
      %select_n3A_650 = arith.select %or3A_648, %select_n3A_562, %scan3A_547 : vector<16xi1>, vector<16xi32>
      scf.yield %select_n3A_649, %select_n3A_650 : vector<16xf32>, vector<16xi32>
    }
    %scan3A_216 = arith.constant 32 : i32
    %reduce_min3A = arith.constant true
    %reduce_min3A_217 = vector.broadcast %reduce_min3A : i1 to vector<16xi1>
    %reduce_min3A_218 = tpu.scan <min>, %scan3A_215#0 masked %reduce_min3A_217 : vector<16xf32>, vector<16xi1> -> vector<16xf32>
    %reduce_min3A_219 = vector.extract %reduce_min3A_218[15] : f32 from vector<16xf32>
    %eq3A = vector.broadcast %reduce_min3A_219 : f32 to vector<16xf32>
    %eq3A_220 = arith.cmpf oeq, %scan3A_215#0, %eq3A : vector<16xf32>
    %jit3A = arith.constant 2147483647 : i32
    %broadcast_in_dim3A_221 = vector.broadcast %jit3A : i32 to vector<16xi32>
    %select_n3A = arith.select %eq3A_220, %scan3A_215#1, %broadcast_in_dim3A_221 : vector<16xi1>, vector<16xi32>
    %reduce_min3A_222 = arith.constant true
    %reduce_min3A_223 = vector.broadcast %reduce_min3A_222 : i1 to vector<16xi1>
    %reduce_min3A_224 = arith.constant -2147483648 : i32
    %reduce_min3A_225 = vector.broadcast %reduce_min3A_224 : i32 to vector<16xi32>
    %reduce_min3A_226 = arith.xori %select_n3A, %reduce_min3A_225 : vector<16xi32>
    %reduce_min3A_227 = tpu.scan <min>, %reduce_min3A_226 masked %reduce_min3A_223 : vector<16xi32>, vector<16xi1> -> vector<16xi32>
    %reduce_min3A_228 = arith.xori %reduce_min3A_227, %reduce_min3A_225 : vector<16xi32>
    %reduce_min3A_229 = vector.extract %reduce_min3A_228[15] : i32 from vector<16xi32>
    %broadcast_in_dim3A_230 = vector.broadcast %reduce_min3A_219 : f32 to vector<16xf32>
    %swap3A_231 = arith.constant 0 : index
    %swap3A_232 = tpu.vector_load %arg14[%swap3A_231] {strides = array<i32>} : memref<16xf32, #tpu.memory_space<vmem>>, vector<16xf32>,
    tpu.vector_store %arg14[%swap3A_231], %broadcast_in_dim3A_230 {strides = array<i32>} : memref<16xf32, #tpu.memory_space<vmem>>, vector<16xf32>,
    %broadcast_in_dim3A_233 = vector.broadcast %reduce_min3A_229 : i32 to vector<16xi32>
    %swap3A_234 = arith.constant 0 : index
    %swap3A_235 = tpu.vector_load %arg15[%swap3A_234] {strides = array<i32>} : memref<16xi32, #tpu.memory_space<vmem>>, vector<16xi32>,
    tpu.vector_store %arg15[%swap3A_234], %broadcast_in_dim3A_233 {strides = array<i32>} : memref<16xi32, #tpu.memory_space<vmem>>, vector<16xi32>,
    %mul3A_236 = arith.constant 16 : i32
    %mul3A_237 = arith.muli %arg1, %mul3A_236 : i32
    "tpu.region"() ({
      %run_scoped3A = tpu.sem_alloc : memref<!tpu.dma_semaphore, #tpu.memory_space<semaphore_mem>>
      %dma_start3A_545 = tpu.memref_slice %arg6[%arg0, %mul3A_237] : memref<2x256xf32, #tpu.memory_space<hbm>> -> memref<1x16xf32, #tpu.memory_space<hbm>>
      %dma_start3A_546 = tpu.memref_squeeze %dma_start3A_545 : memref<1x16xf32, #tpu.memory_space<hbm>> -> memref<16xf32, #tpu.memory_space<hbm>>
      %dma_start3A_547 = tpu.memref_slice %arg6[%arg0, %mul3A_237] : memref<2x256xf32, #tpu.memory_space<hbm>> -> memref<1x16xf32, #tpu.memory_space<hbm>>
      %dma_start3A_548 = tpu.memref_squeeze %dma_start3A_547 : memref<1x16xf32, #tpu.memory_space<hbm>> -> memref<16xf32, #tpu.memory_space<hbm>>
      tpu.enqueue_dma source(%arg14 : memref<16xf32, #tpu.memory_space<vmem>>) target(%dma_start3A_548 : memref<16xf32, #tpu.memory_space<hbm>>) target_semaphore(%run_scoped3A : memref<!tpu.dma_semaphore, #tpu.memory_space<semaphore_mem>>)
      %dma_wait3A_549 = tpu.memref_slice %arg6[%arg0, %mul3A_237] : memref<2x256xf32, #tpu.memory_space<hbm>> -> memref<1x16xf32, #tpu.memory_space<hbm>>
      %dma_wait3A_550 = tpu.memref_squeeze %dma_wait3A_549 : memref<1x16xf32, #tpu.memory_space<hbm>> -> memref<16xf32, #tpu.memory_space<hbm>>
      %dma_wait3A_551 = tpu.memref_slice %arg6[%arg0, %mul3A_237] : memref<2x256xf32, #tpu.memory_space<hbm>> -> memref<1x16xf32, #tpu.memory_space<hbm>>
      %dma_wait3A_552 = tpu.memref_squeeze %dma_wait3A_551 : memref<1x16xf32, #tpu.memory_space<hbm>> -> memref<16xf32, #tpu.memory_space<hbm>>
      tpu.wait_dma2 semaphore(%run_scoped3A : memref<!tpu.dma_semaphore, #tpu.memory_space<semaphore_mem>>) src(%arg14 : memref<16xf32, #tpu.memory_space<vmem>>) dst(%dma_wait3A_552 : memref<16xf32, #tpu.memory_space<hbm>>)
      tpu.yield
    }) : () -> ()
    %mul3A_238 = arith.constant 16 : i32
    %mul3A_239 = arith.muli %arg1, %mul3A_238 : i32
    "tpu.region"() ({
      %run_scoped3A = tpu.sem_alloc : memref<!tpu.dma_semaphore, #tpu.memory_space<semaphore_mem>>
      %dma_start3A_545 = tpu.memref_slice %arg7[%arg0, %mul3A_239] : memref<2x256xi32, #tpu.memory_space<hbm>> -> memref<1x16xi32, #tpu.memory_space<hbm>>
      %dma_start3A_546 = tpu.memref_squeeze %dma_start3A_545 : memref<1x16xi32, #tpu.memory_space<hbm>> -> memref<16xi32, #tpu.memory_space<hbm>>
      %dma_start3A_547 = tpu.memref_slice %arg7[%arg0, %mul3A_239] : memref<2x256xi32, #tpu.memory_space<hbm>> -> memref<1x16xi32, #tpu.memory_space<hbm>>
      %dma_start3A_548 = tpu.memref_squeeze %dma_start3A_547 : memref<1x16xi32, #tpu.memory_space<hbm>> -> memref<16xi32, #tpu.memory_space<hbm>>
      tpu.enqueue_dma source(%arg15 : memref<16xi32, #tpu.memory_space<vmem>>) target(%dma_start3A_548 : memref<16xi32, #tpu.memory_space<hbm>>) target_semaphore(%run_scoped3A : memref<!tpu.dma_semaphore, #tpu.memory_space<semaphore_mem>>)
      %dma_wait3A_549 = tpu.memref_slice %arg7[%arg0, %mul3A_239] : memref<2x256xi32, #tpu.memory_space<hbm>> -> memref<1x16xi32, #tpu.memory_space<hbm>>
      %dma_wait3A_550 = tpu.memref_squeeze %dma_wait3A_549 : memref<1x16xi32, #tpu.memory_space<hbm>> -> memref<16xi32, #tpu.memory_space<hbm>>
      %dma_wait3A_551 = tpu.memref_slice %arg7[%arg0, %mul3A_239] : memref<2x256xi32, #tpu.memory_space<hbm>> -> memref<1x16xi32, #tpu.memory_space<hbm>>
      %dma_wait3A_552 = tpu.memref_squeeze %dma_wait3A_551 : memref<1x16xi32, #tpu.memory_space<hbm>> -> memref<16xi32, #tpu.memory_space<hbm>>
      tpu.wait_dma2 semaphore(%run_scoped3A : memref<!tpu.dma_semaphore, #tpu.memory_space<semaphore_mem>>) src(%arg15 : memref<16xi32, #tpu.memory_space<vmem>>) dst(%dma_wait3A_552 : memref<16xi32, #tpu.memory_space<hbm>>)
      tpu.yield
    }) : () -> ()
    %barrier3A = arith.constant 0 : index
    tpu.barrier barrier_id(%barrier3A)
    "tpu.region"() ({
      %run_scoped3A = tpu.sem_alloc : memref<!tpu.dma_semaphore, #tpu.memory_space<semaphore_mem>>
      %dma_start3A_545 = arith.constant 0 : i32
      %dma_start3A_546 = tpu.memref_slice %arg6[%arg0, %dma_start3A_545] : memref<2x256xf32, #tpu.memory_space<hbm>> -> memref<1x256xf32, #tpu.memory_space<hbm>>
      %dma_start3A_547 = tpu.memref_squeeze %dma_start3A_546 : memref<1x256xf32, #tpu.memory_space<hbm>> -> memref<256xf32, #tpu.memory_space<hbm>>
      %dma_start3A_548 = arith.constant 0 : i32
      %dma_start3A_549 = tpu.memref_slice %arg6[%arg0, %dma_start3A_548] : memref<2x256xf32, #tpu.memory_space<hbm>> -> memref<1x256xf32, #tpu.memory_space<hbm>>
      %dma_start3A_550 = tpu.memref_squeeze %dma_start3A_549 : memref<1x256xf32, #tpu.memory_space<hbm>> -> memref<256xf32, #tpu.memory_space<hbm>>
      tpu.enqueue_dma source(%dma_start3A_550 : memref<256xf32, #tpu.memory_space<hbm>>) target(%arg17 : memref<256xf32, #tpu.memory_space<vmem>>) target_semaphore(%run_scoped3A : memref<!tpu.dma_semaphore, #tpu.memory_space<semaphore_mem>>)
      %dma_wait3A_551 = arith.constant 0 : i32
      %dma_wait3A_552 = tpu.memref_slice %arg6[%arg0, %dma_wait3A_551] : memref<2x256xf32, #tpu.memory_space<hbm>> -> memref<1x256xf32, #tpu.memory_space<hbm>>
      %dma_wait3A_553 = tpu.memref_squeeze %dma_wait3A_552 : memref<1x256xf32, #tpu.memory_space<hbm>> -> memref<256xf32, #tpu.memory_space<hbm>>
      %dma_wait3A_554 = arith.constant 0 : i32
      %dma_wait3A_555 = tpu.memref_slice %arg6[%arg0, %dma_wait3A_554] : memref<2x256xf32, #tpu.memory_space<hbm>> -> memref<1x256xf32, #tpu.memory_space<hbm>>
      %dma_wait3A_556 = tpu.memref_squeeze %dma_wait3A_555 : memref<1x256xf32, #tpu.memory_space<hbm>> -> memref<256xf32, #tpu.memory_space<hbm>>
      tpu.wait_dma2 semaphore(%run_scoped3A : memref<!tpu.dma_semaphore, #tpu.memory_space<semaphore_mem>>) src(%dma_wait3A_556 : memref<256xf32, #tpu.memory_space<hbm>>) dst(%arg17 : memref<256xf32, #tpu.memory_space<vmem>>)
      tpu.yield
    }) : () -> ()
    "tpu.region"() ({
      %run_scoped3A = tpu.sem_alloc : memref<!tpu.dma_semaphore, #tpu.memory_space<semaphore_mem>>
      %dma_start3A_545 = arith.constant 0 : i32
      %dma_start3A_546 = tpu.memref_slice %arg7[%arg0, %dma_start3A_545] : memref<2x256xi32, #tpu.memory_space<hbm>> -> memref<1x256xi32, #tpu.memory_space<hbm>>
      %dma_start3A_547 = tpu.memref_squeeze %dma_start3A_546 : memref<1x256xi32, #tpu.memory_space<hbm>> -> memref<256xi32, #tpu.memory_space<hbm>>
      %dma_start3A_548 = arith.constant 0 : i32
      %dma_start3A_549 = tpu.memref_slice %arg7[%arg0, %dma_start3A_548] : memref<2x256xi32, #tpu.memory_space<hbm>> -> memref<1x256xi32, #tpu.memory_space<hbm>>
      %dma_start3A_550 = tpu.memref_squeeze %dma_start3A_549 : memref<1x256xi32, #tpu.memory_space<hbm>> -> memref<256xi32, #tpu.memory_space<hbm>>
      tpu.enqueue_dma source(%dma_start3A_550 : memref<256xi32, #tpu.memory_space<hbm>>) target(%arg18 : memref<256xi32, #tpu.memory_space<vmem>>) target_semaphore(%run_scoped3A : memref<!tpu.dma_semaphore, #tpu.memory_space<semaphore_mem>>)
      %dma_wait3A_551 = arith.constant 0 : i32
      %dma_wait3A_552 = tpu.memref_slice %arg7[%arg0, %dma_wait3A_551] : memref<2x256xi32, #tpu.memory_space<hbm>> -> memref<1x256xi32, #tpu.memory_space<hbm>>
      %dma_wait3A_553 = tpu.memref_squeeze %dma_wait3A_552 : memref<1x256xi32, #tpu.memory_space<hbm>> -> memref<256xi32, #tpu.memory_space<hbm>>
      %dma_wait3A_554 = arith.constant 0 : i32
      %dma_wait3A_555 = tpu.memref_slice %arg7[%arg0, %dma_wait3A_554] : memref<2x256xi32, #tpu.memory_space<hbm>> -> memref<1x256xi32, #tpu.memory_space<hbm>>
      %dma_wait3A_556 = tpu.memref_squeeze %dma_wait3A_555 : memref<1x256xi32, #tpu.memory_space<hbm>> -> memref<256xi32, #tpu.memory_space<hbm>>
      tpu.wait_dma2 semaphore(%run_scoped3A : memref<!tpu.dma_semaphore, #tpu.memory_space<semaphore_mem>>) src(%dma_wait3A_556 : memref<256xi32, #tpu.memory_space<hbm>>) dst(%arg18 : memref<256xi32, #tpu.memory_space<vmem>>)
      tpu.yield
    }) : () -> ()
    %get3A_240 = arith.constant 0 : index
    %get3A_241 = tpu.vector_load %arg17[%get3A_240] {strides = array<i32>} : memref<256xf32, #tpu.memory_space<vmem>>, vector<16xf32>,
    %get3A_242 = arith.constant 0 : index
    %get3A_243 = tpu.vector_load %arg18[%get3A_242] {strides = array<i32>} : memref<256xi32, #tpu.memory_space<vmem>>, vector<16xi32>,
    %get3A_244 = arith.constant 16 : index
    %get3A_245 = tpu.vector_load %arg17[%get3A_244] {strides = array<i32>} : memref<256xf32, #tpu.memory_space<vmem>>, vector<16xf32>,
    %get3A_246 = arith.constant 16 : index
    %get3A_247 = tpu.vector_load %arg18[%get3A_246] {strides = array<i32>} : memref<256xi32, #tpu.memory_space<vmem>>, vector<16xi32>,
    %lt3A = arith.cmpf olt, %get3A_245, %get3A_241 : vector<16xf32>
    %eq3A_248 = arith.cmpf oeq, %get3A_245, %get3A_241 : vector<16xf32>
    %lt3A_249 = arith.cmpi slt, %get3A_247, %get3A_243 : vector<16xi32>
    %and3A = arith.andi %eq3A_248, %lt3A_249 : vector<16xi1>
    %or3A = arith.ori %lt3A, %and3A : vector<16xi1>
    %select_n3A_250 = arith.select %or3A, %get3A_245, %get3A_241 : vector<16xi1>, vector<16xf32>
    %select_n3A_251 = arith.select %or3A, %get3A_247, %get3A_243 : vector<16xi1>, vector<16xi32>
    %get3A_252 = arith.constant 32 : index
    %get3A_253 = tpu.vector_load %arg17[%get3A_252] {strides = array<i32>} : memref<256xf32, #tpu.memory_space<vmem>>, vector<16xf32>,
    %get3A_254 = arith.constant 32 : index
    %get3A_255 = tpu.vector_load %arg18[%get3A_254] {strides = array<i32>} : memref<256xi32, #tpu.memory_space<vmem>>, vector<16xi32>,
    %lt3A_256 = arith.cmpf olt, %get3A_253, %select_n3A_250 : vector<16xf32>
    %eq3A_257 = arith.cmpf oeq, %get3A_253, %select_n3A_250 : vector<16xf32>
    %lt3A_258 = arith.cmpi slt, %get3A_255, %select_n3A_251 : vector<16xi32>
    %and3A_259 = arith.andi %eq3A_257, %lt3A_258 : vector<16xi1>
    %or3A_260 = arith.ori %lt3A_256, %and3A_259 : vector<16xi1>
    %select_n3A_261 = arith.select %or3A_260, %get3A_253, %select_n3A_250 : vector<16xi1>, vector<16xf32>
    %select_n3A_262 = arith.select %or3A_260, %get3A_255, %select_n3A_251 : vector<16xi1>, vector<16xi32>
    %get3A_263 = arith.constant 48 : index
    %get3A_264 = tpu.vector_load %arg17[%get3A_263] {strides = array<i32>} : memref<256xf32, #tpu.memory_space<vmem>>, vector<16xf32>,
    %get3A_265 = arith.constant 48 : index
    %get3A_266 = tpu.vector_load %arg18[%get3A_265] {strides = array<i32>} : memref<256xi32, #tpu.memory_space<vmem>>, vector<16xi32>,
    %lt3A_267 = arith.cmpf olt, %get3A_264, %select_n3A_261 : vector<16xf32>
    %eq3A_268 = arith.cmpf oeq, %get3A_264, %select_n3A_261 : vector<16xf32>
    %lt3A_269 = arith.cmpi slt, %get3A_266, %select_n3A_262 : vector<16xi32>
    %and3A_270 = arith.andi %eq3A_268, %lt3A_269 : vector<16xi1>
    %or3A_271 = arith.ori %lt3A_267, %and3A_270 : vector<16xi1>
    %select_n3A_272 = arith.select %or3A_271, %get3A_264, %select_n3A_261 : vector<16xi1>, vector<16xf32>
    %select_n3A_273 = arith.select %or3A_271, %get3A_266, %select_n3A_262 : vector<16xi1>, vector<16xi32>
    %get3A_274 = arith.constant 64 : index
    %get3A_275 = tpu.vector_load %arg17[%get3A_274] {strides = array<i32>} : memref<256xf32, #tpu.memory_space<vmem>>, vector<16xf32>,
    %get3A_276 = arith.constant 64 : index
    %get3A_277 = tpu.vector_load %arg18[%get3A_276] {strides = array<i32>} : memref<256xi32, #tpu.memory_space<vmem>>, vector<16xi32>,
    %lt3A_278 = arith.cmpf olt, %get3A_275, %select_n3A_272 : vector<16xf32>
    %eq3A_279 = arith.cmpf oeq, %get3A_275, %select_n3A_272 : vector<16xf32>
    %lt3A_280 = arith.cmpi slt, %get3A_277, %select_n3A_273 : vector<16xi32>
    %and3A_281 = arith.andi %eq3A_279, %lt3A_280 : vector<16xi1>
    %or3A_282 = arith.ori %lt3A_278, %and3A_281 : vector<16xi1>
    %select_n3A_283 = arith.select %or3A_282, %get3A_275, %select_n3A_272 : vector<16xi1>, vector<16xf32>
    %select_n3A_284 = arith.select %or3A_282, %get3A_277, %select_n3A_273 : vector<16xi1>, vector<16xi32>
    %get3A_285 = arith.constant 80 : index
    %get3A_286 = tpu.vector_load %arg17[%get3A_285] {strides = array<i32>} : memref<256xf32, #tpu.memory_space<vmem>>, vector<16xf32>,
    %get3A_287 = arith.constant 80 : index
    %get3A_288 = tpu.vector_load %arg18[%get3A_287] {strides = array<i32>} : memref<256xi32, #tpu.memory_space<vmem>>, vector<16xi32>,
    %lt3A_289 = arith.cmpf olt, %get3A_286, %select_n3A_283 : vector<16xf32>
    %eq3A_290 = arith.cmpf oeq, %get3A_286, %select_n3A_283 : vector<16xf32>
    %lt3A_291 = arith.cmpi slt, %get3A_288, %select_n3A_284 : vector<16xi32>
    %and3A_292 = arith.andi %eq3A_290, %lt3A_291 : vector<16xi1>
    %or3A_293 = arith.ori %lt3A_289, %and3A_292 : vector<16xi1>
    %select_n3A_294 = arith.select %or3A_293, %get3A_286, %select_n3A_283 : vector<16xi1>, vector<16xf32>
    %select_n3A_295 = arith.select %or3A_293, %get3A_288, %select_n3A_284 : vector<16xi1>, vector<16xi32>
    %get3A_296 = arith.constant 96 : index
    %get3A_297 = tpu.vector_load %arg17[%get3A_296] {strides = array<i32>} : memref<256xf32, #tpu.memory_space<vmem>>, vector<16xf32>,
    %get3A_298 = arith.constant 96 : index
    %get3A_299 = tpu.vector_load %arg18[%get3A_298] {strides = array<i32>} : memref<256xi32, #tpu.memory_space<vmem>>, vector<16xi32>,
    %lt3A_300 = arith.cmpf olt, %get3A_297, %select_n3A_294 : vector<16xf32>
    %eq3A_301 = arith.cmpf oeq, %get3A_297, %select_n3A_294 : vector<16xf32>
    %lt3A_302 = arith.cmpi slt, %get3A_299, %select_n3A_295 : vector<16xi32>
    %and3A_303 = arith.andi %eq3A_301, %lt3A_302 : vector<16xi1>
    %or3A_304 = arith.ori %lt3A_300, %and3A_303 : vector<16xi1>
    %select_n3A_305 = arith.select %or3A_304, %get3A_297, %select_n3A_294 : vector<16xi1>, vector<16xf32>
    %select_n3A_306 = arith.select %or3A_304, %get3A_299, %select_n3A_295 : vector<16xi1>, vector<16xi32>
    %get3A_307 = arith.constant 112 : index
    %get3A_308 = tpu.vector_load %arg17[%get3A_307] {strides = array<i32>} : memref<256xf32, #tpu.memory_space<vmem>>, vector<16xf32>,
    %get3A_309 = arith.constant 112 : index
    %get3A_310 = tpu.vector_load %arg18[%get3A_309] {strides = array<i32>} : memref<256xi32, #tpu.memory_space<vmem>>, vector<16xi32>,
    %lt3A_311 = arith.cmpf olt, %get3A_308, %select_n3A_305 : vector<16xf32>
    %eq3A_312 = arith.cmpf oeq, %get3A_308, %select_n3A_305 : vector<16xf32>
    %lt3A_313 = arith.cmpi slt, %get3A_310, %select_n3A_306 : vector<16xi32>
    %and3A_314 = arith.andi %eq3A_312, %lt3A_313 : vector<16xi1>
    %or3A_315 = arith.ori %lt3A_311, %and3A_314 : vector<16xi1>
    %select_n3A_316 = arith.select %or3A_315, %get3A_308, %select_n3A_305 : vector<16xi1>, vector<16xf32>
    %select_n3A_317 = arith.select %or3A_315, %get3A_310, %select_n3A_306 : vector<16xi1>, vector<16xi32>
    %get3A_318 = arith.constant 128 : index
    %get3A_319 = tpu.vector_load %arg17[%get3A_318] {strides = array<i32>} : memref<256xf32, #tpu.memory_space<vmem>>, vector<16xf32>,
    %get3A_320 = arith.constant 128 : index
    %get3A_321 = tpu.vector_load %arg18[%get3A_320] {strides = array<i32>} : memref<256xi32, #tpu.memory_space<vmem>>, vector<16xi32>,
    %lt3A_322 = arith.cmpf olt, %get3A_319, %select_n3A_316 : vector<16xf32>
    %eq3A_323 = arith.cmpf oeq, %get3A_319, %select_n3A_316 : vector<16xf32>
    %lt3A_324 = arith.cmpi slt, %get3A_321, %select_n3A_317 : vector<16xi32>
    %and3A_325 = arith.andi %eq3A_323, %lt3A_324 : vector<16xi1>
    %or3A_326 = arith.ori %lt3A_322, %and3A_325 : vector<16xi1>
    %select_n3A_327 = arith.select %or3A_326, %get3A_319, %select_n3A_316 : vector<16xi1>, vector<16xf32>
    %select_n3A_328 = arith.select %or3A_326, %get3A_321, %select_n3A_317 : vector<16xi1>, vector<16xi32>
    %get3A_329 = arith.constant 144 : index
    %get3A_330 = tpu.vector_load %arg17[%get3A_329] {strides = array<i32>} : memref<256xf32, #tpu.memory_space<vmem>>, vector<16xf32>,
    %get3A_331 = arith.constant 144 : index
    %get3A_332 = tpu.vector_load %arg18[%get3A_331] {strides = array<i32>} : memref<256xi32, #tpu.memory_space<vmem>>, vector<16xi32>,
    %lt3A_333 = arith.cmpf olt, %get3A_330, %select_n3A_327 : vector<16xf32>
    %eq3A_334 = arith.cmpf oeq, %get3A_330, %select_n3A_327 : vector<16xf32>
    %lt3A_335 = arith.cmpi slt, %get3A_332, %select_n3A_328 : vector<16xi32>
    %and3A_336 = arith.andi %eq3A_334, %lt3A_335 : vector<16xi1>
    %or3A_337 = arith.ori %lt3A_333, %and3A_336 : vector<16xi1>
    %select_n3A_338 = arith.select %or3A_337, %get3A_330, %select_n3A_327 : vector<16xi1>, vector<16xf32>
    %select_n3A_339 = arith.select %or3A_337, %get3A_332, %select_n3A_328 : vector<16xi1>, vector<16xi32>
    %get3A_340 = arith.constant 160 : index
    %get3A_341 = tpu.vector_load %arg17[%get3A_340] {strides = array<i32>} : memref<256xf32, #tpu.memory_space<vmem>>, vector<16xf32>,
    %get3A_342 = arith.constant 160 : index
    %get3A_343 = tpu.vector_load %arg18[%get3A_342] {strides = array<i32>} : memref<256xi32, #tpu.memory_space<vmem>>, vector<16xi32>,
    %lt3A_344 = arith.cmpf olt, %get3A_341, %select_n3A_338 : vector<16xf32>
    %eq3A_345 = arith.cmpf oeq, %get3A_341, %select_n3A_338 : vector<16xf32>
    %lt3A_346 = arith.cmpi slt, %get3A_343, %select_n3A_339 : vector<16xi32>
    %and3A_347 = arith.andi %eq3A_345, %lt3A_346 : vector<16xi1>
    %or3A_348 = arith.ori %lt3A_344, %and3A_347 : vector<16xi1>
    %select_n3A_349 = arith.select %or3A_348, %get3A_341, %select_n3A_338 : vector<16xi1>, vector<16xf32>
    %select_n3A_350 = arith.select %or3A_348, %get3A_343, %select_n3A_339 : vector<16xi1>, vector<16xi32>
    %get3A_351 = arith.constant 176 : index
    %get3A_352 = tpu.vector_load %arg17[%get3A_351] {strides = array<i32>} : memref<256xf32, #tpu.memory_space<vmem>>, vector<16xf32>,
    %get3A_353 = arith.constant 176 : index
    %get3A_354 = tpu.vector_load %arg18[%get3A_353] {strides = array<i32>} : memref<256xi32, #tpu.memory_space<vmem>>, vector<16xi32>,
    %lt3A_355 = arith.cmpf olt, %get3A_352, %select_n3A_349 : vector<16xf32>
    %eq3A_356 = arith.cmpf oeq, %get3A_352, %select_n3A_349 : vector<16xf32>
    %lt3A_357 = arith.cmpi slt, %get3A_354, %select_n3A_350 : vector<16xi32>
    %and3A_358 = arith.andi %eq3A_356, %lt3A_357 : vector<16xi1>
    %or3A_359 = arith.ori %lt3A_355, %and3A_358 : vector<16xi1>
    %select_n3A_360 = arith.select %or3A_359, %get3A_352, %select_n3A_349 : vector<16xi1>, vector<16xf32>
    %select_n3A_361 = arith.select %or3A_359, %get3A_354, %select_n3A_350 : vector<16xi1>, vector<16xi32>
    %get3A_362 = arith.constant 192 : index
    %get3A_363 = tpu.vector_load %arg17[%get3A_362] {strides = array<i32>} : memref<256xf32, #tpu.memory_space<vmem>>, vector<16xf32>,
    %get3A_364 = arith.constant 192 : index
    %get3A_365 = tpu.vector_load %arg18[%get3A_364] {strides = array<i32>} : memref<256xi32, #tpu.memory_space<vmem>>, vector<16xi32>,
    %lt3A_366 = arith.cmpf olt, %get3A_363, %select_n3A_360 : vector<16xf32>
    %eq3A_367 = arith.cmpf oeq, %get3A_363, %select_n3A_360 : vector<16xf32>
    %lt3A_368 = arith.cmpi slt, %get3A_365, %select_n3A_361 : vector<16xi32>
    %and3A_369 = arith.andi %eq3A_367, %lt3A_368 : vector<16xi1>
    %or3A_370 = arith.ori %lt3A_366, %and3A_369 : vector<16xi1>
    %select_n3A_371 = arith.select %or3A_370, %get3A_363, %select_n3A_360 : vector<16xi1>, vector<16xf32>
    %select_n3A_372 = arith.select %or3A_370, %get3A_365, %select_n3A_361 : vector<16xi1>, vector<16xi32>
    %get3A_373 = arith.constant 208 : index
    %get3A_374 = tpu.vector_load %arg17[%get3A_373] {strides = array<i32>} : memref<256xf32, #tpu.memory_space<vmem>>, vector<16xf32>,
    %get3A_375 = arith.constant 208 : index
    %get3A_376 = tpu.vector_load %arg18[%get3A_375] {strides = array<i32>} : memref<256xi32, #tpu.memory_space<vmem>>, vector<16xi32>,
    %lt3A_377 = arith.cmpf olt, %get3A_374, %select_n3A_371 : vector<16xf32>
    %eq3A_378 = arith.cmpf oeq, %get3A_374, %select_n3A_371 : vector<16xf32>
    %lt3A_379 = arith.cmpi slt, %get3A_376, %select_n3A_372 : vector<16xi32>
    %and3A_380 = arith.andi %eq3A_378, %lt3A_379 : vector<16xi1>
    %or3A_381 = arith.ori %lt3A_377, %and3A_380 : vector<16xi1>
    %select_n3A_382 = arith.select %or3A_381, %get3A_374, %select_n3A_371 : vector<16xi1>, vector<16xf32>
    %select_n3A_383 = arith.select %or3A_381, %get3A_376, %select_n3A_372 : vector<16xi1>, vector<16xi32>
    %get3A_384 = arith.constant 224 : index
    %get3A_385 = tpu.vector_load %arg17[%get3A_384] {strides = array<i32>} : memref<256xf32, #tpu.memory_space<vmem>>, vector<16xf32>,
    %get3A_386 = arith.constant 224 : index
    %get3A_387 = tpu.vector_load %arg18[%get3A_386] {strides = array<i32>} : memref<256xi32, #tpu.memory_space<vmem>>, vector<16xi32>,
    %lt3A_388 = arith.cmpf olt, %get3A_385, %select_n3A_382 : vector<16xf32>
    %eq3A_389 = arith.cmpf oeq, %get3A_385, %select_n3A_382 : vector<16xf32>
    %lt3A_390 = arith.cmpi slt, %get3A_387, %select_n3A_383 : vector<16xi32>
    %and3A_391 = arith.andi %eq3A_389, %lt3A_390 : vector<16xi1>
    %or3A_392 = arith.ori %lt3A_388, %and3A_391 : vector<16xi1>
    %select_n3A_393 = arith.select %or3A_392, %get3A_385, %select_n3A_382 : vector<16xi1>, vector<16xf32>
    %select_n3A_394 = arith.select %or3A_392, %get3A_387, %select_n3A_383 : vector<16xi1>, vector<16xi32>
    %get3A_395 = arith.constant 240 : index
    %get3A_396 = tpu.vector_load %arg17[%get3A_395] {strides = array<i32>} : memref<256xf32, #tpu.memory_space<vmem>>, vector<16xf32>,
    %get3A_397 = arith.constant 240 : index
    %get3A_398 = tpu.vector_load %arg18[%get3A_397] {strides = array<i32>} : memref<256xi32, #tpu.memory_space<vmem>>, vector<16xi32>,
    %lt3A_399 = arith.cmpf olt, %get3A_396, %select_n3A_393 : vector<16xf32>
    %eq3A_400 = arith.cmpf oeq, %get3A_396, %select_n3A_393 : vector<16xf32>
    %lt3A_401 = arith.cmpi slt, %get3A_398, %select_n3A_394 : vector<16xi32>
    %and3A_402 = arith.andi %eq3A_400, %lt3A_401 : vector<16xi1>
    %or3A_403 = arith.ori %lt3A_399, %and3A_402 : vector<16xi1>
    %select_n3A_404 = arith.select %or3A_403, %get3A_396, %select_n3A_393 : vector<16xi1>, vector<16xf32>
    %select_n3A_405 = arith.select %or3A_403, %get3A_398, %select_n3A_394 : vector<16xi1>, vector<16xi32>
    %jit3A_406 = arith.constant 128 : i32
    %eq3A_407 = arith.constant 0 : i32
    %eq3A_408 = arith.cmpi eq, %jit3A_406, %eq3A_407 : i32
    %jit3A_409 = arith.constant 1 : i32
    %select_n3A_410 = arith.select %eq3A_408, %jit3A_409, %jit3A_406 : i32
    %rem3A = vector.broadcast %select_n3A_410 : i32 to vector<16xi32>
    %rem3A_411 = arith.remsi %select_n3A_405, %rem3A : vector<16xi32>
    %ne3A = arith.constant 0 : i32
    %ne3A_412 = vector.broadcast %ne3A : i32 to vector<16xi32>
    %ne3A_413 = arith.cmpi ne, %rem3A_411, %ne3A_412 : vector<16xi32>
    %lt3A_414 = arith.constant 0 : i32
    %lt3A_415 = vector.broadcast %lt3A_414 : i32 to vector<16xi32>
    %lt3A_416 = arith.cmpi slt, %rem3A_411, %lt3A_415 : vector<16xi32>
    %lt3A_417 = arith.constant 0 : i32
    %lt3A_418 = arith.cmpi slt, %select_n3A_410, %lt3A_417 : i32
    %ne3A_419 = vector.broadcast %lt3A_418 : i1 to vector<16xi1>
    %ne3A_420 = vector.broadcast %ne3A_419 : vector<16xi1> to vector<16xi1>
    %ne3A_421 = arith.xori %lt3A_416, %ne3A_420 : vector<16xi1>
    %and3A_422 = arith.andi %ne3A_421, %ne3A_413 : vector<16xi1>
    %add3A_423 = vector.broadcast %select_n3A_410 : i32 to vector<16xi32>
    %add3A_424 = arith.addi %rem3A_411, %add3A_423 : vector<16xi32>
    %select_n3A_425 = arith.select %and3A_422, %add3A_424, %rem3A_411 : vector<16xi1>, vector<16xi32>
    %jit3A_426 = arith.constant 128 : i32
    %div3A = vector.broadcast %jit3A_426 : i32 to vector<16xi32>
    %div3A_427 = arith.divsi %select_n3A_405, %div3A : vector<16xi32>
    %sign3A = arith.constant 0 : i32
    %sign3A_428 = vector.broadcast %sign3A : i32 to vector<16xi32>
    %sign3A_429 = arith.cmpi sgt, %select_n3A_405, %sign3A_428 : vector<16xi32>
    %sign3A_430 = arith.extui %sign3A_429 : vector<16xi1> to vector<16xi32>
    %sign3A_431 = arith.constant 0 : i32
    %sign3A_432 = vector.broadcast %sign3A_431 : i32 to vector<16xi32>
    %sign3A_433 = arith.cmpi slt, %select_n3A_405, %sign3A_432 : vector<16xi32>
    %sign3A_434 = arith.extui %sign3A_433 : vector<16xi1> to vector<16xi32>
    %sign3A_435 = arith.subi %sign3A_430, %sign3A_434 : vector<16xi32>
    %sign3A_436 = arith.constant 0 : i32
    %sign3A_437 = arith.cmpi sgt, %jit3A_426, %sign3A_436 : i32
    %sign3A_438 = arith.extui %sign3A_437 : i1 to i32
    %sign3A_439 = arith.constant 0 : i32
    %sign3A_440 = arith.cmpi slt, %jit3A_426, %sign3A_439 : i32
    %sign3A_441 = arith.extui %sign3A_440 : i1 to i32
    %sign3A_442 = arith.subi %sign3A_438, %sign3A_441 : i32
    %ne3A_443 = vector.broadcast %sign3A_442 : i32 to vector<16xi32>
    %ne3A_444 = arith.cmpi ne, %sign3A_435, %ne3A_443 : vector<16xi32>
    %rem3A_445 = vector.broadcast %jit3A_426 : i32 to vector<16xi32>
    %rem3A_446 = arith.remsi %select_n3A_405, %rem3A_445 : vector<16xi32>
    %ne3A_447 = arith.constant 0 : i32
    %ne3A_448 = vector.broadcast %ne3A_447 : i32 to vector<16xi32>
    %ne3A_449 = arith.cmpi ne, %rem3A_446, %ne3A_448 : vector<16xi32>
    %and3A_450 = arith.andi %ne3A_444, %ne3A_449 : vector<16xi1>
    %sub3A_451 = arith.constant 1 : i32
    %sub3A_452 = vector.broadcast %sub3A_451 : i32 to vector<16xi32>
    %sub3A_453 = arith.subi %div3A_427, %sub3A_452 : vector<16xi32>
    %select_n3A_454 = arith.select %and3A_450, %sub3A_453, %div3A_427 : vector<16xi1>, vector<16xi32>
    %get3A_455 = arith.constant 0 : index
    %get3A_456 = tpu.vector_load %arg12[%get3A_455] {strides = array<i32>} : memref<256xf32, #tpu.memory_space<vmem>>, vector<16xf32>,
    %get3A_457 = arith.constant 16 : index
    %get3A_458 = tpu.vector_load %arg12[%get3A_457] {strides = array<i32>} : memref<256xf32, #tpu.memory_space<vmem>>, vector<16xf32>,
    %get3A_459 = arith.constant 32 : index
    %get3A_460 = tpu.vector_load %arg12[%get3A_459] {strides = array<i32>} : memref<256xf32, #tpu.memory_space<vmem>>, vector<16xf32>,
    %get3A_461 = arith.constant 48 : index
    %get3A_462 = tpu.vector_load %arg12[%get3A_461] {strides = array<i32>} : memref<256xf32, #tpu.memory_space<vmem>>, vector<16xf32>,
    %get3A_463 = arith.constant 64 : index
    %get3A_464 = tpu.vector_load %arg12[%get3A_463] {strides = array<i32>} : memref<256xf32, #tpu.memory_space<vmem>>, vector<16xf32>,
    %get3A_465 = arith.constant 80 : index
    %get3A_466 = tpu.vector_load %arg12[%get3A_465] {strides = array<i32>} : memref<256xf32, #tpu.memory_space<vmem>>, vector<16xf32>,
    %get3A_467 = arith.constant 96 : index
    %get3A_468 = tpu.vector_load %arg12[%get3A_467] {strides = array<i32>} : memref<256xf32, #tpu.memory_space<vmem>>, vector<16xf32>,
    %get3A_469 = arith.constant 112 : index
    %get3A_470 = tpu.vector_load %arg12[%get3A_469] {strides = array<i32>} : memref<256xf32, #tpu.memory_space<vmem>>, vector<16xf32>,
    %get3A_471 = arith.constant 128 : index
    %get3A_472 = tpu.vector_load %arg12[%get3A_471] {strides = array<i32>} : memref<256xf32, #tpu.memory_space<vmem>>, vector<16xf32>,
    %get3A_473 = arith.constant 144 : index
    %get3A_474 = tpu.vector_load %arg12[%get3A_473] {strides = array<i32>} : memref<256xf32, #tpu.memory_space<vmem>>, vector<16xf32>,
    %get3A_475 = arith.constant 160 : index
    %get3A_476 = tpu.vector_load %arg12[%get3A_475] {strides = array<i32>} : memref<256xf32, #tpu.memory_space<vmem>>, vector<16xf32>,
    %get3A_477 = arith.constant 176 : index
    %get3A_478 = tpu.vector_load %arg12[%get3A_477] {strides = array<i32>} : memref<256xf32, #tpu.memory_space<vmem>>, vector<16xf32>,
    %get3A_479 = arith.constant 192 : index
    %get3A_480 = tpu.vector_load %arg12[%get3A_479] {strides = array<i32>} : memref<256xf32, #tpu.memory_space<vmem>>, vector<16xf32>,
    %get3A_481 = arith.constant 208 : index
    %get3A_482 = tpu.vector_load %arg12[%get3A_481] {strides = array<i32>} : memref<256xf32, #tpu.memory_space<vmem>>, vector<16xf32>,
    %get3A_483 = arith.constant 224 : index
    %get3A_484 = tpu.vector_load %arg12[%get3A_483] {strides = array<i32>} : memref<256xf32, #tpu.memory_space<vmem>>, vector<16xf32>,
    %get3A_485 = arith.constant 240 : index
    %get3A_486 = tpu.vector_load %arg12[%get3A_485] {strides = array<i32>} : memref<256xf32, #tpu.memory_space<vmem>>, vector<16xf32>,
    %scan3A_487 = arith.constant -2.44140625E-4 : f32
    %scan3A_488 = arith.constant 0 : i32
    %scan3A_489 = arith.constant 0 : i32
    %scan3A_490 = arith.constant 8 : i32
    %scan3A_491 = arith.addi %scan3A_489, %scan3A_490 : i32
    %scan3A_492 = arith.constant 1 : i32
    %scan3A_493 = scf.for %scan3A_545 = %scan3A_489 to %scan3A_491 step %scan3A_492 iter_args(%scan3A_546 = %scan3A_488) -> (i32)  : i32 {
      %add3A_547 = arith.constant 0 : i32
      %add3A_548 = arith.addi %mul3A_6, %add3A_547 : i32
      %mul3A_549 = arith.constant 16 : i32
      %mul3A_550 = arith.muli %scan3A_545, %mul3A_549 : i32
      %add3A_551 = arith.addi %add3A_548, %mul3A_550 : i32
      %add3A_552 = vector.broadcast %add3A_551 : i32 to vector<16xi32>
      %add3A_553 = arith.addi %add3A_552, %iota3A : vector<16xi32>
      %jit3A_554 = arith.constant 128 : i32
      %eq3A_555 = arith.constant 0 : i32
      %eq3A_556 = arith.cmpi eq, %jit3A_554, %eq3A_555 : i32
      %jit3A_557 = arith.constant 1 : i32
      %select_n3A_558 = arith.select %eq3A_556, %jit3A_557, %jit3A_554 : i32
      %rem3A_559 = vector.broadcast %select_n3A_558 : i32 to vector<16xi32>
      %rem3A_560 = arith.remsi %add3A_553, %rem3A_559 : vector<16xi32>
      %ne3A_561 = arith.constant 0 : i32
      %ne3A_562 = vector.broadcast %ne3A_561 : i32 to vector<16xi32>
      %ne3A_563 = arith.cmpi ne, %rem3A_560, %ne3A_562 : vector<16xi32>
      %lt3A_564 = arith.constant 0 : i32
      %lt3A_565 = vector.broadcast %lt3A_564 : i32 to vector<16xi32>
      %lt3A_566 = arith.cmpi slt, %rem3A_560, %lt3A_565 : vector<16xi32>
      %lt3A_567 = arith.constant 0 : i32
      %lt3A_568 = arith.cmpi slt, %select_n3A_558, %lt3A_567 : i32
      %ne3A_569 = vector.broadcast %lt3A_568 : i1 to vector<16xi1>
      %ne3A_570 = vector.broadcast %ne3A_569 : vector<16xi1> to vector<16xi1>
      %ne3A_571 = arith.xori %lt3A_566, %ne3A_570 : vector<16xi1>
      %and3A_572 = arith.andi %ne3A_571, %ne3A_563 : vector<16xi1>
      %add3A_573 = vector.broadcast %select_n3A_558 : i32 to vector<16xi32>
      %add3A_574 = arith.addi %rem3A_560, %add3A_573 : vector<16xi32>
      %select_n3A_575 = arith.select %and3A_572, %add3A_574, %rem3A_560 : vector<16xi1>, vector<16xi32>
      %sub3A_576 = arith.subi %select_n3A_575, %select_n3A_425 : vector<16xi32>
      %convert_element_type3A = arith.sitofp %sub3A_576 : vector<16xi32> to vector<16xf32>
      %jit3A_577 = arith.constant 128 : i32
      %div3A_578 = vector.broadcast %jit3A_577 : i32 to vector<16xi32>
      %div3A_579 = arith.divsi %add3A_553, %div3A_578 : vector<16xi32>
      %sign3A_580 = arith.constant 0 : i32
      %sign3A_581 = vector.broadcast %sign3A_580 : i32 to vector<16xi32>
      %sign3A_582 = arith.cmpi sgt, %add3A_553, %sign3A_581 : vector<16xi32>
      %sign3A_583 = arith.extui %sign3A_582 : vector<16xi1> to vector<16xi32>
      %sign3A_584 = arith.constant 0 : i32
      %sign3A_585 = vector.broadcast %sign3A_584 : i32 to vector<16xi32>
      %sign3A_586 = arith.cmpi slt, %add3A_553, %sign3A_585 : vector<16xi32>
      %sign3A_587 = arith.extui %sign3A_586 : vector<16xi1> to vector<16xi32>
      %sign3A_588 = arith.subi %sign3A_583, %sign3A_587 : vector<16xi32>
      %sign3A_589 = arith.constant 0 : i32
      %sign3A_590 = arith.cmpi sgt, %jit3A_577, %sign3A_589 : i32
      %sign3A_591 = arith.extui %sign3A_590 : i1 to i32
      %sign3A_592 = arith.constant 0 : i32
      %sign3A_593 = arith.cmpi slt, %jit3A_577, %sign3A_592 : i32
      %sign3A_594 = arith.extui %sign3A_593 : i1 to i32
      %sign3A_595 = arith.subi %sign3A_591, %sign3A_594 : i32
      %ne3A_596 = vector.broadcast %sign3A_595 : i32 to vector<16xi32>
      %ne3A_597 = arith.cmpi ne, %sign3A_588, %ne3A_596 : vector<16xi32>
      %rem3A_598 = vector.broadcast %jit3A_577 : i32 to vector<16xi32>
      %rem3A_599 = arith.remsi %add3A_553, %rem3A_598 : vector<16xi32>
      %ne3A_600 = arith.constant 0 : i32
      %ne3A_601 = vector.broadcast %ne3A_600 : i32 to vector<16xi32>
      %ne3A_602 = arith.cmpi ne, %rem3A_599, %ne3A_601 : vector<16xi32>
      %and3A_603 = arith.andi %ne3A_597, %ne3A_602 : vector<16xi1>
      %sub3A_604 = arith.constant 1 : i32
      %sub3A_605 = vector.broadcast %sub3A_604 : i32 to vector<16xi32>
      %sub3A_606 = arith.subi %div3A_579, %sub3A_605 : vector<16xi32>
      %select_n3A_607 = arith.select %and3A_603, %sub3A_606, %div3A_579 : vector<16xi1>, vector<16xi32>
      %sub3A_608 = arith.subi %select_n3A_607, %select_n3A_454 : vector<16xi32>
      %convert_element_type3A_609 = arith.sitofp %sub3A_608 : vector<16xi32> to vector<16xf32>
      %mul3A_610 = arith.mulf %convert_element_type3A, %convert_element_type3A : vector<16xf32>
      %mul3A_611 = arith.mulf %convert_element_type3A_609, %convert_element_type3A_609 : vector<16xf32>
      %add3A_612 = arith.addf %mul3A_610, %mul3A_611 : vector<16xf32>
      %mul3A_613 = vector.broadcast %scan3A_487 : f32 to vector<16xf32>
      %mul3A_614 = arith.mulf %add3A_612, %mul3A_613 : vector<16xf32>
      %exp3A = math.exp %mul3A_614 : vector<16xf32>
      %mul3A_615 = arith.constant 3.000000e-01 : f32
      %mul3A_616 = vector.broadcast %mul3A_615 : f32 to vector<16xf32>
      %mul3A_617 = arith.mulf %mul3A_616, %exp3A : vector<16xf32>
      %swap3A_618 = arith.constant 0 : index
      %swap3A_619 = tpu.vector_load %arg16[%swap3A_618] {strides = array<i32>} : memref<32xf32, #tpu.memory_space<vmem>>, vector<16xf32>,
      tpu.vector_store %arg16[%swap3A_618], %mul3A_617 {strides = array<i32>} : memref<32xf32, #tpu.memory_space<vmem>>, vector<16xf32>,
      %parallel_loop3A_620 = arith.constant 0 : i32
      %parallel_loop3A_621 = arith.constant 8 : i32
      %parallel_loop3A_622 = arith.constant 1 : i32
      scf.for %parallel_loop3A_624 = %parallel_loop3A_620 to %parallel_loop3A_621 step %parallel_loop3A_622  : i32 {
        %parallel_loop3A_625 = arith.constant 2 : i32
        %parallel_loop3A_626 = arith.muli %parallel_loop3A_625, %parallel_loop3A_624 : i32
        %parallel_loop3A_627 = vector.broadcast %parallel_loop3A_626 : i32 to vector<16xi32>
        %parallel_loop3A_628 = tpu.vector_load_idx %arg16[%parallel_loop3A_627] : memref<32xf32, #tpu.memory_space<vmem>>[vector<16xi32>], vector<16xf32>,
        %parallel_loop3A_629 = arith.constant 2 : i32
        %parallel_loop3A_630 = arith.muli %parallel_loop3A_629, %parallel_loop3A_624 : i32
        %parallel_loop3A_631 = arith.constant 1 : i32
        %parallel_loop3A_632 = arith.addi %parallel_loop3A_630, %parallel_loop3A_631 : i32
        %parallel_loop3A_633 = vector.broadcast %parallel_loop3A_632 : i32 to vector<16xi32>
        %parallel_loop3A_634 = tpu.vector_load_idx %arg16[%parallel_loop3A_633] : memref<32xf32, #tpu.memory_space<vmem>>[vector<16xi32>], vector<16xf32>,
        %parallel_loop3A_635 = arith.constant 16 : i32
        %parallel_loop3A_636 = arith.muli %scan3A_545, %parallel_loop3A_635 : i32
        %parallel_loop3A_637 = arith.constant 0 : i32
        %parallel_loop3A_638 = arith.addi %parallel_loop3A_637, %parallel_loop3A_636 : i32
        %parallel_loop3A_639 = arith.constant 2 : i32
        %parallel_loop3A_640 = arith.muli %parallel_loop3A_639, %parallel_loop3A_624 : i32
        %parallel_loop3A_641 = arith.addi %parallel_loop3A_638, %parallel_loop3A_640 : i32
        %parallel_loop3A_642 = arith.constant 1 : i32
        %parallel_loop3A_643 = arith.addi %parallel_loop3A_641, %parallel_loop3A_642 : i32
        %parallel_loop3A_644 = arith.index_cast %parallel_loop3A_641 : i32 to index
        %parallel_loop3A_645 = arith.constant 0 : index
        %parallel_loop3A_646 = tpu.vector_load %arg8[%parallel_loop3A_644, %parallel_loop3A_645] {strides = array<i32>} : memref<256x256xf32, #tpu.memory_space<vmem>>, vector<16xf32>,
        %parallel_loop3A_647 = arith.index_cast %parallel_loop3A_643 : i32 to index
        %parallel_loop3A_648 = arith.constant 0 : index
        %parallel_loop3A_649 = tpu.vector_load %arg8[%parallel_loop3A_647, %parallel_loop3A_648] {strides = array<i32>} : memref<256x256xf32, #tpu.memory_space<vmem>>, vector<16xf32>,
        %parallel_loop3A_650 = arith.subf %get3A_456, %parallel_loop3A_646 : vector<16xf32>
        %parallel_loop3A_651 = arith.mulf %parallel_loop3A_628, %parallel_loop3A_650 : vector<16xf32>
        %parallel_loop3A_652 = arith.addf %parallel_loop3A_646, %parallel_loop3A_651 : vector<16xf32>
        %parallel_loop3A_653 = arith.index_cast %parallel_loop3A_641 : i32 to index
        %parallel_loop3A_654 = arith.constant 0 : index
        %parallel_loop3A_655 = tpu.vector_load %arg8[%parallel_loop3A_653, %parallel_loop3A_654] {strides = array<i32>} : memref<256x256xf32, #tpu.memory_space<vmem>>, vector<16xf32>,
        tpu.vector_store %arg8[%parallel_loop3A_653, %parallel_loop3A_654], %parallel_loop3A_652 {strides = array<i32>} : memref<256x256xf32, #tpu.memory_space<vmem>>, vector<16xf32>,
        %parallel_loop3A_656 = arith.subf %get3A_456, %parallel_loop3A_649 : vector<16xf32>
        %parallel_loop3A_657 = arith.mulf %parallel_loop3A_634, %parallel_loop3A_656 : vector<16xf32>
        %parallel_loop3A_658 = arith.addf %parallel_loop3A_649, %parallel_loop3A_657 : vector<16xf32>
        %parallel_loop3A_659 = arith.index_cast %parallel_loop3A_643 : i32 to index
        %parallel_loop3A_660 = arith.constant 0 : index
        %parallel_loop3A_661 = tpu.vector_load %arg8[%parallel_loop3A_659, %parallel_loop3A_660] {strides = array<i32>} : memref<256x256xf32, #tpu.memory_space<vmem>>, vector<16xf32>,
        tpu.vector_store %arg8[%parallel_loop3A_659, %parallel_loop3A_660], %parallel_loop3A_658 {strides = array<i32>} : memref<256x256xf32, #tpu.memory_space<vmem>>, vector<16xf32>,
        %parallel_loop3A_662 = arith.index_cast %parallel_loop3A_641 : i32 to index
        %parallel_loop3A_663 = arith.constant 16 : index
        %parallel_loop3A_664 = tpu.vector_load %arg8[%parallel_loop3A_662, %parallel_loop3A_663] {strides = array<i32>} : memref<256x256xf32, #tpu.memory_space<vmem>>, vector<16xf32>,
        %parallel_loop3A_665 = arith.index_cast %parallel_loop3A_643 : i32 to index
        %parallel_loop3A_666 = arith.constant 16 : index
        %parallel_loop3A_667 = tpu.vector_load %arg8[%parallel_loop3A_665, %parallel_loop3A_666] {strides = array<i32>} : memref<256x256xf32, #tpu.memory_space<vmem>>, vector<16xf32>,
        %parallel_loop3A_668 = arith.subf %get3A_458, %parallel_loop3A_664 : vector<16xf32>
        %parallel_loop3A_669 = arith.mulf %parallel_loop3A_628, %parallel_loop3A_668 : vector<16xf32>
        %parallel_loop3A_670 = arith.addf %parallel_loop3A_664, %parallel_loop3A_669 : vector<16xf32>
        %parallel_loop3A_671 = arith.index_cast %parallel_loop3A_641 : i32 to index
        %parallel_loop3A_672 = arith.constant 16 : index
        %parallel_loop3A_673 = tpu.vector_load %arg8[%parallel_loop3A_671, %parallel_loop3A_672] {strides = array<i32>} : memref<256x256xf32, #tpu.memory_space<vmem>>, vector<16xf32>,
        tpu.vector_store %arg8[%parallel_loop3A_671, %parallel_loop3A_672], %parallel_loop3A_670 {strides = array<i32>} : memref<256x256xf32, #tpu.memory_space<vmem>>, vector<16xf32>,
        %parallel_loop3A_674 = arith.subf %get3A_458, %parallel_loop3A_667 : vector<16xf32>
        %parallel_loop3A_675 = arith.mulf %parallel_loop3A_634, %parallel_loop3A_674 : vector<16xf32>
        %parallel_loop3A_676 = arith.addf %parallel_loop3A_667, %parallel_loop3A_675 : vector<16xf32>
        %parallel_loop3A_677 = arith.index_cast %parallel_loop3A_643 : i32 to index
        %parallel_loop3A_678 = arith.constant 16 : index
        %parallel_loop3A_679 = tpu.vector_load %arg8[%parallel_loop3A_677, %parallel_loop3A_678] {strides = array<i32>} : memref<256x256xf32, #tpu.memory_space<vmem>>, vector<16xf32>,
        tpu.vector_store %arg8[%parallel_loop3A_677, %parallel_loop3A_678], %parallel_loop3A_676 {strides = array<i32>} : memref<256x256xf32, #tpu.memory_space<vmem>>, vector<16xf32>,
        %parallel_loop3A_680 = arith.index_cast %parallel_loop3A_641 : i32 to index
        %parallel_loop3A_681 = arith.constant 32 : index
        %parallel_loop3A_682 = tpu.vector_load %arg8[%parallel_loop3A_680, %parallel_loop3A_681] {strides = array<i32>} : memref<256x256xf32, #tpu.memory_space<vmem>>, vector<16xf32>,
        %parallel_loop3A_683 = arith.index_cast %parallel_loop3A_643 : i32 to index
        %parallel_loop3A_684 = arith.constant 32 : index
        %parallel_loop3A_685 = tpu.vector_load %arg8[%parallel_loop3A_683, %parallel_loop3A_684] {strides = array<i32>} : memref<256x256xf32, #tpu.memory_space<vmem>>, vector<16xf32>,
        %parallel_loop3A_686 = arith.subf %get3A_460, %parallel_loop3A_682 : vector<16xf32>
        %parallel_loop3A_687 = arith.mulf %parallel_loop3A_628, %parallel_loop3A_686 : vector<16xf32>
        %parallel_loop3A_688 = arith.addf %parallel_loop3A_682, %parallel_loop3A_687 : vector<16xf32>
        %parallel_loop3A_689 = arith.index_cast %parallel_loop3A_641 : i32 to index
        %parallel_loop3A_690 = arith.constant 32 : index
        %parallel_loop3A_691 = tpu.vector_load %arg8[%parallel_loop3A_689, %parallel_loop3A_690] {strides = array<i32>} : memref<256x256xf32, #tpu.memory_space<vmem>>, vector<16xf32>,
        tpu.vector_store %arg8[%parallel_loop3A_689, %parallel_loop3A_690], %parallel_loop3A_688 {strides = array<i32>} : memref<256x256xf32, #tpu.memory_space<vmem>>, vector<16xf32>,
        %parallel_loop3A_692 = arith.subf %get3A_460, %parallel_loop3A_685 : vector<16xf32>
        %parallel_loop3A_693 = arith.mulf %parallel_loop3A_634, %parallel_loop3A_692 : vector<16xf32>
        %parallel_loop3A_694 = arith.addf %parallel_loop3A_685, %parallel_loop3A_693 : vector<16xf32>
        %parallel_loop3A_695 = arith.index_cast %parallel_loop3A_643 : i32 to index
        %parallel_loop3A_696 = arith.constant 32 : index
        %parallel_loop3A_697 = tpu.vector_load %arg8[%parallel_loop3A_695, %parallel_loop3A_696] {strides = array<i32>} : memref<256x256xf32, #tpu.memory_space<vmem>>, vector<16xf32>,
        tpu.vector_store %arg8[%parallel_loop3A_695, %parallel_loop3A_696], %parallel_loop3A_694 {strides = array<i32>} : memref<256x256xf32, #tpu.memory_space<vmem>>, vector<16xf32>,
        %parallel_loop3A_698 = arith.index_cast %parallel_loop3A_641 : i32 to index
        %parallel_loop3A_699 = arith.constant 48 : index
        %parallel_loop3A_700 = tpu.vector_load %arg8[%parallel_loop3A_698, %parallel_loop3A_699] {strides = array<i32>} : memref<256x256xf32, #tpu.memory_space<vmem>>, vector<16xf32>,
        %parallel_loop3A_701 = arith.index_cast %parallel_loop3A_643 : i32 to index
        %parallel_loop3A_702 = arith.constant 48 : index
        %parallel_loop3A_703 = tpu.vector_load %arg8[%parallel_loop3A_701, %parallel_loop3A_702] {strides = array<i32>} : memref<256x256xf32, #tpu.memory_space<vmem>>, vector<16xf32>,
        %parallel_loop3A_704 = arith.subf %get3A_462, %parallel_loop3A_700 : vector<16xf32>
        %parallel_loop3A_705 = arith.mulf %parallel_loop3A_628, %parallel_loop3A_704 : vector<16xf32>
        %parallel_loop3A_706 = arith.addf %parallel_loop3A_700, %parallel_loop3A_705 : vector<16xf32>
        %parallel_loop3A_707 = arith.index_cast %parallel_loop3A_641 : i32 to index
        %parallel_loop3A_708 = arith.constant 48 : index
        %parallel_loop3A_709 = tpu.vector_load %arg8[%parallel_loop3A_707, %parallel_loop3A_708] {strides = array<i32>} : memref<256x256xf32, #tpu.memory_space<vmem>>, vector<16xf32>,
        tpu.vector_store %arg8[%parallel_loop3A_707, %parallel_loop3A_708], %parallel_loop3A_706 {strides = array<i32>} : memref<256x256xf32, #tpu.memory_space<vmem>>, vector<16xf32>,
        %parallel_loop3A_710 = arith.subf %get3A_462, %parallel_loop3A_703 : vector<16xf32>
        %parallel_loop3A_711 = arith.mulf %parallel_loop3A_634, %parallel_loop3A_710 : vector<16xf32>
        %parallel_loop3A_712 = arith.addf %parallel_loop3A_703, %parallel_loop3A_711 : vector<16xf32>
        %parallel_loop3A_713 = arith.index_cast %parallel_loop3A_643 : i32 to index
        %parallel_loop3A_714 = arith.constant 48 : index
        %parallel_loop3A_715 = tpu.vector_load %arg8[%parallel_loop3A_713, %parallel_loop3A_714] {strides = array<i32>} : memref<256x256xf32, #tpu.memory_space<vmem>>, vector<16xf32>,
        tpu.vector_store %arg8[%parallel_loop3A_713, %parallel_loop3A_714], %parallel_loop3A_712 {strides = array<i32>} : memref<256x256xf32, #tpu.memory_space<vmem>>, vector<16xf32>,
        %parallel_loop3A_716 = arith.index_cast %parallel_loop3A_641 : i32 to index
        %parallel_loop3A_717 = arith.constant 64 : index
        %parallel_loop3A_718 = tpu.vector_load %arg8[%parallel_loop3A_716, %parallel_loop3A_717] {strides = array<i32>} : memref<256x256xf32, #tpu.memory_space<vmem>>, vector<16xf32>,
        %parallel_loop3A_719 = arith.index_cast %parallel_loop3A_643 : i32 to index
        %parallel_loop3A_720 = arith.constant 64 : index
        %parallel_loop3A_721 = tpu.vector_load %arg8[%parallel_loop3A_719, %parallel_loop3A_720] {strides = array<i32>} : memref<256x256xf32, #tpu.memory_space<vmem>>, vector<16xf32>,
        %parallel_loop3A_722 = arith.subf %get3A_464, %parallel_loop3A_718 : vector<16xf32>
        %parallel_loop3A_723 = arith.mulf %parallel_loop3A_628, %parallel_loop3A_722 : vector<16xf32>
        %parallel_loop3A_724 = arith.addf %parallel_loop3A_718, %parallel_loop3A_723 : vector<16xf32>
        %parallel_loop3A_725 = arith.index_cast %parallel_loop3A_641 : i32 to index
        %parallel_loop3A_726 = arith.constant 64 : index
        %parallel_loop3A_727 = tpu.vector_load %arg8[%parallel_loop3A_725, %parallel_loop3A_726] {strides = array<i32>} : memref<256x256xf32, #tpu.memory_space<vmem>>, vector<16xf32>,
        tpu.vector_store %arg8[%parallel_loop3A_725, %parallel_loop3A_726], %parallel_loop3A_724 {strides = array<i32>} : memref<256x256xf32, #tpu.memory_space<vmem>>, vector<16xf32>,
        %parallel_loop3A_728 = arith.subf %get3A_464, %parallel_loop3A_721 : vector<16xf32>
        %parallel_loop3A_729 = arith.mulf %parallel_loop3A_634, %parallel_loop3A_728 : vector<16xf32>
        %parallel_loop3A_730 = arith.addf %parallel_loop3A_721, %parallel_loop3A_729 : vector<16xf32>
        %parallel_loop3A_731 = arith.index_cast %parallel_loop3A_643 : i32 to index
        %parallel_loop3A_732 = arith.constant 64 : index
        %parallel_loop3A_733 = tpu.vector_load %arg8[%parallel_loop3A_731, %parallel_loop3A_732] {strides = array<i32>} : memref<256x256xf32, #tpu.memory_space<vmem>>, vector<16xf32>,
        tpu.vector_store %arg8[%parallel_loop3A_731, %parallel_loop3A_732], %parallel_loop3A_730 {strides = array<i32>} : memref<256x256xf32, #tpu.memory_space<vmem>>, vector<16xf32>,
        %parallel_loop3A_734 = arith.index_cast %parallel_loop3A_641 : i32 to index
        %parallel_loop3A_735 = arith.constant 80 : index
        %parallel_loop3A_736 = tpu.vector_load %arg8[%parallel_loop3A_734, %parallel_loop3A_735] {strides = array<i32>} : memref<256x256xf32, #tpu.memory_space<vmem>>, vector<16xf32>,
        %parallel_loop3A_737 = arith.index_cast %parallel_loop3A_643 : i32 to index
        %parallel_loop3A_738 = arith.constant 80 : index
        %parallel_loop3A_739 = tpu.vector_load %arg8[%parallel_loop3A_737, %parallel_loop3A_738] {strides = array<i32>} : memref<256x256xf32, #tpu.memory_space<vmem>>, vector<16xf32>,
        %parallel_loop3A_740 = arith.subf %get3A_466, %parallel_loop3A_736 : vector<16xf32>
        %parallel_loop3A_741 = arith.mulf %parallel_loop3A_628, %parallel_loop3A_740 : vector<16xf32>
        %parallel_loop3A_742 = arith.addf %parallel_loop3A_736, %parallel_loop3A_741 : vector<16xf32>
        %parallel_loop3A_743 = arith.index_cast %parallel_loop3A_641 : i32 to index
        %parallel_loop3A_744 = arith.constant 80 : index
        %parallel_loop3A_745 = tpu.vector_load %arg8[%parallel_loop3A_743, %parallel_loop3A_744] {strides = array<i32>} : memref<256x256xf32, #tpu.memory_space<vmem>>, vector<16xf32>,
        tpu.vector_store %arg8[%parallel_loop3A_743, %parallel_loop3A_744], %parallel_loop3A_742 {strides = array<i32>} : memref<256x256xf32, #tpu.memory_space<vmem>>, vector<16xf32>,
        %parallel_loop3A_746 = arith.subf %get3A_466, %parallel_loop3A_739 : vector<16xf32>
        %parallel_loop3A_747 = arith.mulf %parallel_loop3A_634, %parallel_loop3A_746 : vector<16xf32>
        %parallel_loop3A_748 = arith.addf %parallel_loop3A_739, %parallel_loop3A_747 : vector<16xf32>
        %parallel_loop3A_749 = arith.index_cast %parallel_loop3A_643 : i32 to index
        %parallel_loop3A_750 = arith.constant 80 : index
        %parallel_loop3A_751 = tpu.vector_load %arg8[%parallel_loop3A_749, %parallel_loop3A_750] {strides = array<i32>} : memref<256x256xf32, #tpu.memory_space<vmem>>, vector<16xf32>,
        tpu.vector_store %arg8[%parallel_loop3A_749, %parallel_loop3A_750], %parallel_loop3A_748 {strides = array<i32>} : memref<256x256xf32, #tpu.memory_space<vmem>>, vector<16xf32>,
        %parallel_loop3A_752 = arith.index_cast %parallel_loop3A_641 : i32 to index
        %parallel_loop3A_753 = arith.constant 96 : index
        %parallel_loop3A_754 = tpu.vector_load %arg8[%parallel_loop3A_752, %parallel_loop3A_753] {strides = array<i32>} : memref<256x256xf32, #tpu.memory_space<vmem>>, vector<16xf32>,
        %parallel_loop3A_755 = arith.index_cast %parallel_loop3A_643 : i32 to index
        %parallel_loop3A_756 = arith.constant 96 : index
        %parallel_loop3A_757 = tpu.vector_load %arg8[%parallel_loop3A_755, %parallel_loop3A_756] {strides = array<i32>} : memref<256x256xf32, #tpu.memory_space<vmem>>, vector<16xf32>,
        %parallel_loop3A_758 = arith.subf %get3A_468, %parallel_loop3A_754 : vector<16xf32>
        %parallel_loop3A_759 = arith.mulf %parallel_loop3A_628, %parallel_loop3A_758 : vector<16xf32>
        %parallel_loop3A_760 = arith.addf %parallel_loop3A_754, %parallel_loop3A_759 : vector<16xf32>
        %parallel_loop3A_761 = arith.index_cast %parallel_loop3A_641 : i32 to index
        %parallel_loop3A_762 = arith.constant 96 : index
        %parallel_loop3A_763 = tpu.vector_load %arg8[%parallel_loop3A_761, %parallel_loop3A_762] {strides = array<i32>} : memref<256x256xf32, #tpu.memory_space<vmem>>, vector<16xf32>,
        tpu.vector_store %arg8[%parallel_loop3A_761, %parallel_loop3A_762], %parallel_loop3A_760 {strides = array<i32>} : memref<256x256xf32, #tpu.memory_space<vmem>>, vector<16xf32>,
        %parallel_loop3A_764 = arith.subf %get3A_468, %parallel_loop3A_757 : vector<16xf32>
        %parallel_loop3A_765 = arith.mulf %parallel_loop3A_634, %parallel_loop3A_764 : vector<16xf32>
        %parallel_loop3A_766 = arith.addf %parallel_loop3A_757, %parallel_loop3A_765 : vector<16xf32>
        %parallel_loop3A_767 = arith.index_cast %parallel_loop3A_643 : i32 to index
        %parallel_loop3A_768 = arith.constant 96 : index
        %parallel_loop3A_769 = tpu.vector_load %arg8[%parallel_loop3A_767, %parallel_loop3A_768] {strides = array<i32>} : memref<256x256xf32, #tpu.memory_space<vmem>>, vector<16xf32>,
        tpu.vector_store %arg8[%parallel_loop3A_767, %parallel_loop3A_768], %parallel_loop3A_766 {strides = array<i32>} : memref<256x256xf32, #tpu.memory_space<vmem>>, vector<16xf32>,
        %parallel_loop3A_770 = arith.index_cast %parallel_loop3A_641 : i32 to index
        %parallel_loop3A_771 = arith.constant 112 : index
        %parallel_loop3A_772 = tpu.vector_load %arg8[%parallel_loop3A_770, %parallel_loop3A_771] {strides = array<i32>} : memref<256x256xf32, #tpu.memory_space<vmem>>, vector<16xf32>,
        %parallel_loop3A_773 = arith.index_cast %parallel_loop3A_643 : i32 to index
        %parallel_loop3A_774 = arith.constant 112 : index
        %parallel_loop3A_775 = tpu.vector_load %arg8[%parallel_loop3A_773, %parallel_loop3A_774] {strides = array<i32>} : memref<256x256xf32, #tpu.memory_space<vmem>>, vector<16xf32>,
        %parallel_loop3A_776 = arith.subf %get3A_470, %parallel_loop3A_772 : vector<16xf32>
        %parallel_loop3A_777 = arith.mulf %parallel_loop3A_628, %parallel_loop3A_776 : vector<16xf32>
        %parallel_loop3A_778 = arith.addf %parallel_loop3A_772, %parallel_loop3A_777 : vector<16xf32>
        %parallel_loop3A_779 = arith.index_cast %parallel_loop3A_641 : i32 to index
        %parallel_loop3A_780 = arith.constant 112 : index
        %parallel_loop3A_781 = tpu.vector_load %arg8[%parallel_loop3A_779, %parallel_loop3A_780] {strides = array<i32>} : memref<256x256xf32, #tpu.memory_space<vmem>>, vector<16xf32>,
        tpu.vector_store %arg8[%parallel_loop3A_779, %parallel_loop3A_780], %parallel_loop3A_778 {strides = array<i32>} : memref<256x256xf32, #tpu.memory_space<vmem>>, vector<16xf32>,
        %parallel_loop3A_782 = arith.subf %get3A_470, %parallel_loop3A_775 : vector<16xf32>
        %parallel_loop3A_783 = arith.mulf %parallel_loop3A_634, %parallel_loop3A_782 : vector<16xf32>
        %parallel_loop3A_784 = arith.addf %parallel_loop3A_775, %parallel_loop3A_783 : vector<16xf32>
        %parallel_loop3A_785 = arith.index_cast %parallel_loop3A_643 : i32 to index
        %parallel_loop3A_786 = arith.constant 112 : index
        %parallel_loop3A_787 = tpu.vector_load %arg8[%parallel_loop3A_785, %parallel_loop3A_786] {strides = array<i32>} : memref<256x256xf32, #tpu.memory_space<vmem>>, vector<16xf32>,
        tpu.vector_store %arg8[%parallel_loop3A_785, %parallel_loop3A_786], %parallel_loop3A_784 {strides = array<i32>} : memref<256x256xf32, #tpu.memory_space<vmem>>, vector<16xf32>,
        %parallel_loop3A_788 = arith.index_cast %parallel_loop3A_641 : i32 to index
        %parallel_loop3A_789 = arith.constant 128 : index
        %parallel_loop3A_790 = tpu.vector_load %arg8[%parallel_loop3A_788, %parallel_loop3A_789] {strides = array<i32>} : memref<256x256xf32, #tpu.memory_space<vmem>>, vector<16xf32>,
        %parallel_loop3A_791 = arith.index_cast %parallel_loop3A_643 : i32 to index
        %parallel_loop3A_792 = arith.constant 128 : index
        %parallel_loop3A_793 = tpu.vector_load %arg8[%parallel_loop3A_791, %parallel_loop3A_792] {strides = array<i32>} : memref<256x256xf32, #tpu.memory_space<vmem>>, vector<16xf32>,
        %parallel_loop3A_794 = arith.subf %get3A_472, %parallel_loop3A_790 : vector<16xf32>
        %parallel_loop3A_795 = arith.mulf %parallel_loop3A_628, %parallel_loop3A_794 : vector<16xf32>
        %parallel_loop3A_796 = arith.addf %parallel_loop3A_790, %parallel_loop3A_795 : vector<16xf32>
        %parallel_loop3A_797 = arith.index_cast %parallel_loop3A_641 : i32 to index
        %parallel_loop3A_798 = arith.constant 128 : index
        %parallel_loop3A_799 = tpu.vector_load %arg8[%parallel_loop3A_797, %parallel_loop3A_798] {strides = array<i32>} : memref<256x256xf32, #tpu.memory_space<vmem>>, vector<16xf32>,
        tpu.vector_store %arg8[%parallel_loop3A_797, %parallel_loop3A_798], %parallel_loop3A_796 {strides = array<i32>} : memref<256x256xf32, #tpu.memory_space<vmem>>, vector<16xf32>,
        %parallel_loop3A_800 = arith.subf %get3A_472, %parallel_loop3A_793 : vector<16xf32>
        %parallel_loop3A_801 = arith.mulf %parallel_loop3A_634, %parallel_loop3A_800 : vector<16xf32>
        %parallel_loop3A_802 = arith.addf %parallel_loop3A_793, %parallel_loop3A_801 : vector<16xf32>
        %parallel_loop3A_803 = arith.index_cast %parallel_loop3A_643 : i32 to index
        %parallel_loop3A_804 = arith.constant 128 : index
        %parallel_loop3A_805 = tpu.vector_load %arg8[%parallel_loop3A_803, %parallel_loop3A_804] {strides = array<i32>} : memref<256x256xf32, #tpu.memory_space<vmem>>, vector<16xf32>,
        tpu.vector_store %arg8[%parallel_loop3A_803, %parallel_loop3A_804], %parallel_loop3A_802 {strides = array<i32>} : memref<256x256xf32, #tpu.memory_space<vmem>>, vector<16xf32>,
        %parallel_loop3A_806 = arith.index_cast %parallel_loop3A_641 : i32 to index
        %parallel_loop3A_807 = arith.constant 144 : index
        %parallel_loop3A_808 = tpu.vector_load %arg8[%parallel_loop3A_806, %parallel_loop3A_807] {strides = array<i32>} : memref<256x256xf32, #tpu.memory_space<vmem>>, vector<16xf32>,
        %parallel_loop3A_809 = arith.index_cast %parallel_loop3A_643 : i32 to index
        %parallel_loop3A_810 = arith.constant 144 : index
        %parallel_loop3A_811 = tpu.vector_load %arg8[%parallel_loop3A_809, %parallel_loop3A_810] {strides = array<i32>} : memref<256x256xf32, #tpu.memory_space<vmem>>, vector<16xf32>,
        %parallel_loop3A_812 = arith.subf %get3A_474, %parallel_loop3A_808 : vector<16xf32>
        %parallel_loop3A_813 = arith.mulf %parallel_loop3A_628, %parallel_loop3A_812 : vector<16xf32>
        %parallel_loop3A_814 = arith.addf %parallel_loop3A_808, %parallel_loop3A_813 : vector<16xf32>
        %parallel_loop3A_815 = arith.index_cast %parallel_loop3A_641 : i32 to index
        %parallel_loop3A_816 = arith.constant 144 : index
        %parallel_loop3A_817 = tpu.vector_load %arg8[%parallel_loop3A_815, %parallel_loop3A_816] {strides = array<i32>} : memref<256x256xf32, #tpu.memory_space<vmem>>, vector<16xf32>,
        tpu.vector_store %arg8[%parallel_loop3A_815, %parallel_loop3A_816], %parallel_loop3A_814 {strides = array<i32>} : memref<256x256xf32, #tpu.memory_space<vmem>>, vector<16xf32>,
        %parallel_loop3A_818 = arith.subf %get3A_474, %parallel_loop3A_811 : vector<16xf32>
        %parallel_loop3A_819 = arith.mulf %parallel_loop3A_634, %parallel_loop3A_818 : vector<16xf32>
        %parallel_loop3A_820 = arith.addf %parallel_loop3A_811, %parallel_loop3A_819 : vector<16xf32>
        %parallel_loop3A_821 = arith.index_cast %parallel_loop3A_643 : i32 to index
        %parallel_loop3A_822 = arith.constant 144 : index
        %parallel_loop3A_823 = tpu.vector_load %arg8[%parallel_loop3A_821, %parallel_loop3A_822] {strides = array<i32>} : memref<256x256xf32, #tpu.memory_space<vmem>>, vector<16xf32>,
        tpu.vector_store %arg8[%parallel_loop3A_821, %parallel_loop3A_822], %parallel_loop3A_820 {strides = array<i32>} : memref<256x256xf32, #tpu.memory_space<vmem>>, vector<16xf32>,
        %parallel_loop3A_824 = arith.index_cast %parallel_loop3A_641 : i32 to index
        %parallel_loop3A_825 = arith.constant 160 : index
        %parallel_loop3A_826 = tpu.vector_load %arg8[%parallel_loop3A_824, %parallel_loop3A_825] {strides = array<i32>} : memref<256x256xf32, #tpu.memory_space<vmem>>, vector<16xf32>,
        %parallel_loop3A_827 = arith.index_cast %parallel_loop3A_643 : i32 to index
        %parallel_loop3A_828 = arith.constant 160 : index
        %parallel_loop3A_829 = tpu.vector_load %arg8[%parallel_loop3A_827, %parallel_loop3A_828] {strides = array<i32>} : memref<256x256xf32, #tpu.memory_space<vmem>>, vector<16xf32>,
        %parallel_loop3A_830 = arith.subf %get3A_476, %parallel_loop3A_826 : vector<16xf32>
        %parallel_loop3A_831 = arith.mulf %parallel_loop3A_628, %parallel_loop3A_830 : vector<16xf32>
        %parallel_loop3A_832 = arith.addf %parallel_loop3A_826, %parallel_loop3A_831 : vector<16xf32>
        %parallel_loop3A_833 = arith.index_cast %parallel_loop3A_641 : i32 to index
        %parallel_loop3A_834 = arith.constant 160 : index
        %parallel_loop3A_835 = tpu.vector_load %arg8[%parallel_loop3A_833, %parallel_loop3A_834] {strides = array<i32>} : memref<256x256xf32, #tpu.memory_space<vmem>>, vector<16xf32>,
        tpu.vector_store %arg8[%parallel_loop3A_833, %parallel_loop3A_834], %parallel_loop3A_832 {strides = array<i32>} : memref<256x256xf32, #tpu.memory_space<vmem>>, vector<16xf32>,
        %parallel_loop3A_836 = arith.subf %get3A_476, %parallel_loop3A_829 : vector<16xf32>
        %parallel_loop3A_837 = arith.mulf %parallel_loop3A_634, %parallel_loop3A_836 : vector<16xf32>
        %parallel_loop3A_838 = arith.addf %parallel_loop3A_829, %parallel_loop3A_837 : vector<16xf32>
        %parallel_loop3A_839 = arith.index_cast %parallel_loop3A_643 : i32 to index
        %parallel_loop3A_840 = arith.constant 160 : index
        %parallel_loop3A_841 = tpu.vector_load %arg8[%parallel_loop3A_839, %parallel_loop3A_840] {strides = array<i32>} : memref<256x256xf32, #tpu.memory_space<vmem>>, vector<16xf32>,
        tpu.vector_store %arg8[%parallel_loop3A_839, %parallel_loop3A_840], %parallel_loop3A_838 {strides = array<i32>} : memref<256x256xf32, #tpu.memory_space<vmem>>, vector<16xf32>,
        %parallel_loop3A_842 = arith.index_cast %parallel_loop3A_641 : i32 to index
        %parallel_loop3A_843 = arith.constant 176 : index
        %parallel_loop3A_844 = tpu.vector_load %arg8[%parallel_loop3A_842, %parallel_loop3A_843] {strides = array<i32>} : memref<256x256xf32, #tpu.memory_space<vmem>>, vector<16xf32>,
        %parallel_loop3A_845 = arith.index_cast %parallel_loop3A_643 : i32 to index
        %parallel_loop3A_846 = arith.constant 176 : index
        %parallel_loop3A_847 = tpu.vector_load %arg8[%parallel_loop3A_845, %parallel_loop3A_846] {strides = array<i32>} : memref<256x256xf32, #tpu.memory_space<vmem>>, vector<16xf32>,
        %parallel_loop3A_848 = arith.subf %get3A_478, %parallel_loop3A_844 : vector<16xf32>
        %parallel_loop3A_849 = arith.mulf %parallel_loop3A_628, %parallel_loop3A_848 : vector<16xf32>
        %parallel_loop3A_850 = arith.addf %parallel_loop3A_844, %parallel_loop3A_849 : vector<16xf32>
        %parallel_loop3A_851 = arith.index_cast %parallel_loop3A_641 : i32 to index
        %parallel_loop3A_852 = arith.constant 176 : index
        %parallel_loop3A_853 = tpu.vector_load %arg8[%parallel_loop3A_851, %parallel_loop3A_852] {strides = array<i32>} : memref<256x256xf32, #tpu.memory_space<vmem>>, vector<16xf32>,
        tpu.vector_store %arg8[%parallel_loop3A_851, %parallel_loop3A_852], %parallel_loop3A_850 {strides = array<i32>} : memref<256x256xf32, #tpu.memory_space<vmem>>, vector<16xf32>,
        %parallel_loop3A_854 = arith.subf %get3A_478, %parallel_loop3A_847 : vector<16xf32>
        %parallel_loop3A_855 = arith.mulf %parallel_loop3A_634, %parallel_loop3A_854 : vector<16xf32>
        %parallel_loop3A_856 = arith.addf %parallel_loop3A_847, %parallel_loop3A_855 : vector<16xf32>
        %parallel_loop3A_857 = arith.index_cast %parallel_loop3A_643 : i32 to index
        %parallel_loop3A_858 = arith.constant 176 : index
        %parallel_loop3A_859 = tpu.vector_load %arg8[%parallel_loop3A_857, %parallel_loop3A_858] {strides = array<i32>} : memref<256x256xf32, #tpu.memory_space<vmem>>, vector<16xf32>,
        tpu.vector_store %arg8[%parallel_loop3A_857, %parallel_loop3A_858], %parallel_loop3A_856 {strides = array<i32>} : memref<256x256xf32, #tpu.memory_space<vmem>>, vector<16xf32>,
        %parallel_loop3A_860 = arith.index_cast %parallel_loop3A_641 : i32 to index
        %parallel_loop3A_861 = arith.constant 192 : index
        %parallel_loop3A_862 = tpu.vector_load %arg8[%parallel_loop3A_860, %parallel_loop3A_861] {strides = array<i32>} : memref<256x256xf32, #tpu.memory_space<vmem>>, vector<16xf32>,
        %parallel_loop3A_863 = arith.index_cast %parallel_loop3A_643 : i32 to index
        %parallel_loop3A_864 = arith.constant 192 : index
        %parallel_loop3A_865 = tpu.vector_load %arg8[%parallel_loop3A_863, %parallel_loop3A_864] {strides = array<i32>} : memref<256x256xf32, #tpu.memory_space<vmem>>, vector<16xf32>,
        %parallel_loop3A_866 = arith.subf %get3A_480, %parallel_loop3A_862 : vector<16xf32>
        %parallel_loop3A_867 = arith.mulf %parallel_loop3A_628, %parallel_loop3A_866 : vector<16xf32>
        %parallel_loop3A_868 = arith.addf %parallel_loop3A_862, %parallel_loop3A_867 : vector<16xf32>
        %parallel_loop3A_869 = arith.index_cast %parallel_loop3A_641 : i32 to index
        %parallel_loop3A_870 = arith.constant 192 : index
        %parallel_loop3A_871 = tpu.vector_load %arg8[%parallel_loop3A_869, %parallel_loop3A_870] {strides = array<i32>} : memref<256x256xf32, #tpu.memory_space<vmem>>, vector<16xf32>,
        tpu.vector_store %arg8[%parallel_loop3A_869, %parallel_loop3A_870], %parallel_loop3A_868 {strides = array<i32>} : memref<256x256xf32, #tpu.memory_space<vmem>>, vector<16xf32>,
        %parallel_loop3A_872 = arith.subf %get3A_480, %parallel_loop3A_865 : vector<16xf32>
        %parallel_loop3A_873 = arith.mulf %parallel_loop3A_634, %parallel_loop3A_872 : vector<16xf32>
        %parallel_loop3A_874 = arith.addf %parallel_loop3A_865, %parallel_loop3A_873 : vector<16xf32>
        %parallel_loop3A_875 = arith.index_cast %parallel_loop3A_643 : i32 to index
        %parallel_loop3A_876 = arith.constant 192 : index
        %parallel_loop3A_877 = tpu.vector_load %arg8[%parallel_loop3A_875, %parallel_loop3A_876] {strides = array<i32>} : memref<256x256xf32, #tpu.memory_space<vmem>>, vector<16xf32>,
        tpu.vector_store %arg8[%parallel_loop3A_875, %parallel_loop3A_876], %parallel_loop3A_874 {strides = array<i32>} : memref<256x256xf32, #tpu.memory_space<vmem>>, vector<16xf32>,
        %parallel_loop3A_878 = arith.index_cast %parallel_loop3A_641 : i32 to index
        %parallel_loop3A_879 = arith.constant 208 : index
        %parallel_loop3A_880 = tpu.vector_load %arg8[%parallel_loop3A_878, %parallel_loop3A_879] {strides = array<i32>} : memref<256x256xf32, #tpu.memory_space<vmem>>, vector<16xf32>,
        %parallel_loop3A_881 = arith.index_cast %parallel_loop3A_643 : i32 to index
        %parallel_loop3A_882 = arith.constant 208 : index
        %parallel_loop3A_883 = tpu.vector_load %arg8[%parallel_loop3A_881, %parallel_loop3A_882] {strides = array<i32>} : memref<256x256xf32, #tpu.memory_space<vmem>>, vector<16xf32>,
        %parallel_loop3A_884 = arith.subf %get3A_482, %parallel_loop3A_880 : vector<16xf32>
        %parallel_loop3A_885 = arith.mulf %parallel_loop3A_628, %parallel_loop3A_884 : vector<16xf32>
        %parallel_loop3A_886 = arith.addf %parallel_loop3A_880, %parallel_loop3A_885 : vector<16xf32>
        %parallel_loop3A_887 = arith.index_cast %parallel_loop3A_641 : i32 to index
        %parallel_loop3A_888 = arith.constant 208 : index
        %parallel_loop3A_889 = tpu.vector_load %arg8[%parallel_loop3A_887, %parallel_loop3A_888] {strides = array<i32>} : memref<256x256xf32, #tpu.memory_space<vmem>>, vector<16xf32>,
        tpu.vector_store %arg8[%parallel_loop3A_887, %parallel_loop3A_888], %parallel_loop3A_886 {strides = array<i32>} : memref<256x256xf32, #tpu.memory_space<vmem>>, vector<16xf32>,
        %parallel_loop3A_890 = arith.subf %get3A_482, %parallel_loop3A_883 : vector<16xf32>
        %parallel_loop3A_891 = arith.mulf %parallel_loop3A_634, %parallel_loop3A_890 : vector<16xf32>
        %parallel_loop3A_892 = arith.addf %parallel_loop3A_883, %parallel_loop3A_891 : vector<16xf32>
        %parallel_loop3A_893 = arith.index_cast %parallel_loop3A_643 : i32 to index
        %parallel_loop3A_894 = arith.constant 208 : index
        %parallel_loop3A_895 = tpu.vector_load %arg8[%parallel_loop3A_893, %parallel_loop3A_894] {strides = array<i32>} : memref<256x256xf32, #tpu.memory_space<vmem>>, vector<16xf32>,
        tpu.vector_store %arg8[%parallel_loop3A_893, %parallel_loop3A_894], %parallel_loop3A_892 {strides = array<i32>} : memref<256x256xf32, #tpu.memory_space<vmem>>, vector<16xf32>,
        %parallel_loop3A_896 = arith.index_cast %parallel_loop3A_641 : i32 to index
        %parallel_loop3A_897 = arith.constant 224 : index
        %parallel_loop3A_898 = tpu.vector_load %arg8[%parallel_loop3A_896, %parallel_loop3A_897] {strides = array<i32>} : memref<256x256xf32, #tpu.memory_space<vmem>>, vector<16xf32>,
        %parallel_loop3A_899 = arith.index_cast %parallel_loop3A_643 : i32 to index
        %parallel_loop3A_900 = arith.constant 224 : index
        %parallel_loop3A_901 = tpu.vector_load %arg8[%parallel_loop3A_899, %parallel_loop3A_900] {strides = array<i32>} : memref<256x256xf32, #tpu.memory_space<vmem>>, vector<16xf32>,
        %parallel_loop3A_902 = arith.subf %get3A_484, %parallel_loop3A_898 : vector<16xf32>
        %parallel_loop3A_903 = arith.mulf %parallel_loop3A_628, %parallel_loop3A_902 : vector<16xf32>
        %parallel_loop3A_904 = arith.addf %parallel_loop3A_898, %parallel_loop3A_903 : vector<16xf32>
        %parallel_loop3A_905 = arith.index_cast %parallel_loop3A_641 : i32 to index
        %parallel_loop3A_906 = arith.constant 224 : index
        %parallel_loop3A_907 = tpu.vector_load %arg8[%parallel_loop3A_905, %parallel_loop3A_906] {strides = array<i32>} : memref<256x256xf32, #tpu.memory_space<vmem>>, vector<16xf32>,
        tpu.vector_store %arg8[%parallel_loop3A_905, %parallel_loop3A_906], %parallel_loop3A_904 {strides = array<i32>} : memref<256x256xf32, #tpu.memory_space<vmem>>, vector<16xf32>,
        %parallel_loop3A_908 = arith.subf %get3A_484, %parallel_loop3A_901 : vector<16xf32>
        %parallel_loop3A_909 = arith.mulf %parallel_loop3A_634, %parallel_loop3A_908 : vector<16xf32>
        %parallel_loop3A_910 = arith.addf %parallel_loop3A_901, %parallel_loop3A_909 : vector<16xf32>
        %parallel_loop3A_911 = arith.index_cast %parallel_loop3A_643 : i32 to index
        %parallel_loop3A_912 = arith.constant 224 : index
        %parallel_loop3A_913 = tpu.vector_load %arg8[%parallel_loop3A_911, %parallel_loop3A_912] {strides = array<i32>} : memref<256x256xf32, #tpu.memory_space<vmem>>, vector<16xf32>,
        tpu.vector_store %arg8[%parallel_loop3A_911, %parallel_loop3A_912], %parallel_loop3A_910 {strides = array<i32>} : memref<256x256xf32, #tpu.memory_space<vmem>>, vector<16xf32>,
        %parallel_loop3A_914 = arith.index_cast %parallel_loop3A_641 : i32 to index
        %parallel_loop3A_915 = arith.constant 240 : index
        %parallel_loop3A_916 = tpu.vector_load %arg8[%parallel_loop3A_914, %parallel_loop3A_915] {strides = array<i32>} : memref<256x256xf32, #tpu.memory_space<vmem>>, vector<16xf32>,
        %parallel_loop3A_917 = arith.index_cast %parallel_loop3A_643 : i32 to index
        %parallel_loop3A_918 = arith.constant 240 : index
        %parallel_loop3A_919 = tpu.vector_load %arg8[%parallel_loop3A_917, %parallel_loop3A_918] {strides = array<i32>} : memref<256x256xf32, #tpu.memory_space<vmem>>, vector<16xf32>,
        %parallel_loop3A_920 = arith.subf %get3A_486, %parallel_loop3A_916 : vector<16xf32>
        %parallel_loop3A_921 = arith.mulf %parallel_loop3A_628, %parallel_loop3A_920 : vector<16xf32>
        %parallel_loop3A_922 = arith.addf %parallel_loop3A_916, %parallel_loop3A_921 : vector<16xf32>
        %parallel_loop3A_923 = arith.index_cast %parallel_loop3A_641 : i32 to index
        %parallel_loop3A_924 = arith.constant 240 : index
        %parallel_loop3A_925 = tpu.vector_load %arg8[%parallel_loop3A_923, %parallel_loop3A_924] {strides = array<i32>} : memref<256x256xf32, #tpu.memory_space<vmem>>, vector<16xf32>,
        tpu.vector_store %arg8[%parallel_loop3A_923, %parallel_loop3A_924], %parallel_loop3A_922 {strides = array<i32>} : memref<256x256xf32, #tpu.memory_space<vmem>>, vector<16xf32>,
        %parallel_loop3A_926 = arith.subf %get3A_486, %parallel_loop3A_919 : vector<16xf32>
        %parallel_loop3A_927 = arith.mulf %parallel_loop3A_634, %parallel_loop3A_926 : vector<16xf32>
        %parallel_loop3A_928 = arith.addf %parallel_loop3A_919, %parallel_loop3A_927 : vector<16xf32>
        %parallel_loop3A_929 = arith.index_cast %parallel_loop3A_643 : i32 to index
        %parallel_loop3A_930 = arith.constant 240 : index
        %parallel_loop3A_931 = tpu.vector_load %arg8[%parallel_loop3A_929, %parallel_loop3A_930] {strides = array<i32>} : memref<256x256xf32, #tpu.memory_space<vmem>>, vector<16xf32>,
        tpu.vector_store %arg8[%parallel_loop3A_929, %parallel_loop3A_930], %parallel_loop3A_928 {strides = array<i32>} : memref<256x256xf32, #tpu.memory_space<vmem>>, vector<16xf32>,
      } {sc.loop_unroll_factor = 1 : i64, sc.parallel_access}
      %scan3A_623 = arith.constant 0 : i32
      scf.yield %scan3A_623 : i32
    }
    %scan3A_494 = arith.constant 8 : i32
    %dma_start3A_495 = arith.constant 0 : i32
    %dma_start3A_496 = arith.constant 0 : i32
    %dma_start3A_497 = tpu.memref_slice %arg8[%dma_start3A_495, %dma_start3A_496] : memref<256x256xf32, #tpu.memory_space<vmem>> -> memref<128x256xf32, #tpu.memory_space<vmem>>
    %dma_start3A_498 = arith.constant 0 : i32
    %dma_start3A_499 = tpu.memref_slice %arg5[%mul3A_6, %dma_start3A_498] : memref<8192x256xf32, #tpu.memory_space<hbm>> -> memref<128x256xf32, #tpu.memory_space<hbm>>
    %dma_start3A_500 = arith.constant 0 : i32
    %dma_start3A_501 = tpu.memref_slice %arg5[%mul3A_6, %dma_start3A_500] : memref<8192x256xf32, #tpu.memory_space<hbm>> -> memref<128x256xf32, #tpu.memory_space<hbm>>
    %dma_start3A_502 = arith.constant 0 : i32
    %dma_start3A_503 = arith.constant 0 : i32
    %dma_start3A_504 = tpu.memref_slice %arg8[%dma_start3A_502, %dma_start3A_503] : memref<256x256xf32, #tpu.memory_space<vmem>> -> memref<128x256xf32, #tpu.memory_space<vmem>>
    tpu.enqueue_dma source(%dma_start3A_504 : memref<128x256xf32, #tpu.memory_space<vmem>>) target(%dma_start3A_501 : memref<128x256xf32, #tpu.memory_space<hbm>>) target_semaphore(%arg19 : memref<!tpu.dma_semaphore, #tpu.memory_space<semaphore_mem>>)
    %scan3A_505 = arith.constant -2.44140625E-4 : f32
    %scan3A_506 = arith.constant 0 : i32
    %scan3A_507 = arith.constant 0 : i32
    %scan3A_508 = arith.constant 8 : i32
    %scan3A_509 = arith.addi %scan3A_507, %scan3A_508 : i32
    %scan3A_510 = arith.constant 1 : i32
    %scan3A_511 = scf.for %scan3A_545 = %scan3A_507 to %scan3A_509 step %scan3A_510 iter_args(%scan3A_546 = %scan3A_506) -> (i32)  : i32 {
      %add3A_547 = arith.constant 128 : i32
      %add3A_548 = arith.addi %mul3A_6, %add3A_547 : i32
      %mul3A_549 = arith.constant 16 : i32
      %mul3A_550 = arith.muli %scan3A_545, %mul3A_549 : i32
      %add3A_551 = arith.addi %add3A_548, %mul3A_550 : i32
      %add3A_552 = vector.broadcast %add3A_551 : i32 to vector<16xi32>
      %add3A_553 = arith.addi %add3A_552, %iota3A : vector<16xi32>
      %jit3A_554 = arith.constant 128 : i32
      %eq3A_555 = arith.constant 0 : i32
      %eq3A_556 = arith.cmpi eq, %jit3A_554, %eq3A_555 : i32
      %jit3A_557 = arith.constant 1 : i32
      %select_n3A_558 = arith.select %eq3A_556, %jit3A_557, %jit3A_554 : i32
      %rem3A_559 = vector.broadcast %select_n3A_558 : i32 to vector<16xi32>
      %rem3A_560 = arith.remsi %add3A_553, %rem3A_559 : vector<16xi32>
      %ne3A_561 = arith.constant 0 : i32
      %ne3A_562 = vector.broadcast %ne3A_561 : i32 to vector<16xi32>
      %ne3A_563 = arith.cmpi ne, %rem3A_560, %ne3A_562 : vector<16xi32>
      %lt3A_564 = arith.constant 0 : i32
      %lt3A_565 = vector.broadcast %lt3A_564 : i32 to vector<16xi32>
      %lt3A_566 = arith.cmpi slt, %rem3A_560, %lt3A_565 : vector<16xi32>
      %lt3A_567 = arith.constant 0 : i32
      %lt3A_568 = arith.cmpi slt, %select_n3A_558, %lt3A_567 : i32
      %ne3A_569 = vector.broadcast %lt3A_568 : i1 to vector<16xi1>
      %ne3A_570 = vector.broadcast %ne3A_569 : vector<16xi1> to vector<16xi1>
      %ne3A_571 = arith.xori %lt3A_566, %ne3A_570 : vector<16xi1>
      %and3A_572 = arith.andi %ne3A_571, %ne3A_563 : vector<16xi1>
      %add3A_573 = vector.broadcast %select_n3A_558 : i32 to vector<16xi32>
      %add3A_574 = arith.addi %rem3A_560, %add3A_573 : vector<16xi32>
      %select_n3A_575 = arith.select %and3A_572, %add3A_574, %rem3A_560 : vector<16xi1>, vector<16xi32>
      %sub3A_576 = arith.subi %select_n3A_575, %select_n3A_425 : vector<16xi32>
      %convert_element_type3A = arith.sitofp %sub3A_576 : vector<16xi32> to vector<16xf32>
      %jit3A_577 = arith.constant 128 : i32
      %div3A_578 = vector.broadcast %jit3A_577 : i32 to vector<16xi32>
      %div3A_579 = arith.divsi %add3A_553, %div3A_578 : vector<16xi32>
      %sign3A_580 = arith.constant 0 : i32
      %sign3A_581 = vector.broadcast %sign3A_580 : i32 to vector<16xi32>
      %sign3A_582 = arith.cmpi sgt, %add3A_553, %sign3A_581 : vector<16xi32>
      %sign3A_583 = arith.extui %sign3A_582 : vector<16xi1> to vector<16xi32>
      %sign3A_584 = arith.constant 0 : i32
      %sign3A_585 = vector.broadcast %sign3A_584 : i32 to vector<16xi32>
      %sign3A_586 = arith.cmpi slt, %add3A_553, %sign3A_585 : vector<16xi32>
      %sign3A_587 = arith.extui %sign3A_586 : vector<16xi1> to vector<16xi32>
      %sign3A_588 = arith.subi %sign3A_583, %sign3A_587 : vector<16xi32>
      %sign3A_589 = arith.constant 0 : i32
      %sign3A_590 = arith.cmpi sgt, %jit3A_577, %sign3A_589 : i32
      %sign3A_591 = arith.extui %sign3A_590 : i1 to i32
      %sign3A_592 = arith.constant 0 : i32
      %sign3A_593 = arith.cmpi slt, %jit3A_577, %sign3A_592 : i32
      %sign3A_594 = arith.extui %sign3A_593 : i1 to i32
      %sign3A_595 = arith.subi %sign3A_591, %sign3A_594 : i32
      %ne3A_596 = vector.broadcast %sign3A_595 : i32 to vector<16xi32>
      %ne3A_597 = arith.cmpi ne, %sign3A_588, %ne3A_596 : vector<16xi32>
      %rem3A_598 = vector.broadcast %jit3A_577 : i32 to vector<16xi32>
      %rem3A_599 = arith.remsi %add3A_553, %rem3A_598 : vector<16xi32>
      %ne3A_600 = arith.constant 0 : i32
      %ne3A_601 = vector.broadcast %ne3A_600 : i32 to vector<16xi32>
      %ne3A_602 = arith.cmpi ne, %rem3A_599, %ne3A_601 : vector<16xi32>
      %and3A_603 = arith.andi %ne3A_597, %ne3A_602 : vector<16xi1>
      %sub3A_604 = arith.constant 1 : i32
      %sub3A_605 = vector.broadcast %sub3A_604 : i32 to vector<16xi32>
      %sub3A_606 = arith.subi %div3A_579, %sub3A_605 : vector<16xi32>
      %select_n3A_607 = arith.select %and3A_603, %sub3A_606, %div3A_579 : vector<16xi1>, vector<16xi32>
      %sub3A_608 = arith.subi %select_n3A_607, %select_n3A_454 : vector<16xi32>
      %convert_element_type3A_609 = arith.sitofp %sub3A_608 : vector<16xi32> to vector<16xf32>
      %mul3A_610 = arith.mulf %convert_element_type3A, %convert_element_type3A : vector<16xf32>
      %mul3A_611 = arith.mulf %convert_element_type3A_609, %convert_element_type3A_609 : vector<16xf32>
      %add3A_612 = arith.addf %mul3A_610, %mul3A_611 : vector<16xf32>
      %mul3A_613 = vector.broadcast %scan3A_505 : f32 to vector<16xf32>
      %mul3A_614 = arith.mulf %add3A_612, %mul3A_613 : vector<16xf32>
      %exp3A = math.exp %mul3A_614 : vector<16xf32>
      %mul3A_615 = arith.constant 3.000000e-01 : f32
      %mul3A_616 = vector.broadcast %mul3A_615 : f32 to vector<16xf32>
      %mul3A_617 = arith.mulf %mul3A_616, %exp3A : vector<16xf32>
      %swap3A_618 = arith.constant 0 : index
      %swap3A_619 = tpu.vector_load %arg16[%swap3A_618] {strides = array<i32>} : memref<32xf32, #tpu.memory_space<vmem>>, vector<16xf32>,
      tpu.vector_store %arg16[%swap3A_618], %mul3A_617 {strides = array<i32>} : memref<32xf32, #tpu.memory_space<vmem>>, vector<16xf32>,
      %parallel_loop3A_620 = arith.constant 0 : i32
      %parallel_loop3A_621 = arith.constant 8 : i32
      %parallel_loop3A_622 = arith.constant 1 : i32
      scf.for %parallel_loop3A_624 = %parallel_loop3A_620 to %parallel_loop3A_621 step %parallel_loop3A_622  : i32 {
        %parallel_loop3A_625 = arith.constant 2 : i32
        %parallel_loop3A_626 = arith.muli %parallel_loop3A_625, %parallel_loop3A_624 : i32
        %parallel_loop3A_627 = vector.broadcast %parallel_loop3A_626 : i32 to vector<16xi32>
        %parallel_loop3A_628 = tpu.vector_load_idx %arg16[%parallel_loop3A_627] : memref<32xf32, #tpu.memory_space<vmem>>[vector<16xi32>], vector<16xf32>,
        %parallel_loop3A_629 = arith.constant 2 : i32
        %parallel_loop3A_630 = arith.muli %parallel_loop3A_629, %parallel_loop3A_624 : i32
        %parallel_loop3A_631 = arith.constant 1 : i32
        %parallel_loop3A_632 = arith.addi %parallel_loop3A_630, %parallel_loop3A_631 : i32
        %parallel_loop3A_633 = vector.broadcast %parallel_loop3A_632 : i32 to vector<16xi32>
        %parallel_loop3A_634 = tpu.vector_load_idx %arg16[%parallel_loop3A_633] : memref<32xf32, #tpu.memory_space<vmem>>[vector<16xi32>], vector<16xf32>,
        %parallel_loop3A_635 = arith.constant 16 : i32
        %parallel_loop3A_636 = arith.muli %scan3A_545, %parallel_loop3A_635 : i32
        %parallel_loop3A_637 = arith.constant 128 : i32
        %parallel_loop3A_638 = arith.addi %parallel_loop3A_637, %parallel_loop3A_636 : i32
        %parallel_loop3A_639 = arith.constant 2 : i32
        %parallel_loop3A_640 = arith.muli %parallel_loop3A_639, %parallel_loop3A_624 : i32
        %parallel_loop3A_641 = arith.addi %parallel_loop3A_638, %parallel_loop3A_640 : i32
        %parallel_loop3A_642 = arith.constant 1 : i32
        %parallel_loop3A_643 = arith.addi %parallel_loop3A_641, %parallel_loop3A_642 : i32
        %parallel_loop3A_644 = arith.index_cast %parallel_loop3A_641 : i32 to index
        %parallel_loop3A_645 = arith.constant 0 : index
        %parallel_loop3A_646 = tpu.vector_load %arg8[%parallel_loop3A_644, %parallel_loop3A_645] {strides = array<i32>} : memref<256x256xf32, #tpu.memory_space<vmem>>, vector<16xf32>,
        %parallel_loop3A_647 = arith.index_cast %parallel_loop3A_643 : i32 to index
        %parallel_loop3A_648 = arith.constant 0 : index
        %parallel_loop3A_649 = tpu.vector_load %arg8[%parallel_loop3A_647, %parallel_loop3A_648] {strides = array<i32>} : memref<256x256xf32, #tpu.memory_space<vmem>>, vector<16xf32>,
        %parallel_loop3A_650 = arith.subf %get3A_456, %parallel_loop3A_646 : vector<16xf32>
        %parallel_loop3A_651 = arith.mulf %parallel_loop3A_628, %parallel_loop3A_650 : vector<16xf32>
        %parallel_loop3A_652 = arith.addf %parallel_loop3A_646, %parallel_loop3A_651 : vector<16xf32>
        %parallel_loop3A_653 = arith.index_cast %parallel_loop3A_641 : i32 to index
        %parallel_loop3A_654 = arith.constant 0 : index
        %parallel_loop3A_655 = tpu.vector_load %arg8[%parallel_loop3A_653, %parallel_loop3A_654] {strides = array<i32>} : memref<256x256xf32, #tpu.memory_space<vmem>>, vector<16xf32>,
        tpu.vector_store %arg8[%parallel_loop3A_653, %parallel_loop3A_654], %parallel_loop3A_652 {strides = array<i32>} : memref<256x256xf32, #tpu.memory_space<vmem>>, vector<16xf32>,
        %parallel_loop3A_656 = arith.subf %get3A_456, %parallel_loop3A_649 : vector<16xf32>
        %parallel_loop3A_657 = arith.mulf %parallel_loop3A_634, %parallel_loop3A_656 : vector<16xf32>
        %parallel_loop3A_658 = arith.addf %parallel_loop3A_649, %parallel_loop3A_657 : vector<16xf32>
        %parallel_loop3A_659 = arith.index_cast %parallel_loop3A_643 : i32 to index
        %parallel_loop3A_660 = arith.constant 0 : index
        %parallel_loop3A_661 = tpu.vector_load %arg8[%parallel_loop3A_659, %parallel_loop3A_660] {strides = array<i32>} : memref<256x256xf32, #tpu.memory_space<vmem>>, vector<16xf32>,
        tpu.vector_store %arg8[%parallel_loop3A_659, %parallel_loop3A_660], %parallel_loop3A_658 {strides = array<i32>} : memref<256x256xf32, #tpu.memory_space<vmem>>, vector<16xf32>,
        %parallel_loop3A_662 = arith.index_cast %parallel_loop3A_641 : i32 to index
        %parallel_loop3A_663 = arith.constant 16 : index
        %parallel_loop3A_664 = tpu.vector_load %arg8[%parallel_loop3A_662, %parallel_loop3A_663] {strides = array<i32>} : memref<256x256xf32, #tpu.memory_space<vmem>>, vector<16xf32>,
        %parallel_loop3A_665 = arith.index_cast %parallel_loop3A_643 : i32 to index
        %parallel_loop3A_666 = arith.constant 16 : index
        %parallel_loop3A_667 = tpu.vector_load %arg8[%parallel_loop3A_665, %parallel_loop3A_666] {strides = array<i32>} : memref<256x256xf32, #tpu.memory_space<vmem>>, vector<16xf32>,
        %parallel_loop3A_668 = arith.subf %get3A_458, %parallel_loop3A_664 : vector<16xf32>
        %parallel_loop3A_669 = arith.mulf %parallel_loop3A_628, %parallel_loop3A_668 : vector<16xf32>
        %parallel_loop3A_670 = arith.addf %parallel_loop3A_664, %parallel_loop3A_669 : vector<16xf32>
        %parallel_loop3A_671 = arith.index_cast %parallel_loop3A_641 : i32 to index
        %parallel_loop3A_672 = arith.constant 16 : index
        %parallel_loop3A_673 = tpu.vector_load %arg8[%parallel_loop3A_671, %parallel_loop3A_672] {strides = array<i32>} : memref<256x256xf32, #tpu.memory_space<vmem>>, vector<16xf32>,
        tpu.vector_store %arg8[%parallel_loop3A_671, %parallel_loop3A_672], %parallel_loop3A_670 {strides = array<i32>} : memref<256x256xf32, #tpu.memory_space<vmem>>, vector<16xf32>,
        %parallel_loop3A_674 = arith.subf %get3A_458, %parallel_loop3A_667 : vector<16xf32>
        %parallel_loop3A_675 = arith.mulf %parallel_loop3A_634, %parallel_loop3A_674 : vector<16xf32>
        %parallel_loop3A_676 = arith.addf %parallel_loop3A_667, %parallel_loop3A_675 : vector<16xf32>
        %parallel_loop3A_677 = arith.index_cast %parallel_loop3A_643 : i32 to index
        %parallel_loop3A_678 = arith.constant 16 : index
        %parallel_loop3A_679 = tpu.vector_load %arg8[%parallel_loop3A_677, %parallel_loop3A_678] {strides = array<i32>} : memref<256x256xf32, #tpu.memory_space<vmem>>, vector<16xf32>,
        tpu.vector_store %arg8[%parallel_loop3A_677, %parallel_loop3A_678], %parallel_loop3A_676 {strides = array<i32>} : memref<256x256xf32, #tpu.memory_space<vmem>>, vector<16xf32>,
        %parallel_loop3A_680 = arith.index_cast %parallel_loop3A_641 : i32 to index
        %parallel_loop3A_681 = arith.constant 32 : index
        %parallel_loop3A_682 = tpu.vector_load %arg8[%parallel_loop3A_680, %parallel_loop3A_681] {strides = array<i32>} : memref<256x256xf32, #tpu.memory_space<vmem>>, vector<16xf32>,
        %parallel_loop3A_683 = arith.index_cast %parallel_loop3A_643 : i32 to index
        %parallel_loop3A_684 = arith.constant 32 : index
        %parallel_loop3A_685 = tpu.vector_load %arg8[%parallel_loop3A_683, %parallel_loop3A_684] {strides = array<i32>} : memref<256x256xf32, #tpu.memory_space<vmem>>, vector<16xf32>,
        %parallel_loop3A_686 = arith.subf %get3A_460, %parallel_loop3A_682 : vector<16xf32>
        %parallel_loop3A_687 = arith.mulf %parallel_loop3A_628, %parallel_loop3A_686 : vector<16xf32>
        %parallel_loop3A_688 = arith.addf %parallel_loop3A_682, %parallel_loop3A_687 : vector<16xf32>
        %parallel_loop3A_689 = arith.index_cast %parallel_loop3A_641 : i32 to index
        %parallel_loop3A_690 = arith.constant 32 : index
        %parallel_loop3A_691 = tpu.vector_load %arg8[%parallel_loop3A_689, %parallel_loop3A_690] {strides = array<i32>} : memref<256x256xf32, #tpu.memory_space<vmem>>, vector<16xf32>,
        tpu.vector_store %arg8[%parallel_loop3A_689, %parallel_loop3A_690], %parallel_loop3A_688 {strides = array<i32>} : memref<256x256xf32, #tpu.memory_space<vmem>>, vector<16xf32>,
        %parallel_loop3A_692 = arith.subf %get3A_460, %parallel_loop3A_685 : vector<16xf32>
        %parallel_loop3A_693 = arith.mulf %parallel_loop3A_634, %parallel_loop3A_692 : vector<16xf32>
        %parallel_loop3A_694 = arith.addf %parallel_loop3A_685, %parallel_loop3A_693 : vector<16xf32>
        %parallel_loop3A_695 = arith.index_cast %parallel_loop3A_643 : i32 to index
        %parallel_loop3A_696 = arith.constant 32 : index
        %parallel_loop3A_697 = tpu.vector_load %arg8[%parallel_loop3A_695, %parallel_loop3A_696] {strides = array<i32>} : memref<256x256xf32, #tpu.memory_space<vmem>>, vector<16xf32>,
        tpu.vector_store %arg8[%parallel_loop3A_695, %parallel_loop3A_696], %parallel_loop3A_694 {strides = array<i32>} : memref<256x256xf32, #tpu.memory_space<vmem>>, vector<16xf32>,
        %parallel_loop3A_698 = arith.index_cast %parallel_loop3A_641 : i32 to index
        %parallel_loop3A_699 = arith.constant 48 : index
        %parallel_loop3A_700 = tpu.vector_load %arg8[%parallel_loop3A_698, %parallel_loop3A_699] {strides = array<i32>} : memref<256x256xf32, #tpu.memory_space<vmem>>, vector<16xf32>,
        %parallel_loop3A_701 = arith.index_cast %parallel_loop3A_643 : i32 to index
        %parallel_loop3A_702 = arith.constant 48 : index
        %parallel_loop3A_703 = tpu.vector_load %arg8[%parallel_loop3A_701, %parallel_loop3A_702] {strides = array<i32>} : memref<256x256xf32, #tpu.memory_space<vmem>>, vector<16xf32>,
        %parallel_loop3A_704 = arith.subf %get3A_462, %parallel_loop3A_700 : vector<16xf32>
        %parallel_loop3A_705 = arith.mulf %parallel_loop3A_628, %parallel_loop3A_704 : vector<16xf32>
        %parallel_loop3A_706 = arith.addf %parallel_loop3A_700, %parallel_loop3A_705 : vector<16xf32>
        %parallel_loop3A_707 = arith.index_cast %parallel_loop3A_641 : i32 to index
        %parallel_loop3A_708 = arith.constant 48 : index
        %parallel_loop3A_709 = tpu.vector_load %arg8[%parallel_loop3A_707, %parallel_loop3A_708] {strides = array<i32>} : memref<256x256xf32, #tpu.memory_space<vmem>>, vector<16xf32>,
        tpu.vector_store %arg8[%parallel_loop3A_707, %parallel_loop3A_708], %parallel_loop3A_706 {strides = array<i32>} : memref<256x256xf32, #tpu.memory_space<vmem>>, vector<16xf32>,
        %parallel_loop3A_710 = arith.subf %get3A_462, %parallel_loop3A_703 : vector<16xf32>
        %parallel_loop3A_711 = arith.mulf %parallel_loop3A_634, %parallel_loop3A_710 : vector<16xf32>
        %parallel_loop3A_712 = arith.addf %parallel_loop3A_703, %parallel_loop3A_711 : vector<16xf32>
        %parallel_loop3A_713 = arith.index_cast %parallel_loop3A_643 : i32 to index
        %parallel_loop3A_714 = arith.constant 48 : index
        %parallel_loop3A_715 = tpu.vector_load %arg8[%parallel_loop3A_713, %parallel_loop3A_714] {strides = array<i32>} : memref<256x256xf32, #tpu.memory_space<vmem>>, vector<16xf32>,
        tpu.vector_store %arg8[%parallel_loop3A_713, %parallel_loop3A_714], %parallel_loop3A_712 {strides = array<i32>} : memref<256x256xf32, #tpu.memory_space<vmem>>, vector<16xf32>,
        %parallel_loop3A_716 = arith.index_cast %parallel_loop3A_641 : i32 to index
        %parallel_loop3A_717 = arith.constant 64 : index
        %parallel_loop3A_718 = tpu.vector_load %arg8[%parallel_loop3A_716, %parallel_loop3A_717] {strides = array<i32>} : memref<256x256xf32, #tpu.memory_space<vmem>>, vector<16xf32>,
        %parallel_loop3A_719 = arith.index_cast %parallel_loop3A_643 : i32 to index
        %parallel_loop3A_720 = arith.constant 64 : index
        %parallel_loop3A_721 = tpu.vector_load %arg8[%parallel_loop3A_719, %parallel_loop3A_720] {strides = array<i32>} : memref<256x256xf32, #tpu.memory_space<vmem>>, vector<16xf32>,
        %parallel_loop3A_722 = arith.subf %get3A_464, %parallel_loop3A_718 : vector<16xf32>
        %parallel_loop3A_723 = arith.mulf %parallel_loop3A_628, %parallel_loop3A_722 : vector<16xf32>
        %parallel_loop3A_724 = arith.addf %parallel_loop3A_718, %parallel_loop3A_723 : vector<16xf32>
        %parallel_loop3A_725 = arith.index_cast %parallel_loop3A_641 : i32 to index
        %parallel_loop3A_726 = arith.constant 64 : index
        %parallel_loop3A_727 = tpu.vector_load %arg8[%parallel_loop3A_725, %parallel_loop3A_726] {strides = array<i32>} : memref<256x256xf32, #tpu.memory_space<vmem>>, vector<16xf32>,
        tpu.vector_store %arg8[%parallel_loop3A_725, %parallel_loop3A_726], %parallel_loop3A_724 {strides = array<i32>} : memref<256x256xf32, #tpu.memory_space<vmem>>, vector<16xf32>,
        %parallel_loop3A_728 = arith.subf %get3A_464, %parallel_loop3A_721 : vector<16xf32>
        %parallel_loop3A_729 = arith.mulf %parallel_loop3A_634, %parallel_loop3A_728 : vector<16xf32>
        %parallel_loop3A_730 = arith.addf %parallel_loop3A_721, %parallel_loop3A_729 : vector<16xf32>
        %parallel_loop3A_731 = arith.index_cast %parallel_loop3A_643 : i32 to index
        %parallel_loop3A_732 = arith.constant 64 : index
        %parallel_loop3A_733 = tpu.vector_load %arg8[%parallel_loop3A_731, %parallel_loop3A_732] {strides = array<i32>} : memref<256x256xf32, #tpu.memory_space<vmem>>, vector<16xf32>,
        tpu.vector_store %arg8[%parallel_loop3A_731, %parallel_loop3A_732], %parallel_loop3A_730 {strides = array<i32>} : memref<256x256xf32, #tpu.memory_space<vmem>>, vector<16xf32>,
        %parallel_loop3A_734 = arith.index_cast %parallel_loop3A_641 : i32 to index
        %parallel_loop3A_735 = arith.constant 80 : index
        %parallel_loop3A_736 = tpu.vector_load %arg8[%parallel_loop3A_734, %parallel_loop3A_735] {strides = array<i32>} : memref<256x256xf32, #tpu.memory_space<vmem>>, vector<16xf32>,
        %parallel_loop3A_737 = arith.index_cast %parallel_loop3A_643 : i32 to index
        %parallel_loop3A_738 = arith.constant 80 : index
        %parallel_loop3A_739 = tpu.vector_load %arg8[%parallel_loop3A_737, %parallel_loop3A_738] {strides = array<i32>} : memref<256x256xf32, #tpu.memory_space<vmem>>, vector<16xf32>,
        %parallel_loop3A_740 = arith.subf %get3A_466, %parallel_loop3A_736 : vector<16xf32>
        %parallel_loop3A_741 = arith.mulf %parallel_loop3A_628, %parallel_loop3A_740 : vector<16xf32>
        %parallel_loop3A_742 = arith.addf %parallel_loop3A_736, %parallel_loop3A_741 : vector<16xf32>
        %parallel_loop3A_743 = arith.index_cast %parallel_loop3A_641 : i32 to index
        %parallel_loop3A_744 = arith.constant 80 : index
        %parallel_loop3A_745 = tpu.vector_load %arg8[%parallel_loop3A_743, %parallel_loop3A_744] {strides = array<i32>} : memref<256x256xf32, #tpu.memory_space<vmem>>, vector<16xf32>,
        tpu.vector_store %arg8[%parallel_loop3A_743, %parallel_loop3A_744], %parallel_loop3A_742 {strides = array<i32>} : memref<256x256xf32, #tpu.memory_space<vmem>>, vector<16xf32>,
        %parallel_loop3A_746 = arith.subf %get3A_466, %parallel_loop3A_739 : vector<16xf32>
        %parallel_loop3A_747 = arith.mulf %parallel_loop3A_634, %parallel_loop3A_746 : vector<16xf32>
        %parallel_loop3A_748 = arith.addf %parallel_loop3A_739, %parallel_loop3A_747 : vector<16xf32>
        %parallel_loop3A_749 = arith.index_cast %parallel_loop3A_643 : i32 to index
        %parallel_loop3A_750 = arith.constant 80 : index
        %parallel_loop3A_751 = tpu.vector_load %arg8[%parallel_loop3A_749, %parallel_loop3A_750] {strides = array<i32>} : memref<256x256xf32, #tpu.memory_space<vmem>>, vector<16xf32>,
        tpu.vector_store %arg8[%parallel_loop3A_749, %parallel_loop3A_750], %parallel_loop3A_748 {strides = array<i32>} : memref<256x256xf32, #tpu.memory_space<vmem>>, vector<16xf32>,
        %parallel_loop3A_752 = arith.index_cast %parallel_loop3A_641 : i32 to index
        %parallel_loop3A_753 = arith.constant 96 : index
        %parallel_loop3A_754 = tpu.vector_load %arg8[%parallel_loop3A_752, %parallel_loop3A_753] {strides = array<i32>} : memref<256x256xf32, #tpu.memory_space<vmem>>, vector<16xf32>,
        %parallel_loop3A_755 = arith.index_cast %parallel_loop3A_643 : i32 to index
        %parallel_loop3A_756 = arith.constant 96 : index
        %parallel_loop3A_757 = tpu.vector_load %arg8[%parallel_loop3A_755, %parallel_loop3A_756] {strides = array<i32>} : memref<256x256xf32, #tpu.memory_space<vmem>>, vector<16xf32>,
        %parallel_loop3A_758 = arith.subf %get3A_468, %parallel_loop3A_754 : vector<16xf32>
        %parallel_loop3A_759 = arith.mulf %parallel_loop3A_628, %parallel_loop3A_758 : vector<16xf32>
        %parallel_loop3A_760 = arith.addf %parallel_loop3A_754, %parallel_loop3A_759 : vector<16xf32>
        %parallel_loop3A_761 = arith.index_cast %parallel_loop3A_641 : i32 to index
        %parallel_loop3A_762 = arith.constant 96 : index
        %parallel_loop3A_763 = tpu.vector_load %arg8[%parallel_loop3A_761, %parallel_loop3A_762] {strides = array<i32>} : memref<256x256xf32, #tpu.memory_space<vmem>>, vector<16xf32>,
        tpu.vector_store %arg8[%parallel_loop3A_761, %parallel_loop3A_762], %parallel_loop3A_760 {strides = array<i32>} : memref<256x256xf32, #tpu.memory_space<vmem>>, vector<16xf32>,
        %parallel_loop3A_764 = arith.subf %get3A_468, %parallel_loop3A_757 : vector<16xf32>
        %parallel_loop3A_765 = arith.mulf %parallel_loop3A_634, %parallel_loop3A_764 : vector<16xf32>
        %parallel_loop3A_766 = arith.addf %parallel_loop3A_757, %parallel_loop3A_765 : vector<16xf32>
        %parallel_loop3A_767 = arith.index_cast %parallel_loop3A_643 : i32 to index
        %parallel_loop3A_768 = arith.constant 96 : index
        %parallel_loop3A_769 = tpu.vector_load %arg8[%parallel_loop3A_767, %parallel_loop3A_768] {strides = array<i32>} : memref<256x256xf32, #tpu.memory_space<vmem>>, vector<16xf32>,
        tpu.vector_store %arg8[%parallel_loop3A_767, %parallel_loop3A_768], %parallel_loop3A_766 {strides = array<i32>} : memref<256x256xf32, #tpu.memory_space<vmem>>, vector<16xf32>,
        %parallel_loop3A_770 = arith.index_cast %parallel_loop3A_641 : i32 to index
        %parallel_loop3A_771 = arith.constant 112 : index
        %parallel_loop3A_772 = tpu.vector_load %arg8[%parallel_loop3A_770, %parallel_loop3A_771] {strides = array<i32>} : memref<256x256xf32, #tpu.memory_space<vmem>>, vector<16xf32>,
        %parallel_loop3A_773 = arith.index_cast %parallel_loop3A_643 : i32 to index
        %parallel_loop3A_774 = arith.constant 112 : index
        %parallel_loop3A_775 = tpu.vector_load %arg8[%parallel_loop3A_773, %parallel_loop3A_774] {strides = array<i32>} : memref<256x256xf32, #tpu.memory_space<vmem>>, vector<16xf32>,
        %parallel_loop3A_776 = arith.subf %get3A_470, %parallel_loop3A_772 : vector<16xf32>
        %parallel_loop3A_777 = arith.mulf %parallel_loop3A_628, %parallel_loop3A_776 : vector<16xf32>
        %parallel_loop3A_778 = arith.addf %parallel_loop3A_772, %parallel_loop3A_777 : vector<16xf32>
        %parallel_loop3A_779 = arith.index_cast %parallel_loop3A_641 : i32 to index
        %parallel_loop3A_780 = arith.constant 112 : index
        %parallel_loop3A_781 = tpu.vector_load %arg8[%parallel_loop3A_779, %parallel_loop3A_780] {strides = array<i32>} : memref<256x256xf32, #tpu.memory_space<vmem>>, vector<16xf32>,
        tpu.vector_store %arg8[%parallel_loop3A_779, %parallel_loop3A_780], %parallel_loop3A_778 {strides = array<i32>} : memref<256x256xf32, #tpu.memory_space<vmem>>, vector<16xf32>,
        %parallel_loop3A_782 = arith.subf %get3A_470, %parallel_loop3A_775 : vector<16xf32>
        %parallel_loop3A_783 = arith.mulf %parallel_loop3A_634, %parallel_loop3A_782 : vector<16xf32>
        %parallel_loop3A_784 = arith.addf %parallel_loop3A_775, %parallel_loop3A_783 : vector<16xf32>
        %parallel_loop3A_785 = arith.index_cast %parallel_loop3A_643 : i32 to index
        %parallel_loop3A_786 = arith.constant 112 : index
        %parallel_loop3A_787 = tpu.vector_load %arg8[%parallel_loop3A_785, %parallel_loop3A_786] {strides = array<i32>} : memref<256x256xf32, #tpu.memory_space<vmem>>, vector<16xf32>,
        tpu.vector_store %arg8[%parallel_loop3A_785, %parallel_loop3A_786], %parallel_loop3A_784 {strides = array<i32>} : memref<256x256xf32, #tpu.memory_space<vmem>>, vector<16xf32>,
        %parallel_loop3A_788 = arith.index_cast %parallel_loop3A_641 : i32 to index
        %parallel_loop3A_789 = arith.constant 128 : index
        %parallel_loop3A_790 = tpu.vector_load %arg8[%parallel_loop3A_788, %parallel_loop3A_789] {strides = array<i32>} : memref<256x256xf32, #tpu.memory_space<vmem>>, vector<16xf32>,
        %parallel_loop3A_791 = arith.index_cast %parallel_loop3A_643 : i32 to index
        %parallel_loop3A_792 = arith.constant 128 : index
        %parallel_loop3A_793 = tpu.vector_load %arg8[%parallel_loop3A_791, %parallel_loop3A_792] {strides = array<i32>} : memref<256x256xf32, #tpu.memory_space<vmem>>, vector<16xf32>,
        %parallel_loop3A_794 = arith.subf %get3A_472, %parallel_loop3A_790 : vector<16xf32>
        %parallel_loop3A_795 = arith.mulf %parallel_loop3A_628, %parallel_loop3A_794 : vector<16xf32>
        %parallel_loop3A_796 = arith.addf %parallel_loop3A_790, %parallel_loop3A_795 : vector<16xf32>
        %parallel_loop3A_797 = arith.index_cast %parallel_loop3A_641 : i32 to index
        %parallel_loop3A_798 = arith.constant 128 : index
        %parallel_loop3A_799 = tpu.vector_load %arg8[%parallel_loop3A_797, %parallel_loop3A_798] {strides = array<i32>} : memref<256x256xf32, #tpu.memory_space<vmem>>, vector<16xf32>,
        tpu.vector_store %arg8[%parallel_loop3A_797, %parallel_loop3A_798], %parallel_loop3A_796 {strides = array<i32>} : memref<256x256xf32, #tpu.memory_space<vmem>>, vector<16xf32>,
        %parallel_loop3A_800 = arith.subf %get3A_472, %parallel_loop3A_793 : vector<16xf32>
        %parallel_loop3A_801 = arith.mulf %parallel_loop3A_634, %parallel_loop3A_800 : vector<16xf32>
        %parallel_loop3A_802 = arith.addf %parallel_loop3A_793, %parallel_loop3A_801 : vector<16xf32>
        %parallel_loop3A_803 = arith.index_cast %parallel_loop3A_643 : i32 to index
        %parallel_loop3A_804 = arith.constant 128 : index
        %parallel_loop3A_805 = tpu.vector_load %arg8[%parallel_loop3A_803, %parallel_loop3A_804] {strides = array<i32>} : memref<256x256xf32, #tpu.memory_space<vmem>>, vector<16xf32>,
        tpu.vector_store %arg8[%parallel_loop3A_803, %parallel_loop3A_804], %parallel_loop3A_802 {strides = array<i32>} : memref<256x256xf32, #tpu.memory_space<vmem>>, vector<16xf32>,
        %parallel_loop3A_806 = arith.index_cast %parallel_loop3A_641 : i32 to index
        %parallel_loop3A_807 = arith.constant 144 : index
        %parallel_loop3A_808 = tpu.vector_load %arg8[%parallel_loop3A_806, %parallel_loop3A_807] {strides = array<i32>} : memref<256x256xf32, #tpu.memory_space<vmem>>, vector<16xf32>,
        %parallel_loop3A_809 = arith.index_cast %parallel_loop3A_643 : i32 to index
        %parallel_loop3A_810 = arith.constant 144 : index
        %parallel_loop3A_811 = tpu.vector_load %arg8[%parallel_loop3A_809, %parallel_loop3A_810] {strides = array<i32>} : memref<256x256xf32, #tpu.memory_space<vmem>>, vector<16xf32>,
        %parallel_loop3A_812 = arith.subf %get3A_474, %parallel_loop3A_808 : vector<16xf32>
        %parallel_loop3A_813 = arith.mulf %parallel_loop3A_628, %parallel_loop3A_812 : vector<16xf32>
        %parallel_loop3A_814 = arith.addf %parallel_loop3A_808, %parallel_loop3A_813 : vector<16xf32>
        %parallel_loop3A_815 = arith.index_cast %parallel_loop3A_641 : i32 to index
        %parallel_loop3A_816 = arith.constant 144 : index
        %parallel_loop3A_817 = tpu.vector_load %arg8[%parallel_loop3A_815, %parallel_loop3A_816] {strides = array<i32>} : memref<256x256xf32, #tpu.memory_space<vmem>>, vector<16xf32>,
        tpu.vector_store %arg8[%parallel_loop3A_815, %parallel_loop3A_816], %parallel_loop3A_814 {strides = array<i32>} : memref<256x256xf32, #tpu.memory_space<vmem>>, vector<16xf32>,
        %parallel_loop3A_818 = arith.subf %get3A_474, %parallel_loop3A_811 : vector<16xf32>
        %parallel_loop3A_819 = arith.mulf %parallel_loop3A_634, %parallel_loop3A_818 : vector<16xf32>
        %parallel_loop3A_820 = arith.addf %parallel_loop3A_811, %parallel_loop3A_819 : vector<16xf32>
        %parallel_loop3A_821 = arith.index_cast %parallel_loop3A_643 : i32 to index
        %parallel_loop3A_822 = arith.constant 144 : index
        %parallel_loop3A_823 = tpu.vector_load %arg8[%parallel_loop3A_821, %parallel_loop3A_822] {strides = array<i32>} : memref<256x256xf32, #tpu.memory_space<vmem>>, vector<16xf32>,
        tpu.vector_store %arg8[%parallel_loop3A_821, %parallel_loop3A_822], %parallel_loop3A_820 {strides = array<i32>} : memref<256x256xf32, #tpu.memory_space<vmem>>, vector<16xf32>,
        %parallel_loop3A_824 = arith.index_cast %parallel_loop3A_641 : i32 to index
        %parallel_loop3A_825 = arith.constant 160 : index
        %parallel_loop3A_826 = tpu.vector_load %arg8[%parallel_loop3A_824, %parallel_loop3A_825] {strides = array<i32>} : memref<256x256xf32, #tpu.memory_space<vmem>>, vector<16xf32>,
        %parallel_loop3A_827 = arith.index_cast %parallel_loop3A_643 : i32 to index
        %parallel_loop3A_828 = arith.constant 160 : index
        %parallel_loop3A_829 = tpu.vector_load %arg8[%parallel_loop3A_827, %parallel_loop3A_828] {strides = array<i32>} : memref<256x256xf32, #tpu.memory_space<vmem>>, vector<16xf32>,
        %parallel_loop3A_830 = arith.subf %get3A_476, %parallel_loop3A_826 : vector<16xf32>
        %parallel_loop3A_831 = arith.mulf %parallel_loop3A_628, %parallel_loop3A_830 : vector<16xf32>
        %parallel_loop3A_832 = arith.addf %parallel_loop3A_826, %parallel_loop3A_831 : vector<16xf32>
        %parallel_loop3A_833 = arith.index_cast %parallel_loop3A_641 : i32 to index
        %parallel_loop3A_834 = arith.constant 160 : index
        %parallel_loop3A_835 = tpu.vector_load %arg8[%parallel_loop3A_833, %parallel_loop3A_834] {strides = array<i32>} : memref<256x256xf32, #tpu.memory_space<vmem>>, vector<16xf32>,
        tpu.vector_store %arg8[%parallel_loop3A_833, %parallel_loop3A_834], %parallel_loop3A_832 {strides = array<i32>} : memref<256x256xf32, #tpu.memory_space<vmem>>, vector<16xf32>,
        %parallel_loop3A_836 = arith.subf %get3A_476, %parallel_loop3A_829 : vector<16xf32>
        %parallel_loop3A_837 = arith.mulf %parallel_loop3A_634, %parallel_loop3A_836 : vector<16xf32>
        %parallel_loop3A_838 = arith.addf %parallel_loop3A_829, %parallel_loop3A_837 : vector<16xf32>
        %parallel_loop3A_839 = arith.index_cast %parallel_loop3A_643 : i32 to index
        %parallel_loop3A_840 = arith.constant 160 : index
        %parallel_loop3A_841 = tpu.vector_load %arg8[%parallel_loop3A_839, %parallel_loop3A_840] {strides = array<i32>} : memref<256x256xf32, #tpu.memory_space<vmem>>, vector<16xf32>,
        tpu.vector_store %arg8[%parallel_loop3A_839, %parallel_loop3A_840], %parallel_loop3A_838 {strides = array<i32>} : memref<256x256xf32, #tpu.memory_space<vmem>>, vector<16xf32>,
        %parallel_loop3A_842 = arith.index_cast %parallel_loop3A_641 : i32 to index
        %parallel_loop3A_843 = arith.constant 176 : index
        %parallel_loop3A_844 = tpu.vector_load %arg8[%parallel_loop3A_842, %parallel_loop3A_843] {strides = array<i32>} : memref<256x256xf32, #tpu.memory_space<vmem>>, vector<16xf32>,
        %parallel_loop3A_845 = arith.index_cast %parallel_loop3A_643 : i32 to index
        %parallel_loop3A_846 = arith.constant 176 : index
        %parallel_loop3A_847 = tpu.vector_load %arg8[%parallel_loop3A_845, %parallel_loop3A_846] {strides = array<i32>} : memref<256x256xf32, #tpu.memory_space<vmem>>, vector<16xf32>,
        %parallel_loop3A_848 = arith.subf %get3A_478, %parallel_loop3A_844 : vector<16xf32>
        %parallel_loop3A_849 = arith.mulf %parallel_loop3A_628, %parallel_loop3A_848 : vector<16xf32>
        %parallel_loop3A_850 = arith.addf %parallel_loop3A_844, %parallel_loop3A_849 : vector<16xf32>
        %parallel_loop3A_851 = arith.index_cast %parallel_loop3A_641 : i32 to index
        %parallel_loop3A_852 = arith.constant 176 : index
        %parallel_loop3A_853 = tpu.vector_load %arg8[%parallel_loop3A_851, %parallel_loop3A_852] {strides = array<i32>} : memref<256x256xf32, #tpu.memory_space<vmem>>, vector<16xf32>,
        tpu.vector_store %arg8[%parallel_loop3A_851, %parallel_loop3A_852], %parallel_loop3A_850 {strides = array<i32>} : memref<256x256xf32, #tpu.memory_space<vmem>>, vector<16xf32>,
        %parallel_loop3A_854 = arith.subf %get3A_478, %parallel_loop3A_847 : vector<16xf32>
        %parallel_loop3A_855 = arith.mulf %parallel_loop3A_634, %parallel_loop3A_854 : vector<16xf32>
        %parallel_loop3A_856 = arith.addf %parallel_loop3A_847, %parallel_loop3A_855 : vector<16xf32>
        %parallel_loop3A_857 = arith.index_cast %parallel_loop3A_643 : i32 to index
        %parallel_loop3A_858 = arith.constant 176 : index
        %parallel_loop3A_859 = tpu.vector_load %arg8[%parallel_loop3A_857, %parallel_loop3A_858] {strides = array<i32>} : memref<256x256xf32, #tpu.memory_space<vmem>>, vector<16xf32>,
        tpu.vector_store %arg8[%parallel_loop3A_857, %parallel_loop3A_858], %parallel_loop3A_856 {strides = array<i32>} : memref<256x256xf32, #tpu.memory_space<vmem>>, vector<16xf32>,
        %parallel_loop3A_860 = arith.index_cast %parallel_loop3A_641 : i32 to index
        %parallel_loop3A_861 = arith.constant 192 : index
        %parallel_loop3A_862 = tpu.vector_load %arg8[%parallel_loop3A_860, %parallel_loop3A_861] {strides = array<i32>} : memref<256x256xf32, #tpu.memory_space<vmem>>, vector<16xf32>,
        %parallel_loop3A_863 = arith.index_cast %parallel_loop3A_643 : i32 to index
        %parallel_loop3A_864 = arith.constant 192 : index
        %parallel_loop3A_865 = tpu.vector_load %arg8[%parallel_loop3A_863, %parallel_loop3A_864] {strides = array<i32>} : memref<256x256xf32, #tpu.memory_space<vmem>>, vector<16xf32>,
        %parallel_loop3A_866 = arith.subf %get3A_480, %parallel_loop3A_862 : vector<16xf32>
        %parallel_loop3A_867 = arith.mulf %parallel_loop3A_628, %parallel_loop3A_866 : vector<16xf32>
        %parallel_loop3A_868 = arith.addf %parallel_loop3A_862, %parallel_loop3A_867 : vector<16xf32>
        %parallel_loop3A_869 = arith.index_cast %parallel_loop3A_641 : i32 to index
        %parallel_loop3A_870 = arith.constant 192 : index
        %parallel_loop3A_871 = tpu.vector_load %arg8[%parallel_loop3A_869, %parallel_loop3A_870] {strides = array<i32>} : memref<256x256xf32, #tpu.memory_space<vmem>>, vector<16xf32>,
        tpu.vector_store %arg8[%parallel_loop3A_869, %parallel_loop3A_870], %parallel_loop3A_868 {strides = array<i32>} : memref<256x256xf32, #tpu.memory_space<vmem>>, vector<16xf32>,
        %parallel_loop3A_872 = arith.subf %get3A_480, %parallel_loop3A_865 : vector<16xf32>
        %parallel_loop3A_873 = arith.mulf %parallel_loop3A_634, %parallel_loop3A_872 : vector<16xf32>
        %parallel_loop3A_874 = arith.addf %parallel_loop3A_865, %parallel_loop3A_873 : vector<16xf32>
        %parallel_loop3A_875 = arith.index_cast %parallel_loop3A_643 : i32 to index
        %parallel_loop3A_876 = arith.constant 192 : index
        %parallel_loop3A_877 = tpu.vector_load %arg8[%parallel_loop3A_875, %parallel_loop3A_876] {strides = array<i32>} : memref<256x256xf32, #tpu.memory_space<vmem>>, vector<16xf32>,
        tpu.vector_store %arg8[%parallel_loop3A_875, %parallel_loop3A_876], %parallel_loop3A_874 {strides = array<i32>} : memref<256x256xf32, #tpu.memory_space<vmem>>, vector<16xf32>,
        %parallel_loop3A_878 = arith.index_cast %parallel_loop3A_641 : i32 to index
        %parallel_loop3A_879 = arith.constant 208 : index
        %parallel_loop3A_880 = tpu.vector_load %arg8[%parallel_loop3A_878, %parallel_loop3A_879] {strides = array<i32>} : memref<256x256xf32, #tpu.memory_space<vmem>>, vector<16xf32>,
        %parallel_loop3A_881 = arith.index_cast %parallel_loop3A_643 : i32 to index
        %parallel_loop3A_882 = arith.constant 208 : index
        %parallel_loop3A_883 = tpu.vector_load %arg8[%parallel_loop3A_881, %parallel_loop3A_882] {strides = array<i32>} : memref<256x256xf32, #tpu.memory_space<vmem>>, vector<16xf32>,
        %parallel_loop3A_884 = arith.subf %get3A_482, %parallel_loop3A_880 : vector<16xf32>
        %parallel_loop3A_885 = arith.mulf %parallel_loop3A_628, %parallel_loop3A_884 : vector<16xf32>
        %parallel_loop3A_886 = arith.addf %parallel_loop3A_880, %parallel_loop3A_885 : vector<16xf32>
        %parallel_loop3A_887 = arith.index_cast %parallel_loop3A_641 : i32 to index
        %parallel_loop3A_888 = arith.constant 208 : index
        %parallel_loop3A_889 = tpu.vector_load %arg8[%parallel_loop3A_887, %parallel_loop3A_888] {strides = array<i32>} : memref<256x256xf32, #tpu.memory_space<vmem>>, vector<16xf32>,
        tpu.vector_store %arg8[%parallel_loop3A_887, %parallel_loop3A_888], %parallel_loop3A_886 {strides = array<i32>} : memref<256x256xf32, #tpu.memory_space<vmem>>, vector<16xf32>,
        %parallel_loop3A_890 = arith.subf %get3A_482, %parallel_loop3A_883 : vector<16xf32>
        %parallel_loop3A_891 = arith.mulf %parallel_loop3A_634, %parallel_loop3A_890 : vector<16xf32>
        %parallel_loop3A_892 = arith.addf %parallel_loop3A_883, %parallel_loop3A_891 : vector<16xf32>
        %parallel_loop3A_893 = arith.index_cast %parallel_loop3A_643 : i32 to index
        %parallel_loop3A_894 = arith.constant 208 : index
        %parallel_loop3A_895 = tpu.vector_load %arg8[%parallel_loop3A_893, %parallel_loop3A_894] {strides = array<i32>} : memref<256x256xf32, #tpu.memory_space<vmem>>, vector<16xf32>,
        tpu.vector_store %arg8[%parallel_loop3A_893, %parallel_loop3A_894], %parallel_loop3A_892 {strides = array<i32>} : memref<256x256xf32, #tpu.memory_space<vmem>>, vector<16xf32>,
        %parallel_loop3A_896 = arith.index_cast %parallel_loop3A_641 : i32 to index
        %parallel_loop3A_897 = arith.constant 224 : index
        %parallel_loop3A_898 = tpu.vector_load %arg8[%parallel_loop3A_896, %parallel_loop3A_897] {strides = array<i32>} : memref<256x256xf32, #tpu.memory_space<vmem>>, vector<16xf32>,
        %parallel_loop3A_899 = arith.index_cast %parallel_loop3A_643 : i32 to index
        %parallel_loop3A_900 = arith.constant 224 : index
        %parallel_loop3A_901 = tpu.vector_load %arg8[%parallel_loop3A_899, %parallel_loop3A_900] {strides = array<i32>} : memref<256x256xf32, #tpu.memory_space<vmem>>, vector<16xf32>,
        %parallel_loop3A_902 = arith.subf %get3A_484, %parallel_loop3A_898 : vector<16xf32>
        %parallel_loop3A_903 = arith.mulf %parallel_loop3A_628, %parallel_loop3A_902 : vector<16xf32>
        %parallel_loop3A_904 = arith.addf %parallel_loop3A_898, %parallel_loop3A_903 : vector<16xf32>
        %parallel_loop3A_905 = arith.index_cast %parallel_loop3A_641 : i32 to index
        %parallel_loop3A_906 = arith.constant 224 : index
        %parallel_loop3A_907 = tpu.vector_load %arg8[%parallel_loop3A_905, %parallel_loop3A_906] {strides = array<i32>} : memref<256x256xf32, #tpu.memory_space<vmem>>, vector<16xf32>,
        tpu.vector_store %arg8[%parallel_loop3A_905, %parallel_loop3A_906], %parallel_loop3A_904 {strides = array<i32>} : memref<256x256xf32, #tpu.memory_space<vmem>>, vector<16xf32>,
        %parallel_loop3A_908 = arith.subf %get3A_484, %parallel_loop3A_901 : vector<16xf32>
        %parallel_loop3A_909 = arith.mulf %parallel_loop3A_634, %parallel_loop3A_908 : vector<16xf32>
        %parallel_loop3A_910 = arith.addf %parallel_loop3A_901, %parallel_loop3A_909 : vector<16xf32>
        %parallel_loop3A_911 = arith.index_cast %parallel_loop3A_643 : i32 to index
        %parallel_loop3A_912 = arith.constant 224 : index
        %parallel_loop3A_913 = tpu.vector_load %arg8[%parallel_loop3A_911, %parallel_loop3A_912] {strides = array<i32>} : memref<256x256xf32, #tpu.memory_space<vmem>>, vector<16xf32>,
        tpu.vector_store %arg8[%parallel_loop3A_911, %parallel_loop3A_912], %parallel_loop3A_910 {strides = array<i32>} : memref<256x256xf32, #tpu.memory_space<vmem>>, vector<16xf32>,
        %parallel_loop3A_914 = arith.index_cast %parallel_loop3A_641 : i32 to index
        %parallel_loop3A_915 = arith.constant 240 : index
        %parallel_loop3A_916 = tpu.vector_load %arg8[%parallel_loop3A_914, %parallel_loop3A_915] {strides = array<i32>} : memref<256x256xf32, #tpu.memory_space<vmem>>, vector<16xf32>,
        %parallel_loop3A_917 = arith.index_cast %parallel_loop3A_643 : i32 to index
        %parallel_loop3A_918 = arith.constant 240 : index
        %parallel_loop3A_919 = tpu.vector_load %arg8[%parallel_loop3A_917, %parallel_loop3A_918] {strides = array<i32>} : memref<256x256xf32, #tpu.memory_space<vmem>>, vector<16xf32>,
        %parallel_loop3A_920 = arith.subf %get3A_486, %parallel_loop3A_916 : vector<16xf32>
        %parallel_loop3A_921 = arith.mulf %parallel_loop3A_628, %parallel_loop3A_920 : vector<16xf32>
        %parallel_loop3A_922 = arith.addf %parallel_loop3A_916, %parallel_loop3A_921 : vector<16xf32>
        %parallel_loop3A_923 = arith.index_cast %parallel_loop3A_641 : i32 to index
        %parallel_loop3A_924 = arith.constant 240 : index
        %parallel_loop3A_925 = tpu.vector_load %arg8[%parallel_loop3A_923, %parallel_loop3A_924] {strides = array<i32>} : memref<256x256xf32, #tpu.memory_space<vmem>>, vector<16xf32>,
        tpu.vector_store %arg8[%parallel_loop3A_923, %parallel_loop3A_924], %parallel_loop3A_922 {strides = array<i32>} : memref<256x256xf32, #tpu.memory_space<vmem>>, vector<16xf32>,
        %parallel_loop3A_926 = arith.subf %get3A_486, %parallel_loop3A_919 : vector<16xf32>
        %parallel_loop3A_927 = arith.mulf %parallel_loop3A_634, %parallel_loop3A_926 : vector<16xf32>
        %parallel_loop3A_928 = arith.addf %parallel_loop3A_919, %parallel_loop3A_927 : vector<16xf32>
        %parallel_loop3A_929 = arith.index_cast %parallel_loop3A_643 : i32 to index
        %parallel_loop3A_930 = arith.constant 240 : index
        %parallel_loop3A_931 = tpu.vector_load %arg8[%parallel_loop3A_929, %parallel_loop3A_930] {strides = array<i32>} : memref<256x256xf32, #tpu.memory_space<vmem>>, vector<16xf32>,
        tpu.vector_store %arg8[%parallel_loop3A_929, %parallel_loop3A_930], %parallel_loop3A_928 {strides = array<i32>} : memref<256x256xf32, #tpu.memory_space<vmem>>, vector<16xf32>,
      } {sc.loop_unroll_factor = 1 : i64, sc.parallel_access}
      %scan3A_623 = arith.constant 0 : i32
      scf.yield %scan3A_623 : i32
    }
    %scan3A_512 = arith.constant 8 : i32
    %add3A_513 = arith.constant 128 : i32
    %add3A_514 = arith.addi %mul3A_6, %add3A_513 : i32
    %dma_start3A_515 = arith.constant 128 : i32
    %dma_start3A_516 = arith.constant 0 : i32
    %dma_start3A_517 = tpu.memref_slice %arg8[%dma_start3A_515, %dma_start3A_516] : memref<256x256xf32, #tpu.memory_space<vmem>> -> memref<128x256xf32, #tpu.memory_space<vmem>>
    %dma_start3A_518 = arith.constant 0 : i32
    %dma_start3A_519 = tpu.memref_slice %arg5[%add3A_514, %dma_start3A_518] : memref<8192x256xf32, #tpu.memory_space<hbm>> -> memref<128x256xf32, #tpu.memory_space<hbm>>
    %dma_start3A_520 = arith.constant 0 : i32
    %dma_start3A_521 = tpu.memref_slice %arg5[%add3A_514, %dma_start3A_520] : memref<8192x256xf32, #tpu.memory_space<hbm>> -> memref<128x256xf32, #tpu.memory_space<hbm>>
    %dma_start3A_522 = arith.constant 128 : i32
    %dma_start3A_523 = arith.constant 0 : i32
    %dma_start3A_524 = tpu.memref_slice %arg8[%dma_start3A_522, %dma_start3A_523] : memref<256x256xf32, #tpu.memory_space<vmem>> -> memref<128x256xf32, #tpu.memory_space<vmem>>
    tpu.enqueue_dma source(%dma_start3A_524 : memref<128x256xf32, #tpu.memory_space<vmem>>) target(%dma_start3A_521 : memref<128x256xf32, #tpu.memory_space<hbm>>) target_semaphore(%arg20 : memref<!tpu.dma_semaphore, #tpu.memory_space<semaphore_mem>>)
    %dma_wait3A_525 = arith.constant 0 : i32
    %dma_wait3A_526 = arith.constant 0 : i32
    %dma_wait3A_527 = tpu.memref_slice %arg8[%dma_wait3A_525, %dma_wait3A_526] : memref<256x256xf32, #tpu.memory_space<vmem>> -> memref<128x256xf32, #tpu.memory_space<vmem>>
    %dma_wait3A_528 = arith.constant 0 : i32
    %dma_wait3A_529 = tpu.memref_slice %arg5[%mul3A_6, %dma_wait3A_528] : memref<8192x256xf32, #tpu.memory_space<hbm>> -> memref<128x256xf32, #tpu.memory_space<hbm>>
    %dma_wait3A_530 = arith.constant 0 : i32
    %dma_wait3A_531 = tpu.memref_slice %arg5[%mul3A_6, %dma_wait3A_530] : memref<8192x256xf32, #tpu.memory_space<hbm>> -> memref<128x256xf32, #tpu.memory_space<hbm>>
    %dma_wait3A_532 = arith.constant 0 : i32
    %dma_wait3A_533 = arith.constant 0 : i32
    %dma_wait3A_534 = tpu.memref_slice %arg8[%dma_wait3A_532, %dma_wait3A_533] : memref<256x256xf32, #tpu.memory_space<vmem>> -> memref<128x256xf32, #tpu.memory_space<vmem>>
    tpu.wait_dma2 semaphore(%arg19 : memref<!tpu.dma_semaphore, #tpu.memory_space<semaphore_mem>>) src(%dma_wait3A_534 : memref<128x256xf32, #tpu.memory_space<vmem>>) dst(%dma_wait3A_531 : memref<128x256xf32, #tpu.memory_space<hbm>>)
    %dma_wait3A_535 = arith.constant 128 : i32
    %dma_wait3A_536 = arith.constant 0 : i32
    %dma_wait3A_537 = tpu.memref_slice %arg8[%dma_wait3A_535, %dma_wait3A_536] : memref<256x256xf32, #tpu.memory_space<vmem>> -> memref<128x256xf32, #tpu.memory_space<vmem>>
    %dma_wait3A_538 = arith.constant 0 : i32
    %dma_wait3A_539 = tpu.memref_slice %arg5[%add3A_514, %dma_wait3A_538] : memref<8192x256xf32, #tpu.memory_space<hbm>> -> memref<128x256xf32, #tpu.memory_space<hbm>>
    %dma_wait3A_540 = arith.constant 0 : i32
    %dma_wait3A_541 = tpu.memref_slice %arg5[%add3A_514, %dma_wait3A_540] : memref<8192x256xf32, #tpu.memory_space<hbm>> -> memref<128x256xf32, #tpu.memory_space<hbm>>
    %dma_wait3A_542 = arith.constant 128 : i32
    %dma_wait3A_543 = arith.constant 0 : i32
    %dma_wait3A_544 = tpu.memref_slice %arg8[%dma_wait3A_542, %dma_wait3A_543] : memref<256x256xf32, #tpu.memory_space<vmem>> -> memref<128x256xf32, #tpu.memory_space<vmem>>
    tpu.wait_dma2 semaphore(%arg20 : memref<!tpu.dma_semaphore, #tpu.memory_space<semaphore_mem>>) src(%dma_wait3A_544 : memref<128x256xf32, #tpu.memory_space<vmem>>) dst(%dma_wait3A_541 : memref<128x256xf32, #tpu.memory_space<hbm>>)
    return
  }
}

</mosaic_0001>

<sc_bundles>
// kernel: kernel.3.cloned.1.call-start
scs
__scs_entry_jumppad:
0x0: {  	(pc) =	sbr.rel $0x88, $3  }
0x1: {  	(tag) =	ssettag $0x0;
	lr =	simm.s32 $0x1  }
0x2: {  	[smem:$0x3F9E] =	sst lr;
	_ =	strace $0xD0000000  }
0x3: {  	_ = 	snop  }
0x4: {  	_ = 	snop  }
0x5: {  	_ = 	snop  }
0x6: {  	_ = 	snop  }
0x7: {  	_ = 	snop  }
__scs_overlays_trampoline_lowered:
0x8: {  	[smem:$0x3FAD] =	sst s0  }
0x9: {  	[smem:$0x3FAE] =	sst s1  }
0xa: {  	[smem:$0x3FAF] =	sst s2  }
0xb: {  	[smem:$0x3FB0] =	sst s3  }
0xc: {  	[smem:$0x3FB1] =	sst s4  }
0xd: {  	[smem:$0x3FB2] =	sst s5  }
0xe: {  	[smem:$0x3FB3] =	sst s6  }
0xf: {  	[smem:$0x3FB4] =	sst s7  }
0x10: {  	[smem:$0x3FB5] =	sst s8  }
0x11: {  	[smem:$0x3FB6] =	sst s9;
	s0 =	simm.s32 @!p0 $0x0  }
0x12: {  	s1 =	sld [smem:$0x3F9C];
	s0 =	simm.s32 @p0 $0x1  }
0x13: {  	[smem:$0x3FB7] =	sst s0;
	s0 =	simm.s32 @!p1 $0x0  }
0x14: {  	s2 =	sld [smem:$0x3F9B];
	s0 =	simm.s32 @p1 $0x1  }
0x15: {  	[smem:$0x3FB8] =	sst s0;
	s0 =	simm.s32 @!p2 $0x0  }
0x16: {  	s3 =	sld [smem:$0x3FDB];
	s0 =	simm.s32 @p2 $0x1  }
0x17: {  	s4 =	simm.s32 $0x1BF5;
	[smem:$0x3FBA] =	sst s0  }
0x18: {  	s0 =	sld [smem:$0x3F9D];
	_ =	swait.ge [sflag:s4], $0x0  }
0x19: {  	s7 =	sld [smem:$0x3F9E]  }
0x1a: {  	s8 =	sadd.s32 $0xFFFFE003, lr  }
0x1b: {  	s9 =	sadd.s32 $0xFFFFFEF7, lr;
	s5 =	simm.s32 $0xFFFFFFFF;
	p2 =	slt.u32 s8, $0xFFFFF086  }
0x1c: {  	p1 =	slt.u32 s9, $0xF7A;
	s5 =	simm.s32 @!p2 $0x0  }
0x1d: {  	s5 =	simm.s32 @p1 $0x1;
	p0 =	seq.s32 s7, s2  }
0x1e: {  	s7 =	smul.u32 @!p0 $0xF7A, s2;
	p2 =	seq.s32 @!p0 s5, $0x0  }
0x1f: {  	s9 =	smul.u32 $0xF7A, s1;
	s8 =	simm.s32 @!p0 $0x1BF5;
	p2 =	por !p2, p0  }
0x20: {  	[sflag:s8] =	ssyncset.s32 @!p0 $0xFFFFF086;
	s6 =	sadd.s32 @!p0 s3, s7;
	s7 =	simm.s32 @!p0 $0x108  }
0x21: {  	s3 =	sadd.s32 s3, s9;
	s6 =	sadd.s32 @!p0 $0x88, s6;
	s7 =	simm.s32 @p2 $0x1082  }
0x22: {  	[simem:s7], [sflag:s8] =	dma.local @!p0 [hbm:s6], $0xF7A  }
0x23: {  	s9 =	sor.u32 $0xD0000000, s2;
	s6 =	simm.s32 $0x108;
	_ =	swait.ge @!p0 [sflag:s8], $0x0  }
0x24: {  	s3 =	sadd.s32 $0x88, s3;
	s6 =	simm.s32 @!p1 $0x1082;
	[sflag:s4] =	ssyncset.s32 $0xFFFFF086  }
0x25: {  	[simem:s6], [sflag:s4] =	dma.local [hbm:s3], $0xF7A  }
0x26: {  	[smem:$0x3F9E] =	sst s1;
	(tag) =	ssettag s2;
	_ =	strace s9  }
0x27: {  	s1 =	sld [smem:$0x3FAE]  }
0x28: {  	s2 =	sld [smem:$0x3FAF]  }
0x29: {  	s4 =	sld [smem:$0x3FB1]  }
0x2a: {  	p0 =	seq.s32 s5, $0x0;
	s5 =	sld [smem:$0x3FB2]  }
0x2b: {  	s6 =	sld [smem:$0x3FB3]  }
0x2c: {  	s7 =	sld [smem:$0x3FB4]  }
0x2d: {  	s3 =	simm.s32 $0x108;
	s8 =	sld [smem:$0x3FB5]  }
0x2e: {  	s3 =	simm.s32 @!p0 $0x1082;
	s9 =	sld [smem:$0x3FB6]  }
0x2f: {  	lr =	sadd.s32 s0, s3;
	s0 =	sld [smem:$0x3FAD]  }
0x30: {  	s3 =	sld [smem:$0x3FB0]  }
0x31: {  	[smem:$0x3FB9] =	sst s10  }
0x32: {  	s10 =	sld [smem:$0x3FB7];
	_ =	sdelay $0x3  }
0x33: {  	p0 =	seq.s32 s10, $0x1;
	s10 =	sld [smem:$0x3FB9];
	_ =	sdelay $0x3  }
0x34: {  	[smem:$0x3FB9] =	sst s10  }
0x35: {  	s10 =	sld [smem:$0x3FB8];
	_ =	sdelay $0x3  }
0x36: {  	p1 =	seq.s32 s10, $0x1;
	s10 =	sld [smem:$0x3FB9];
	_ =	sdelay $0x3  }
0x37: {  	[smem:$0x3FB9] =	sst s10  }
0x38: {  	s10 =	sld [smem:$0x3FBA]  }
0x39: {  	_ = 	snop;
	(pc) =	sbr.ind lr, $3  }
0x3a: {  	_ = 	snop  }
0x3b: {  	_ = 	snop  }
0x3c: {  	p2 =	seq.s32 s10, $0x1;
	s10 =	sld [smem:$0x3FB9]  }
0x3d: {  	_ =	shalt  }
0x3e: {  	_ =	shalt  }
0x3f: {  	_ =	shalt  }
0x40: {  	_ =	shalt  }
0x41: {  	_ =	shalt  }
0x42: {  	_ =	shalt  }
0x43: {  	_ =	shalt  }
0x44: {  	_ =	shalt  }
0x45: {  	_ =	shalt  }
0x46: {  	_ =	shalt  }
0x47: {  	_ =	shalt  }
0x48: {  	_ =	shalt  }
0x49: {  	_ =	shalt  }
0x4a: {  	_ =	shalt  }
0x4b: {  	_ =	shalt  }
0x4c: {  	_ =	shalt  }
0x4d: {  	_ =	shalt  }
0x4e: {  	_ =	shalt  }
0x4f: {  	_ =	shalt  }
0x50: {  	_ =	shalt  }
0x51: {  	_ =	shalt  }
0x52: {  	_ =	shalt  }
0x53: {  	_ =	shalt  }
0x54: {  	_ =	shalt  }
0x55: {  	_ =	shalt  }
0x56: {  	_ =	shalt  }
0x57: {  	_ =	shalt  }
0x58: {  	_ =	shalt  }
0x59: {  	_ =	shalt  }
0x5a: {  	_ =	shalt  }
0x5b: {  	_ =	shalt  }
0x5c: {  	_ =	shalt  }
0x5d: {  	_ =	shalt  }
0x5e: {  	_ =	shalt  }
0x5f: {  	_ =	shalt  }
0x60: {  	_ =	shalt  }
0x61: {  	_ =	shalt  }
0x62: {  	_ =	shalt  }
0x63: {  	_ =	shalt  }
0x64: {  	_ =	shalt  }
0x65: {  	_ =	shalt  }
0x66: {  	_ =	shalt  }
0x67: {  	_ =	shalt  }
0x68: {  	_ =	shalt  }
0x69: {  	_ =	shalt  }
0x6a: {  	_ =	shalt  }
0x6b: {  	_ =	shalt  }
0x6c: {  	_ =	shalt  }
0x6d: {  	_ =	shalt  }
0x6e: {  	_ =	shalt  }
0x6f: {  	_ =	shalt  }
0x70: {  	_ =	shalt  }
0x71: {  	_ =	shalt  }
0x72: {  	_ =	shalt  }
0x73: {  	_ =	shalt  }
0x74: {  	_ =	shalt  }
0x75: {  	_ =	shalt  }
0x76: {  	_ =	shalt  }
0x77: {  	_ =	shalt  }
0x78: {  	_ =	shalt  }
0x79: {  	_ =	shalt  }
0x7a: {  	_ =	shalt  }
0x7b: {  	_ =	shalt  }
0x7c: {  	_ =	shalt  }
0x7d: {  	_ =	shalt  }
0x7e: {  	_ =	shalt  }
0x7f: {  	_ =	shalt  }
0x80: {  	_ =	shalt  }
0x81: {  	_ =	shalt  }
0x82: {  	_ =	shalt  }
0x83: {  	_ =	shalt  }
0x84: {  	_ =	shalt  }
0x85: {  	_ =	shalt  }
0x86: {  	_ =	shalt  }
0x87: {  	_ =	shalt  }
.Lfunc_end0:
.L_simem_size_0:
called_computation_lowered:
.L_overlay_start_0:
0x88: {  	s2 =	sld [smem:$0x3FD9]  }
0x89: {  	s3 =	sld [smem:$0x3FFE];
	_ =	sdelay $0x1  }
0x8a: {  	s1 =	srdreg.scid  }
0x8b: {  	s0 =	sand.u32 $0x1, s1  }
0x8c: {  	s17 =	sshll.u32 s0, $0xA;
	s2 =	sadd.s32 s3, s2  }
0x8d: {  	s2 =	sadd.s32 s2, s17  }
0x8e: {  	[smem:$0x3FC5] =	sst s2  }
0x8f: {  	_ = 	snop  }
0x90: {  	s2 =	sld [smem:$0x3FC9]  }
0x91: {  	s18 =	sld [smem:$0x3FC8]  }
0x92: {  	s4 =	sld [smem:$0x3FD0];
	(tm) =	ssettm $0x1  }
0x93: {  	s5 =	sld [smem:$0x3FFB];
	_ =	sdelay $0x3  }
0x94: {  	_ =	strace s5  }
0x95: {  	s5 =	sld [smem:$0x3FFC];
	_ =	sdelay $0x3  }
0x96: {  	_ =	strace s5  }
0x97: {  	s5 =	sld [smem:$0x3FFD];
	_ =	sdelay $0x3  }
0x98: {  	_ =	strace s5  }
0x99: {  	_ =	strace $0x8FFFFFFF  }
0x9a: {  	s19 =	sld [smem:$0x3FDB];
	_ =	sdelay $0x1  }
0x9b: {  	s6 =	simm.s32 $_scs_section_size  }
0x9c: {  	s7 =	simm.s32 $_size__tile_overlayer_lowered;
	s8 =	simm.s32 $_tile_overlayer_lowered  }
0x9d: {  	s22 =	simm.s32 $0x1BFF;
	s21 =	sshll.u32 s8, $0x1;
	s5 =	sadd.s32 s6, s19  }
0x9e: {  	s9 =	simm.s32 $0x0;
	s20 =	sshll.u32 s7, $0x1;
	s7 =	sadd.s32 s21, s5  }
0x9f: {  	[timem:s9], [sflag:s22] =	dma.local [hbm:s7], s20  }
0xa0: {  	_ =	swait.ge [sflag:s22], s20  }
0xa1: {  	s6 =	ssub.s32 $0x0, s20;
	[sflag:s22] =	ssyncset.done $0x0  }
0xa2: {  	[sflag:s22] =	ssyncadd.s32 s6;
	_ =	sdelay $0x1  }
0xa3: {  	s23 =	simm.s32 $0x1B8B  }
0xa4: {  	_ =	swait.ge [sflag:s23], $0x1  }
0xa5: {  	[sflag:s23] =	ssyncset.done $0x0  }
0xa6: {  	s25 =	simm.s32 $0x1B8E;
	s24 =	sld [smem:$0x3FFE];
	[sflag:s23] =	ssyncadd.s32 $0xFFFFFFFF  }
0xa7: {  	s26 =	simm.s32 $execute0_lowered;
	[smem:$0x3FD2] =	sst s25  }
0xa8: {  	s7 =	sshll.u32 s26, $0x1;
	_ =	strace $0x80000046;
	[dreg:$0x1] =	wrdreg $0xFFFFFFFF  }
0xa9: {  	s28 =	simm.s32 $_size_execute0_lowered;
	s5 =	sadd.s32 s5, s7;
	[dreg:$0x0] =	wrdreg $0x0  }
0xaa: {  	s7 =	sshll.u32 s28, $0x1;
	[dreg:$0x2] =	wrdreg s5  }
0xab: {  	[dreg:$0x3] =	wrdreg s7  }
0xac: {  	[dreg:$0x4] =	wrdreg $0xC0  }
0xad: {  	_ =	task [dreg:s9], $0x5FFFF  }
0xae: {  	[dreg:$0x1] =	wrdreg $0xFFFFFFFF  }
0xaf: {  	[dreg:$0x0] =	wrdreg $0x60  }
0xb0: {  	[dreg:$0x2] =	wrdreg s2  }
0xb1: {  	[dreg:$0x3] =	wrdreg s18  }
0xb2: {  	[dreg:$0x4] =	wrdreg s4  }
0xb3: {  	[dreg:$0x5] =	wrdreg s24  }
0xb4: {  	[dreg:$0x6] =	wrdreg $0x9  }
0xb5: {  	_ =	task.clear_ibuf [dreg:s9], $0x7FFFF;
	_ =	strace $0x90000046  }
0xb6: {  	s29 =	simm.s32 $0x9;
	_ =	strace $0x80000048  }
0xb7: {  	_ =	swait.ge [sflag:s29], $0x1  }
0xb8: {  	[sflag:s29] =	ssyncadd.s32 $0xFFFFFFFF  }
0xb9: {  	_ =	strace $0x90000048  }
0xba: {  	_ =	sfence  }
0xbb: {  	s30 =	sld [smem:$0x0];
	_ =	sdelay $0x2  }
0xbc: {  	s31 =	sshll.u32 s1, $0xD;
	s1 =	sshrl.u32 s1, $0x2  }
0xbd: {  	s3 =	sand.u32 $0x4000, s31;
	s1 =	sadd.s32 s1, s30  }
0xbe: {  	s0 =	sor.u32 s3, s0;
	s1 =	sshll.u32 s1, $0x11  }
0xbf: {  	s0 =	sor.u32 s1, s0  }
0xc0: {  	s0 =	sadd.s32 $0x8F2B, s0  }
0xc1: {  	[sflag:s0] =	ssyncadd.remote.s32 $0x1  }
0xc2: {  	_ =	sfence.sel $0xFFFF  }
0xc3: {  	[dreg:$0x0] =	wrdreg $0xFFFFFFFF;
	(pc) =	sbr.abs _section_cstart, $3  }
0xc4: {  	[dreg:$0x1] =	wrdreg $0xFFFFFFFF  }
0xc5: {  	_ =	task.clear_ibuf [dreg:s9], $0x2FFFF;
	_ =	strace $0x9FFFFFFF  }
0xc6: {  	(tm) =	ssettm $0x7FFFFFFF  }
0xc7: {  	_ =	shalt  }
tec
execute0_lowered:
.L_overlay_start_1:
0x0: {  	(tag) =	ssettag $0x1  }
0x1: {  	s0 =	rddreg [dreg:$0x1]  }
0x2: {  	s1 =	rddreg [dreg:$0x2]  }
0x3: {  	s3 =	rddreg [dreg:$0x3];
	s2 =	simm.s32 $0x0  }
0x4: {  	s4 =	srdreg.scid;
	s10 =	stileid.u32;
	s21 =	simm.s32 $0x4  }
0x5: {  	s29 =	simm.s32 $0x80;
	s20 =	simm.s32 $0x0;
	[smem:$0x7FF] =	sst s2  }
0x6: {  	s5 =	sand.u32 $0x1, s4;
	s12 =	sadd.s32 $0x20800, s3;
	s8 =	sshll.u32 s10, $0x8  }
0x7: {  	s3 =	sadd.s32 $0x20A00, s3;
	s28 =	sshll.u32 s10, $0x2;
	s10 =	sshll.u32 s10, $0x1  }
0x8: {  	_ =	strace $0x80000047;
	s4 =	ssub.s32 $0x2, s5;
	s7 =	sshll.u32 s5, $0xC  }
0x9: {  	s10 =	sand.u32 $0xE, s10;
	s5 =	sshll.u32 s5, $0x4;
	s6 =	sshrl.u32 s4, $0x1  }
0xa: {  	s22 =	ssub.s32 s8, s7;
	s16 =	ssub.s32 s4, s6;
	s4 =	sor.u32 s8, s7  }
0xb: {  	s18 =	sadd.s32 $0x1000, s22;
	s23 =	sshll.u32 s22, $0x8;
	s22 =	simm.s32 $0x1  }
0xc: {  	s13 =	sshll.u32 s4, $0x5;
	s24 =	sshll.u32 s18, $0x5;
	s25 =	sadd.s32 $0x104000, s23  }
0xd: {  	s11 =	sadd.s32 $0x108000, s23;
	s8 =	sadd.s32 $0x10C000, s23;
	s16 =	smax.u32 s16, $0x1  }
0xe: {  	s17 =	sor.u32 $0x80, s4;
	s23 =	simm.s32 $0x2;
	s9 =	sadd.s32 s0, s13  }
0xf: {  	s6 =	sadd.s32 s0, s24;
	s7 =	sshrl.u32 s25, $0x3;
	s30 =	sshrl.u32 s11, $0x3  }
0x10: {  	s31 =	sshrl.u32 s8, $0x3;
	s13 =	sadd.s32 s1, s13;
	[dreg:$0x5] =	wrdreg s9  }
0x11: {  	s24 =	simm.s32 $0x3;
	s25 =	simm.s32 $0x18000;
	[dreg:$0x6] =	wrdreg s6  }
0x12: {  	s26 =	sadd.s32 s0, s7;
	s9 =	sand.u32 $0x20, s28;
	s8 =	sadd.s32 s0, s30  }
0x13: {  	s15 =	sadd.s32 $0x1000, s13;
	s6 =	simm.s32 $0x10000;
	s9 =	sor.u32 s10, s9  }
0x14: {  	s7 =	simm.s32 $0x14000;
	[dreg:$0x7] =	wrdreg s26;
	s14 =	sor.u32 s5, s9  }
0x15: {  	s9 =	sadd.s32 s0, s31;
	s10 =	sadd.s32 s12, s14;
	s11 =	sadd.s32 s3, s14  }
0x16: {  	v1 =	vlaneseq.u32;
	v2 =	vimm.s32 $0x0;
	v0 =	vmov s18;
	s12 =	sadd.s32 s12, s5;
	s14 =	sadd.s32 s3, s5;
	s3 =	simm.s32 $0x1A300  }
.LBB2_1:
0x17: {  	s0 =	rddreg [dreg:$0x5]  }
0x18: {  	[tilespmem:s2], [sflag:$0x3] =	stream.linear.gather [hbm4b:s0+s2], $0x10000, $0x38;
	[tilespmem:$0x1A580] =	vst v63  }
0x19: {  	s19 =	rddreg [dreg:$0x6]  }
0x1a: {  	[tilespmem:s6], [sflag:$0x1] =	stream.linear.gather [hbm4b:s19+s2], $0x4000, $0x38;
	[tilespmem:$0x1A580] =	vst v63  }
0x1b: {  	s26 =	rddreg [dreg:$0x7]  }
0x1c: {  	[tilespmem:s7], [sflag:$0x2] =	stream.linear.gather [hbm4b:s26+s2], $0x4000, $0x38;
	[tilespmem:$0x1A580] =	vst v63  }
0x1d: {  	s30 =	rddreg [dreg:$0x0];
	s1 =	simm.s32 $0x1A000  }
0x1e: {  	[tilespmem:s1], [sflag:$0x4] =	stream.linear.gather [hbm4b:s30+s2], $0x100, $0x38;
	[tilespmem:$0x1A580] =	vst v63  }
0x1f: {  	_ =	swait.ge [sflag:s21], $0x100  }
0x20: {  	[sflag:s21] =	ssyncset.done $0x0  }
0x21: {  	[sflag:s21] =	ssyncadd.s32 $0xFFFFFF00  }
0x22: {  	v3 =	vld [tilespmem:$0x1A000]  }
0x23: {  	v4 =	vld [tilespmem:$0x1A010]  }
0x24: {  	v5 =	vld [tilespmem:$0x1A020]  }
0x25: {  	v6 =	vld [tilespmem:$0x1A030]  }
0x26: {  	v7 =	vld [tilespmem:$0x1A040]  }
0x27: {  	v9 =	vld [tilespmem:$0x1A050];
	v3 =	vadd.f32 $9.999999970e-07, v3  }
0x28: {  	v11 =	vld [tilespmem:$0x1A060];
	v4 =	vadd.f32 $9.999999970e-07, v4  }
0x29: {  	v12 =	vld [tilespmem:$0x1A070];
	v5 =	vadd.f32 $9.999999970e-07, v5;
	[tilespmem:$0x1A100] =	vst v3  }
0x2a: {  	v14 =	vld [tilespmem:$0x1A080];
	v6 =	vadd.f32 $9.999999970e-07, v6;
	[tilespmem:$0x1A110] =	vst v4  }
0x2b: {  	v16 =	vld [tilespmem:$0x1A0B0];
	v8 =	vadd.f32 $9.999999970e-07, v7;
	[tilespmem:$0x1A120] =	vst v5  }
0x2c: {  	v7 =	vld [tilespmem:$0x1A090];
	v10 =	vadd.f32 $9.999999970e-07, v9;
	[tilespmem:$0x1A130] =	vst v6  }
0x2d: {  	v9 =	vld [tilespmem:$0x1A0A0];
	v11 =	vadd.f32 $9.999999970e-07, v11;
	[tilespmem:$0x1A140] =	vst v8  }
0x2e: {  	v13 =	vadd.f32 $9.999999970e-07, v12;
	v12 =	vld [tilespmem:$0x1A0C0];
	[tilespmem:$0x1A150] =	vst v10  }
0x2f: {  	v15 =	vadd.f32 $9.999999970e-07, v14;
	v14 =	vld [tilespmem:$0x1A0D0];
	[tilespmem:$0x1A160] =	vst v11  }
0x30: {  	v19 =	vld [tilespmem:$0x1A0E0];
	v16 =	vadd.f32 $9.999999970e-07, v16;
	[tilespmem:$0x1A170] =	vst v13  }
0x31: {  	v20 =	vld [tilespmem:$0x1A0F0];
	[tilespmem:$0x1A180] =	vst v15;
	v17 =	vadd.f32 $9.999999970e-07, v7  }
0x32: {  	[tilespmem:$0x1A1B0] =	vst v16;
	v18 =	vadd.f32 $9.999999970e-07, v9  }
0x33: {  	v7 =	vadd.f32 $9.999999970e-07, v12;
	[tilespmem:$0x1A190] =	vst v17  }
0x34: {  	v12 =	vadd.f32 $9.999999970e-07, v14;
	[tilespmem:$0x1A1A0] =	vst v18  }
0x35: {  	v9 =	vadd.f32 $9.999999970e-07, v19;
	[tilespmem:$0x1A1C0] =	vst v7  }
0x36: {  	v14 =	vadd.f32 $9.999999970e-07, v20;
	[tilespmem:$0x1A1D0] =	vst v12  }
0x37: {  	[tilespmem:$0x1A1E0] =	vst v9  }
0x38: {  	[tilespmem:$0x1A1F0] =	vst v14  }
0x39: {  	s5 =	sand.u32 $0x3800, s2;
	s18 =	simm.s32 $0x0;
	_ =	swait.ge [sflag:s22], $0x4000  }
0x3a: {  	s0 =	sor.u32 $0x10000, s5;
	s1 =	sand.u32 $0x300, s18;
	[sflag:s22] =	ssyncset.done $0x0  }
0x3b: {  	s5 =	sand.u32 $0x380, s29;
	s1 =	sor.u32 s1, s0;
	[sflag:s22] =	ssyncadd.s32 $0xFFFFC000  }
0x3c: {  	s0 =	sor.u32 s5, s0;
	v19 =	vld [tilespmem:s1+$0x420]  }
0x3d: {  	v20 =	vld [tilespmem:s0+$0x450]  }
0x3e: {  	v21 =	vld [tilespmem:s0+$0x420]  }
0x3f: {  	v22 =	vld [tilespmem:s0+$0x470]  }
0x40: {  	v23 =	vld [tilespmem:s0+$0x60]  }
0x41: {  	v24 =	vld [tilespmem:s0+$0x430]  }
0x42: {  	v25 =	vld [tilespmem:s0+$0x70]  }
0x43: {  	v26 =	vld [tilespmem:s0+$0x30]  }
0x44: {  	v28 =	vld [tilespmem:s0+$0x400]  }
0x45: {  	v29 =	vld [tilespmem:s0+$0x40]  }
0x46: {  	v30 =	vld [tilespmem:s0+$0x0]  }
0x47: {  	v31 =	vld [tilespmem:s0+$0x410]  }
0x48: {  	v33 =	vld [tilespmem:s0+$0x50]  }
0x49: {  	v34 =	vld [tilespmem:s1+$0x70]  }
0x4a: {  	v36 =	vld [tilespmem:s1+$0x60];
	v26 =	vsub.f32 v6, v26  }
0x4b: {  	v38 =	vld [tilespmem:s1+$0x20];
	v25 =	vsub.f32 v13, v25;
	v21 =	vsub.f32 v18, v21  }
0x4c: {  	v37 =	vld [tilespmem:s1+$0x0];
	v24 =	vsub.f32 v16, v24;
	v22 =	vsub.f32 v14, v22  }
0x4d: {  	v40 =	vld [tilespmem:s1+$0x400];
	v30 =	vsub.f32 v3, v30;
	v29 =	vsub.f32 v8, v29  }
0x4e: {  	v41 =	vld [tilespmem:s1+$0x430];
	v28 =	vsub.f32 v15, v28;
	v31 =	vsub.f32 v17, v31  }
0x4f: {  	v39 =	vld [tilespmem:s1+$0x50];
	v34 =	vsub.f32 v13, v34;
	v33 =	vsub.f32 v10, v33  }
0x50: {  	v44 =	vld [tilespmem:s1+$0x450];
	v23 =	vsub.f32 v11, v23;
	v38 =	vsub.f32 v5, v38  }
0x51: {  	v42 =	vld [tilespmem:s1+$0x10];
	v36 =	vsub.f32 v11, v36;
	v37 =	vsub.f32 v3, v37  }
0x52: {  	v35 =	vld [tilespmem:s0+$0x10];
	v20 =	vsub.f32 v12, v20;
	v19 =	vsub.f32 v18, v19  }
0x53: {  	v50 =	vld [tilespmem:s1+$0x460];
	v40 =	vsub.f32 v15, v40;
	v49 =	vsub.f32 v16, v41  }
0x54: {  	v45 =	vld [tilespmem:s1+$0x470];
	v52 =	vsub.f32 v10, v39;
	v26 =	vmul.f32 v26, v26;
	v25 =	vmul.f32 v25, v25  }
0x55: {  	v39 =	vsub.f32 v12, v44;
	v21 =	vmul.f32 v21, v21;
	v24 =	vmul.f32 v24, v24  }
0x56: {  	v27 =	vld [tilespmem:s0+$0x20];
	v54 =	vsub.f32 v4, v42;
	v22 =	vmul.f32 v22, v22;
	v30 =	vmul.f32 v30, v30  }
0x57: {  	v32 =	vld [tilespmem:s1+$0x410];
	v35 =	vsub.f32 v4, v35;
	v29 =	vmul.f32 v29, v29;
	v31 =	vmul.f32 v31, v31  }
0x58: {  	v43 =	vld [tilespmem:s0+$0x460];
	v41 =	vsub.f32 v9, v50;
	v33 =	vmul.f32 v33, v33;
	v38 =	vmul.f32 v38, v38  }
0x59: {  	s19 =	simm.s32 $0x200;
	v51 =	vld [tilespmem:s1+$0x440];
	v45 =	vsub.f32 v14, v45;
	v36 =	vmul.f32 v36, v36;
	v35 =	vmul.f32 v35, v35  }
0x5a: {  	s18 =	simm.s32 $0x180;
	v28 =	vmul.f32 v28, v28;
	v25 =	vadd.f32 v25, v26;
	v29 =	vadd.f32 v29, v30;
	v30 =	vld [tilespmem:s0+$0x440];
	s0 =	sand.u32 $0x3800, s19  }
0x5b: {  	s18 =	sand.u32 $0x380, s18;
	v19 =	vmul.f32 v19, v19;
	v26 =	vld [tilespmem:s1+$0x30];
	v36 =	vadd.f32 v36, v38;
	v33 =	vadd.f32 v33, v35;
	s19 =	sor.u32 $0x10000, s0  }
0x5c: {  	v23 =	vmul.f32 v23, v23;
	v24 =	vadd.f32 v24, v25;
	v25 =	vsub.f32 v5, v27;
	v27 =	vld [tilespmem:s1+$0x40];
	s30 =	sor.u32 s18, s19  }
0x5d: {  	v37 =	vmul.f32 v37, v37;
	v46 =	vmul.f32 v20, v20;
	v19 =	vadd.f32 v19, v36;
	v53 =	vld [tilespmem:s30+$0x420]  }
0x5e: {  	v55 =	vmul.f32 v41, v41;
	v28 =	vadd.f32 v28, v29;
	v33 =	vadd.f32 v31, v33;
	v29 =	vld [tilespmem:s30+$0x470]  }
0x5f: {  	s26 =	simm.s32 $0x100;
	v38 =	vsub.f32 v7, v51;
	v57 =	vld [tilespmem:s30+$0x70];
	v25 =	vmul.f32 v25, v25;
	v22 =	vadd.f32 v22, v24  }
0x60: {  	s5 =	sand.u32 $0x300, s26;
	v34 =	vmul.f32 v34, v34;
	v44 =	vld [tilespmem:s30+$0x20];
	v19 =	vadd.f32 v55, v19;
	v33 =	vadd.f32 v46, v33  }
0x61: {  	s0 =	sor.u32 s5, s19;
	v36 =	vmul.f32 v54, v54;
	v24 =	vld [tilespmem:s30+$0x430];
	v26 =	vsub.f32 v6, v26;
	v23 =	vadd.f32 v23, v25  }
0x62: {  	v55 =	vld [tilespmem:s0+$0x60];
	v25 =	vsub.f32 v17, v32;
	v32 =	vmul.f32 v52, v52;
	v20 =	vsub.f32 v8, v27  }
0x63: {  	v56 =	vld [tilespmem:s30+$0x30];
	v26 =	vmul.f32 v26, v26;
	v21 =	vadd.f32 v21, v23;
	v23 =	vsub.f32 v9, v43  }
0x64: {  	v60 =	vld [tilespmem:s30+$0x410];
	v42 =	vmul.f32 v25, v25;
	v25 =	vsub.f32 v7, v30;
	v29 =	vsub.f32 v14, v29  }
0x65: {  	v59 =	vld [tilespmem:s30+$0x400];
	v27 =	vmul.f32 v49, v49;
	v61 =	vsub.f32 v13, v57;
	v32 =	vadd.f32 v32, v36  }
0x66: {  	v63 =	vld [tilespmem:s30+$0x50];
	v44 =	vsub.f32 v5, v44;
	v20 =	vmul.f32 v20, v20;
	v26 =	vadd.f32 v34, v26  }
0x67: {  	v40 =	vmul.f32 v40, v40;
	v47 =	vld [tilespmem:s0+$0x420];
	v24 =	vsub.f32 v16, v24;
	v51 =	vsub.f32 v11, v55  }
0x68: {  	v43 =	vld [tilespmem:s30+$0x450];
	v23 =	vmul.f32 v23, v23;
	v20 =	vadd.f32 v20, v37;
	v26 =	vadd.f32 v27, v26  }
0x69: {  	v54 =	vmul.f32 v39, v39;
	v30 =	vld [tilespmem:s30+$0x60];
	v37 =	vsub.f32 v6, v56;
	v56 =	vsub.f32 v17, v60  }
0x6a: {  	v50 =	vld [tilespmem:s0+$0x30];
	v34 =	vmul.f32 v61, v61;
	v21 =	vadd.f32 v23, v21;
	v23 =	vsub.f32 v18, v53  }
0x6b: {  	v58 =	vld [tilespmem:s30+$0x0];
	v27 =	vmul.f32 v45, v45;
	v53 =	vsub.f32 v15, v59;
	v59 =	vsub.f32 v10, v63  }
0x6c: {  	v24 =	vmul.f32 v24, v24;
	v63 =	vsub.f32 v18, v47;
	v48 =	vadd.f32 v22, v21;
	v21 =	vld [tilespmem:s30+$0x40]  }
0x6d: {  	v31 =	vld [tilespmem:s0+$0x40];
	v20 =	vadd.f32 v40, v20;
	v26 =	vadd.f32 v27, v26;
	v27 =	vmul.f32 v25, v25  }
0x6e: {  	v52 =	vld [tilespmem:s0+$0x70];
	v60 =	vsub.f32 v11, v30;
	v36 =	vsub.f32 v12, v43;
	v22 =	vmul.f32 v38, v38  }
0x6f: {  	v35 =	vld [tilespmem:s30+$0x460];
	v40 =	vmul.f32 v44, v44;
	v44 =	vsub.f32 v6, v50;
	v57 =	vadd.f32 v26, v19  }
0x70: {  	v25 =	vld [tilespmem:s0+$0x410];
	v43 =	vmul.f32 v51, v51;
	v19 =	vadd.f32 v42, v32;
	v62 =	vadd.f32 v22, v20  }
0x71: {  	v22 =	vmul.f32 v23, v23;
	v23 =	vmul.f32 v29, v29;
	v29 =	vld [tilespmem:s0+$0x20];
	v21 =	vsub.f32 v8, v21  }
0x72: {  	v38 =	vsub.f32 v3, v58;
	v58 =	vld [tilespmem:s0+$0x0];
	v27 =	vadd.f32 v27, v28;
	v28 =	vmul.f32 v37, v37  }
0x73: {  	v32 =	vsub.f32 v13, v52;
	v52 =	vld [tilespmem:s0+$0x400];
	v49 =	vmul.f32 v21, v21;
	v21 =	vadd.f32 v54, v19  }
0x74: {  	v41 =	vmul.f32 v63, v63;
	v26 =	vmul.f32 v53, v53;
	v37 =	vld [tilespmem:s0+$0x430];
	v28 =	vadd.f32 v34, v28  }
0x75: {  	v45 =	vmul.f32 v60, v60;
	v42 =	vld [tilespmem:s0+$0x450];
	v27 =	vadd.f32 v33, v27;
	v30 =	vadd.f32 v21, v62  }
0x76: {  	v20 =	vld [tilespmem:s30+$0x10];
	v38 =	vmul.f32 v38, v38;
	v24 =	vadd.f32 v24, v28;
	v29 =	vsub.f32 v5, v29  }
0x77: {  	v33 =	vld [tilespmem:s30+$0x440];
	v61 =	vsub.f32 v3, v58;
	v19 =	vmul.f32 v56, v56;
	v62 =	vadd.f32 v57, v30  }
0x78: {  	s28 =	simm.s32 $0x18010;
	s31 =	simm.s32 $0x400;
	s26 =	simm.s32 $0x18030;
	v28 =	vld [tilespmem:s0+$0x50];
	v27 =	vadd.f32 v48, v27;
	v21 =	vmul.f32 v59, v59;
	v39 =	vmul.f32 v29, v29  }
0x79: {  	s1 =	simm.s32 $0x2;
	s18 =	simm.s32 $0x18050;
	s19 =	simm.s32 $0x280;
	v29 =	vmul.f32 v61, v61;
	v34 =	vadd.f32 v49, v38;
	v38 =	vsub.f32 v15, v52;
	v30 =	vld [tilespmem:s0+$0x10];
	[tilespmem:s28+$0xFFFFFFF0] =	vst v62  }
.LBB2_2:
0x7a: {  	s5 =	sand.u32 $0x3800, s31;
	s30 =	sadd.s32 $0xFFFFFF80, s19;
	s1 =	sadd.s32 $0x2, s1;
	v25 =	vsub.f32 v17, v25;
	v46 =	vld [tilespmem:s0+$0x470];
	v40 =	vadd.f32 v45, v40;
	[tilespmem:s28+$0x0] =	vst v27  }
0x7b: {  	v32 =	vmul.f32 v32, v32;
	v37 =	vsub.f32 v16, v37;
	s28 =	sand.u32 $0x300, s30;
	s30 =	sor.u32 $0x10000, s5;
	s5 =	sand.u32 $0x380, s19;
	v44 =	vmul.f32 v44, v44;
	v45 =	vld [tilespmem:s0+$0x460]  }
0x7c: {  	v36 =	vmul.f32 v36, v36;
	p0 =	slt.u32 s1, $0x3E;
	v39 =	vadd.f32 v43, v39;
	s5 =	sor.u32 s5, s30;
	v43 =	vld [tilespmem:s0+$0x440];
	s0 =	sor.u32 s28, s30;
	v22 =	vadd.f32 v22, v40  }
0x7d: {  	v31 =	vsub.f32 v8, v31;
	v35 =	vsub.f32 v9, v35;
	v37 =	vmul.f32 v37, v37;
	s28 =	smov.u32 s26;
	s26 =	smov.u32 s18;
	v27 =	vld [tilespmem:s0+$0x420]  }
0x7e: {  	v28 =	vsub.f32 v10, v28;
	v38 =	vmul.f32 v38, v38;
	v47 =	vld [tilespmem:s5+$0x450];
	v40 =	vsub.f32 v12, v42  }
0x7f: {  	v26 =	vadd.f32 v26, v34;
	v39 =	vadd.f32 v41, v39;
	v42 =	vld [tilespmem:s5+$0x420]  }
0x80: {  	v30 =	vsub.f32 v4, v30;
	v41 =	vmul.f32 v25, v25;
	v25 =	vsub.f32 v7, v33;
	v34 =	vld [tilespmem:s5+$0x470]  }
0x81: {  	v23 =	vadd.f32 v23, v24;
	v31 =	vmul.f32 v31, v31;
	v45 =	vsub.f32 v9, v45;
	v33 =	vld [tilespmem:s5+$0x60]  }
0x82: {  	v35 =	vmul.f32 v35, v35;
	v46 =	vsub.f32 v14, v46;
	v43 =	vsub.f32 v7, v43;
	v24 =	vld [tilespmem:s5+$0x430]  }
0x83: {  	v29 =	vadd.f32 v31, v29;
	v31 =	vadd.f32 v32, v44;
	v32 =	vmul.f32 v45, v45;
	v48 =	vld [tilespmem:s5+$0x70]  }
0x84: {  	v30 =	vmul.f32 v30, v30;
	v28 =	vmul.f32 v28, v28;
	v22 =	vadd.f32 v35, v22;
	v44 =	vld [tilespmem:s5+$0x30]  }
0x85: {  	v20 =	vsub.f32 v4, v20;
	v43 =	vmul.f32 v43, v43;
	v42 =	vsub.f32 v18, v42;
	v35 =	vld [tilespmem:s5+$0x20]  }
0x86: {  	v31 =	vadd.f32 v37, v31;
	v37 =	vmul.f32 v46, v46;
	v46 =	vadd.f32 v23, v22;
	v45 =	vld [tilespmem:s5+$0x400]  }
0x87: {  	v29 =	vadd.f32 v38, v29;
	v34 =	vsub.f32 v14, v34;
	v22 =	vmul.f32 v42, v42;
	v23 =	vld [tilespmem:s5+$0x40]  }
0x88: {  	v31 =	vadd.f32 v37, v31;
	v37 =	vmul.f32 v25, v25;
	v24 =	vsub.f32 v16, v24;
	v38 =	vld [tilespmem:s5+$0x0]  }
0x89: {  	v40 =	vmul.f32 v40, v40;
	v32 =	vadd.f32 v32, v39;
	v42 =	vsub.f32 v6, v44;
	v44 =	vld [tilespmem:s5+$0x410]  }
0x8a: {  	v20 =	vmul.f32 v20, v20;
	v39 =	vsub.f32 v13, v48;
	v48 =	vadd.f32 v37, v26;
	v25 =	vld [tilespmem:s0+$0x410]  }
0x8b: {  	v29 =	vadd.f32 v43, v29;
	v24 =	vmul.f32 v24, v24;
	v26 =	vmul.f32 v42, v42;
	v37 =	vld [tilespmem:s5+$0x50]  }
0x8c: {  	v21 =	vadd.f32 v21, v20;
	v39 =	vmul.f32 v39, v39;
	v42 =	vld [tilespmem:s0+$0x70];
	v43 =	vsub.f32 v8, v23  }
0x8d: {  	v28 =	vadd.f32 v28, v30;
	v23 =	vmul.f32 v34, v34;
	v38 =	vsub.f32 v3, v38;
	v20 =	vld [tilespmem:s5+$0x10]  }
0x8e: {  	v34 =	vsub.f32 v15, v45;
	v26 =	vadd.f32 v39, v26;
	v30 =	vld [tilespmem:s0+$0x60]  }
0x8f: {  	v45 =	vadd.f32 v31, v32;
	v44 =	vsub.f32 v17, v44;
	v39 =	vld [tilespmem:s0+$0x0];
	v38 =	vmul.f32 v38, v38  }
0x90: {  	v31 =	vadd.f32 v41, v28;
	v43 =	vmul.f32 v43, v43;
	v24 =	vadd.f32 v24, v26;
	v49 =	vld [tilespmem:s0+$0x20]  }
0x91: {  	v21 =	vadd.f32 v19, v21;
	v35 =	vsub.f32 v5, v35;
	v19 =	vmul.f32 v44, v44;
	v41 =	vld [tilespmem:s0+$0x30]  }
0x92: {  	v26 =	vmul.f32 v34, v34;
	v34 =	vadd.f32 v40, v31;
	v32 =	vsub.f32 v13, v42;
	v28 =	vld [tilespmem:s0+$0x50]  }
0x93: {  	v44 =	vsub.f32 v11, v33;
	v42 =	vsub.f32 v10, v37;
	v31 =	vld [tilespmem:s0+$0x40]  }
0x94: {  	v29 =	vadd.f32 v34, v29;
	v50 =	vsub.f32 v11, v30;
	v51 =	vld [tilespmem:s0+$0x400]  }
0x95: {  	v40 =	vmul.f32 v35, v35;
	v34 =	vadd.f32 v36, v21;
	v33 =	vsub.f32 v5, v49;
	v37 =	vld [tilespmem:s0+$0x430]  }
.Ltmp0:
0x96: {  	v21 =	vmul.f32 v42, v42;
	v42 =	vadd.f32 v45, v29;
	v49 =	vsub.f32 v3, v39;
	v30 =	vld [tilespmem:s0+$0x10];
	(pc) =	sbr.rel @p0 .LBB2_2-.Ltmp0, $4  }
0x97: {  	v36 =	vsub.f32 v12, v47;
	v47 =	vadd.f32 v34, v48;
	v39 =	vmul.f32 v33, v33;
	v35 =	vld [tilespmem:s5+$0x460]  }
0x98: {  	v48 =	vsub.f32 v18, v27;
	v34 =	vadd.f32 v43, v38;
	v29 =	vmul.f32 v49, v49;
	v33 =	vld [tilespmem:s5+$0x440];
	[tilespmem:s28+$0xFFFFFFF0] =	vst v42  }
0x99: {  	v45 =	vmul.f32 v44, v44;
	v27 =	vadd.f32 v46, v47;
	v38 =	vsub.f32 v15, v51  }
0x9a: {  	s31 =	sadd.s32 $0x200, s31;
	s19 =	sadd.s32 $0x100, s19;
	s18 =	sadd.s32 $0x20, s18;
	v43 =	vmul.f32 v50, v50;
	v44 =	vsub.f32 v6, v41;
	v41 =	vmul.f32 v48, v48;
	v42 =	vld [tilespmem:s0+$0x450]  }
0x9b: {  	v40 =	vadd.f32 v45, v40;
	v25 =	vsub.f32 v17, v25  }
0x9c: {  	v37 =	vsub.f32 v16, v37;
	v31 =	vsub.f32 v8, v31  }
0x9d: {  	v32 =	vmul.f32 v32, v32;
	v28 =	vsub.f32 v10, v28;
	v26 =	vadd.f32 v26, v34  }
0x9e: {  	v61 =	vmul.f32 v38, v38;
	v30 =	vsub.f32 v4, v30;
	v23 =	vadd.f32 v23, v24  }
0x9f: {  	v46 =	vld [tilespmem:s0+$0x460];
	v20 =	vsub.f32 v4, v20;
	v44 =	vmul.f32 v44, v44;
	v39 =	vadd.f32 v43, v39  }
0xa0: {  	v60 =	vld [tilespmem:s0+$0x440];
	v35 =	vsub.f32 v9, v35;
	v22 =	vadd.f32 v22, v40;
	v31 =	vmul.f32 v31, v31  }
0xa1: {  	v59 =	vld [tilespmem:s0+$0x470];
	v33 =	vsub.f32 v7, v33;
	v30 =	vmul.f32 v30, v30;
	v28 =	vmul.f32 v28, v28  }
0xa2: {  	v20 =	vmul.f32 v20, v20;
	v39 =	vadd.f32 v41, v39;
	v42 =	vsub.f32 v12, v42  }
0xa3: {  	v37 =	vmul.f32 v37, v37;
	v29 =	vadd.f32 v31, v29;
	v31 =	vadd.f32 v32, v44  }
0xa4: {  	v35 =	vmul.f32 v35, v35;
	v28 =	vadd.f32 v28, v30;
	v20 =	vadd.f32 v21, v20  }
0xa5: {  	v24 =	vmul.f32 v25, v25;
	v62 =	vsub.f32 v9, v46;
	v25 =	vsub.f32 v7, v60  }
0xa6: {  	v63 =	vsub.f32 v14, v59;
	v22 =	vadd.f32 v35, v22  }
0xa7: {  	v36 =	vmul.f32 v36, v36;
	v31 =	vadd.f32 v37, v31;
	v29 =	vadd.f32 v61, v29  }
0xa8: {  	v30 =	vmul.f32 v42, v42;
	v24 =	vadd.f32 v24, v28;
	v45 =	vmul.f32 v63, v63  }
0xa9: {  	v19 =	vadd.f32 v19, v20;
	v44 =	vmul.f32 v62, v62;
	v25 =	vmul.f32 v25, v25  }
0xaa: {  	v28 =	vmul.f32 v33, v33;
	v24 =	vadd.f32 v30, v24;
	v21 =	vadd.f32 v45, v31  }
0xab: {  	v31 =	vadd.f32 v44, v39;
	v20 =	vadd.f32 v25, v29  }
0xac: {  	v19 =	vadd.f32 v36, v19;
	v25 =	vadd.f32 v28, v26  }
0xad: {  	v21 =	vadd.f32 v21, v31;
	v20 =	vadd.f32 v24, v20  }
0xae: {  	v22 =	vadd.f32 v23, v22;
	v19 =	vadd.f32 v19, v25  }
0xaf: {  	v20 =	vadd.f32 v21, v20  }
0xb0: {  	[tilespmem:s28+$0x0] =	vst v27;
	v19 =	vadd.f32 v22, v19  }
0xb1: {  	[tilespmem:s26+$0xFFFFFFF0] =	vst v20  }
0xb2: {  	s0 =	simm.s32 $0x0;
	[tilespmem:s26+$0x0] =	vst v19  }
0xb3: {  	[tilespmem:s6], [sflag:$0x1] =	stream.linear.gather [hbm4b:s8+s0], $0x4000, $0x38;
	[tilespmem:$0x1A580] =	vst v63  }
0xb4: {  	_ =	swait.ge [sflag:s23], $0x4000  }
0xb5: {  	s1 =	sand.u32 $0x3800, s0;
	s5 =	sand.u32 $0x300, s0;
	[sflag:s23] =	ssyncset.done $0x0  }
0xb6: {  	s26 =	sor.u32 s5, s1;
	[sflag:s23] =	ssyncadd.s32 $0xFFFFC000  }
0xb7: {  	v20 =	vld [tilespmem:s26+$0x144E0]  }
0xb8: {  	v19 =	vld [tilespmem:s26+$0x144F0]  }
0xb9: {  	v21 =	vld [tilespmem:s26+$0x144B0]  }
0xba: {  	v22 =	vld [tilespmem:s26+$0x14480]  }
0xbb: {  	v23 =	vld [tilespmem:s26+$0x140F0]  }
0xbc: {  	v24 =	vld [tilespmem:s26+$0x144A0]  }
0xbd: {  	v25 =	vld [tilespmem:s26+$0x140B0]  }
0xbe: {  	v26 =	vld [tilespmem:s26+$0x14420]  }
0xbf: {  	v27 =	vld [tilespmem:s26+$0x140C0]  }
0xc0: {  	v28 =	vld [tilespmem:s26+$0x140E0]  }
0xc1: {  	v29 =	vld [tilespmem:s26+$0x14080]  }
0xc2: {  	v30 =	vld [tilespmem:s26+$0x140A0]  }
0xc3: {  	v31 =	vld [tilespmem:s26+$0x140D0]  }
0xc4: {  	v47 =	vld [tilespmem:s26+$0x14060];
	v46 =	vsub.f32 v14, v19;
	v23 =	vsub.f32 v13, v23  }
0xc5: {  	v50 =	vld [tilespmem:s26+$0x14070];
	v25 =	vsub.f32 v6, v25;
	v21 =	vsub.f32 v16, v21  }
0xc6: {  	v36 =	vld [tilespmem:s26+$0x14050];
	v24 =	vsub.f32 v18, v24;
	v19 =	vsub.f32 v18, v26  }
0xc7: {  	v48 =	vld [tilespmem:s26+$0x14030];
	v26 =	vsub.f32 v8, v27;
	v27 =	vsub.f32 v11, v28  }
0xc8: {  	v49 =	vld [tilespmem:s26+$0x14020];
	v31 =	vsub.f32 v10, v31;
	v54 =	vsub.f32 v15, v22  }
0xc9: {  	v52 =	vld [tilespmem:s26+$0x14090];
	v22 =	vsub.f32 v11, v47;
	v56 =	vsub.f32 v3, v29  }
0xca: {  	v51 =	vld [tilespmem:s26+$0x14040];
	v37 =	vsub.f32 v13, v50;
	v25 =	vmul.f32 v25, v25;
	v23 =	vmul.f32 v23, v23  }
0xcb: {  	v58 =	vld [tilespmem:s26+$0x14430];
	v60 =	vsub.f32 v9, v20;
	v28 =	vmul.f32 v21, v21;
	v55 =	vmul.f32 v26, v26  }
0xcc: {  	v32 =	vld [tilespmem:s26+$0x14450];
	v26 =	vmul.f32 v27, v27;
	v23 =	vadd.f32 v23, v25;
	v25 =	vsub.f32 v5, v30  }
0xcd: {  	v35 =	vsub.f32 v5, v49;
	v21 =	vld [tilespmem:s26+$0x14000];
	v24 =	vmul.f32 v24, v24;
	v61 =	vmul.f32 v37, v37  }
0xce: {  	v63 =	vsub.f32 v4, v52;
	v27 =	vld [tilespmem:s26+$0x14010];
	v62 =	vmul.f32 v56, v56;
	v53 =	vmul.f32 v25, v25  }
0xcf: {  	v29 =	vadd.f32 v28, v23;
	v28 =	vmul.f32 v22, v22;
	v22 =	vsub.f32 v6, v48;
	v25 =	vld [tilespmem:s26+$0x14490]  }
0xd0: {  	v40 =	vsub.f32 v16, v58;
	v33 =	vmul.f32 v60, v60;
	v30 =	vmul.f32 v46, v46;
	v23 =	vld [tilespmem:s26+$0x144C0]  }
0xd1: {  	v41 =	vsub.f32 v10, v36;
	v37 =	vmul.f32 v35, v35;
	v59 =	vmul.f32 v22, v22;
	v22 =	vld [tilespmem:s26+$0x14470]  }
0xd2: {  	v39 =	vmul.f32 v54, v54;
	v57 =	vadd.f32 v26, v53;
	v20 =	vadd.f32 v30, v29;
	v29 =	vld [tilespmem:s26+$0x14410]  }
0xd3: {  	s28 =	simm.s32 $0x18410;
	s18 =	simm.s32 $0x20;
	s19 =	simm.s32 $0x18430;
	v35 =	vsub.f32 v8, v51;
	v36 =	vmul.f32 v63, v63;
	v38 =	vadd.f32 v55, v62;
	v30 =	vld [tilespmem:s26+$0x14400]  }
0xd4: {  	s30 =	simm.s32 $0x200;
	s1 =	simm.s32 $0x0;
	s5 =	simm.s32 $0x100;
	v26 =	vmul.f32 v31, v31;
	v31 =	vadd.f32 v24, v57;
	v34 =	vadd.f32 v61, v59;
	v24 =	vld [tilespmem:s26+$0x14460]  }
.LBB2_4:
0xd5: {  	s31 =	sand.u32 $0x3800, s30;
	s6 =	sand.u32 $0x300, s5;
	s1 =	sadd.s32 $0x2, s1;
	v27 =	vsub.f32 v4, v27;
	v28 =	vadd.f32 v28, v37;
	v37 =	vmul.f32 v40, v40;
	v40 =	vld [tilespmem:s26+$0x14440]  }
0xd6: {  	v38 =	vadd.f32 v39, v38;
	v31 =	vadd.f32 v33, v31;
	p0 =	slt.u32 s1, $0x3E;
	v41 =	vmul.f32 v41, v41;
	v39 =	vld [tilespmem:s26+$0x144D0];
	s26 =	sor.u32 s6, s31  }
0xd7: {  	v25 =	vsub.f32 v17, v25;
	v33 =	vld [tilespmem:s26+$0x144E0];
	v27 =	vmul.f32 v27, v27;
	v34 =	vadd.f32 v37, v34  }
0xd8: {  	v35 =	vmul.f32 v35, v35;
	v29 =	vsub.f32 v17, v29;
	v26 =	vadd.f32 v26, v36;
	v37 =	vld [tilespmem:s26+$0x144F0]  }
0xd9: {  	v21 =	vsub.f32 v3, v21;
	v19 =	vmul.f32 v19, v19;
	v30 =	vsub.f32 v15, v30;
	v36 =	vld [tilespmem:s26+$0x144B0]  }
0xda: {  	v25 =	vmul.f32 v25, v25;
	v32 =	vsub.f32 v12, v32;
	v42 =	vld [tilespmem:s26+$0x14480];
	v40 =	vsub.f32 v7, v40  }
0xdb: {  	v28 =	vadd.f32 v19, v28;
	v29 =	vmul.f32 v29, v29;
	v27 =	vadd.f32 v41, v27;
	v43 =	vld [tilespmem:s26+$0x140F0]  }
0xdc: {  	v23 =	vsub.f32 v7, v23;
	v20 =	vadd.f32 v20, v31;
	v30 =	vmul.f32 v30, v30;
	v19 =	vld [tilespmem:s26+$0x144A0]  }
0xdd: {  	v32 =	vmul.f32 v32, v32;
	v39 =	vsub.f32 v12, v39;
	v31 =	vld [tilespmem:s26+$0x140B0];
	v37 =	vsub.f32 v14, v37  }
0xde: {  	v21 =	vmul.f32 v21, v21;
	v25 =	vadd.f32 v25, v26;
	v41 =	vld [tilespmem:s26+$0x14420];
	v36 =	vsub.f32 v16, v36  }
0xdf: {  	v22 =	vsub.f32 v14, v22;
	v23 =	vmul.f32 v23, v23;
	v27 =	vadd.f32 v29, v27;
	v26 =	vld [tilespmem:s26+$0x140C0]  }
0xe0: {  	v21 =	vadd.f32 v35, v21;
	v35 =	vmul.f32 v39, v39;
	v29 =	vld [tilespmem:s26+$0x140E0];
	v43 =	vsub.f32 v13, v43  }
0xe1: {  	v22 =	vmul.f32 v22, v22;
	v24 =	vsub.f32 v9, v24;
	v39 =	vld [tilespmem:s26+$0x14080];
	v44 =	vsub.f32 v18, v19  }
0xe2: {  	v21 =	vadd.f32 v30, v21;
	v30 =	vmul.f32 v40, v40;
	v45 =	vld [tilespmem:s26+$0x140A0];
	v31 =	vsub.f32 v6, v31  }
0xe3: {  	v24 =	vmul.f32 v24, v24;
	v27 =	vadd.f32 v32, v27;
	v19 =	vsub.f32 v18, v41;
	v40 =	vld [tilespmem:s26+$0x140D0]  }
0xe4: {  	v21 =	vadd.f32 v30, v21;
	v41 =	vmul.f32 v43, v43;
	v32 =	vld [tilespmem:s26+$0x14050];
	v31 =	vmul.f32 v31, v31  }
0xe5: {  	v26 =	vsub.f32 v8, v26;
	v30 =	vld [tilespmem:s26+$0x14060];
	v29 =	vsub.f32 v11, v29  }
0xe6: {  	v24 =	vadd.f32 v24, v28;
	v36 =	vmul.f32 v36, v36;
	v43 =	vld [tilespmem:s26+$0x14030];
	v31 =	vadd.f32 v41, v31  }
0xe7: {  	v37 =	vmul.f32 v37, v37;
	v41 =	vld [tilespmem:s26+$0x14020];
	v28 =	vsub.f32 v5, v45;
	v45 =	vadd.f32 v27, v21  }
0xe8: {  	v25 =	vadd.f32 v35, v25;
	v46 =	vld [tilespmem:s26+$0x14070];
	v40 =	vsub.f32 v10, v40  }
0xe9: {  	v23 =	vadd.f32 v23, v38;
	v42 =	vsub.f32 v15, v42;
	v35 =	vld [tilespmem:s26+$0x14040];
	v47 =	vmul.f32 v28, v28  }
0xea: {  	v22 =	vadd.f32 v22, v34;
	v48 =	vmul.f32 v26, v26;
	v28 =	vsub.f32 v11, v30;
	v38 =	vld [tilespmem:s26+$0x14090]  }
0xeb: {  	v26 =	vmul.f32 v29, v29;
	v29 =	vadd.f32 v36, v31;
	v30 =	vsub.f32 v3, v39;
	v21 =	vld [tilespmem:s26+$0x14000]  }
0xec: {  	v22 =	vadd.f32 v22, v24;
	v24 =	vadd.f32 v25, v23;
	v27 =	vld [tilespmem:s26+$0x14010];
	v28 =	vmul.f32 v28, v28  }
0xed: {  	v34 =	vmul.f32 v44, v44;
	v23 =	vsub.f32 v6, v43;
	v31 =	vadd.f32 v26, v47;
	v25 =	vld [tilespmem:s26+$0x14490]  }
0xee: {  	v26 =	vmul.f32 v40, v40;
	v40 =	vadd.f32 v22, v45;
	v36 =	vsub.f32 v13, v46;
	v39 =	vld [tilespmem:s26+$0x14430]  }
0xef: {  	s6 =	sand.u32 $0x3E0, s0;
	s0 =	smov.u32 s18;
	v33 =	vsub.f32 v9, v33;
	v24 =	vadd.f32 v20, v24;
	v43 =	vmul.f32 v23, v23;
	v23 =	vld [tilespmem:s26+$0x144C0]  }
.Ltmp1:
0xf0: {  	v20 =	vadd.f32 v37, v29;
	v41 =	vsub.f32 v5, v41;
	v36 =	vmul.f32 v36, v36;
	v22 =	vld [tilespmem:s26+$0x14470];
	[tilespmem:s6+$0x18400] =	vst v40;
	(pc) =	sbr.rel @p0 .LBB2_4-.Ltmp1, $4  }
0xf1: {  	v33 =	vmul.f32 v33, v33;
	v44 =	vmul.f32 v30, v30;
	v31 =	vadd.f32 v34, v31;
	v29 =	vld [tilespmem:s26+$0x14410];
	[tilespmem:s28+$0x0] =	vst v24;
	s28 =	smov.u32 s19  }
0xf2: {  	v37 =	vmul.f32 v41, v41;
	v34 =	vadd.f32 v36, v43;
	v36 =	vsub.f32 v4, v38;
	v30 =	vld [tilespmem:s26+$0x14400]  }
0xf3: {  	s18 =	sadd.s32 $0x20, s18;
	v38 =	vadd.f32 v48, v44;
	v40 =	vsub.f32 v16, v39;
	v24 =	vld [tilespmem:s26+$0x14460];
	v39 =	vmul.f32 v42, v42  }
0xf4: {  	s5 =	sadd.s32 $0x100, s5;
	s30 =	sadd.s32 $0x200, s30;
	v35 =	vsub.f32 v8, v35;
	v41 =	vsub.f32 v10, v32;
	s19 =	sadd.s32 $0x20, s19;
	v36 =	vmul.f32 v36, v36;
	v32 =	vld [tilespmem:s26+$0x14450]  }
0xf5: {  	v28 =	vadd.f32 v28, v37  }
0xf6: {  	v27 =	vsub.f32 v4, v27;
	v38 =	vadd.f32 v39, v38  }
0xf7: {  	v63 =	vmul.f32 v40, v40;
	v31 =	vadd.f32 v33, v31;
	v25 =	vsub.f32 v17, v25  }
0xf8: {  	v21 =	vsub.f32 v3, v21;
	v19 =	vmul.f32 v19, v19;
	v23 =	vsub.f32 v7, v23  }
0xf9: {  	v22 =	vsub.f32 v14, v22;
	v46 =	vmul.f32 v41, v41;
	v29 =	vsub.f32 v17, v29  }
0xfa: {  	v44 =	vld [tilespmem:s26+$0x14440];
	v26 =	vadd.f32 v26, v36;
	v35 =	vmul.f32 v35, v35;
	v45 =	vadd.f32 v63, v34  }
0xfb: {  	v47 =	vld [tilespmem:s26+$0x144D0];
	v27 =	vmul.f32 v27, v27;
	v30 =	vsub.f32 v15, v30;
	v21 =	vmul.f32 v21, v21  }
0xfc: {  	v19 =	vadd.f32 v19, v28;
	v25 =	vmul.f32 v25, v25;
	v23 =	vmul.f32 v23, v23  }
0xfd: {  	v22 =	vmul.f32 v22, v22;
	v24 =	vsub.f32 v9, v24;
	v32 =	vsub.f32 v12, v32  }
0xfe: {  	v29 =	vmul.f32 v29, v29;
	v27 =	vadd.f32 v46, v27;
	v21 =	vadd.f32 v35, v21  }
0xff: {  	v30 =	vmul.f32 v30, v30;
	v25 =	vadd.f32 v25, v26;
	v48 =	vsub.f32 v7, v44  }
0x100: {  	v28 =	vsub.f32 v12, v47;
	v24 =	vmul.f32 v24, v24;
	v27 =	vadd.f32 v29, v27  }
0x101: {  	v29 =	vmul.f32 v32, v32;
	v21 =	vadd.f32 v30, v21;
	v30 =	vmul.f32 v48, v48  }
0x102: {  	v22 =	vadd.f32 v22, v45;
	v26 =	vmul.f32 v28, v28;
	v19 =	vadd.f32 v24, v19  }
0x103: {  	v27 =	vadd.f32 v29, v27;
	v21 =	vadd.f32 v30, v21  }
0x104: {  	v23 =	vadd.f32 v23, v38;
	v24 =	vadd.f32 v26, v25  }
0x105: {  	v19 =	vadd.f32 v22, v19;
	v21 =	vadd.f32 v27, v21  }
0x106: {  	v20 =	vadd.f32 v20, v31;
	v22 =	vadd.f32 v24, v23  }
0x107: {  	v19 =	vadd.f32 v19, v21  }
0x108: {  	s0 =	sand.u32 $0x3E0, s0;
	v20 =	vadd.f32 v20, v22  }
0x109: {  	[tilespmem:s0+$0x18400] =	vst v19  }
0x10a: {  	[tilespmem:s28+$0x0] =	vst v20;
	s0 =	simm.s32 $0x0  }
0x10b: {  	[tilespmem:s7], [sflag:$0x2] =	stream.linear.gather [hbm4b:s9+s0], $0x4000, $0x38;
	[tilespmem:$0x1A580] =	vst v63  }
0x10c: {  	_ =	swait.ge [sflag:s22], $0x4000  }
0x10d: {  	s1 =	sand.u32 $0x3800, s0;
	s5 =	sand.u32 $0x300, s0;
	[sflag:s22] =	ssyncset.done $0x0  }
0x10e: {  	s26 =	sor.u32 s5, s1;
	[sflag:s22] =	ssyncadd.s32 $0xFFFFC000  }
0x10f: {  	v20 =	vld [tilespmem:s26+$0x104E0]  }
0x110: {  	v19 =	vld [tilespmem:s26+$0x104F0]  }
0x111: {  	v21 =	vld [tilespmem:s26+$0x104B0]  }
0x112: {  	v22 =	vld [tilespmem:s26+$0x10480]  }
0x113: {  	v23 =	vld [tilespmem:s26+$0x100F0]  }
0x114: {  	v24 =	vld [tilespmem:s26+$0x104A0]  }
0x115: {  	v25 =	vld [tilespmem:s26+$0x100B0]  }
0x116: {  	v26 =	vld [tilespmem:s26+$0x10420]  }
0x117: {  	v27 =	vld [tilespmem:s26+$0x100C0]  }
0x118: {  	v28 =	vld [tilespmem:s26+$0x100E0]  }
0x119: {  	v29 =	vld [tilespmem:s26+$0x10080]  }
0x11a: {  	v30 =	vld [tilespmem:s26+$0x100A0]  }
0x11b: {  	v31 =	vld [tilespmem:s26+$0x100D0]  }
0x11c: {  	v51 =	vld [tilespmem:s26+$0x10060];
	v49 =	vsub.f32 v14, v19;
	v23 =	vsub.f32 v13, v23  }
0x11d: {  	v54 =	vld [tilespmem:s26+$0x10070];
	v25 =	vsub.f32 v6, v25;
	v21 =	vsub.f32 v16, v21  }
0x11e: {  	v50 =	vld [tilespmem:s26+$0x10050];
	v24 =	vsub.f32 v18, v24;
	v19 =	vsub.f32 v18, v26  }
0x11f: {  	v52 =	vld [tilespmem:s26+$0x10030];
	v26 =	vsub.f32 v8, v27;
	v27 =	vsub.f32 v11, v28  }
0x120: {  	v53 =	vld [tilespmem:s26+$0x10020];
	v31 =	vsub.f32 v10, v31;
	v58 =	vsub.f32 v15, v22  }
0x121: {  	v56 =	vld [tilespmem:s26+$0x10090];
	v22 =	vsub.f32 v11, v51;
	v59 =	vsub.f32 v3, v29  }
0x122: {  	v55 =	vld [tilespmem:s26+$0x10040];
	v37 =	vsub.f32 v13, v54;
	v25 =	vmul.f32 v25, v25;
	v23 =	vmul.f32 v23, v23  }
0x123: {  	v61 =	vld [tilespmem:s26+$0x10430];
	v43 =	vsub.f32 v9, v20;
	v28 =	vmul.f32 v21, v21;
	v42 =	vmul.f32 v26, v26  }
0x124: {  	v32 =	vld [tilespmem:s26+$0x10450];
	v26 =	vmul.f32 v27, v27;
	v23 =	vadd.f32 v23, v25;
	v25 =	vsub.f32 v5, v30  }
0x125: {  	v35 =	vsub.f32 v5, v53;
	v21 =	vld [tilespmem:s26+$0x10000];
	v24 =	vmul.f32 v24, v24;
	v44 =	vmul.f32 v37, v37  }
0x126: {  	v63 =	vsub.f32 v4, v56;
	v27 =	vld [tilespmem:s26+$0x10010];
	v45 =	vmul.f32 v59, v59;
	v57 =	vmul.f32 v25, v25  }
0x127: {  	v29 =	vadd.f32 v28, v23;
	v28 =	vmul.f32 v22, v22;
	v22 =	vsub.f32 v6, v52;
	v25 =	vld [tilespmem:s26+$0x10490]  }
0x128: {  	v40 =	vsub.f32 v16, v61;
	v33 =	vmul.f32 v43, v43;
	v30 =	vmul.f32 v49, v49;
	v23 =	vld [tilespmem:s26+$0x104C0]  }
0x129: {  	v41 =	vsub.f32 v10, v50;
	v37 =	vmul.f32 v35, v35;
	v62 =	vmul.f32 v22, v22;
	v22 =	vld [tilespmem:s26+$0x10470]  }
0x12a: {  	v39 =	vmul.f32 v58, v58;
	v60 =	vadd.f32 v26, v57;
	v20 =	vadd.f32 v30, v29;
	v29 =	vld [tilespmem:s26+$0x10410]  }
0x12b: {  	s18 =	simm.s32 $0x20;
	s19 =	simm.s32 $0x18830;
	s30 =	simm.s32 $0x200;
	v35 =	vsub.f32 v8, v55;
	v36 =	vmul.f32 v63, v63;
	v38 =	vadd.f32 v42, v45;
	v30 =	vld [tilespmem:s26+$0x10400]  }
0x12c: {  	s28 =	simm.s32 $0x18810;
	s1 =	simm.s32 $0x0;
	s5 =	simm.s32 $0x100;
	v26 =	vmul.f32 v31, v31;
	v31 =	vadd.f32 v24, v60;
	v34 =	vadd.f32 v44, v62;
	v24 =	vld [tilespmem:s26+$0x10460]  }
.LBB2_6:
0x12d: {  	s6 =	sand.u32 $0x3800, s30;
	s31 =	sand.u32 $0x300, s5;
	s1 =	sadd.s32 $0x2, s1;
	v27 =	vsub.f32 v4, v27;
	v28 =	vadd.f32 v28, v37;
	v37 =	vmul.f32 v40, v40;
	v40 =	vld [tilespmem:s26+$0x10440]  }
0x12e: {  	v38 =	vadd.f32 v39, v38;
	v31 =	vadd.f32 v33, v31;
	p0 =	slt.u32 s1, $0x3E;
	v41 =	vmul.f32 v41, v41;
	v39 =	vld [tilespmem:s26+$0x104D0];
	s26 =	sor.u32 s31, s6  }
0x12f: {  	v25 =	vsub.f32 v17, v25;
	v33 =	vld [tilespmem:s26+$0x104E0];
	v27 =	vmul.f32 v27, v27;
	v34 =	vadd.f32 v37, v34  }
0x130: {  	v35 =	vmul.f32 v35, v35;
	v29 =	vsub.f32 v17, v29;
	v26 =	vadd.f32 v26, v36;
	v37 =	vld [tilespmem:s26+$0x104F0]  }
0x131: {  	v21 =	vsub.f32 v3, v21;
	v19 =	vmul.f32 v19, v19;
	v30 =	vsub.f32 v15, v30;
	v36 =	vld [tilespmem:s26+$0x104B0]  }
0x132: {  	v25 =	vmul.f32 v25, v25;
	v32 =	vsub.f32 v12, v32;
	v42 =	vld [tilespmem:s26+$0x10480];
	v40 =	vsub.f32 v7, v40  }
0x133: {  	v28 =	vadd.f32 v19, v28;
	v29 =	vmul.f32 v29, v29;
	v27 =	vadd.f32 v41, v27;
	v43 =	vld [tilespmem:s26+$0x100F0]  }
0x134: {  	v23 =	vsub.f32 v7, v23;
	v20 =	vadd.f32 v20, v31;
	v30 =	vmul.f32 v30, v30;
	v19 =	vld [tilespmem:s26+$0x104A0]  }
0x135: {  	v32 =	vmul.f32 v32, v32;
	v39 =	vsub.f32 v12, v39;
	v31 =	vld [tilespmem:s26+$0x100B0];
	v37 =	vsub.f32 v14, v37  }
0x136: {  	v21 =	vmul.f32 v21, v21;
	v25 =	vadd.f32 v25, v26;
	v41 =	vld [tilespmem:s26+$0x10420];
	v36 =	vsub.f32 v16, v36  }
0x137: {  	v22 =	vsub.f32 v14, v22;
	v23 =	vmul.f32 v23, v23;
	v27 =	vadd.f32 v29, v27;
	v26 =	vld [tilespmem:s26+$0x100C0]  }
0x138: {  	v21 =	vadd.f32 v35, v21;
	v35 =	vmul.f32 v39, v39;
	v29 =	vld [tilespmem:s26+$0x100E0];
	v43 =	vsub.f32 v13, v43  }
0x139: {  	v22 =	vmul.f32 v22, v22;
	v24 =	vsub.f32 v9, v24;
	v39 =	vld [tilespmem:s26+$0x10080];
	v44 =	vsub.f32 v18, v19  }
0x13a: {  	v21 =	vadd.f32 v30, v21;
	v30 =	vmul.f32 v40, v40;
	v45 =	vld [tilespmem:s26+$0x100A0];
	v31 =	vsub.f32 v6, v31  }
0x13b: {  	v24 =	vmul.f32 v24, v24;
	v27 =	vadd.f32 v32, v27;
	v19 =	vsub.f32 v18, v41;
	v40 =	vld [tilespmem:s26+$0x100D0]  }
0x13c: {  	v21 =	vadd.f32 v30, v21;
	v41 =	vmul.f32 v43, v43;
	v32 =	vld [tilespmem:s26+$0x10050];
	v31 =	vmul.f32 v31, v31  }
0x13d: {  	v26 =	vsub.f32 v8, v26;
	v30 =	vld [tilespmem:s26+$0x10060];
	v29 =	vsub.f32 v11, v29  }
0x13e: {  	v24 =	vadd.f32 v24, v28;
	v36 =	vmul.f32 v36, v36;
	v43 =	vld [tilespmem:s26+$0x10030];
	v31 =	vadd.f32 v41, v31  }
0x13f: {  	v37 =	vmul.f32 v37, v37;
	v41 =	vld [tilespmem:s26+$0x10020];
	v28 =	vsub.f32 v5, v45;
	v45 =	vadd.f32 v27, v21  }
0x140: {  	v25 =	vadd.f32 v35, v25;
	v46 =	vld [tilespmem:s26+$0x10070];
	v40 =	vsub.f32 v10, v40  }
0x141: {  	v23 =	vadd.f32 v23, v38;
	v42 =	vsub.f32 v15, v42;
	v35 =	vld [tilespmem:s26+$0x10040];
	v47 =	vmul.f32 v28, v28  }
0x142: {  	v22 =	vadd.f32 v22, v34;
	v48 =	vmul.f32 v26, v26;
	v28 =	vsub.f32 v11, v30;
	v38 =	vld [tilespmem:s26+$0x10090]  }
0x143: {  	v26 =	vmul.f32 v29, v29;
	v29 =	vadd.f32 v36, v31;
	v30 =	vsub.f32 v3, v39;
	v21 =	vld [tilespmem:s26+$0x10000]  }
0x144: {  	v22 =	vadd.f32 v22, v24;
	v24 =	vadd.f32 v25, v23;
	v27 =	vld [tilespmem:s26+$0x10010];
	v28 =	vmul.f32 v28, v28  }
0x145: {  	v34 =	vmul.f32 v44, v44;
	v23 =	vsub.f32 v6, v43;
	v31 =	vadd.f32 v26, v47;
	v25 =	vld [tilespmem:s26+$0x10490]  }
0x146: {  	v26 =	vmul.f32 v40, v40;
	v40 =	vadd.f32 v22, v45;
	v36 =	vsub.f32 v13, v46;
	v39 =	vld [tilespmem:s26+$0x10430]  }
0x147: {  	s6 =	sand.u32 $0x3E0, s0;
	s0 =	smov.u32 s18;
	v33 =	vsub.f32 v9, v33;
	v24 =	vadd.f32 v20, v24;
	v43 =	vmul.f32 v23, v23;
	v23 =	vld [tilespmem:s26+$0x104C0]  }
.Ltmp2:
0x148: {  	v20 =	vadd.f32 v37, v29;
	v41 =	vsub.f32 v5, v41;
	v36 =	vmul.f32 v36, v36;
	v22 =	vld [tilespmem:s26+$0x10470];
	[tilespmem:s6+$0x18800] =	vst v40;
	(pc) =	sbr.rel @p0 .LBB2_6-.Ltmp2, $4  }
0x149: {  	v33 =	vmul.f32 v33, v33;
	v44 =	vmul.f32 v30, v30;
	v31 =	vadd.f32 v34, v31;
	v29 =	vld [tilespmem:s26+$0x10410];
	[tilespmem:s28+$0x0] =	vst v24;
	s28 =	smov.u32 s19  }
0x14a: {  	v37 =	vmul.f32 v41, v41;
	v34 =	vadd.f32 v36, v43;
	v36 =	vsub.f32 v4, v38;
	v30 =	vld [tilespmem:s26+$0x10400]  }
0x14b: {  	s18 =	sadd.s32 $0x20, s18;
	v38 =	vadd.f32 v48, v44;
	v40 =	vsub.f32 v16, v39;
	v24 =	vld [tilespmem:s26+$0x10460];
	v39 =	vmul.f32 v42, v42  }
0x14c: {  	s5 =	sadd.s32 $0x100, s5;
	s30 =	sadd.s32 $0x200, s30;
	v35 =	vsub.f32 v8, v35;
	v41 =	vsub.f32 v10, v32;
	s19 =	sadd.s32 $0x20, s19;
	v36 =	vmul.f32 v36, v36;
	v32 =	vld [tilespmem:s26+$0x10450]  }
0x14d: {  	v28 =	vadd.f32 v28, v37  }
0x14e: {  	v27 =	vsub.f32 v4, v27;
	v38 =	vadd.f32 v39, v38  }
0x14f: {  	v63 =	vmul.f32 v40, v40;
	v31 =	vadd.f32 v33, v31;
	v25 =	vsub.f32 v17, v25  }
0x150: {  	v21 =	vsub.f32 v3, v21;
	v19 =	vmul.f32 v19, v19;
	v23 =	vsub.f32 v7, v23  }
0x151: {  	v22 =	vsub.f32 v14, v22;
	v46 =	vmul.f32 v41, v41;
	v29 =	vsub.f32 v17, v29  }
0x152: {  	v44 =	vld [tilespmem:s26+$0x10440];
	v26 =	vadd.f32 v26, v36;
	v35 =	vmul.f32 v35, v35;
	v45 =	vadd.f32 v63, v34  }
0x153: {  	v47 =	vld [tilespmem:s26+$0x104D0];
	v27 =	vmul.f32 v27, v27;
	v30 =	vsub.f32 v15, v30;
	v21 =	vmul.f32 v21, v21  }
0x154: {  	v19 =	vadd.f32 v19, v28;
	v25 =	vmul.f32 v25, v25;
	v23 =	vmul.f32 v23, v23  }
0x155: {  	v22 =	vmul.f32 v22, v22;
	v24 =	vsub.f32 v9, v24;
	v32 =	vsub.f32 v12, v32  }
0x156: {  	v29 =	vmul.f32 v29, v29;
	v27 =	vadd.f32 v46, v27;
	v21 =	vadd.f32 v35, v21  }
0x157: {  	v30 =	vmul.f32 v30, v30;
	v25 =	vadd.f32 v25, v26;
	v48 =	vsub.f32 v7, v44  }
0x158: {  	v28 =	vsub.f32 v12, v47;
	v24 =	vmul.f32 v24, v24;
	v27 =	vadd.f32 v29, v27  }
0x159: {  	v29 =	vmul.f32 v32, v32;
	v21 =	vadd.f32 v30, v21;
	v30 =	vmul.f32 v48, v48  }
0x15a: {  	v22 =	vadd.f32 v22, v45;
	v26 =	vmul.f32 v28, v28;
	v19 =	vadd.f32 v24, v19  }
0x15b: {  	v27 =	vadd.f32 v29, v27;
	v21 =	vadd.f32 v30, v21  }
0x15c: {  	v23 =	vadd.f32 v23, v38;
	v24 =	vadd.f32 v26, v25  }
0x15d: {  	v19 =	vadd.f32 v22, v19;
	v21 =	vadd.f32 v27, v21  }
0x15e: {  	v20 =	vadd.f32 v20, v31;
	v22 =	vadd.f32 v24, v23  }
0x15f: {  	v19 =	vadd.f32 v19, v21  }
0x160: {  	s0 =	sand.u32 $0x3E0, s0;
	v20 =	vadd.f32 v20, v22  }
0x161: {  	[tilespmem:s0+$0x18800] =	vst v19  }
0x162: {  	[tilespmem:s28+$0x0] =	vst v20  }
0x163: {  	s0 =	simm.s32 $0x0;
	_ =	swait.ge [sflag:s23], $0x4000  }
0x164: {  	s1 =	sand.u32 $0x3800, s0;
	s5 =	sand.u32 $0x300, s0;
	[sflag:s23] =	ssyncset.done $0x0  }
0x165: {  	s26 =	sor.u32 s5, s1;
	[sflag:s23] =	ssyncadd.s32 $0xFFFFC000  }
0x166: {  	v20 =	vld [tilespmem:s26+$0x144E0]  }
0x167: {  	v19 =	vld [tilespmem:s26+$0x144F0]  }
0x168: {  	v21 =	vld [tilespmem:s26+$0x144B0]  }
0x169: {  	v22 =	vld [tilespmem:s26+$0x14480]  }
0x16a: {  	v23 =	vld [tilespmem:s26+$0x140F0]  }
0x16b: {  	v24 =	vld [tilespmem:s26+$0x144A0]  }
0x16c: {  	v25 =	vld [tilespmem:s26+$0x140B0]  }
0x16d: {  	v26 =	vld [tilespmem:s26+$0x14420]  }
0x16e: {  	v27 =	vld [tilespmem:s26+$0x140C0]  }
0x16f: {  	v28 =	vld [tilespmem:s26+$0x140E0]  }
0x170: {  	v29 =	vld [tilespmem:s26+$0x14080]  }
0x171: {  	v30 =	vld [tilespmem:s26+$0x140A0]  }
0x172: {  	v31 =	vld [tilespmem:s26+$0x140D0]  }
0x173: {  	v51 =	vld [tilespmem:s26+$0x14060];
	v49 =	vsub.f32 v14, v19;
	v23 =	vsub.f32 v13, v23  }
0x174: {  	v54 =	vld [tilespmem:s26+$0x14070];
	v25 =	vsub.f32 v6, v25;
	v21 =	vsub.f32 v16, v21  }
0x175: {  	v53 =	vld [tilespmem:s26+$0x14020];
	v24 =	vsub.f32 v18, v24;
	v19 =	vsub.f32 v18, v26  }
0x176: {  	v52 =	vld [tilespmem:s26+$0x14030];
	v26 =	vsub.f32 v8, v27;
	v27 =	vsub.f32 v11, v28  }
0x177: {  	v50 =	vld [tilespmem:s26+$0x14050];
	v31 =	vsub.f32 v10, v31;
	v42 =	vsub.f32 v15, v22  }
0x178: {  	v56 =	vld [tilespmem:s26+$0x14090];
	v22 =	vsub.f32 v11, v51;
	v58 =	vsub.f32 v3, v29  }
0x179: {  	v55 =	vld [tilespmem:s26+$0x14040];
	v59 =	vsub.f32 v13, v54;
	v62 =	vsub.f32 v9, v20;
	v25 =	vmul.f32 v25, v25  }
0x17a: {  	v60 =	vld [tilespmem:s26+$0x14430];
	v35 =	vsub.f32 v5, v53;
	v23 =	vmul.f32 v23, v23;
	v43 =	vmul.f32 v26, v26  }
0x17b: {  	v28 =	vld [tilespmem:s26+$0x14010];
	v26 =	vmul.f32 v27, v27;
	v27 =	vmul.f32 v22, v22;
	v22 =	vsub.f32 v6, v52  }
0x17c: {  	v23 =	vadd.f32 v23, v25;
	v25 =	vsub.f32 v5, v30;
	v30 =	vmul.f32 v21, v21;
	v21 =	vld [tilespmem:s26+$0x14000]  }
0x17d: {  	v44 =	vsub.f32 v4, v56;
	v32 =	vmul.f32 v49, v49;
	v61 =	vmul.f32 v22, v22;
	v22 =	vld [tilespmem:s26+$0x14470]  }
0x17e: {  	v24 =	vmul.f32 v24, v24;
	v57 =	vmul.f32 v25, v25;
	v29 =	vadd.f32 v30, v23;
	v25 =	vld [tilespmem:s26+$0x14490]  }
0x17f: {  	v40 =	vsub.f32 v16, v60;
	v34 =	vmul.f32 v59, v59;
	v63 =	vmul.f32 v58, v58;
	v23 =	vld [tilespmem:s26+$0x144C0]  }
0x180: {  	v33 =	vmul.f32 v62, v62;
	v30 =	vadd.f32 v26, v57;
	v20 =	vadd.f32 v32, v29;
	v29 =	vld [tilespmem:s26+$0x14410]  }
0x181: {  	v41 =	vsub.f32 v10, v50;
	v36 =	vmul.f32 v35, v35;
	v39 =	vmul.f32 v42, v42;
	v32 =	vld [tilespmem:s26+$0x14450]  }
0x182: {  	s18 =	simm.s32 $0x20;
	s19 =	simm.s32 $0x18C30;
	s30 =	simm.s32 $0x200;
	v35 =	vsub.f32 v8, v55;
	v26 =	vmul.f32 v31, v31;
	v31 =	vadd.f32 v24, v30;
	v30 =	vld [tilespmem:s26+$0x14400]  }
0x183: {  	s28 =	simm.s32 $0x18C10;
	s1 =	simm.s32 $0x0;
	s5 =	simm.s32 $0x100;
	v37 =	vmul.f32 v44, v44;
	v38 =	vadd.f32 v43, v63;
	v34 =	vadd.f32 v34, v61;
	v24 =	vld [tilespmem:s26+$0x14460]  }
.LBB2_8:
0x184: {  	s6 =	sand.u32 $0x3800, s30;
	s31 =	sand.u32 $0x300, s5;
	s1 =	sadd.s32 $0x2, s1;
	v28 =	vsub.f32 v4, v28;
	v27 =	vadd.f32 v27, v36;
	v36 =	vmul.f32 v40, v40;
	v40 =	vld [tilespmem:s26+$0x14440]  }
0x185: {  	v38 =	vadd.f32 v39, v38;
	v31 =	vadd.f32 v33, v31;
	p0 =	slt.u32 s1, $0x3E;
	v41 =	vmul.f32 v41, v41;
	v39 =	vld [tilespmem:s26+$0x144D0];
	s26 =	sor.u32 s31, s6  }
0x186: {  	v25 =	vsub.f32 v17, v25;
	v33 =	vld [tilespmem:s26+$0x144E0];
	v28 =	vmul.f32 v28, v28;
	v34 =	vadd.f32 v36, v34  }
0x187: {  	v35 =	vmul.f32 v35, v35;
	v29 =	vsub.f32 v17, v29;
	v26 =	vadd.f32 v26, v37;
	v36 =	vld [tilespmem:s26+$0x144F0]  }
0x188: {  	v21 =	vsub.f32 v3, v21;
	v19 =	vmul.f32 v19, v19;
	v30 =	vsub.f32 v15, v30;
	v37 =	vld [tilespmem:s26+$0x144B0]  }
0x189: {  	v25 =	vmul.f32 v25, v25;
	v32 =	vsub.f32 v12, v32;
	v42 =	vld [tilespmem:s26+$0x14480];
	v40 =	vsub.f32 v7, v40  }
0x18a: {  	v27 =	vadd.f32 v19, v27;
	v29 =	vmul.f32 v29, v29;
	v28 =	vadd.f32 v41, v28;
	v43 =	vld [tilespmem:s26+$0x140F0]  }
0x18b: {  	v23 =	vsub.f32 v7, v23;
	v20 =	vadd.f32 v20, v31;
	v30 =	vmul.f32 v30, v30;
	v19 =	vld [tilespmem:s26+$0x144A0]  }
0x18c: {  	v32 =	vmul.f32 v32, v32;
	v39 =	vsub.f32 v12, v39;
	v31 =	vld [tilespmem:s26+$0x140B0];
	v36 =	vsub.f32 v14, v36  }
0x18d: {  	v21 =	vmul.f32 v21, v21;
	v25 =	vadd.f32 v25, v26;
	v41 =	vld [tilespmem:s26+$0x14420];
	v37 =	vsub.f32 v16, v37  }
0x18e: {  	v22 =	vsub.f32 v14, v22;
	v23 =	vmul.f32 v23, v23;
	v28 =	vadd.f32 v29, v28;
	v26 =	vld [tilespmem:s26+$0x140C0]  }
0x18f: {  	v21 =	vadd.f32 v35, v21;
	v35 =	vmul.f32 v39, v39;
	v29 =	vld [tilespmem:s26+$0x140E0];
	v43 =	vsub.f32 v13, v43  }
0x190: {  	v22 =	vmul.f32 v22, v22;
	v24 =	vsub.f32 v9, v24;
	v39 =	vld [tilespmem:s26+$0x14080];
	v44 =	vsub.f32 v18, v19  }
0x191: {  	v21 =	vadd.f32 v30, v21;
	v30 =	vmul.f32 v40, v40;
	v45 =	vld [tilespmem:s26+$0x140A0];
	v31 =	vsub.f32 v6, v31  }
0x192: {  	v24 =	vmul.f32 v24, v24;
	v28 =	vadd.f32 v32, v28;
	v19 =	vsub.f32 v18, v41;
	v40 =	vld [tilespmem:s26+$0x140D0]  }
0x193: {  	v21 =	vadd.f32 v30, v21;
	v41 =	vmul.f32 v43, v43;
	v32 =	vld [tilespmem:s26+$0x14050];
	v31 =	vmul.f32 v31, v31  }
0x194: {  	v26 =	vsub.f32 v8, v26;
	v30 =	vld [tilespmem:s26+$0x14060];
	v29 =	vsub.f32 v11, v29  }
0x195: {  	v24 =	vadd.f32 v24, v27;
	v37 =	vmul.f32 v37, v37;
	v43 =	vld [tilespmem:s26+$0x14030];
	v31 =	vadd.f32 v41, v31  }
0x196: {  	v36 =	vmul.f32 v36, v36;
	v41 =	vld [tilespmem:s26+$0x14020];
	v27 =	vsub.f32 v5, v45;
	v45 =	vadd.f32 v28, v21  }
0x197: {  	v25 =	vadd.f32 v35, v25;
	v46 =	vld [tilespmem:s26+$0x14070];
	v40 =	vsub.f32 v10, v40  }
0x198: {  	v23 =	vadd.f32 v23, v38;
	v42 =	vsub.f32 v15, v42;
	v35 =	vld [tilespmem:s26+$0x14040];
	v47 =	vmul.f32 v27, v27  }
0x199: {  	v22 =	vadd.f32 v22, v34;
	v48 =	vmul.f32 v26, v26;
	v27 =	vsub.f32 v11, v30;
	v38 =	vld [tilespmem:s26+$0x14090]  }
0x19a: {  	v26 =	vmul.f32 v29, v29;
	v29 =	vadd.f32 v37, v31;
	v30 =	vsub.f32 v3, v39;
	v21 =	vld [tilespmem:s26+$0x14000]  }
0x19b: {  	v22 =	vadd.f32 v22, v24;
	v24 =	vadd.f32 v25, v23;
	v28 =	vld [tilespmem:s26+$0x14010];
	v27 =	vmul.f32 v27, v27  }
0x19c: {  	v34 =	vmul.f32 v44, v44;
	v23 =	vsub.f32 v6, v43;
	v31 =	vadd.f32 v26, v47;
	v25 =	vld [tilespmem:s26+$0x14490]  }
0x19d: {  	v26 =	vmul.f32 v40, v40;
	v40 =	vadd.f32 v22, v45;
	v37 =	vsub.f32 v13, v46;
	v39 =	vld [tilespmem:s26+$0x14430]  }
0x19e: {  	s6 =	sand.u32 $0x3E0, s0;
	s0 =	smov.u32 s18;
	v33 =	vsub.f32 v9, v33;
	v24 =	vadd.f32 v20, v24;
	v43 =	vmul.f32 v23, v23;
	v23 =	vld [tilespmem:s26+$0x144C0]  }
.Ltmp3:
0x19f: {  	v20 =	vadd.f32 v36, v29;
	v41 =	vsub.f32 v5, v41;
	v37 =	vmul.f32 v37, v37;
	v22 =	vld [tilespmem:s26+$0x14470];
	[tilespmem:s6+$0x18C00] =	vst v40;
	(pc) =	sbr.rel @p0 .LBB2_8-.Ltmp3, $4  }
0x1a0: {  	v33 =	vmul.f32 v33, v33;
	v44 =	vmul.f32 v30, v30;
	v31 =	vadd.f32 v34, v31;
	v29 =	vld [tilespmem:s26+$0x14410];
	[tilespmem:s28+$0x0] =	vst v24;
	s28 =	smov.u32 s19  }
0x1a1: {  	v36 =	vmul.f32 v41, v41;
	v34 =	vadd.f32 v37, v43;
	v37 =	vsub.f32 v4, v38;
	v30 =	vld [tilespmem:s26+$0x14400]  }
0x1a2: {  	s18 =	sadd.s32 $0x20, s18;
	v38 =	vadd.f32 v48, v44;
	v40 =	vsub.f32 v16, v39;
	v24 =	vld [tilespmem:s26+$0x14460];
	v39 =	vmul.f32 v42, v42  }
0x1a3: {  	s5 =	sadd.s32 $0x100, s5;
	s30 =	sadd.s32 $0x200, s30;
	v35 =	vsub.f32 v8, v35;
	v41 =	vsub.f32 v10, v32;
	s19 =	sadd.s32 $0x20, s19;
	v37 =	vmul.f32 v37, v37;
	v32 =	vld [tilespmem:s26+$0x14450]  }
0x1a4: {  	v28 =	vsub.f32 v4, v28  }
0x1a5: {  	v27 =	vadd.f32 v27, v36;
	v44 =	vadd.f32 v39, v38  }
0x1a6: {  	v40 =	vmul.f32 v40, v40;
	v31 =	vadd.f32 v33, v31;
	v25 =	vsub.f32 v17, v25  }
0x1a7: {  	v21 =	vsub.f32 v3, v21;
	v19 =	vmul.f32 v19, v19;
	v23 =	vsub.f32 v7, v23  }
0x1a8: {  	v22 =	vsub.f32 v14, v22;
	v46 =	vmul.f32 v41, v41;
	v29 =	vsub.f32 v17, v29  }
0x1a9: {  	v42 =	vld [tilespmem:s26+$0x14440];
	v26 =	vadd.f32 v26, v37;
	v35 =	vmul.f32 v35, v35;
	v45 =	vadd.f32 v40, v34  }
0x1aa: {  	v47 =	vld [tilespmem:s26+$0x144D0];
	v28 =	vmul.f32 v28, v28;
	v30 =	vsub.f32 v15, v30;
	v21 =	vmul.f32 v21, v21  }
0x1ab: {  	v19 =	vadd.f32 v19, v27;
	v25 =	vmul.f32 v25, v25;
	v23 =	vmul.f32 v23, v23  }
0x1ac: {  	v22 =	vmul.f32 v22, v22;
	v24 =	vsub.f32 v9, v24;
	v32 =	vsub.f32 v12, v32  }
0x1ad: {  	v29 =	vmul.f32 v29, v29;
	v28 =	vadd.f32 v46, v28;
	v21 =	vadd.f32 v35, v21  }
0x1ae: {  	v30 =	vmul.f32 v30, v30;
	v25 =	vadd.f32 v25, v26;
	v48 =	vsub.f32 v7, v42  }
0x1af: {  	v27 =	vsub.f32 v12, v47;
	v24 =	vmul.f32 v24, v24;
	v28 =	vadd.f32 v29, v28  }
0x1b0: {  	v29 =	vmul.f32 v32, v32;
	v21 =	vadd.f32 v30, v21;
	v30 =	vmul.f32 v48, v48  }
0x1b1: {  	v22 =	vadd.f32 v22, v45;
	v26 =	vmul.f32 v27, v27;
	v19 =	vadd.f32 v24, v19  }
0x1b2: {  	v27 =	vadd.f32 v29, v28;
	v21 =	vadd.f32 v30, v21  }
0x1b3: {  	v23 =	vadd.f32 v23, v44;
	v24 =	vadd.f32 v26, v25  }
0x1b4: {  	v19 =	vadd.f32 v22, v19;
	v21 =	vadd.f32 v27, v21  }
0x1b5: {  	v20 =	vadd.f32 v20, v31;
	v22 =	vadd.f32 v24, v23  }
0x1b6: {  	v19 =	vadd.f32 v19, v21  }
0x1b7: {  	s0 =	sand.u32 $0x3E0, s0;
	v20 =	vadd.f32 v20, v22  }
0x1b8: {  	[tilespmem:s0+$0x18C00] =	vst v19  }
0x1b9: {  	[tilespmem:s28+$0x0] =	vst v20  }
0x1ba: {  	s26 =	simm.s32 $0x0;
	_ =	swait.ge [sflag:s24], $0x10000  }
0x1bb: {  	s19 =	sand.u32 $0xF800, s26;
	s1 =	sand.u32 $0x300, s26;
	[sflag:s24] =	ssyncset.done $0x0  }
0x1bc: {  	s0 =	sor.u32 s1, s19;
	[sflag:s24] =	ssyncadd.s32 $0xFFFF0000  }
0x1bd: {  	v20 =	vld [tilespmem:s0+$0x4E0]  }
0x1be: {  	v21 =	vld [tilespmem:s0+$0x4A0]  }
0x1bf: {  	v22 =	vld [tilespmem:s0+$0xE0]  }
0x1c0: {  	v24 =	vld [tilespmem:s0+$0xA0]  }
0x1c1: {  	v25 =	vld [tilespmem:s0+$0x410]  }
0x1c2: {  	v26 =	vld [tilespmem:s0+$0x480]  }
0x1c3: {  	v27 =	vld [tilespmem:s0+$0x80]  }
0x1c4: {  	v30 =	vld [tilespmem:s0+$0xC0]  }
0x1c5: {  	v31 =	vld [tilespmem:s0+$0x70]  }
0x1c6: {  	v50 =	vld [tilespmem:s0+$0x60]  }
0x1c7: {  	v52 =	vld [tilespmem:s0+$0x90]  }
0x1c8: {  	v54 =	vld [tilespmem:s0+$0x40]  }
0x1c9: {  	v58 =	vld [tilespmem:s0+$0x10];
	v20 =	vsub.f32 v9, v20  }
0x1ca: {  	v59 =	vld [tilespmem:s0+$0x430];
	v21 =	vsub.f32 v18, v21;
	v22 =	vsub.f32 v11, v22  }
0x1cb: {  	v60 =	vld [tilespmem:s0+$0xB0];
	v26 =	vsub.f32 v15, v26;
	v27 =	vsub.f32 v3, v27  }
0x1cc: {  	v19 =	vld [tilespmem:s0+$0xF0];
	v30 =	vsub.f32 v8, v30;
	v57 =	vsub.f32 v13, v31  }
0x1cd: {  	v28 =	vld [tilespmem:s0+$0x420];
	v31 =	vsub.f32 v11, v50;
	v25 =	vsub.f32 v17, v25  }
0x1ce: {  	v49 =	vld [tilespmem:s0+$0xD0];
	v33 =	vsub.f32 v4, v58;
	v62 =	vsub.f32 v8, v54  }
0x1cf: {  	v61 =	vld [tilespmem:s0+$0x450];
	v35 =	vsub.f32 v4, v52;
	v23 =	vmul.f32 v20, v20;
	v20 =	vsub.f32 v5, v24  }
0x1d0: {  	v29 =	vld [tilespmem:s0+$0x400];
	v46 =	vsub.f32 v16, v59;
	v48 =	vsub.f32 v6, v60;
	v22 =	vmul.f32 v22, v22  }
0x1d1: {  	v53 =	vld [tilespmem:s0+$0x50];
	v24 =	vsub.f32 v13, v19;
	v21 =	vmul.f32 v21, v21;
	v20 =	vmul.f32 v20, v20  }
0x1d2: {  	v56 =	vld [tilespmem:s0+$0x30];
	v19 =	vimm.f32 $3.000000010e+38;
	v55 =	vmul.f32 v27, v27;
	v43 =	vmul.f32 v30, v30  }
0x1d3: {  	v51 =	vld [tilespmem:s0+$0x20];
	v26 =	vmul.f32 v26, v26;
	v38 =	vmul.f32 v57, v57;
	v20 =	vadd.f32 v22, v20  }
0x1d4: {  	v45 =	vmul.f32 v35, v35;
	v35 =	vsub.f32 v12, v61;
	v22 =	vsub.f32 v10, v49  }
0x1d5: {  	v47 =	vld [tilespmem:s0+$0x490];
	v39 =	vmul.f32 v46, v46;
	v27 =	vadd.f32 v21, v20;
	v20 =	vsub.f32 v18, v28  }
0x1d6: {  	v44 =	vld [tilespmem:s0+$0x0];
	v30 =	vmul.f32 v22, v22;
	v22 =	vsub.f32 v15, v29;
	v28 =	vsub.f32 v10, v53  }
0x1d7: {  	v40 =	vld [tilespmem:s0+$0x4B0];
	v24 =	vmul.f32 v24, v24;
	v29 =	vsub.f32 v6, v56;
	v21 =	vmul.f32 v20, v20  }
0x1d8: {  	v41 =	vld [tilespmem:s0+$0x470];
	v20 =	vsub.f32 v5, v51;
	v22 =	vmul.f32 v22, v22;
	v32 =	vmul.f32 v28, v28  }
0x1d9: {  	s18 =	simm.s32 $0x20;
	v36 =	vld [tilespmem:s0+$0x4F0];
	v46 =	vadd.f32 v43, v55;
	v28 =	vmul.f32 v25, v25;
	v63 =	vmul.f32 v29, v29  }
0x1da: {  	s30 =	simm.s32 $0x100;
	s5 =	simm.s32 $0x200;
	s31 =	simm.s32 $0x0;
	v42 =	vld [tilespmem:s0+$0x4D0];
	v43 =	vsub.f32 v17, v47;
	v25 =	vmul.f32 v62, v62;
	v37 =	vmul.f32 v20, v20  }
0x1db: {  	s28 =	simm.s32 $0x19010;
	s1 =	simm.s32 $0x0;
	s19 =	simm.s32 $0x19030;
	v29 =	vld [tilespmem:s0+$0x4C0];
	v34 =	vadd.f32 v38, v63;
	v38 =	vsub.f32 v3, v44;
	v44 =	vmul.f32 v48, v48  }
.LBB2_10:
0x1dc: {  	s6 =	sand.u32 $0xF800, s5;
	s7 =	sand.u32 $0x300, s30;
	s1 =	sadd.s32 $0x2, s1;
	v20 =	vmul.f32 v31, v31;
	v31 =	vld [tilespmem:s0+$0x440];
	v30 =	vadd.f32 v30, v45;
	v27 =	vadd.f32 v23, v27  }
0x1dd: {  	v23 =	vmul.f32 v33, v33;
	p0 =	slt.u32 s1, $0xFE;
	v33 =	vld [tilespmem:s0+$0x460];
	s0 =	sor.u32 s7, s6;
	v40 =	vsub.f32 v16, v40;
	v26 =	vadd.f32 v26, v46  }
0x1de: {  	v24 =	vadd.f32 v24, v44;
	v43 =	vmul.f32 v43, v43;
	v45 =	vld [tilespmem:s0+$0xF0];
	v41 =	vsub.f32 v14, v41  }
0x1df: {  	v23 =	vadd.f32 v32, v23;
	v32 =	vadd.f32 v20, v37;
	v44 =	vld [tilespmem:s0+$0x4E0];
	v20 =	vmul.f32 v40, v40  }
0x1e0: {  	v38 =	vmul.f32 v38, v38;
	v34 =	vadd.f32 v39, v34;
	v37 =	vld [tilespmem:s0+$0x4A0];
	v39 =	vsub.f32 v12, v42  }
0x1e1: {  	v35 =	vmul.f32 v35, v35;
	v40 =	vld [tilespmem:s0+$0xE0];
	v20 =	vadd.f32 v20, v24;
	v24 =	vsub.f32 v14, v36  }
0x1e2: {  	v29 =	vsub.f32 v7, v29;
	v23 =	vadd.f32 v28, v23;
	v28 =	vmul.f32 v41, v41;
	v36 =	vld [tilespmem:s0+$0xA0]  }
0x1e3: {  	v31 =	vsub.f32 v7, v31;
	v33 =	vsub.f32 v9, v33;
	v41 =	vld [tilespmem:s0+$0x410];
	v24 =	vmul.f32 v24, v24  }
0x1e4: {  	v29 =	vmul.f32 v29, v29;
	v35 =	vadd.f32 v35, v23;
	v42 =	vld [tilespmem:s0+$0x480];
	v44 =	vsub.f32 v9, v44  }
0x1e5: {  	v28 =	vadd.f32 v28, v34;
	v34 =	vmul.f32 v39, v39;
	v46 =	vld [tilespmem:s0+$0x420];
	v37 =	vsub.f32 v18, v37  }
0x1e6: {  	v24 =	vadd.f32 v24, v20;
	v39 =	vld [tilespmem:s0+$0x400];
	v40 =	vsub.f32 v11, v40;
	v23 =	vmul.f32 v44, v44  }
0x1e7: {  	v25 =	vadd.f32 v25, v38;
	v33 =	vmul.f32 v33, v33;
	v44 =	vld [tilespmem:s0+$0x80];
	v36 =	vsub.f32 v5, v36  }
0x1e8: {  	v30 =	vadd.f32 v43, v30;
	v26 =	vadd.f32 v29, v26;
	v31 =	vmul.f32 v31, v31;
	v38 =	vld [tilespmem:s0+$0xC0]  }
0x1e9: {  	v20 =	vimm.s32 $0x0;
	v43 =	vadd.f32 v24, v27;
	v29 =	vld [tilespmem:s0+$0x70];
	v42 =	vsub.f32 v15, v42  }
0x1ea: {  	v21 =	vadd.f32 v21, v32;
	v24 =	vsub.f32 v13, v45;
	v27 =	vld [tilespmem:s0+$0xD0]  }
0x1eb: {  	v22 =	vadd.f32 v22, v25;
	v40 =	vmul.f32 v40, v40;
	v36 =	vmul.f32 v36, v36;
	v32 =	vld [tilespmem:s0+$0x60]  }
0x1ec: {  	v30 =	vadd.f32 v34, v30;
	v37 =	vmul.f32 v37, v37;
	v25 =	vld [tilespmem:s0+$0x20];
	v44 =	vsub.f32 v3, v44  }
0x1ed: {  	v33 =	vadd.f32 v33, v21;
	v24 =	vmul.f32 v24, v24;
	v34 =	vld [tilespmem:s0+$0x90];
	v38 =	vsub.f32 v8, v38  }
0x1ee: {  	v36 =	vadd.f32 v40, v36;
	v40 =	vadd.f32 v30, v26;
	v21 =	vld [tilespmem:s0+$0x50];
	v47 =	vmul.f32 v44, v44  }
0x1ef: {  	v22 =	vadd.f32 v31, v22;
	v44 =	vld [tilespmem:s0+$0x40];
	v30 =	vsub.f32 v10, v27;
	v48 =	vmul.f32 v38, v38  }
0x1f0: {  	v26 =	vmul.f32 v42, v42;
	v29 =	vsub.f32 v13, v29;
	v27 =	vadd.f32 v37, v36;
	v38 =	vld [tilespmem:s0+$0x30]  }
0x1f1: {  	v35 =	vadd.f32 v35, v22;
	v37 =	vsub.f32 v18, v46;
	v36 =	vld [tilespmem:s0+$0x10];
	v30 =	vmul.f32 v30, v30  }
0x1f2: {  	v22 =	vsub.f32 v15, v39;
	v31 =	vsub.f32 v11, v32;
	v42 =	vmul.f32 v29, v29;
	v39 =	vld [tilespmem:s0+$0x430]  }
0x1f3: {  	v45 =	vadd.f32 v28, v33;
	v29 =	vsub.f32 v10, v21;
	v21 =	vmul.f32 v37, v37;
	v37 =	vld [tilespmem:s0+$0xB0]  }
0x1f4: {  	v22 =	vmul.f32 v22, v22;
	v46 =	vsub.f32 v5, v25;
	v25 =	vsub.f32 v17, v41;
	v49 =	vld [tilespmem:s0+$0x450]  }
0x1f5: {  	v40 =	vadd.f32 v43, v40;
	v50 =	vld [tilespmem:s0+$0x0];
	v38 =	vsub.f32 v6, v38;
	v32 =	vmul.f32 v29, v29  }
0x1f6: {  	v28 =	vmul.f32 v25, v25;
	v33 =	vsub.f32 v4, v36;
	v36 =	vsub.f32 v8, v44;
	v43 =	vld [tilespmem:s0+$0x490]  }
.Ltmp4:
0x1f7: {  	v35 =	vadd.f32 v45, v35;
	v44 =	vsub.f32 v4, v34;
	v38 =	vmul.f32 v38, v38;
	v29 =	vld [tilespmem:s0+$0x4C0];
	[tilespmem:s28+$0x0] =	vst v40;
	s28 =	smov.u32 s19;
	(pc) =	sbr.rel @p0 .LBB2_10-.Ltmp4, $4  }
0x1f8: {  	s6 =	sand.u32 $0xFE0, s31;
	s31 =	smov.u32 s18;
	v25 =	vmul.f32 v36, v36;
	v36 =	vsub.f32 v16, v39;
	v51 =	vsub.f32 v6, v37;
	v40 =	vld [tilespmem:s0+$0x4B0]  }
0x1f9: {  	v37 =	vmul.f32 v46, v46;
	v45 =	vmul.f32 v44, v44;
	v34 =	vadd.f32 v42, v38;
	v41 =	vld [tilespmem:s0+$0x470];
	[tilespmem:s6+$0x19000] =	vst v35  }
0x1fa: {  	s18 =	sadd.s32 $0x20, s18;
	v35 =	vsub.f32 v12, v49;
	v38 =	vsub.f32 v3, v50;
	v39 =	vmul.f32 v36, v36;
	v36 =	vld [tilespmem:s0+$0x4F0]  }
0x1fb: {  	s30 =	sadd.s32 $0x100, s30;
	s5 =	sadd.s32 $0x200, s5;
	s19 =	sadd.s32 $0x20, s19;
	v46 =	vadd.f32 v48, v47;
	v44 =	vmul.f32 v51, v51;
	v43 =	vsub.f32 v17, v43;
	v42 =	vld [tilespmem:s0+$0x4D0]  }
0x1fc: {  	v4 =	vadd.f32 v30, v45;
	v5 =	vadd.f32 v23, v27  }
0x1fd: {  	v3 =	vmul.f32 v31, v31;
	v18 =	vadd.f32 v39, v34;
	v10 =	vsub.f32 v16, v40  }
0x1fe: {  	v6 =	vld [tilespmem:s0+$0x440];
	v8 =	vmul.f32 v33, v33;
	v11 =	vadd.f32 v26, v46;
	v16 =	vadd.f32 v24, v44  }
0x1ff: {  	v13 =	vld [tilespmem:s0+$0x460];
	v17 =	vmul.f32 v43, v43;
	v24 =	vsub.f32 v7, v29;
	v15 =	vsub.f32 v14, v41  }
0x200: {  	v23 =	vmul.f32 v38, v38;
	v8 =	vadd.f32 v32, v8;
	v3 =	vadd.f32 v3, v37  }
0x201: {  	v10 =	vmul.f32 v10, v10;
	v14 =	vsub.f32 v14, v36;
	v4 =	vadd.f32 v17, v4  }
0x202: {  	v12 =	vsub.f32 v12, v42;
	v8 =	vadd.f32 v28, v8;
	v15 =	vmul.f32 v15, v15  }
0x203: {  	v3 =	vadd.f32 v21, v3;
	v10 =	vadd.f32 v10, v16;
	v16 =	vmul.f32 v35, v35  }
0x204: {  	v6 =	vsub.f32 v7, v6;
	v7 =	vsub.f32 v9, v13;
	v9 =	vmul.f32 v14, v14  }
0x205: {  	v13 =	vmul.f32 v24, v24;
	v14 =	vadd.f32 v15, v18;
	v15 =	vadd.f32 v25, v23  }
0x206: {  	v12 =	vmul.f32 v12, v12;
	v8 =	vadd.f32 v16, v8;
	v9 =	vadd.f32 v9, v10  }
0x207: {  	v7 =	vmul.f32 v7, v7;
	v6 =	vmul.f32 v6, v6;
	v10 =	vadd.f32 v22, v15  }
0x208: {  	s0 =	simm.s32 $0x10;
	v11 =	vadd.f32 v13, v11;
	v4 =	vadd.f32 v12, v4  }
0x209: {  	v22 =	vor.u32 s0, v1;
	v3 =	vadd.f32 v7, v3;
	v6 =	vadd.f32 v6, v10  }
0x20a: {  	v5 =	vadd.f32 v9, v5;
	v7 =	vor.u32 s26, v1;
	v4 =	vadd.f32 v4, v11  }
0x20b: {  	v3 =	vadd.f32 v14, v3;
	v6 =	vadd.f32 v8, v6;
	v8 =	vshll.u32 v7, $0x4  }
0x20c: {  	v23 =	vshll.u32 v22, $0x4;
	v4 =	vadd.f32 v5, v4  }
0x20d: {  	v28 =	vadd.s32 v0, v7;
	v7 =	vor.u32 $0x8, v23;
	v3 =	vadd.f32 v3, v6  }
0x20e: {  	s31 =	sand.u32 $0xFE0, s31;
	v58 =	vor.u32 $0x9, v23;
	[tilespmem:s28+$0x0] =	vst v4  }
0x20f: {  	v5 =	vor.u32 $0x1, v8;
	[tilespmem:s31+$0x19000] =	vst v3  }
0x210: {  	v9 =	vor.u32 $0x8, v8;
	v10 =	vld.idx.msk [tilespmem:v8+s25+$0x0], $0xffff  }
0x211: {  	v11 =	vor.u32 $0x4, v8;
	v29 =	vld.idx.msk [tilespmem:v23+s25+$0x0], $0xffff  }
0x212: {  	v12 =	vor.u32 $0x5, v8;
	v61 =	vld.idx.msk [tilespmem:v7+s25+$0x0], $0xffff  }
0x213: {  	v13 =	vor.u32 $0xC, v8;
	v62 =	vld.idx.msk [tilespmem:v58+s25+$0x0], $0xffff  }
0x214: {  	v14 =	vor.u32 $0x6, v8;
	v5 =	vld.idx.msk [tilespmem:v5+s25+$0x0], $0xffff  }
0x215: {  	v15 =	vor.u32 $0xA, v8;
	v9 =	vld.idx.msk [tilespmem:v9+s25+$0x0], $0xffff  }
0x216: {  	v16 =	vor.u32 $0x9, v8;
	v11 =	vld.idx.msk [tilespmem:v11+s25+$0x0], $0xffff  }
0x217: {  	v17 =	vor.u32 $0xB, v8;
	v12 =	vld.idx.msk [tilespmem:v12+s25+$0x0], $0xffff  }
0x218: {  	v6 =	vor.u32 $0x3, v8;
	v13 =	vld.idx.msk [tilespmem:v13+s25+$0x0], $0xffff  }
0x219: {  	v4 =	vor.u32 $0x7, v8;
	v14 =	vld.idx.msk [tilespmem:v14+s25+$0x0], $0xffff  }
0x21a: {  	v3 =	vor.u32 $0x2, v8;
	v15 =	vld.idx.msk [tilespmem:v15+s25+$0x0], $0xffff  }
0x21b: {  	v18 =	vor.u32 $0xF, v8;
	v16 =	vld.idx.msk [tilespmem:v16+s25+$0x0], $0xffff  }
0x21c: {  	v21 =	vor.u32 $0xE, v8;
	v8 =	vor.u32 $0xD, v8;
	v17 =	vld.idx.msk [tilespmem:v17+s25+$0x0], $0xffff  }
0x21d: {  	v6 =	vld.idx.msk [tilespmem:v6+s25+$0x0], $0xffff  }
0x21e: {  	v24 =	vor.u32 $0x1, v23;
	v4 =	vld.idx.msk [tilespmem:v4+s25+$0x0], $0xffff  }
0x21f: {  	v26 =	vor.u32 $0x7, v23;
	v3 =	vld.idx.msk [tilespmem:v3+s25+$0x0], $0xffff  }
0x220: {  	v25 =	vor.u32 $0x3, v23;
	v18 =	vld.idx.msk [tilespmem:v18+s25+$0x0], $0xffff  }
0x221: {  	v27 =	vor.u32 $0x2, v23;
	v30 =	vor.u32 $0x4, v23;
	v31 =	vor.u32 $0x6, v23;
	v8 =	vld.idx.msk [tilespmem:v8+s25+$0x0], $0xffff  }
0x222: {  	v59 =	vor.u32 $0xC, v23;
	v21 =	vld.idx.msk [tilespmem:v21+s25+$0x0], $0xffff;
	v33 =	vadd.f32 v62, v61;
	v10 =	vadd.f32 v5, v10  }
0x223: {  	v60 =	vor.u32 $0xD, v23;
	v24 =	vld.idx.msk [tilespmem:v24+s25+$0x0], $0xffff;
	v11 =	vadd.f32 v12, v11;
	v4 =	vadd.f32 v4, v14  }
0x224: {  	v16 =	vadd.f32 v16, v9;
	v5 =	vld.idx.msk [tilespmem:v26+s25+$0x0], $0xffff;
	v26 =	vmov s26;
	v6 =	vadd.f32 v6, v3  }
0x225: {  	v25 =	vld.idx.msk [tilespmem:v25+s25+$0x0], $0xffff;
	v3 =	vadd.s32 v0, v22;
	v22 =	vor.u32 $0x5, v23;
	v4 =	vadd.f32 v4, v11  }
0x226: {  	v12 =	vld.idx.msk [tilespmem:v27+s25+$0x0], $0xffff;
	v14 =	vor.u32 $0xA, v23;
	v13 =	vadd.f32 v8, v13;
	v6 =	vadd.f32 v6, v10  }
0x227: {  	v7 =	vld.idx.msk [tilespmem:v59+s25+$0x0], $0xffff;
	vm2 =	vlt.u32 v26, $0x100;
	v10 =	vadd.f32 v17, v15;
	v15 =	vadd.f32 v18, v21  }
0x228: {  	v9 =	vld.idx.msk [tilespmem:v30+s25+$0x0], $0xffff;
	v8 =	vadd.f32 v24, v29;
	v17 =	vor.u32 $0xF, v23;
	v18 =	vor.u32 $0xB, v23  }
0x229: {  	s1 =	simm.s32 $0x20;
	v10 =	vadd.f32 v10, v16;
	v16 =	vor.u32 $0xE, v23;
	v21 =	vadd.f32 v15, v13;
	v13 =	vld.idx.msk [tilespmem:v31+s25+$0x0], $0xffff  }
0x22a: {  	v23 =	vadd.f32 v4, v6;
	v4 =	vor.u32 $0xFFFFFF00, v1;
	v11 =	vld.idx.msk [tilespmem:v22+s25+$0x0], $0xffff;
	v22 =	vor.u32 s1, v1  }
0x22b: {  	s5 =	sadd.s32 $0x0, s4;
	v15 =	vld.idx.msk [tilespmem:v14+s25+$0x0], $0xffff;
	v14 =	vadd.f32 v25, v12;
	v10 =	vadd.f32 v21, v10;
	v21 =	vshll.u32 v22, $0x4  }
0x22c: {  	v31 =	vld.idx.msk [tilespmem:v60+s25+$0x0], $0xffff;
	v63 =	vadd.s32 s5, v4;
	v6 =	vadd.s32 v0, v22;
	v29 =	vor.u32 $0x1, v21  }
0x22d: {  	v28 =	vsel vm2, v28, v63;
	v27 =	vor.u32 $0x2, v21;
	v22 =	vld.idx.msk [tilespmem:v18+s25+$0x0], $0xffff;
	v35 =	vor.u32 $0x3, v21  }
0x22e: {  	v25 =	vor.u32 $0x4, v21;
	v24 =	vld.idx.msk [tilespmem:v17+s25+$0x0], $0xffff;
	v26 =	vor.u32 $0x5, v21;
	v36 =	vor.u32 $0x7, v21  }
0x22f: {  	v18 =	vor.u32 $0x6, v21;
	v34 =	vor.u32 $0x8, v21;
	v12 =	vadd.f32 v10, v23;
	v30 =	vld.idx.msk [tilespmem:v16+s25+$0x0], $0xffff  }
0x230: {  	v32 =	vor.u32 $0xC, v21;
	v17 =	vor.u32 $0xF, v21;
	v10 =	vor.u32 $0xD, v21;
	v23 =	vld.idx.msk [tilespmem:v21+s25+$0x0], $0xffff  }
0x231: {  	s5 =	simm.s32 $0x30;
	v16 =	vor.u32 $0x9, v21;
	vm0 =	veq.f32 v12, v19;
	vm1 =	vlt.f32 v12, v19;
	v29 =	vld.idx.msk [tilespmem:v29+s25+$0x0], $0xffff  }
.LBB2_12:
0x232: {  	p0 =	sne.s32 s5, $0x1F0;
	v35 =	vld.idx.msk [tilespmem:v35+s25+$0x0], $0xffff;
	v37 =	vor.u32 $0xA, v21;
	v38 =	vor.u32 $0xB, v21;
	v9 =	vadd.f32 v11, v9;
	v39 =	vmovc v6;
	s6 =	smov.u32 s5;
	s5 =	sadd.s32 $0x10, s5  }
0x233: {  	v40 =	vor.u32 $0xE, v21;
	v6 =	vadd.f32 v5, v13;
	v13 =	vadd.f32 v14, v8;
	v5 =	vld.idx.msk [tilespmem:v36+s25+$0x0], $0xffff  }
0x234: {  	v8 =	vadd.f32 v22, v15;
	vm2 =	vlt.s32 v28, v20;
	v14 =	vld.idx.msk [tilespmem:v27+s25+$0x0], $0xffff  }
0x235: {  	v15 =	vadd.f32 v24, v30;
	vm0 =	vmand vm2, vm0;
	v6 =	vadd.f32 v6, v9;
	v41 =	vld.idx.msk [tilespmem:v34+s25+$0x0], $0xffff  }
0x236: {  	v21 =	vadd.f32 v31, v7;
	v22 =	vadd.f32 v8, v33;
	vm0 =	vmor vm1, vm0;
	v9 =	vld.idx.msk [tilespmem:v25+s25+$0x0], $0xffff  }
0x237: {  	v19 =	vsel vm0, v12, v19;
	v20 =	vsel vm0, v28, v20;
	v8 =	vadd.f32 v29, v23;
	v11 =	vld.idx.msk [tilespmem:v26+s25+$0x0], $0xffff  }
0x238: {  	v12 =	vadd.f32 v15, v21;
	v23 =	vadd.f32 v6, v13;
	v7 =	vld.idx.msk [tilespmem:v32+s25+$0x0], $0xffff  }
0x239: {  	v13 =	vld.idx.msk [tilespmem:v18+s25+$0x0], $0xffff;
	v18 =	vmov s0  }
0x23a: {  	s7 =	sadd.s32 s4, s0;
	v21 =	vor.u32 s6, v1;
	v12 =	vadd.f32 v12, v22;
	v14 =	vadd.f32 v35, v14;
	s0 =	smov.u32 s1;
	s1 =	smov.u32 s6;
	v15 =	vld.idx.msk [tilespmem:v37+s25+$0x0], $0xffff  }
0x23b: {  	v6 =	vadd.s32 v0, v21;
	v21 =	vshll.u32 v21, $0x4;
	v37 =	vadd.s32 s7, v4;
	v28 =	vld.idx.msk [tilespmem:v16+s25+$0x0], $0xffff  }
0x23c: {  	v29 =	vor.u32 $0x1, v21;
	v27 =	vor.u32 $0x2, v21;
	v12 =	vadd.f32 v12, v23;
	v22 =	vld.idx.msk [tilespmem:v38+s25+$0x0], $0xffff  }
.Ltmp5:
0x23d: {  	v25 =	vor.u32 $0x4, v21;
	v35 =	vor.u32 $0x3, v21;
	vm2 =	vlt.u32 v18, $0x100;
	v24 =	vld.idx.msk [tilespmem:v17+s25+$0x0], $0xffff;
	(pc) =	sbr.rel @p0 .LBB2_12-.Ltmp5, $4  }
0x23e: {  	v26 =	vor.u32 $0x5, v21;
	v36 =	vor.u32 $0x7, v21;
	v18 =	vor.u32 $0x6, v21;
	v30 =	vld.idx.msk [tilespmem:v40+s25+$0x0], $0xffff  }
0x23f: {  	v34 =	vor.u32 $0x8, v21;
	v16 =	vor.u32 $0x9, v21;
	vm0 =	veq.f32 v12, v19;
	v31 =	vld.idx.msk [tilespmem:v10+s25+$0x0], $0xffff  }
0x240: {  	v32 =	vor.u32 $0xC, v21;
	vm1 =	vlt.f32 v12, v19;
	v10 =	vor.u32 $0xD, v21;
	v23 =	vld.idx.msk [tilespmem:v21+s25+$0x0], $0xffff  }
0x241: {  	v17 =	vor.u32 $0xF, v21;
	v33 =	vadd.f32 v28, v41;
	v28 =	vsel vm2, v3, v37;
	v3 =	vmovc v39;
	v29 =	vld.idx.msk [tilespmem:v29+s25+$0x0], $0xffff  }
0x242: {  	_ =	sdelay $0x3  }
0x243: {  	v35 =	vld.idx.msk [tilespmem:v35+s25+$0x0], $0xffff  }
0x244: {  	v36 =	vld.idx.msk [tilespmem:v36+s25+$0x0], $0xffff  }
0x245: {  	v27 =	vld.idx.msk [tilespmem:v27+s25+$0x0], $0xffff  }
0x246: {  	v34 =	vld.idx.msk [tilespmem:v34+s25+$0x0], $0xffff  }
0x247: {  	v25 =	vld.idx.msk [tilespmem:v25+s25+$0x0], $0xffff  }
0x248: {  	v26 =	vld.idx.msk [tilespmem:v26+s25+$0x0], $0xffff  }
0x249: {  	v37 =	vor.u32 $0xA, v21;
	v32 =	vld.idx.msk [tilespmem:v32+s25+$0x0], $0xffff;
	v9 =	vadd.f32 v11, v9;
	v5 =	vadd.f32 v5, v13  }
0x24a: {  	v38 =	vor.u32 $0xB, v21;
	v18 =	vld.idx.msk [tilespmem:v18+s25+$0x0], $0xffff  }
0x24b: {  	v11 =	vor.u32 $0xE, v21;
	v16 =	vld.idx.msk [tilespmem:v16+s25+$0x0], $0xffff;
	v8 =	vadd.f32 v14, v8;
	v5 =	vadd.f32 v5, v9  }
0x24c: {  	v14 =	vld.idx.msk [tilespmem:v17+s25+$0x0], $0xffff  }
0x24d: {  	v13 =	vadd.f32 v22, v15;
	v5 =	vadd.f32 v5, v8;
	v8 =	vld.idx.msk [tilespmem:v10+s25+$0x0], $0xffff  }
0x24e: {  	v21 =	vadd.f32 v24, v30;
	v7 =	vadd.f32 v31, v7;
	v15 =	vld.idx.msk [tilespmem:v37+s25+$0x0], $0xffff  }
0x24f: {  	vm2 =	vlt.s32 v28, v20;
	v9 =	vld.idx.msk [tilespmem:v38+s25+$0x0], $0xffff  }
0x250: {  	vm0 =	vmand vm2, vm0;
	v13 =	vadd.f32 v13, v33;
	v7 =	vadd.f32 v21, v7;
	v11 =	vld.idx.msk [tilespmem:v11+s25+$0x0], $0xffff  }
0x251: {  	vm0 =	vmor vm1, vm0;
	v10 =	vadd.f32 v29, v23;
	v16 =	vadd.f32 v16, v34  }
0x252: {  	v12 =	vsel vm0, v12, v19;
	v17 =	vadd.f32 v26, v25;
	v7 =	vadd.f32 v7, v13  }
0x253: {  	v19 =	vmov s0;
	v18 =	vadd.f32 v36, v18;
	v13 =	vadd.f32 v35, v27  }
0x254: {  	vm10 =	vlt.u32 v19, $0x100;
	v5 =	vadd.f32 v7, v5;
	v8 =	vadd.f32 v8, v32  }
0x255: {  	s30 =	sadd.s32 s4, s0;
	v7 =	vsel vm0, v28, v20;
	v9 =	vadd.f32 v9, v15;
	v11 =	vadd.f32 v14, v11  }
0x256: {  	v10 =	vadd.f32 v13, v10;
	v13 =	vadd.f32 v18, v17;
	v15 =	vadd.s32 s30, v4  }
0x257: {  	v3 =	vsel vm10, v3, v15;
	v9 =	vadd.f32 v9, v16;
	v8 =	vadd.f32 v11, v8  }
0x258: {  	vm11 =	veq.f32 v5, v12;
	vm12 =	vlt.f32 v5, v12;
	vm13 =	vlt.s32 v3, v7  }
0x259: {  	v10 =	vadd.f32 v13, v10;
	vm0 =	vmand vm13, vm11;
	v8 =	vadd.f32 v8, v9  }
0x25a: {  	vm0 =	vmor vm12, vm0;
	v9 =	vmov s1;
	s1 =	sadd.s32 s4, s1  }
0x25b: {  	v4 =	vadd.s32 s1, v4;
	vm14 =	vlt.u32 v9, $0x100;
	v8 =	vadd.f32 v8, v10  }
0x25c: {  	v5 =	vsel vm0, v5, v12;
	v3 =	vsel vm0, v3, v7;
	v4 =	vsel vm14, v6, v4  }
0x25d: {  	vm1 =	vlt.s32 v4, v3;
	vm15 =	veq.f32 v8, v5  }
0x25e: {  	vm4 =	vlt.f32 v8, v5;
	vm0 =	vmand vm1, vm15  }
0x25f: {  	vm0 =	vmor vm4, vm0  }
0x260: {  	v5 =	vsel vm0, v8, v5  }
0x261: {  	(xrf0) =	vmin.scan.msk.f32 $0xffff, v5;
	_ =	sdelay $0x5  }
0x262: {  	v6, _, _ =	vpop (xrf0)  }
0x263: {  	v6 =	vbroadcast v6, $0xF  }
0x264: {  	v3 =	vsel vm0, v4, v3  }
0x265: {  	v3 =	vxor.u32 $0x80000000, v3;
	vm5 =	veq.f32 v5, v6  }
0x266: {  	v3 =	vnsel vm5, $0xFFFFFFFF, v3  }
0x267: {  	(xrf0) =	vmin.scan.msk.u32 $0xffff, v3;
	_ =	sdelay $0x5  }
0x268: {  	v3, _, _ =	vpop (xrf0)  }
0x269: {  	(v2sf) =	vpush v3, $0xF;
	_ =	sdelay $0xe  }
0x26a: {  	s5 =	spop (v2sf)  }
0x26b: {  	s0 =	sxor.u32 $0x80000000, s5  }
0x26c: {  	[tilespmem:$0x1A200] =	vst v6;
	v3 =	vmov s0  }
0x26d: {  	s26 =	simm.s32 $0x0;
	s6 =	simm.s32 $0x1A200;
	[tilespmem:$0x1A280] =	vst v3  }
0x26e: {  	[hbm4b:s10+s26] =	stream.linear.scatter [tilespmem:s6], [sflag:$0x4], $0x10, $0x38;
	[tilespmem:$0x1A580] =	vst v63  }
0x26f: {  	_ =	swait.ge [sflag:s21], $0x10  }
0x270: {  	[sflag:s21] =	ssyncset.done $0x0  }
0x271: {  	s7 =	simm.s32 $0x1A280;
	[sflag:s21] =	ssyncadd.s32 $0xFFFFFFF0  }
0x272: {  	[hbm4b:s11+s26] =	stream.linear.scatter [tilespmem:s7], [sflag:$0x4], $0x10, $0x38;
	[tilespmem:$0x1A580] =	vst v63  }
0x273: {  	_ =	swait.ge [sflag:s21], $0x10  }
0x274: {  	[sflag:s21] =	ssyncset.done $0x0  }
0x275: {  	[sflag:s21] =	ssyncadd.s32 $0xFFFFFFF0  }
0x276: {  	s18 =	simm.s32 $0x100;
	s19 =	simm.s32 $0x1A380;
	[bflag:$0x0] =	sbarrier.arrive $0xFFFF  }
0x277: {  	[tilespmem:s19], [sflag:$0x4] =	stream.strided.gather [hbm4b:s12+s29], $0x100, s18, s29, $0x38;
	[tilespmem:$0x1A580] =	vst v63  }
0x278: {  	_ =	swait.ge [sflag:s21], $0x100  }
0x279: {  	[sflag:s21] =	ssyncset.done $0x0  }
0x27a: {  	s30 =	simm.s32 $0x1A480;
	[sflag:s21] =	ssyncadd.s32 $0xFFFFFF00  }
0x27b: {  	[tilespmem:s30], [sflag:$0x4] =	stream.strided.gather [hbm4b:s14+s29], $0x100, s18, s29, $0x38;
	[tilespmem:$0x1A580] =	vst v63  }
0x27c: {  	_ =	swait.ge [sflag:s21], $0x100  }
0x27d: {  	[sflag:s21] =	ssyncset.done $0x0  }
0x27e: {  	[sflag:s21] =	ssyncadd.s32 $0xFFFFFF00  }
0x27f: {  	v3 =	vld [tilespmem:$0x1A380]  }
0x280: {  	v4 =	vld [tilespmem:$0x1A480]  }
0x281: {  	v5 =	vld [tilespmem:$0x1A390]  }
0x282: {  	v6 =	vld [tilespmem:$0x1A490];
	_ =	sdelay $0x2  }
0x283: {  	v7 =	vld [tilespmem:$0x1A3A0]  }
0x284: {  	v8 =	vld [tilespmem:$0x1A4A0]  }
0x285: {  	vm6 =	veq.f32 v5, v3;
	vm7 =	vlt.s32 v6, v4  }
0x286: {  	vm8 =	vlt.f32 v5, v3;
	vm0 =	vmand vm6, vm7  }
0x287: {  	v9 =	vld [tilespmem:$0x1A3B0];
	vm0 =	vmor vm8, vm0  }
0x288: {  	v3 =	vsel vm0, v5, v3;
	v4 =	vsel vm0, v6, v4;
	v5 =	vld [tilespmem:$0x1A4B0]  }
0x289: {  	vm9 =	veq.f32 v7, v3;
	vm10 =	vlt.s32 v8, v4  }
0x28a: {  	vm11 =	vlt.f32 v7, v3;
	vm0 =	vmand vm9, vm10  }
0x28b: {  	v6 =	vld [tilespmem:$0x1A3C0];
	vm0 =	vmor vm11, vm0  }
0x28c: {  	v3 =	vsel vm0, v7, v3;
	v4 =	vsel vm0, v8, v4;
	v7 =	vld [tilespmem:$0x1A4C0]  }
0x28d: {  	vm12 =	veq.f32 v9, v3;
	vm13 =	vlt.s32 v5, v4  }
0x28e: {  	vm14 =	vlt.f32 v9, v3;
	vm0 =	vmand vm12, vm13  }
0x28f: {  	v8 =	vld [tilespmem:$0x1A3D0];
	vm0 =	vmor vm14, vm0  }
0x290: {  	v3 =	vsel vm0, v9, v3;
	v4 =	vsel vm0, v5, v4;
	v5 =	vld [tilespmem:$0x1A4D0]  }
0x291: {  	vm15 =	veq.f32 v6, v3;
	vm4 =	vlt.s32 v7, v4  }
0x292: {  	vm5 =	vlt.f32 v6, v3;
	vm0 =	vmand vm15, vm4  }
0x293: {  	v9 =	vld [tilespmem:$0x1A3E0];
	vm0 =	vmor vm5, vm0  }
0x294: {  	v3 =	vsel vm0, v6, v3;
	v4 =	vsel vm0, v7, v4;
	v6 =	vld [tilespmem:$0x1A4E0]  }
0x295: {  	vm6 =	veq.f32 v8, v3;
	vm7 =	vlt.s32 v5, v4  }
0x296: {  	vm8 =	vlt.f32 v8, v3;
	vm0 =	vmand vm6, vm7  }
0x297: {  	v7 =	vld [tilespmem:$0x1A3F0];
	vm0 =	vmor vm8, vm0  }
0x298: {  	v3 =	vsel vm0, v8, v3;
	v4 =	vsel vm0, v5, v4;
	v5 =	vld [tilespmem:$0x1A4F0]  }
0x299: {  	vm9 =	veq.f32 v9, v3;
	vm10 =	vlt.s32 v6, v4  }
0x29a: {  	vm11 =	vlt.f32 v9, v3;
	vm0 =	vmand vm9, vm10  }
0x29b: {  	v8 =	vld [tilespmem:$0x1A400];
	vm0 =	vmor vm11, vm0  }
0x29c: {  	v3 =	vsel vm0, v9, v3;
	v4 =	vsel vm0, v6, v4;
	v6 =	vld [tilespmem:$0x1A500]  }
0x29d: {  	vm12 =	veq.f32 v7, v3;
	vm13 =	vlt.s32 v5, v4  }
0x29e: {  	vm14 =	vlt.f32 v7, v3;
	vm0 =	vmand vm12, vm13  }
0x29f: {  	v9 =	vld [tilespmem:$0x1A410];
	vm0 =	vmor vm14, vm0  }
0x2a0: {  	v3 =	vsel vm0, v7, v3;
	v4 =	vsel vm0, v5, v4;
	v5 =	vld [tilespmem:$0x1A510]  }
0x2a1: {  	vm15 =	veq.f32 v8, v3;
	vm4 =	vlt.s32 v6, v4  }
0x2a2: {  	vm5 =	vlt.f32 v8, v3;
	vm0 =	vmand vm15, vm4  }
0x2a3: {  	v7 =	vld [tilespmem:$0x1A420];
	vm0 =	vmor vm5, vm0  }
0x2a4: {  	v3 =	vsel vm0, v8, v3;
	v4 =	vsel vm0, v6, v4;
	v6 =	vld [tilespmem:$0x1A520]  }
0x2a5: {  	vm6 =	veq.f32 v9, v3;
	vm7 =	vlt.s32 v5, v4  }
0x2a6: {  	vm8 =	vlt.f32 v9, v3;
	vm0 =	vmand vm6, vm7  }
0x2a7: {  	v8 =	vld [tilespmem:$0x1A430];
	vm0 =	vmor vm8, vm0  }
0x2a8: {  	v3 =	vsel vm0, v9, v3;
	v4 =	vsel vm0, v5, v4;
	v5 =	vld [tilespmem:$0x1A530]  }
0x2a9: {  	vm9 =	veq.f32 v7, v3;
	vm10 =	vlt.s32 v6, v4  }
0x2aa: {  	vm11 =	vlt.f32 v7, v3;
	vm0 =	vmand vm9, vm10  }
0x2ab: {  	v9 =	vld [tilespmem:$0x1A440];
	vm0 =	vmor vm11, vm0  }
0x2ac: {  	v3 =	vsel vm0, v7, v3;
	v4 =	vsel vm0, v6, v4;
	v6 =	vld [tilespmem:$0x1A540]  }
0x2ad: {  	vm12 =	veq.f32 v8, v3;
	vm13 =	vlt.s32 v5, v4  }
0x2ae: {  	vm14 =	vlt.f32 v8, v3;
	vm0 =	vmand vm12, vm13  }
0x2af: {  	v7 =	vld [tilespmem:$0x1A450];
	vm0 =	vmor vm14, vm0  }
0x2b0: {  	v3 =	vsel vm0, v8, v3;
	v4 =	vsel vm0, v5, v4;
	v5 =	vld [tilespmem:$0x1A550]  }
0x2b1: {  	vm15 =	veq.f32 v9, v3;
	vm4 =	vlt.s32 v6, v4  }
0x2b2: {  	vm5 =	vlt.f32 v9, v3;
	vm0 =	vmand vm15, vm4  }
0x2b3: {  	v8 =	vld [tilespmem:$0x1A460];
	vm0 =	vmor vm5, vm0  }
0x2b4: {  	v3 =	vsel vm0, v9, v3;
	v4 =	vsel vm0, v6, v4;
	v6 =	vld [tilespmem:$0x1A560]  }
0x2b5: {  	vm6 =	veq.f32 v7, v3;
	vm7 =	vlt.s32 v5, v4  }
0x2b6: {  	vm8 =	vlt.f32 v7, v3;
	vm0 =	vmand vm6, vm7  }
0x2b7: {  	v10 =	vld [tilespmem:$0x1A570];
	vm0 =	vmor vm8, vm0  }
0x2b8: {  	v9 =	vld [tilespmem:$0x1A470];
	v7 =	vsel vm0, v7, v3;
	v5 =	vsel vm0, v5, v4  }
0x2b9: {  	vm9 =	veq.f32 v8, v7;
	vm10 =	vlt.s32 v6, v5  }
0x2ba: {  	v14 =	vld [tilespmem:$0x1A0B0];
	vm11 =	vlt.f32 v8, v7;
	vm0 =	vmand vm9, vm10  }
0x2bb: {  	v16 =	vld [tilespmem:$0x1A0D0];
	vm0 =	vmor vm11, vm0  }
0x2bc: {  	v17 =	vld [tilespmem:$0x1A0E0];
	v7 =	vsel vm0, v8, v7;
	v11 =	vsel vm0, v6, v5  }
0x2bd: {  	v3 =	vld [tilespmem:$0x1A000];
	vm12 =	veq.f32 v9, v7;
	vm13 =	vlt.s32 v10, v11  }
0x2be: {  	v4 =	vld [tilespmem:$0x1A010];
	vm14 =	vlt.f32 v9, v7;
	vm0 =	vmand vm12, vm13  }
0x2bf: {  	v5 =	vld [tilespmem:$0x1A020];
	vm0 =	vmor vm14, vm0  }
0x2c0: {  	v6 =	vld [tilespmem:$0x1A030];
	v18 =	vsel vm0, v10, v11  }
0x2c1: {  	v8 =	vld [tilespmem:$0x1A050];
	v11 =	vshra.s32 v18, $0x1F  }
0x2c2: {  	v7 =	vld [tilespmem:$0x1A040];
	v12 =	vshrl.u32 v11, $0x19  }
0x2c3: {  	v9 =	vld [tilespmem:$0x1A060];
	v13 =	vadd.s32 v12, v18  }
0x2c4: {  	v10 =	vld [tilespmem:$0x1A070];
	v19 =	vshra.s32 v13, $0x7  }
0x2c5: {  	v11 =	vld [tilespmem:$0x1A080];
	v15 =	vshll.u32 v19, $0x7  }
0x2c6: {  	vm15 =	vlt.s32 v18, $0x1;
	v12 =	vld [tilespmem:$0x1A090];
	vm0 =	vne.s32 v18, v15  }
0x2c7: {  	v13 =	vld [tilespmem:$0x1A0A0];
	vm0 =	vmand vm15, vm0  }
0x2c8: {  	v15 =	vld [tilespmem:$0x1A0C0];
	v20 =	vsel vm0, $0xFFFFFFFF, v2  }
0x2c9: {  	s28 =	simm.s32 $0x0;
	s31 =	simm.s32 $0x0;
	s7 =	simm.s32 $0x14000;
	v18 =	vand.u32 $0x7F, v18;
	v19 =	vadd.s32 v20, v19;
	v20 =	vld [tilespmem:$0x1A0F0]  }
.LBB2_14:
0x2ca: {  	s0 =	sshll.u32 s31, $0x4  }
0x2cb: {  	s0 =	sor.u32 s4, s0  }
0x2cc: {  	v21 =	vor.u32 s0, v1  }
0x2cd: {  	v22 =	vmov s0;
	v21 =	vand.u32 $0x7F, v21  }
0x2ce: {  	vm1 =	veq.s32 v22, v1;
	vm0 =	vne.s32 v21, $0x0  }
0x2cf: {  	v22 =	vshrl.u32 v22, $0x7;
	vm0 =	vmand vm1, vm0  }
0x2d0: {  	v22 =	vsub.s32 v22, v19;
	v23 =	vsel vm0, $0xFFFFFFFF, v2  }
0x2d1: {  	v21 =	vsub.s32 v21, v18;
	v22 =	vadd.s32 v23, v22  }
0x2d2: {  	v21 =	vcvt.s32.f32 v21;
	v22 =	vcvt.s32.f32 v22;
	_ =	sdelay $0x1  }
0x2d3: {  	v21 =	vmul.f32 v21, v21;
	v22 =	vmul.f32 v22, v22;
	_ =	sdelay $0x1  }
0x2d4: {  	v21 =	vadd.f32 v22, v21;
	_ =	sdelay $0x1  }
0x2d5: {  	v21 =	vmul.f32 $-2.441406250e-04, v21;
	_ =	sdelay $0x1  }
0x2d6: {  	v21 =	vmul.f32 $1.442695020e+00, v21;
	_ =	sdelay $0x1  }
0x2d7: {  	(erf) = vpow2.f32 v21;
	_ =	sdelay $0x8  }
0x2d8: {  	v21 =	vpop (erf)  }
0x2d9: {  	v21 =	vmul.f32 $3.000000120e-01, v21  }
0x2da: {  	s19 =	sand.u32 $0x7800, s28;
	s1 =	sand.u32 $0x300, s26  }
0x2db: {  	s0 =	sor.u32 s1, s19;
	[tilespmem:$0x1A300] =	vst v21  }
0x2dc: {  	v27 =	vld [tilespmem:s0+$0xB0]  }
0x2dd: {  	v31 =	vld [tilespmem:s0+$0xA0]  }
0x2de: {  	s30 =	simm.s32 $0x1;
	v38 =	vld [tilespmem:s0+$0x490]  }
0x2df: {  	v22 =	vmov s30;
	v39 =	vld [tilespmem:s0+$0x90]  }
0x2e0: {  	v37 =	vld [tilespmem:s0+$0xD0]  }
0x2e1: {  	v21 =	vld [tilespmem:s0+$0xF0]  }
0x2e2: {  	v29 =	vld [tilespmem:s0+$0x470]  }
0x2e3: {  	v42 =	vld [tilespmem:s0+$0x20]  }
0x2e4: {  	v22 =	vld.idx.msk [tilespmem:v22+s3+$0x0], $0xffff  }
0x2e5: {  	v28 =	vld [tilespmem:s0+$0x460]  }
0x2e6: {  	v36 =	vld [tilespmem:s0+$0xC0]  }
0x2e7: {  	v23 =	vmov s26;
	v24 =	vld [tilespmem:s0+$0x450]  }
0x2e8: {  	v23 =	vand.u32 $0xFFFFFFFE, v23;
	v32 =	vld [tilespmem:s0+$0x440]  }
0x2e9: {  	v26 =	vbroadcast v23, $0x0;
	v40 =	vld [tilespmem:s0+$0x480]  }
0x2ea: {  	v44 =	vld [tilespmem:s0+$0x4B0];
	v35 =	vsub.f32 v5, v31  }
0x2eb: {  	v43 =	vld [tilespmem:s0+$0xE0];
	v41 =	vsub.f32 v6, v27;
	v46 =	vsub.f32 v7, v36  }
0x2ec: {  	v49 =	vld [tilespmem:s0+$0x4C0];
	v47 =	vsub.f32 v12, v38;
	v50 =	vsub.f32 v8, v37  }
0x2ed: {  	v30 =	vld [tilespmem:s0+$0x410];
	v51 =	vsub.f32 v20, v29;
	v53 =	vsub.f32 v5, v42  }
0x2ee: {  	v25 =	vld [tilespmem:s0+$0x4A0];
	v62 =	vsub.f32 v4, v39;
	v54 =	vsub.f32 v15, v32  }
0x2ef: {  	v26 =	vld.idx.msk [tilespmem:v26+s3+$0x0], $0xffff;
	v56 =	vsub.f32 v11, v40;
	v58 =	vsub.f32 v14, v44;
	v45 =	vmul.f32 v35, v22  }
0x2f0: {  	v33 =	vld [tilespmem:s0+$0x4D0];
	v59 =	vsub.f32 v9, v43;
	v41 =	vmul.f32 v41, v22;
	v46 =	vmul.f32 v46, v22  }
0x2f1: {  	v23 =	vld [tilespmem:s0+$0x4E0];
	v61 =	vsub.f32 v15, v49;
	v63 =	vmul.f32 v50, v22;
	v52 =	vmul.f32 v62, v22  }
0x2f2: {  	v34 =	vld [tilespmem:s0+$0x0];
	v55 =	vsub.f32 v12, v30;
	v57 =	vmul.f32 v47, v22;
	v50 =	vmul.f32 v56, v22  }
0x2f3: {  	v35 =	vld [tilespmem:s0+$0x30];
	v60 =	vmul.f32 v58, v22;
	v48 =	vadd.f32 v45, v31;
	v27 =	vadd.f32 v41, v27  }
0x2f4: {  	v47 =	vld [tilespmem:s0+$0x60];
	v58 =	vmul.f32 v53, v26;
	v46 =	vadd.f32 v46, v36;
	v41 =	vsub.f32 v17, v28  }
0x2f5: {  	v45 =	vld [tilespmem:s0+$0x430];
	v39 =	vadd.f32 v52, v39;
	v56 =	vadd.f32 v50, v40;
	[tilespmem:s0+$0xA0] =	vst v48  }
0x2f6: {  	v54 =	vmul.f32 v54, v26;
	v31 =	vld [tilespmem:s0+$0x10];
	v62 =	vadd.f32 v60, v44;
	v42 =	vadd.f32 v58, v42;
	[tilespmem:s0+$0xB0] =	vst v27  }
0x2f7: {  	v36 =	vld [tilespmem:s0+$0x40];
	v52 =	vmul.f32 v59, v22;
	v27 =	vsub.f32 v10, v21;
	v48 =	vadd.f32 v63, v37;
	[tilespmem:s0+$0xC0] =	vst v46  }
0x2f8: {  	v50 =	vmul.f32 v55, v26;
	v40 =	vld [tilespmem:s0+$0x70];
	v46 =	vadd.f32 v57, v38;
	[tilespmem:s0+$0x90] =	vst v39;
	v39 =	vsub.f32 v17, v23  }
0x2f9: {  	v37 =	vld [tilespmem:s0+$0x420];
	v57 =	vmul.f32 v61, v22;
	v44 =	vadd.f32 v52, v43;
	v63 =	vsub.f32 v16, v24;
	[tilespmem:s0+$0x4B0] =	vst v62  }
0x2fa: {  	v52 =	vmul.f32 v51, v26;
	v51 =	vsub.f32 v3, v34;
	[tilespmem:s0+$0xD0] =	vst v48;
	v48 =	vld [tilespmem:s0+$0x400];
	v55 =	vsub.f32 v14, v45  }
0x2fb: {  	s18 =	simm.s32 $0x100;
	s1 =	simm.s32 $0x2;
	s19 =	sadd.s32 $0x200, s28;
	v38 =	vld [tilespmem:s0+$0x50];
	[tilespmem:s0+$0x480] =	vst v56;
	v53 =	vadd.f32 v57, v49;
	v43 =	vmul.f32 v63, v26;
	v49 =	vsub.f32 v16, v33  }
.LBB2_15:
0x2fc: {  	s5 =	sand.u32 $0x7800, s19;
	s6 =	sand.u32 $0x300, s18;
	p0 =	sne.s32 s1, $0xE;
	v56 =	vsub.f32 v6, v35;
	[tilespmem:s0+$0x490] =	vst v46;
	v55 =	vmul.f32 v55, v26;
	v46 =	vld [tilespmem:s0+$0x4F0];
	v29 =	vadd.f32 v52, v29  }
0x2fd: {  	s30 =	smov.u32 s1;
	s1 =	sadd.s32 $0x2, s1;
	s5 =	sor.u32 s6, s5;
	v52 =	vld [tilespmem:s0+$0x80];
	v57 =	vsub.f32 v9, v47;
	[tilespmem:s0+$0x4C0] =	vst v53;
	v53 =	vadd.f32 v43, v24;
	v24 =	vmul.f32 v41, v26  }
0x2fe: {  	v41 =	vmul.f32 v51, v26;
	v32 =	vadd.f32 v54, v32;
	v43 =	vld [tilespmem:s5+$0xB0];
	v51 =	vadd.f32 v55, v45;
	[tilespmem:s0+$0x470] =	vst v29  }
0x2ff: {  	s6 =	sadd.s32 $0x1, s30;
	v45 =	vld [tilespmem:s5+$0xA0];
	[tilespmem:s0+$0x20] =	vst v42;
	v29 =	vmul.f32 v57, v26;
	v42 =	vsub.f32 v11, v48;
	v24 =	vadd.f32 v24, v28  }
0x300: {  	v55 =	vsub.f32 v4, v31;
	v28 =	vmov s6;
	v57 =	vsub.f32 v7, v36;
	v54 =	vld [tilespmem:s5+$0x490];
	[tilespmem:s0+$0x430] =	vst v51  }
0x301: {  	v58 =	vsub.f32 v8, v38;
	v51 =	vld [tilespmem:s5+$0x90];
	v29 =	vadd.f32 v29, v47;
	v42 =	vmul.f32 v42, v26;
	[tilespmem:s0+$0x460] =	vst v24  }
0x302: {  	v59 =	vsub.f32 v10, v40;
	v24 =	vadd.f32 v50, v30;
	v47 =	vld [tilespmem:s5+$0xD0];
	[tilespmem:s0+$0x440] =	vst v32  }
0x303: {  	v60 =	vsub.f32 v13, v25;
	v30 =	vsub.f32 v3, v52;
	v32 =	vmul.f32 v49, v22;
	v50 =	vld [tilespmem:s5+$0xF0];
	[tilespmem:s0+$0x60] =	vst v29  }
0x304: {  	v49 =	vmul.f32 v56, v26;
	v56 =	vsub.f32 v20, v46;
	v48 =	vadd.f32 v42, v48;
	v29 =	vld [tilespmem:s5+$0x470];
	[tilespmem:s0+$0x410] =	vst v24  }
0x305: {  	v34 =	vadd.f32 v41, v34;
	v24 =	vmul.f32 v30, v22;
	v30 =	vadd.f32 v32, v33;
	v42 =	vld [tilespmem:s5+$0x20];
	[tilespmem:s0+$0xE0] =	vst v44  }
0x306: {  	v32 =	vmul.f32 v55, v26;
	v33 =	vadd.f32 v49, v35;
	v35 =	vsub.f32 v13, v37;
	v44 =	vld.idx.msk [tilespmem:v28+s3+$0x0], $0xffff  }
0x307: {  	v27 =	vmul.f32 v27, v22;
	v49 =	vmul.f32 v57, v26;
	v41 =	vadd.f32 v24, v52;
	v28 =	vld [tilespmem:s5+$0x460];
	[tilespmem:s0+$0x400] =	vst v48  }
0x308: {  	v31 =	vadd.f32 v32, v31;
	v35 =	vmul.f32 v35, v26;
	v24 =	vld [tilespmem:s5+$0x450];
	[tilespmem:s0+$0x0] =	vst v34;
	v34 =	vmul.f32 v59, v26  }
0x309: {  	v57 =	vmul.f32 v60, v22;
	v36 =	vadd.f32 v49, v36;
	v48 =	vadd.f32 v27, v21;
	v32 =	vld [tilespmem:s5+$0x440];
	[tilespmem:s0+$0x4D0] =	vst v30  }
0x30a: {  	v52 =	vsub.f32 v12, v54;
	v49 =	vld [tilespmem:s5+$0x480];
	[tilespmem:s0+$0x30] =	vst v33;
	v33 =	vadd.f32 v35, v37;
	v35 =	vmul.f32 v39, v22  }
0x30b: {  	v26 =	vmul.f32 v58, v26;
	v55 =	vsub.f32 v20, v29;
	v34 =	vadd.f32 v34, v40;
	v37 =	vld [tilespmem:s5+$0x4A0];
	[tilespmem:s0+$0x80] =	vst v41  }
0x30c: {  	v25 =	vadd.f32 v57, v25;
	v27 =	vmov s30;
	v21 =	vmovc v50;
	v40 =	vsub.f32 v5, v42;
	v30 =	vld [tilespmem:s5+$0x410];
	[tilespmem:s0+$0x40] =	vst v36  }
0x30d: {  	v26 =	vadd.f32 v26, v38;
	v36 =	vand.u32 $0xFFFFFFFE, v27;
	v27 =	vsub.f32 v10, v21;
	v39 =	vld [tilespmem:s5+$0xC0];
	[tilespmem:s0+$0x420] =	vst v33  }
0x30e: {  	v35 =	vadd.f32 v35, v23;
	v36 =	vbroadcast v36, $0x0;
	v33 =	vsub.f32 v8, v47;
	v38 =	vld [tilespmem:s5+$0xE0];
	[tilespmem:s0+$0x70] =	vst v34  }
0x30f: {  	v50 =	vsub.f32 v5, v45;
	v22 =	vmul.f32 v56, v22;
	v58 =	vsub.f32 v15, v32;
	v57 =	vld [tilespmem:s5+$0x4B0];
	[tilespmem:s0+$0x4A0] =	vst v25  }
0x310: {  	v23 =	vsub.f32 v4, v51;
	v41 =	vsub.f32 v17, v28;
	v56 =	vmul.f32 v33, v44;
	v59 =	vld [tilespmem:s5+$0x4C0];
	[tilespmem:s0+$0xF0] =	vst v48  }
0x311: {  	v52 =	vmul.f32 v52, v44;
	v25 =	vsub.f32 v6, v43;
	v48 =	vsub.f32 v11, v49;
	v33 =	vld [tilespmem:s5+$0x4D0];
	[tilespmem:s0+$0x50] =	vst v26  }
0x312: {  	v60 =	vmul.f32 v23, v44;
	v61 =	vsub.f32 v7, v39;
	v23 =	vld [tilespmem:s5+$0x4E0];
	[tilespmem:s0+$0x450] =	vst v53;
	v53 =	vadd.f32 v22, v46  }
0x313: {  	v62 =	vmul.f32 v50, v44;
	v50 =	vmul.f32 v25, v44;
	v46 =	vadd.f32 v52, v54;
	v34 =	vld [tilespmem:s5+$0x0];
	[tilespmem:s0+$0x4E0] =	vst v35  }
0x314: {  	v51 =	vadd.f32 v60, v51;
	v52 =	vsub.f32 v9, v38;
	v26 =	vld.idx.msk [tilespmem:v36+s3+$0x0], $0xffff;
	v36 =	vmul.f32 v61, v44  }
0x315: {  	v54 =	vadd.f32 v62, v45;
	v22 =	vmovc v44;
	v25 =	vmov v37;
	v60 =	vsub.f32 v14, v57;
	v35 =	vld [tilespmem:s5+$0x30];
	[tilespmem:s0+$0x10] =	vst v31  }
0x316: {  	v37 =	vadd.f32 v50, v43;
	v43 =	vmul.f32 v48, v22;
	v50 =	vsub.f32 v12, v30;
	v45 =	vld [tilespmem:s5+$0x430];
	[tilespmem:s0+$0x4F0] =	vst v53;
	s0 =	smov.u32 s5  }
0x317: {  	v48 =	vsub.f32 v15, v59;
	v39 =	vadd.f32 v36, v39;
	v44 =	vmul.f32 v60, v22;
	v31 =	vld [tilespmem:s0+$0x10];
	[tilespmem:s0+$0xA0] =	vst v54  }
0x318: {  	v47 =	vadd.f32 v56, v47;
	v52 =	vmul.f32 v52, v22;
	v54 =	vadd.f32 v43, v49;
	[tilespmem:s0+$0xB0] =	vst v37;
	v36 =	vld [tilespmem:s0+$0x40]  }
.Ltmp6:
0x319: {  	v49 =	vmul.f32 v48, v22;
	v43 =	vadd.f32 v44, v57;
	[tilespmem:s0+$0xC0] =	vst v39;
	v37 =	vld [tilespmem:s0+$0x420];
	v39 =	vsub.f32 v17, v23;
	(pc) =	sbr.rel @p0 .LBB2_15-.Ltmp6, $4  }
0x31a: {  	v56 =	vsub.f32 v16, v24;
	v44 =	vadd.f32 v52, v38;
	v52 =	vmul.f32 v55, v26;
	[tilespmem:s0+$0xD0] =	vst v47;
	v47 =	vld [tilespmem:s0+$0x60]  }
0x31b: {  	v40 =	vmul.f32 v40, v26;
	v50 =	vmul.f32 v50, v26;
	v53 =	vadd.f32 v49, v59;
	[tilespmem:s0+$0x90] =	vst v51;
	v48 =	vld [tilespmem:s0+$0x400]  }
0x31c: {  	v49 =	vsub.f32 v16, v33;
	v55 =	vsub.f32 v14, v45;
	v38 =	vld [tilespmem:s0+$0x50];
	[tilespmem:s0+$0x4B0] =	vst v43;
	v43 =	vmul.f32 v56, v26  }
0x31d: {  	s18 =	sadd.s32 $0x100, s18;
	s19 =	sadd.s32 $0x200, s19;
	v51 =	vsub.f32 v3, v34;
	v42 =	vadd.f32 v40, v42;
	v40 =	vld [tilespmem:s0+$0x70];
	[tilespmem:s0+$0x480] =	vst v54;
	v54 =	vmul.f32 v58, v26  }
0x31e: {  	[tilespmem:s0+$0x490] =	vst v46  }
0x31f: {  	[tilespmem:s0+$0x4C0] =	vst v53  }
0x320: {  	v29 =	vadd.f32 v52, v29;
	[tilespmem:s0+$0xE0] =	vst v44  }
0x321: {  	v30 =	vadd.f32 v50, v30;
	[tilespmem:s0+$0x20] =	vst v42  }
0x322: {  	v55 =	vmul.f32 v55, v26;
	v24 =	vadd.f32 v43, v24;
	[tilespmem:s0+$0x470] =	vst v29  }
0x323: {  	v41 =	vmul.f32 v41, v26;
	v32 =	vadd.f32 v54, v32;
	[tilespmem:s0+$0x410] =	vst v30  }
0x324: {  	v50 =	vsub.f32 v13, v37;
	v27 =	vmul.f32 v27, v22;
	v45 =	vadd.f32 v55, v45;
	[tilespmem:s0+$0x450] =	vst v24  }
0x325: {  	v56 =	vsub.f32 v9, v47;
	v63 =	vmul.f32 v51, v26;
	v28 =	vadd.f32 v41, v28;
	[tilespmem:s0+$0x440] =	vst v32  }
0x326: {  	v62 =	vsub.f32 v6, v35;
	v54 =	vmul.f32 v50, v26;
	v21 =	vadd.f32 v27, v21;
	[tilespmem:s0+$0x430] =	vst v45  }
0x327: {  	v52 =	vld [tilespmem:s0+$0x80];
	v53 =	vsub.f32 v13, v25;
	v59 =	vmul.f32 v56, v26;
	v34 =	vadd.f32 v63, v34;
	[tilespmem:s0+$0x460] =	vst v28  }
0x328: {  	v32 =	vmul.f32 v62, v26;
	v57 =	vadd.f32 v54, v37;
	[tilespmem:s0+$0xF0] =	vst v21  }
0x329: {  	v60 =	vsub.f32 v11, v48;
	v56 =	vmul.f32 v53, v22;
	v29 =	vadd.f32 v59, v47;
	[tilespmem:s0+$0x0] =	vst v34  }
0x32a: {  	v46 =	vld [tilespmem:s0+$0x4F0];
	v62 =	vmul.f32 v39, v22;
	v32 =	vadd.f32 v32, v35;
	[tilespmem:s0+$0x420] =	vst v57  }
0x32b: {  	v61 =	vmul.f32 v60, v26;
	v60 =	vsub.f32 v4, v31;
	v59 =	vadd.f32 v56, v25;
	[tilespmem:s0+$0x60] =	vst v29  }
0x32c: {  	v45 =	vsub.f32 v3, v52;
	v47 =	vmul.f32 v49, v22;
	v21 =	vadd.f32 v62, v23;
	[tilespmem:s0+$0x30] =	vst v32  }
0x32d: {  	v49 =	vsub.f32 v7, v36;
	v28 =	vadd.f32 v61, v48;
	v63 =	vmul.f32 v60, v26;
	[tilespmem:s0+$0x4A0] =	vst v59  }
0x32e: {  	v51 =	vsub.f32 v10, v40;
	v29 =	vmul.f32 v45, v22;
	v33 =	vadd.f32 v47, v33;
	[tilespmem:s0+$0x4E0] =	vst v21  }
0x32f: {  	v61 =	vsub.f32 v20, v46;
	v30 =	vmul.f32 v49, v26;
	[tilespmem:s0+$0x400] =	vst v28;
	v23 =	vadd.f32 v63, v31  }
0x330: {  	s31 =	sadd.s32 $0x1, s31;
	v55 =	vsub.f32 v8, v38;
	v28 =	vmul.f32 v51, v26;
	v29 =	vadd.f32 v29, v52;
	[tilespmem:s0+$0x4D0] =	vst v33  }
0x331: {  	p0 =	sne.s32 s31, $0x8;
	v22 =	vmul.f32 v61, v22;
	v30 =	vadd.f32 v30, v36;
	[tilespmem:s0+$0x10] =	vst v23  }
.Ltmp7:
0x332: {  	v58 =	vmul.f32 v55, v26;
	v28 =	vadd.f32 v28, v40;
	[tilespmem:s0+$0x80] =	vst v29;
	(pc) =	sbr.rel @p0 .LBB2_14-.Ltmp7, $4  }
0x333: {  	v22 =	vadd.f32 v22, v46;
	[tilespmem:s0+$0x40] =	vst v30  }
0x334: {  	v29 =	vadd.f32 v58, v38;
	[tilespmem:s0+$0x70] =	vst v28  }
0x335: {  	[tilespmem:s0+$0x4F0] =	vst v22  }
0x336: {  	s28 =	sadd.s32 $0x1000, s28;
	[tilespmem:s0+$0x50] =	vst v29  }
0x337: {  	s26 =	simm.s32 $0x0;
	s28 =	simm.s32 $0x0;
	s31 =	simm.s32 $0x0  }
0x338: {  	[hbm4b:s13+s26] =	stream.linear.scatter [tilespmem:s26], [sflag:$0x1], $0x8000, $0x38;
	[tilespmem:$0x1A580] =	vst v63  }
.LBB2_18:
0x339: {  	s0 =	sshll.u32 s31, $0x4  }
0x33a: {  	s0 =	sor.u32 s17, s0  }
0x33b: {  	v21 =	vmov s0;
	v22 =	vor.u32 s0, v1  }
0x33c: {  	v22 =	vand.u32 $0x7F, v22;
	v21 =	vshrl.u32 v21, $0x7  }
0x33d: {  	v22 =	vsub.s32 v22, v18;
	v21 =	vsub.s32 v21, v19  }
0x33e: {  	v22 =	vcvt.s32.f32 v22;
	v21 =	vcvt.s32.f32 v21;
	_ =	sdelay $0x1  }
0x33f: {  	v22 =	vmul.f32 v22, v22;
	v21 =	vmul.f32 v21, v21;
	_ =	sdelay $0x1  }
0x340: {  	v21 =	vadd.f32 v22, v21;
	_ =	sdelay $0x1  }
0x341: {  	v21 =	vmul.f32 $-2.441406250e-04, v21;
	_ =	sdelay $0x1  }
0x342: {  	v21 =	vmul.f32 $1.442695020e+00, v21;
	_ =	sdelay $0x1  }
0x343: {  	(erf) = vpow2.f32 v21;
	_ =	sdelay $0x8  }
0x344: {  	v21 =	vpop (erf)  }
0x345: {  	v21 =	vmul.f32 $3.000000120e-01, v21  }
0x346: {  	s19 =	sand.u32 $0x7800, s28;
	s1 =	sand.u32 $0x300, s26  }
0x347: {  	s0 =	sor.u32 s1, s19;
	[tilespmem:$0x1A300] =	vst v21  }
0x348: {  	v27 =	vld [tilespmem:s0+$0x80B0]  }
0x349: {  	v31 =	vld [tilespmem:s0+$0x80A0]  }
0x34a: {  	s30 =	simm.s32 $0x1;
	v38 =	vld [tilespmem:s0+$0x8490]  }
0x34b: {  	v22 =	vmov s30;
	v39 =	vld [tilespmem:s0+$0x8090]  }
0x34c: {  	v37 =	vld [tilespmem:s0+$0x80D0]  }
0x34d: {  	v21 =	vld [tilespmem:s0+$0x80F0]  }
0x34e: {  	v29 =	vld [tilespmem:s0+$0x8470]  }
0x34f: {  	v42 =	vld [tilespmem:s0+$0x8020]  }
0x350: {  	v22 =	vld.idx.msk [tilespmem:v22+s3+$0x0], $0xffff  }
0x351: {  	v28 =	vld [tilespmem:s0+$0x8460]  }
0x352: {  	v36 =	vld [tilespmem:s0+$0x80C0]  }
0x353: {  	v23 =	vmov s26;
	v24 =	vld [tilespmem:s0+$0x8450]  }
0x354: {  	v23 =	vand.u32 $0xFFFFFFFE, v23;
	v32 =	vld [tilespmem:s0+$0x8440]  }
0x355: {  	v26 =	vbroadcast v23, $0x0;
	v40 =	vld [tilespmem:s0+$0x8480]  }
0x356: {  	v44 =	vld [tilespmem:s0+$0x84B0];
	v35 =	vsub.f32 v5, v31  }
0x357: {  	v43 =	vld [tilespmem:s0+$0x80E0];
	v41 =	vsub.f32 v6, v27;
	v46 =	vsub.f32 v7, v36  }
0x358: {  	v49 =	vld [tilespmem:s0+$0x84C0];
	v47 =	vsub.f32 v12, v38;
	v50 =	vsub.f32 v8, v37  }
0x359: {  	v30 =	vld [tilespmem:s0+$0x8410];
	v51 =	vsub.f32 v20, v29;
	v53 =	vsub.f32 v5, v42  }
0x35a: {  	v25 =	vld [tilespmem:s0+$0x84A0];
	v62 =	vsub.f32 v4, v39;
	v54 =	vsub.f32 v15, v32  }
0x35b: {  	v26 =	vld.idx.msk [tilespmem:v26+s3+$0x0], $0xffff;
	v56 =	vsub.f32 v11, v40;
	v58 =	vsub.f32 v14, v44;
	v45 =	vmul.f32 v35, v22  }
0x35c: {  	v33 =	vld [tilespmem:s0+$0x84D0];
	v59 =	vsub.f32 v9, v43;
	v41 =	vmul.f32 v41, v22;
	v46 =	vmul.f32 v46, v22  }
0x35d: {  	v23 =	vld [tilespmem:s0+$0x84E0];
	v61 =	vsub.f32 v15, v49;
	v63 =	vmul.f32 v50, v22;
	v52 =	vmul.f32 v62, v22  }
0x35e: {  	v34 =	vld [tilespmem:s0+$0x8000];
	v55 =	vsub.f32 v12, v30;
	v57 =	vmul.f32 v47, v22;
	v50 =	vmul.f32 v56, v22  }
0x35f: {  	v35 =	vld [tilespmem:s0+$0x8030];
	v60 =	vmul.f32 v58, v22;
	v48 =	vadd.f32 v45, v31;
	v27 =	vadd.f32 v41, v27  }
0x360: {  	v47 =	vld [tilespmem:s0+$0x8060];
	v58 =	vmul.f32 v53, v26;
	v46 =	vadd.f32 v46, v36;
	v41 =	vsub.f32 v17, v28  }
0x361: {  	v45 =	vld [tilespmem:s0+$0x8430];
	v39 =	vadd.f32 v52, v39;
	v56 =	vadd.f32 v50, v40;
	[tilespmem:s0+$0x80A0] =	vst v48  }
0x362: {  	v54 =	vmul.f32 v54, v26;
	v31 =	vld [tilespmem:s0+$0x8010];
	v62 =	vadd.f32 v60, v44;
	v42 =	vadd.f32 v58, v42;
	[tilespmem:s0+$0x80B0] =	vst v27  }
0x363: {  	v36 =	vld [tilespmem:s0+$0x8040];
	v52 =	vmul.f32 v59, v22;
	v27 =	vsub.f32 v10, v21;
	v48 =	vadd.f32 v63, v37;
	[tilespmem:s0+$0x80C0] =	vst v46  }
0x364: {  	v50 =	vmul.f32 v55, v26;
	v40 =	vld [tilespmem:s0+$0x8070];
	v46 =	vadd.f32 v57, v38;
	[tilespmem:s0+$0x8090] =	vst v39;
	v39 =	vsub.f32 v17, v23  }
0x365: {  	v37 =	vld [tilespmem:s0+$0x8420];
	v57 =	vmul.f32 v61, v22;
	v44 =	vadd.f32 v52, v43;
	v63 =	vsub.f32 v16, v24;
	[tilespmem:s0+$0x84B0] =	vst v62  }
0x366: {  	v52 =	vmul.f32 v51, v26;
	v51 =	vsub.f32 v3, v34;
	[tilespmem:s0+$0x80D0] =	vst v48;
	v48 =	vld [tilespmem:s0+$0x8400];
	v55 =	vsub.f32 v14, v45  }
0x367: {  	s18 =	simm.s32 $0x100;
	s1 =	simm.s32 $0x2;
	s19 =	sadd.s32 $0x200, s28;
	v38 =	vld [tilespmem:s0+$0x8050];
	[tilespmem:s0+$0x8480] =	vst v56;
	v53 =	vadd.f32 v57, v49;
	v43 =	vmul.f32 v63, v26;
	v49 =	vsub.f32 v16, v33  }
.LBB2_19:
0x368: {  	s5 =	sand.u32 $0x7800, s19;
	s6 =	sand.u32 $0x300, s18;
	p0 =	sne.s32 s1, $0xE;
	v56 =	vsub.f32 v6, v35;
	[tilespmem:s0+$0x8490] =	vst v46;
	v55 =	vmul.f32 v55, v26;
	v46 =	vld [tilespmem:s0+$0x84F0];
	v29 =	vadd.f32 v52, v29  }
0x369: {  	s30 =	smov.u32 s1;
	s1 =	sadd.s32 $0x2, s1;
	s5 =	sor.u32 s6, s5;
	v52 =	vld [tilespmem:s0+$0x8080];
	v57 =	vsub.f32 v9, v47;
	[tilespmem:s0+$0x84C0] =	vst v53;
	v53 =	vadd.f32 v43, v24;
	v24 =	vmul.f32 v41, v26  }
0x36a: {  	v41 =	vmul.f32 v51, v26;
	v32 =	vadd.f32 v54, v32;
	v43 =	vld [tilespmem:s5+$0x80B0];
	v51 =	vadd.f32 v55, v45;
	[tilespmem:s0+$0x8470] =	vst v29  }
0x36b: {  	s6 =	sadd.s32 $0x1, s30;
	v45 =	vld [tilespmem:s5+$0x80A0];
	[tilespmem:s0+$0x8020] =	vst v42;
	v29 =	vmul.f32 v57, v26;
	v42 =	vsub.f32 v11, v48;
	v24 =	vadd.f32 v24, v28  }
0x36c: {  	v55 =	vsub.f32 v4, v31;
	v28 =	vmov s6;
	v57 =	vsub.f32 v7, v36;
	v54 =	vld [tilespmem:s5+$0x8490];
	[tilespmem:s0+$0x8430] =	vst v51  }
0x36d: {  	v58 =	vsub.f32 v8, v38;
	v51 =	vld [tilespmem:s5+$0x8090];
	v29 =	vadd.f32 v29, v47;
	v42 =	vmul.f32 v42, v26;
	[tilespmem:s0+$0x8460] =	vst v24  }
0x36e: {  	v59 =	vsub.f32 v10, v40;
	v24 =	vadd.f32 v50, v30;
	v47 =	vld [tilespmem:s5+$0x80D0];
	[tilespmem:s0+$0x8440] =	vst v32  }
0x36f: {  	v60 =	vsub.f32 v13, v25;
	v30 =	vsub.f32 v3, v52;
	v32 =	vmul.f32 v49, v22;
	v50 =	vld [tilespmem:s5+$0x80F0];
	[tilespmem:s0+$0x8060] =	vst v29  }
0x370: {  	v49 =	vmul.f32 v56, v26;
	v56 =	vsub.f32 v20, v46;
	v48 =	vadd.f32 v42, v48;
	v29 =	vld [tilespmem:s5+$0x8470];
	[tilespmem:s0+$0x8410] =	vst v24  }
0x371: {  	v34 =	vadd.f32 v41, v34;
	v24 =	vmul.f32 v30, v22;
	v30 =	vadd.f32 v32, v33;
	v42 =	vld [tilespmem:s5+$0x8020];
	[tilespmem:s0+$0x80E0] =	vst v44  }
0x372: {  	v32 =	vmul.f32 v55, v26;
	v33 =	vadd.f32 v49, v35;
	v35 =	vsub.f32 v13, v37;
	v44 =	vld.idx.msk [tilespmem:v28+s3+$0x0], $0xffff  }
0x373: {  	v27 =	vmul.f32 v27, v22;
	v49 =	vmul.f32 v57, v26;
	v41 =	vadd.f32 v24, v52;
	v28 =	vld [tilespmem:s5+$0x8460];
	[tilespmem:s0+$0x8400] =	vst v48  }
0x374: {  	v31 =	vadd.f32 v32, v31;
	v35 =	vmul.f32 v35, v26;
	v24 =	vld [tilespmem:s5+$0x8450];
	[tilespmem:s0+$0x8000] =	vst v34;
	v34 =	vmul.f32 v59, v26  }
0x375: {  	v57 =	vmul.f32 v60, v22;
	v36 =	vadd.f32 v49, v36;
	v48 =	vadd.f32 v27, v21;
	v32 =	vld [tilespmem:s5+$0x8440];
	[tilespmem:s0+$0x84D0] =	vst v30  }
0x376: {  	v52 =	vsub.f32 v12, v54;
	v49 =	vld [tilespmem:s5+$0x8480];
	[tilespmem:s0+$0x8030] =	vst v33;
	v33 =	vadd.f32 v35, v37;
	v35 =	vmul.f32 v39, v22  }
0x377: {  	v26 =	vmul.f32 v58, v26;
	v55 =	vsub.f32 v20, v29;
	v34 =	vadd.f32 v34, v40;
	v37 =	vld [tilespmem:s5+$0x84A0];
	[tilespmem:s0+$0x8080] =	vst v41  }
0x378: {  	v25 =	vadd.f32 v57, v25;
	v27 =	vmov s30;
	v21 =	vmovc v50;
	v40 =	vsub.f32 v5, v42;
	v30 =	vld [tilespmem:s5+$0x8410];
	[tilespmem:s0+$0x8040] =	vst v36  }
0x379: {  	v26 =	vadd.f32 v26, v38;
	v36 =	vand.u32 $0xFFFFFFFE, v27;
	v27 =	vsub.f32 v10, v21;
	v39 =	vld [tilespmem:s5+$0x80C0];
	[tilespmem:s0+$0x8420] =	vst v33  }
0x37a: {  	v35 =	vadd.f32 v35, v23;
	v36 =	vbroadcast v36, $0x0;
	v33 =	vsub.f32 v8, v47;
	v38 =	vld [tilespmem:s5+$0x80E0];
	[tilespmem:s0+$0x8070] =	vst v34  }
0x37b: {  	v50 =	vsub.f32 v5, v45;
	v22 =	vmul.f32 v56, v22;
	v58 =	vsub.f32 v15, v32;
	v57 =	vld [tilespmem:s5+$0x84B0];
	[tilespmem:s0+$0x84A0] =	vst v25  }
0x37c: {  	v23 =	vsub.f32 v4, v51;
	v41 =	vsub.f32 v17, v28;
	v56 =	vmul.f32 v33, v44;
	v59 =	vld [tilespmem:s5+$0x84C0];
	[tilespmem:s0+$0x80F0] =	vst v48  }
0x37d: {  	v52 =	vmul.f32 v52, v44;
	v25 =	vsub.f32 v6, v43;
	v48 =	vsub.f32 v11, v49;
	v33 =	vld [tilespmem:s5+$0x84D0];
	[tilespmem:s0+$0x8050] =	vst v26  }
0x37e: {  	v60 =	vmul.f32 v23, v44;
	v61 =	vsub.f32 v7, v39;
	v23 =	vld [tilespmem:s5+$0x84E0];
	[tilespmem:s0+$0x8450] =	vst v53;
	v53 =	vadd.f32 v22, v46  }
0x37f: {  	v62 =	vmul.f32 v50, v44;
	v50 =	vmul.f32 v25, v44;
	v46 =	vadd.f32 v52, v54;
	v34 =	vld [tilespmem:s5+$0x8000];
	[tilespmem:s0+$0x84E0] =	vst v35  }
0x380: {  	v51 =	vadd.f32 v60, v51;
	v52 =	vsub.f32 v9, v38;
	v26 =	vld.idx.msk [tilespmem:v36+s3+$0x0], $0xffff;
	v36 =	vmul.f32 v61, v44  }
0x381: {  	v54 =	vadd.f32 v62, v45;
	v22 =	vmovc v44;
	v25 =	vmov v37;
	v60 =	vsub.f32 v14, v57;
	v35 =	vld [tilespmem:s5+$0x8030];
	[tilespmem:s0+$0x8010] =	vst v31  }
0x382: {  	v37 =	vadd.f32 v50, v43;
	v43 =	vmul.f32 v48, v22;
	v50 =	vsub.f32 v12, v30;
	v45 =	vld [tilespmem:s5+$0x8430];
	[tilespmem:s0+$0x84F0] =	vst v53;
	s0 =	smov.u32 s5  }
0x383: {  	v48 =	vsub.f32 v15, v59;
	v39 =	vadd.f32 v36, v39;
	v44 =	vmul.f32 v60, v22;
	v31 =	vld [tilespmem:s0+$0x8010];
	[tilespmem:s0+$0x80A0] =	vst v54  }
0x384: {  	v47 =	vadd.f32 v56, v47;
	v52 =	vmul.f32 v52, v22;
	v54 =	vadd.f32 v43, v49;
	[tilespmem:s0+$0x80B0] =	vst v37;
	v36 =	vld [tilespmem:s0+$0x8040]  }
.Ltmp8:
0x385: {  	v49 =	vmul.f32 v48, v22;
	v43 =	vadd.f32 v44, v57;
	[tilespmem:s0+$0x80C0] =	vst v39;
	v37 =	vld [tilespmem:s0+$0x8420];
	v39 =	vsub.f32 v17, v23;
	(pc) =	sbr.rel @p0 .LBB2_19-.Ltmp8, $4  }
0x386: {  	v56 =	vsub.f32 v16, v24;
	v44 =	vadd.f32 v52, v38;
	v52 =	vmul.f32 v55, v26;
	[tilespmem:s0+$0x80D0] =	vst v47;
	v47 =	vld [tilespmem:s0+$0x8060]  }
0x387: {  	v40 =	vmul.f32 v40, v26;
	v50 =	vmul.f32 v50, v26;
	v53 =	vadd.f32 v49, v59;
	[tilespmem:s0+$0x8090] =	vst v51;
	v48 =	vld [tilespmem:s0+$0x8400]  }
0x388: {  	v49 =	vsub.f32 v16, v33;
	v55 =	vsub.f32 v14, v45;
	v38 =	vld [tilespmem:s0+$0x8050];
	[tilespmem:s0+$0x84B0] =	vst v43;
	v43 =	vmul.f32 v56, v26  }
0x389: {  	s18 =	sadd.s32 $0x100, s18;
	s19 =	sadd.s32 $0x200, s19;
	v51 =	vsub.f32 v3, v34;
	v42 =	vadd.f32 v40, v42;
	v40 =	vld [tilespmem:s0+$0x8070];
	[tilespmem:s0+$0x8480] =	vst v54;
	v54 =	vmul.f32 v58, v26  }
0x38a: {  	[tilespmem:s0+$0x8490] =	vst v46  }
0x38b: {  	[tilespmem:s0+$0x84C0] =	vst v53  }
0x38c: {  	v29 =	vadd.f32 v52, v29;
	[tilespmem:s0+$0x80E0] =	vst v44  }
0x38d: {  	v30 =	vadd.f32 v50, v30;
	[tilespmem:s0+$0x8020] =	vst v42  }
0x38e: {  	v55 =	vmul.f32 v55, v26;
	v24 =	vadd.f32 v43, v24;
	[tilespmem:s0+$0x8470] =	vst v29  }
0x38f: {  	v41 =	vmul.f32 v41, v26;
	v32 =	vadd.f32 v54, v32;
	[tilespmem:s0+$0x8410] =	vst v30  }
0x390: {  	v50 =	vsub.f32 v13, v37;
	v27 =	vmul.f32 v27, v22;
	v45 =	vadd.f32 v55, v45;
	[tilespmem:s0+$0x8450] =	vst v24  }
0x391: {  	v56 =	vsub.f32 v9, v47;
	v63 =	vmul.f32 v51, v26;
	v28 =	vadd.f32 v41, v28;
	[tilespmem:s0+$0x8440] =	vst v32  }
0x392: {  	v62 =	vsub.f32 v6, v35;
	v54 =	vmul.f32 v50, v26;
	v21 =	vadd.f32 v27, v21;
	[tilespmem:s0+$0x8430] =	vst v45  }
0x393: {  	v52 =	vld [tilespmem:s0+$0x8080];
	v53 =	vsub.f32 v13, v25;
	v59 =	vmul.f32 v56, v26;
	v34 =	vadd.f32 v63, v34;
	[tilespmem:s0+$0x8460] =	vst v28  }
0x394: {  	v32 =	vmul.f32 v62, v26;
	v57 =	vadd.f32 v54, v37;
	[tilespmem:s0+$0x80F0] =	vst v21  }
0x395: {  	v60 =	vsub.f32 v11, v48;
	v56 =	vmul.f32 v53, v22;
	v29 =	vadd.f32 v59, v47;
	[tilespmem:s0+$0x8000] =	vst v34  }
0x396: {  	v46 =	vld [tilespmem:s0+$0x84F0];
	v62 =	vmul.f32 v39, v22;
	v32 =	vadd.f32 v32, v35;
	[tilespmem:s0+$0x8420] =	vst v57  }
0x397: {  	v61 =	vmul.f32 v60, v26;
	v60 =	vsub.f32 v4, v31;
	v59 =	vadd.f32 v56, v25;
	[tilespmem:s0+$0x8060] =	vst v29  }
0x398: {  	v45 =	vsub.f32 v3, v52;
	v47 =	vmul.f32 v49, v22;
	v21 =	vadd.f32 v62, v23;
	[tilespmem:s0+$0x8030] =	vst v32  }
0x399: {  	v49 =	vsub.f32 v7, v36;
	v28 =	vadd.f32 v61, v48;
	v63 =	vmul.f32 v60, v26;
	[tilespmem:s0+$0x84A0] =	vst v59  }
0x39a: {  	v51 =	vsub.f32 v10, v40;
	v29 =	vmul.f32 v45, v22;
	v33 =	vadd.f32 v47, v33;
	[tilespmem:s0+$0x84E0] =	vst v21  }
0x39b: {  	v61 =	vsub.f32 v20, v46;
	v30 =	vmul.f32 v49, v26;
	[tilespmem:s0+$0x8400] =	vst v28;
	v23 =	vadd.f32 v63, v31  }
0x39c: {  	s31 =	sadd.s32 $0x1, s31;
	v55 =	vsub.f32 v8, v38;
	v28 =	vmul.f32 v51, v26;
	v29 =	vadd.f32 v29, v52;
	[tilespmem:s0+$0x84D0] =	vst v33  }
0x39d: {  	p0 =	sne.s32 s31, $0x8;
	v22 =	vmul.f32 v61, v22;
	v30 =	vadd.f32 v30, v36;
	[tilespmem:s0+$0x8010] =	vst v23  }
.Ltmp9:
0x39e: {  	v58 =	vmul.f32 v55, v26;
	v28 =	vadd.f32 v28, v40;
	[tilespmem:s0+$0x8080] =	vst v29;
	(pc) =	sbr.rel @p0 .LBB2_18-.Ltmp9, $4  }
0x39f: {  	v22 =	vadd.f32 v22, v46;
	[tilespmem:s0+$0x8040] =	vst v30  }
0x3a0: {  	v29 =	vadd.f32 v58, v38;
	[tilespmem:s0+$0x8070] =	vst v28  }
0x3a1: {  	[tilespmem:s0+$0x84F0] =	vst v22  }
0x3a2: {  	s28 =	sadd.s32 $0x1000, s28;
	[tilespmem:s0+$0x8050] =	vst v29  }
0x3a3: {  	s0 =	simm.s32 $0x8000;
	s20 =	sadd.s32 $0x1, s20  }
0x3a4: {  	[hbm4b:s15+s2] =	stream.linear.scatter [tilespmem:s0], [sflag:$0x2], $0x8000, $0x38;
	[tilespmem:$0x1A580] =	vst v63  }
0x3a5: {  	p0 =	sne.s32 s20, s16;
	_ =	swait.ge [sflag:s22], $0x8000  }
.Ltmp10:
0x3a6: {  	[sflag:s22] =	ssyncset.done $0x0;
	(pc) =	sbr.rel @p0 .LBB2_1-.Ltmp10, $4  }
0x3a7: {  	[sflag:s22] =	ssyncadd.s32 $0xFFFF8000  }
0x3a8: {  	_ =	swait.ge [sflag:s23], $0x8000  }
0x3a9: {  	[sflag:s23] =	ssyncset.done $0x0  }
0x3aa: {  	s6 =	simm.s32 $0x10000;
	[sflag:s23] =	ssyncadd.s32 $0xFFFF8000  }
0x3ab: {  	_ =	sfence.sel $0x180000  }
0x3ac: {  	[bflag:$0x0] =	sbarrier.arrive $0xFFFF  }
0x3ad: {  	_ =	strace $0x90000047  }
0x3ae: {  	s0 =	stileid.u32;
	[bflag:$0x2] =	sbarrier.arrive $0xFFFF  }
0x3af: {  	p0 =	sne.s32 s0, $0x0;
	s0 =	rddreg [dreg:$0x4]  }
0x3b0: {  	s0 =	sadd.s32 @!p0 $0x100000, s0  }
0x3b1: {  	[sflag:s0] =	ssyncadd.tile.s32 @!p0 $0x1;
	_ =	shalt  }
.Lfunc_end2:
_tile_overlayer_lowered:
.L_overlay_start_2:
0x3b2: {  	(tag) =	ssettag $0x2  }
0x3b3: {  	s0 =	rddreg [dreg:$0x0];
	s2 =	stileid.u32  }
0x3b4: {  	s1 =	rddreg [dreg:$0x1];
	p0 =	sne.s32 s2, $0x0  }
0x3b5: {  	s3 =	rddreg [dreg:$0x2];
	[bflag:$0x3] =	sbarrier.arrive $0xFFFF;
	s2 =	simm.s32 @!p0 $0x1C04  }
0x3b6: {  	[timem:s3], [sflag:s2] =	dma.local @!p0 [hbm:s0], s1  }
0x3b7: {  	s0 =	simm.s32 @!p0 $0x4  }
0x3b8: {  	_ =	swait.ge @!p0 [sflag:s0], s1  }
0x3b9: {  	s1 =	ssub.s32 @!p0 $0x0, s1;
	[sflag:s0] =	ssyncset.done @!p0 $0x0  }
0x3ba: {  	[sflag:s0] =	ssyncadd.s32 @!p0 s1  }
0x3bb: {  	[bflag:$0x3] =	sbarrier.arrive $0xFFFF  }
0x3bc: {  	_ =	shalt  }

</sc_bundles>
